<compile_context>
chip_gen: v7x
topology: tpu7x:2x2x1
jax: 0.10.2.dev20260603
libtpu: 0.0.44.dev20260713+nightly
codegen_flags: <defaults>
</compile_context>

<pallas_src>
import functools

import jax
import jax.numpy as jnp
from jax import lax
from jax.experimental import pallas as pl
from jax.experimental.pallas import tpu as pltpu
from jax.experimental.pallas import tpu_sc as plsc

N = 10000
E = 320000
D = 128
R = 8
EPS = 1e-5

NC = 2
NS = 16
K_PER_SC = 5
CHUNK = 1024
ROWS = CHUNK * R
ROWSP = ROWS + 16
SROWS = NC * K_PER_SC * ROWS
EPT = E // NS
EBLK = 800
NEB = EPT // EBLK
B = 128
RING = 16
RPT = ROWS // NS


def _sc_body(with_gather, *args):
    if with_gather:
        (x_hbm, key_hbm, src_hbm, s_hbm, acc_sh, keyv0, keyv1, srcv0,
         srcv1, sel_src, sel_row, rows_v0, rows_v1, gsem0, gsem1, esem0,
         esem1, ssem0, ssem1) = args
    else:
        (key_hbm, s_hbm, acc_sh, keyv0, keyv1, sel_row, rows_v0, esem0,
         esem1, ssem0) = args
    cid = lax.axis_index("c")
    sid = lax.axis_index("s")
    iota16 = lax.iota(jnp.int32, 16)
    zero16 = jnp.zeros((16,), jnp.float32)
    one16 = jnp.ones((16,), jnp.float32)
    RMASK = RING * B - 1

    def fill_rows(val, nrows):
        def fr(j, carry):
            for cc in range(D // 16):
                rows_v0[j, pl.ds(cc * 16, 16)] = val
            return carry
        lax.fori_loop(0, nrows, fr, 0)

    ebase = sid * EPT
    db = sid * RPT

    def sel_row_at(k):
        return sel_row.at[k & (RING - 1)]

    if with_gather:
        def sel_src_at(k):
            return sel_src.at[k & (RING - 1)]

        def gath(k):
            @pl.when((k & 1) == 0)
            def _():
                pltpu.async_copy(x_hbm.at[sel_src_at(k)], rows_v0, gsem0)
            @pl.when((k & 1) == 1)
            def _():
                pltpu.async_copy(x_hbm.at[sel_src_at(k)], rows_v1, gsem1)

        def wgath(k):
            @pl.when((k & 1) == 0)
            def _():
                pltpu.make_async_copy(x_hbm.at[sel_src_at(k)], rows_v0,
                                      gsem0).wait()
            @pl.when((k & 1) == 1)
            def _():
                pltpu.make_async_copy(x_hbm.at[sel_src_at(k)], rows_v1,
                                      gsem1).wait()

        def scat(k):
            @pl.when((k & 1) == 0)
            def _():
                pltpu.async_copy(rows_v0, acc_sh.at[sel_row_at(k)], ssem0,
                                 add=True)
            @pl.when((k & 1) == 1)
            def _():
                pltpu.async_copy(rows_v1, acc_sh.at[sel_row_at(k)], ssem1,
                                 add=True)

        def wscat(k):
            @pl.when((k & 1) == 0)
            def _():
                pltpu.make_async_copy(rows_v0, acc_sh.at[sel_row_at(k)],
                                      ssem0).wait()
            @pl.when((k & 1) == 1)
            def _():
                pltpu.make_async_copy(rows_v1, acc_sh.at[sel_row_at(k)],
                                      ssem1).wait()

        def flush(k0, k1):
            @pl.when(k1 > k0)
            def _():
                gath(k0)

                def body(k, carry):
                    @pl.when(k + 1 < k1)
                    def _():
                        @pl.when(k > k0)
                        def _():
                            wscat(k - 1)
                        gath(k + 1)
                    wgath(k)
                    scat(k)
                    return carry
                lax.fori_loop(k0, k1, body, 0)
                wscat(k1 - 1)
                @pl.when(k1 - 1 > k0)
                def _():
                    wscat(k1 - 2)
            return k1
    else:
        DEPTH = 4

        def one_wait(k):
            pltpu.make_async_copy(rows_v0, acc_sh.at[sel_row_at(k)],
                                  ssem0).wait()

        def flush(k0, k1):
            def body(k, carry):
                pltpu.async_copy(rows_v0, acc_sh.at[sel_row_at(k)], ssem0,
                                 add=True)
                @pl.when(k - k0 >= DEPTH)
                def _():
                    one_wait(k - DEPTH)
                return carry
            lax.fori_loop(k0, k1, body, 0)
            n = jnp.minimum(k1 - k0, DEPTH)
            for j in range(DEPTH):
                @pl.when(j < n)
                def _():
                    one_wait(k1 - n + j)
            return k1

    def chunk_body(ci, carry):
        c = cid * K_PER_SC + ci
        lo = c * CHUNK

        fill_rows(zero16, 64)
        for t in range(RPT // 64):
            pltpu.sync_copy(rows_v0.at[pl.ds(0, 64)],
                            acc_sh.at[pl.ds(db + t * 64, 64)])
        if not with_gather:
            fill_rows(one16, B)
        plsc.subcore_barrier()

        lo8 = lo * R

        def stage(bi):
            eoff = ebase + bi * EBLK
            @pl.when((bi & 1) == 0)
            def _():
                pltpu.async_copy(key_hbm.at[pl.ds(eoff, EBLK)], keyv0,
                                 esem0)
                if with_gather:
                    pltpu.async_copy(src_hbm.at[pl.ds(eoff, EBLK)], srcv0,
                                     esem0)
            @pl.when((bi & 1) == 1)
            def _():
                pltpu.async_copy(key_hbm.at[pl.ds(eoff, EBLK)], keyv1,
                                 esem1)
                if with_gather:
                    pltpu.async_copy(src_hbm.at[pl.ds(eoff, EBLK)], srcv1,
                                     esem1)

        def wstage(bi):
            eoff = ebase + bi * EBLK
            @pl.when((bi & 1) == 0)
            def _():
                pltpu.make_async_copy(key_hbm.at[pl.ds(eoff, EBLK)], keyv0,
                                      esem0).wait()
                if with_gather:
                    pltpu.make_async_copy(src_hbm.at[pl.ds(eoff, EBLK)],
                                          srcv0, esem0).wait()
            @pl.when((bi & 1) == 1)
            def _():
                pltpu.make_async_copy(key_hbm.at[pl.ds(eoff, EBLK)], keyv1,
                                      esem1).wait()
                if with_gather:
                    pltpu.make_async_copy(src_hbm.at[pl.ds(eoff, EBLK)],
                                          srcv1, esem1).wait()

        def scan_block(keyv, srcv, cnt):
            def scan_body(i, cnt):
                kl = keyv[pl.ds(i * 16, 16)] - lo8
                m = (kl >= 0) & (kl < ROWS)
                mi = m.astype(jnp.int32)
                pre = plsc.cumsum(mi) - mi
                rp = (cnt + pre) & RMASK
                if with_gather:
                    plsc.store_scatter(sel_src, [rp >> 7, rp & (B - 1)],
                                       srcv[pl.ds(i * 16, 16)], mask=m)
                plsc.store_scatter(sel_row, [rp >> 7, rp & (B - 1)], kl,
                                   mask=m)
                return cnt + jnp.sum(mi)
            return lax.fori_loop(0, EBLK // 16, scan_body, cnt)

        stage(0)

        def block_body(bi, carry):
            cnt, kdone = carry
            wstage(bi)
            @pl.when(bi + 1 < NEB)
            def _():
                stage(bi + 1)
            cnt = lax.cond((bi & 1) == 0,
                           lambda c: scan_block(keyv0, srcv0
                                                if with_gather else None, c),
                           lambda c: scan_block(keyv1, srcv1
                                                if with_gather else None, c),
                           cnt)
            kfull = cnt >> 7
            k1 = jnp.where(kfull - kdone >= 8, kfull, kdone)
            kdone = flush(kdone, k1)
            return (cnt, kdone)
        cnt, kdone = lax.fori_loop(0, NEB, block_body,
                                   (jnp.int32(0), jnp.int32(0)))

        nb = (cnt + (B - 1)) // B
        pad = nb * B - cnt
        for j in range(B // 16):
            p = (cnt + j * 16 + iota16) & RMASK
            mpad = (j * 16 + iota16) < pad
            if with_gather:
                plsc.store_scatter(sel_src, [p >> 7, p & (B - 1)],
                                   sid * 16 + iota16, mask=mpad)
            plsc.store_scatter(sel_row, [p >> 7, p & (B - 1)],
                               ROWS + iota16, mask=mpad)
        flush(kdone, nb)
        plsc.subcore_barrier()

        hb = c * ROWS + db
        pltpu.sync_copy(acc_sh.at[pl.ds(db, RPT)],
                        s_hbm.at[pl.ds(hb, RPT)])
        return carry
    lax.fori_loop(0, K_PER_SC, chunk_body, 0)


def _make_sc_kernel(with_gather):
    mesh = plsc.VectorSubcoreMesh(core_axis_name="c", subcore_axis_name="s",
                                  num_cores=NC, num_subcores=NS)
    if with_gather:
        scratch = (
            pltpu.VMEM_SHARED((ROWSP, D), jnp.float32),
            pltpu.VMEM((EBLK,), jnp.int32),
            pltpu.VMEM((EBLK,), jnp.int32),
            pltpu.VMEM((EBLK,), jnp.int32),
            pltpu.VMEM((EBLK,), jnp.int32),
            pltpu.VMEM((RING, B), jnp.int32),
            pltpu.VMEM((RING, B), jnp.int32),
            pltpu.VMEM((B, D), jnp.float32),
            pltpu.VMEM((B, D), jnp.float32),
            pltpu.SemaphoreType.DMA,
            pltpu.SemaphoreType.DMA,
            pltpu.SemaphoreType.DMA,
            pltpu.SemaphoreType.DMA,
            pltpu.SemaphoreType.DMA,
            pltpu.SemaphoreType.DMA,
        )
    else:
        scratch = (
            pltpu.VMEM_SHARED((ROWSP, D), jnp.float32),
            pltpu.VMEM((EBLK,), jnp.int32),
            pltpu.VMEM((EBLK,), jnp.int32),
            pltpu.VMEM((RING, B), jnp.int32),
            pltpu.VMEM((B, D), jnp.float32),
            pltpu.SemaphoreType.DMA,
            pltpu.SemaphoreType.DMA,
            pltpu.SemaphoreType.DMA,
        )
    return pl.kernel(
        functools.partial(_sc_body, with_gather),
        out_type=(jax.ShapeDtypeStruct((SROWS, D), jnp.float32),),
        mesh=mesh,
        compiler_params=pltpu.CompilerParams(needs_layout_passes=False),
        scratch_types=scratch,
    )


_sc_layer = _make_sc_kernel(True)
_sc_cnt = _make_sc_kernel(False)

BN = 1000


def _tc_body(leaky, x_ref, s_ref, c_ref, root_ref, w_ref, b_ref, g_ref,
             bt_ref, o_ref):
    x = x_ref[...]
    acc = jnp.dot(x, root_ref[...], preferred_element_type=jnp.float32)
    acc = acc + b_ref[...]
    rec = jnp.concatenate(
        [jnp.broadcast_to(jnp.maximum(c_ref[:, r * D:r * D + 1], 1.0),
                          (BN, D)) for r in range(R)], axis=1)
    mean = s_ref[...] / rec
    acc = acc + jnp.dot(mean, w_ref[...], preferred_element_type=jnp.float32)
    if leaky:
        acc = jnp.where(acc > 0, acc, 0.2 * acc)
    mu = jnp.mean(acc, axis=1, keepdims=True)
    var = jnp.mean((acc - mu) ** 2, axis=1, keepdims=True)
    o_ref[...] = (acc - mu) / jnp.sqrt(var + EPS) * g_ref[...] + bt_ref[...]


def _make_tc_kernel(leaky):
    return pl.pallas_call(
        functools.partial(_tc_body, leaky),
        grid=(N // BN,),
        in_specs=[
            pl.BlockSpec((BN, D), lambda i: (i, 0)),
            pl.BlockSpec((BN, R * D), lambda i: (i, 0)),
            pl.BlockSpec((BN, R * D), lambda i: (i, 0)),
            pl.BlockSpec((D, D), lambda i: (0, 0)),
            pl.BlockSpec((R * D, D), lambda i: (0, 0)),
            pl.BlockSpec((1, D), lambda i: (0, 0)),
            pl.BlockSpec((1, D), lambda i: (0, 0)),
            pl.BlockSpec((1, D), lambda i: (0, 0)),
        ],
        out_specs=pl.BlockSpec((BN, D), lambda i: (i, 0)),
        out_shape=jax.ShapeDtypeStruct((N, D), jnp.float32),
    )


_tc_layer1 = _make_tc_kernel(True)
_tc_layer2 = _make_tc_kernel(False)


def kernel(x, edge_index, edge_type, W1, root1, b1, g1, beta1, W2, root2,
           b2, g2, beta2):
    src = edge_index[0]
    dst = edge_index[1]
    key = dst * R + edge_type
    NP = SROWS // R
    (cnt,) = _sc_cnt(key)
    cs = cnt.reshape(NP, R * D)
    (s1,) = _sc_layer(x, key, src)
    h = _tc_layer1(x, s1.reshape(NP, R * D), cs, root1,
                   W1.reshape(R * D, D), b1.reshape(1, D),
                   g1.reshape(1, D), beta1.reshape(1, D))
    (s2,) = _sc_layer(h, key, src)
    out = _tc_layer2(h, s2.reshape(NP, R * D), cs, root2,
                     W2.reshape(R * D, D), b2.reshape(1, D),
                     g2.reshape(1, D), beta2.reshape(1, D))
    return out

# --- scband reference (transcript-rebuilt; emitter-appended) ---
"""Pipeline reference for scband-relation-gcn-16819091931517 (READ-ONLY COPY).

The authoritative reference and input builder live on the scoring server;
editing this copy changes nothing except your own understanding.
"""

import jax, jax.numpy as jnp
import numpy as np

N = 10000
E = 320000
D = 128
R = 8
EPS = 1e-5


def setup_inputs(seed: int = 0) -> dict:
    key = jax.random.key(seed)
    ks = jax.random.split(key, 16)
    x = jax.random.normal(ks[0], (N, D), dtype=jnp.float32)
    edge_index = jax.random.randint(ks[1], (2, E), 0, N, dtype=jnp.int32)
    edge_type = jax.random.randint(ks[2], (E,), 0, R, dtype=jnp.int32)
    s = 1.0 / np.sqrt(D)
    W1 = jax.random.normal(ks[3], (R, D, D), dtype=jnp.float32) * s
    root1 = jax.random.normal(ks[4], (D, D), dtype=jnp.float32) * s
    b1 = jnp.zeros((D,), dtype=jnp.float32)
    g1 = jnp.ones((D,), dtype=jnp.float32)
    beta1 = jnp.zeros((D,), dtype=jnp.float32)
    W2 = jax.random.normal(ks[5], (R, D, D), dtype=jnp.float32) * s
    root2 = jax.random.normal(ks[6], (D, D), dtype=jnp.float32) * s
    b2 = jnp.zeros((D,), dtype=jnp.float32)
    g2 = jnp.ones((D,), dtype=jnp.float32)
    beta2 = jnp.zeros((D,), dtype=jnp.float32)
    return {"x": x, "edge_index": edge_index, "edge_type": edge_type,
            "W1": W1, "root1": root1, "b1": b1, "g1": g1, "beta1": beta1,
            "W2": W2, "root2": root2, "b2": b2, "g2": g2, "beta2": beta2}


def _layernorm(h, g, b):
    mu = jnp.mean(h, axis=-1, keepdims=True)
    var = jnp.mean((h - mu) ** 2, axis=-1, keepdims=True)
    return (h - mu) / jnp.sqrt(var + EPS) * g + b


def _rgcn(x, edge_index, edge_type, W, root, b):
    # PyG RGCNConv: per-relation mean aggregation of neighbor features,
    # transformed by relation weight, plus root transform and bias.
    src = edge_index[0]
    dst = edge_index[1]
    n = x.shape[0]
    out = x @ root + b
    xs = x[src]  # gather: [E, D]
    for r in range(R):
        m = (edge_type == r).astype(x.dtype)
        summed = jax.ops.segment_sum(xs * m[:, None], dst, num_segments=n)
        cnt = jax.ops.segment_sum(m, dst, num_segments=n)
        mean = summed / jnp.clip(cnt, 1.0)[:, None]
        out = out + mean @ W[r]
    return out


def reference(x, edge_index, edge_type, W1, root1, b1, g1, beta1, W2, root2, b2, g2, beta2):
    h = _rgcn(x, edge_index, edge_type, W1, root1, b1)
    h = jnp.where(h > 0, h, 0.2 * h)  # LeakyReLU(0.2)
    h = _layernorm(h, g1, beta1)
    h = _rgcn(h, edge_index, edge_type, W2, root2, b2)
    h = _layernorm(h, g2, beta2)
    return h

if __name__ == "__main__":
    import jax
    _d = setup_inputs()
    print(jax.jit(kernel)(*tuple(_d.values())))

</pallas_src>

<mosaic_0001>
#map = affine_map<(d0, d1) -> (0, 0)>
#map1 = affine_map<(d0, d1) -> (0)>
module attributes {stable_mosaic.version = 14 : i64} {
  func.func @_sc_body(%arg0: i32, %arg1: i32, %arg2: memref<10000x128xf32, #tpu.memory_space<hbm>>, %arg3: memref<320000xi32, #tpu.memory_space<hbm>>, %arg4: memref<320000xi32, #tpu.memory_space<hbm>>, %arg5: memref<81920x128xf32, #tpu.memory_space<hbm>>, %arg6: memref<8208x128xf32, #tpu.memory_space<vmem_shared>>, %arg7: memref<800xi32, #tpu.memory_space<vmem>>, %arg8: memref<800xi32, #tpu.memory_space<vmem>>, %arg9: memref<800xi32, #tpu.memory_space<vmem>>, %arg10: memref<800xi32, #tpu.memory_space<vmem>>, %arg11: memref<16x128xi32, #tpu.memory_space<vmem>>, %arg12: memref<16x128xi32, #tpu.memory_space<vmem>>, %arg13: memref<128x128xf32, #tpu.memory_space<vmem>>, %arg14: memref<128x128xf32, #tpu.memory_space<vmem>>, %arg15: memref<!tpu.dma_semaphore, #tpu.memory_space<semaphore_mem>>, %arg16: memref<!tpu.dma_semaphore, #tpu.memory_space<semaphore_mem>>, %arg17: memref<!tpu.dma_semaphore, #tpu.memory_space<semaphore_mem>>, %arg18: memref<!tpu.dma_semaphore, #tpu.memory_space<semaphore_mem>>, %arg19: memref<!tpu.dma_semaphore, #tpu.memory_space<semaphore_mem>>, %arg20: memref<!tpu.dma_semaphore, #tpu.memory_space<semaphore_mem>>) attributes {dimension_semantics = [#tpu.dimension_semantics<core_parallel>, #tpu.dimension_semantics<subcore_parallel>], iteration_bounds = array<i64: 2, 16>, scalar_prefetch = 0 : i64, scratch_operands = 15 : i64, tpu.core_type = #tpu.core_type<sc_vector_subcore>, window_params = [{transform_indices = #map}, {transform_indices = #map1}, {transform_indices = #map1}, {transform_indices = #map}]} {
    %iota3A = tpu.iota {dimensions = array<i32: 0>} : vector<16xi32>
    %broadcast_in_dim3A = arith.constant 0.000000e+00 : f32
    %broadcast_in_dim3A_0 = vector.broadcast %broadcast_in_dim3A : f32 to vector<16xf32>
    %broadcast_in_dim3A_1 = arith.constant 1.000000e+00 : f32
    %broadcast_in_dim3A_2 = vector.broadcast %broadcast_in_dim3A_1 : f32 to vector<16xf32>
    %mul3A = arith.constant 20000 : i32
    %mul3A_3 = arith.muli %arg1, %mul3A : i32
    %mul3A_4 = arith.constant 512 : i32
    %mul3A_5 = arith.muli %arg1, %mul3A_4 : i32
    %scan3A = arith.constant 0 : i32
    %scan3A_6 = arith.constant 0 : i32
    %scan3A_7 = arith.constant 5 : i32
    %scan3A_8 = arith.addi %scan3A_6, %scan3A_7 : i32
    %scan3A_9 = arith.constant 1 : i32
    scf.for %scan3A_11 = %scan3A_6 to %scan3A_8 step %scan3A_9  : i32 {
      %mul3A_12 = arith.constant 5 : i32
      %mul3A_13 = arith.muli %arg0, %mul3A_12 : i32
      %add3A = arith.addi %mul3A_13, %scan3A_11 : i32
      %mul3A_14 = arith.constant 1024 : i32
      %mul3A_15 = arith.muli %add3A, %mul3A_14 : i32
      %scan3A_16 = arith.constant 0 : i32
      %scan3A_17 = arith.constant 0 : i32
      %scan3A_18 = arith.constant 64 : i32
      %scan3A_19 = arith.addi %scan3A_17, %scan3A_18 : i32
      %scan3A_20 = arith.constant 1 : i32
      scf.for %scan3A_325 = %scan3A_17 to %scan3A_19 step %scan3A_20  : i32 {
        %swap3A = arith.index_cast %scan3A_325 : i32 to index
        %swap3A_326 = arith.constant 0 : index
        %swap3A_327 = tpu.vector_load %arg13[%swap3A, %swap3A_326] {strides = array<i32>} : memref<128x128xf32, #tpu.memory_space<vmem>>, vector<16xf32>,
        tpu.vector_store %arg13[%swap3A, %swap3A_326], %broadcast_in_dim3A_0 {strides = array<i32>} : memref<128x128xf32, #tpu.memory_space<vmem>>, vector<16xf32>,
        %swap3A_328 = arith.index_cast %scan3A_325 : i32 to index
        %swap3A_329 = arith.constant 16 : index
        %swap3A_330 = tpu.vector_load %arg13[%swap3A_328, %swap3A_329] {strides = array<i32>} : memref<128x128xf32, #tpu.memory_space<vmem>>, vector<16xf32>,
        tpu.vector_store %arg13[%swap3A_328, %swap3A_329], %broadcast_in_dim3A_0 {strides = array<i32>} : memref<128x128xf32, #tpu.memory_space<vmem>>, vector<16xf32>,
        %swap3A_331 = arith.index_cast %scan3A_325 : i32 to index
        %swap3A_332 = arith.constant 32 : index
        %swap3A_333 = tpu.vector_load %arg13[%swap3A_331, %swap3A_332] {strides = array<i32>} : memref<128x128xf32, #tpu.memory_space<vmem>>, vector<16xf32>,
        tpu.vector_store %arg13[%swap3A_331, %swap3A_332], %broadcast_in_dim3A_0 {strides = array<i32>} : memref<128x128xf32, #tpu.memory_space<vmem>>, vector<16xf32>,
        %swap3A_334 = arith.index_cast %scan3A_325 : i32 to index
        %swap3A_335 = arith.constant 48 : index
        %swap3A_336 = tpu.vector_load %arg13[%swap3A_334, %swap3A_335] {strides = array<i32>} : memref<128x128xf32, #tpu.memory_space<vmem>>, vector<16xf32>,
        tpu.vector_store %arg13[%swap3A_334, %swap3A_335], %broadcast_in_dim3A_0 {strides = array<i32>} : memref<128x128xf32, #tpu.memory_space<vmem>>, vector<16xf32>,
        %swap3A_337 = arith.index_cast %scan3A_325 : i32 to index
        %swap3A_338 = arith.constant 64 : index
        %swap3A_339 = tpu.vector_load %arg13[%swap3A_337, %swap3A_338] {strides = array<i32>} : memref<128x128xf32, #tpu.memory_space<vmem>>, vector<16xf32>,
        tpu.vector_store %arg13[%swap3A_337, %swap3A_338], %broadcast_in_dim3A_0 {strides = array<i32>} : memref<128x128xf32, #tpu.memory_space<vmem>>, vector<16xf32>,
        %swap3A_340 = arith.index_cast %scan3A_325 : i32 to index
        %swap3A_341 = arith.constant 80 : index
        %swap3A_342 = tpu.vector_load %arg13[%swap3A_340, %swap3A_341] {strides = array<i32>} : memref<128x128xf32, #tpu.memory_space<vmem>>, vector<16xf32>,
        tpu.vector_store %arg13[%swap3A_340, %swap3A_341], %broadcast_in_dim3A_0 {strides = array<i32>} : memref<128x128xf32, #tpu.memory_space<vmem>>, vector<16xf32>,
        %swap3A_343 = arith.index_cast %scan3A_325 : i32 to index
        %swap3A_344 = arith.constant 96 : index
        %swap3A_345 = tpu.vector_load %arg13[%swap3A_343, %swap3A_344] {strides = array<i32>} : memref<128x128xf32, #tpu.memory_space<vmem>>, vector<16xf32>,
        tpu.vector_store %arg13[%swap3A_343, %swap3A_344], %broadcast_in_dim3A_0 {strides = array<i32>} : memref<128x128xf32, #tpu.memory_space<vmem>>, vector<16xf32>,
        %swap3A_346 = arith.index_cast %scan3A_325 : i32 to index
        %swap3A_347 = arith.constant 112 : index
        %swap3A_348 = tpu.vector_load %arg13[%swap3A_346, %swap3A_347] {strides = array<i32>} : memref<128x128xf32, #tpu.memory_space<vmem>>, vector<16xf32>,
        tpu.vector_store %arg13[%swap3A_346, %swap3A_347], %broadcast_in_dim3A_0 {strides = array<i32>} : memref<128x128xf32, #tpu.memory_space<vmem>>, vector<16xf32>,
      }
      %scan3A_21 = arith.constant 64 : i32
      %add3A_22 = arith.constant 0 : i32
      %add3A_23 = arith.addi %mul3A_5, %add3A_22 : i32
      "tpu.region"() ({
        %run_scoped3A = tpu.sem_alloc : memref<!tpu.dma_semaphore, #tpu.memory_space<semaphore_mem>>
        %dma_start3A_325 = arith.constant 0 : i32
        %dma_start3A_326 = arith.constant 0 : i32
        %dma_start3A_327 = tpu.memref_slice %arg13[%dma_start3A_325, %dma_start3A_326] : memref<128x128xf32, #tpu.memory_space<vmem>> -> memref<64x128xf32, #tpu.memory_space<vmem>>
        %dma_start3A_328 = arith.constant 0 : i32
        %dma_start3A_329 = tpu.memref_slice %arg6[%add3A_23, %dma_start3A_328] : memref<8208x128xf32, #tpu.memory_space<vmem_shared>> -> memref<64x128xf32, #tpu.memory_space<vmem_shared>>
        %dma_start3A_330 = arith.constant 0 : i32
        %dma_start3A_331 = tpu.memref_slice %arg6[%add3A_23, %dma_start3A_330] : memref<8208x128xf32, #tpu.memory_space<vmem_shared>> -> memref<64x128xf32, #tpu.memory_space<vmem_shared>>
        %dma_start3A_332 = arith.constant 0 : i32
        %dma_start3A_333 = arith.constant 0 : i32
        %dma_start3A_334 = tpu.memref_slice %arg13[%dma_start3A_332, %dma_start3A_333] : memref<128x128xf32, #tpu.memory_space<vmem>> -> memref<64x128xf32, #tpu.memory_space<vmem>>
        tpu.enqueue_dma source(%dma_start3A_334 : memref<64x128xf32, #tpu.memory_space<vmem>>) target(%dma_start3A_331 : memref<64x128xf32, #tpu.memory_space<vmem_shared>>) target_semaphore(%run_scoped3A : memref<!tpu.dma_semaphore, #tpu.memory_space<semaphore_mem>>)
        %dma_wait3A = arith.constant 0 : i32
        %dma_wait3A_335 = arith.constant 0 : i32
        %dma_wait3A_336 = tpu.memref_slice %arg13[%dma_wait3A, %dma_wait3A_335] : memref<128x128xf32, #tpu.memory_space<vmem>> -> memref<64x128xf32, #tpu.memory_space<vmem>>
        %dma_wait3A_337 = arith.constant 0 : i32
        %dma_wait3A_338 = tpu.memref_slice %arg6[%add3A_23, %dma_wait3A_337] : memref<8208x128xf32, #tpu.memory_space<vmem_shared>> -> memref<64x128xf32, #tpu.memory_space<vmem_shared>>
        %dma_wait3A_339 = arith.constant 0 : i32
        %dma_wait3A_340 = tpu.memref_slice %arg6[%add3A_23, %dma_wait3A_339] : memref<8208x128xf32, #tpu.memory_space<vmem_shared>> -> memref<64x128xf32, #tpu.memory_space<vmem_shared>>
        %dma_wait3A_341 = arith.constant 0 : i32
        %dma_wait3A_342 = arith.constant 0 : i32
        %dma_wait3A_343 = tpu.memref_slice %arg13[%dma_wait3A_341, %dma_wait3A_342] : memref<128x128xf32, #tpu.memory_space<vmem>> -> memref<64x128xf32, #tpu.memory_space<vmem>>
        tpu.wait_dma2 semaphore(%run_scoped3A : memref<!tpu.dma_semaphore, #tpu.memory_space<semaphore_mem>>) src(%dma_wait3A_343 : memref<64x128xf32, #tpu.memory_space<vmem>>) dst(%dma_wait3A_340 : memref<64x128xf32, #tpu.memory_space<vmem_shared>>)
        tpu.yield
      }) : () -> ()
      %add3A_24 = arith.constant 64 : i32
      %add3A_25 = arith.addi %mul3A_5, %add3A_24 : i32
      "tpu.region"() ({
        %run_scoped3A = tpu.sem_alloc : memref<!tpu.dma_semaphore, #tpu.memory_space<semaphore_mem>>
        %dma_start3A_325 = arith.constant 0 : i32
        %dma_start3A_326 = arith.constant 0 : i32
        %dma_start3A_327 = tpu.memref_slice %arg13[%dma_start3A_325, %dma_start3A_326] : memref<128x128xf32, #tpu.memory_space<vmem>> -> memref<64x128xf32, #tpu.memory_space<vmem>>
        %dma_start3A_328 = arith.constant 0 : i32
        %dma_start3A_329 = tpu.memref_slice %arg6[%add3A_25, %dma_start3A_328] : memref<8208x128xf32, #tpu.memory_space<vmem_shared>> -> memref<64x128xf32, #tpu.memory_space<vmem_shared>>
        %dma_start3A_330 = arith.constant 0 : i32
        %dma_start3A_331 = tpu.memref_slice %arg6[%add3A_25, %dma_start3A_330] : memref<8208x128xf32, #tpu.memory_space<vmem_shared>> -> memref<64x128xf32, #tpu.memory_space<vmem_shared>>
        %dma_start3A_332 = arith.constant 0 : i32
        %dma_start3A_333 = arith.constant 0 : i32
        %dma_start3A_334 = tpu.memref_slice %arg13[%dma_start3A_332, %dma_start3A_333] : memref<128x128xf32, #tpu.memory_space<vmem>> -> memref<64x128xf32, #tpu.memory_space<vmem>>
        tpu.enqueue_dma source(%dma_start3A_334 : memref<64x128xf32, #tpu.memory_space<vmem>>) target(%dma_start3A_331 : memref<64x128xf32, #tpu.memory_space<vmem_shared>>) target_semaphore(%run_scoped3A : memref<!tpu.dma_semaphore, #tpu.memory_space<semaphore_mem>>)
        %dma_wait3A = arith.constant 0 : i32
        %dma_wait3A_335 = arith.constant 0 : i32
        %dma_wait3A_336 = tpu.memref_slice %arg13[%dma_wait3A, %dma_wait3A_335] : memref<128x128xf32, #tpu.memory_space<vmem>> -> memref<64x128xf32, #tpu.memory_space<vmem>>
        %dma_wait3A_337 = arith.constant 0 : i32
        %dma_wait3A_338 = tpu.memref_slice %arg6[%add3A_25, %dma_wait3A_337] : memref<8208x128xf32, #tpu.memory_space<vmem_shared>> -> memref<64x128xf32, #tpu.memory_space<vmem_shared>>
        %dma_wait3A_339 = arith.constant 0 : i32
        %dma_wait3A_340 = tpu.memref_slice %arg6[%add3A_25, %dma_wait3A_339] : memref<8208x128xf32, #tpu.memory_space<vmem_shared>> -> memref<64x128xf32, #tpu.memory_space<vmem_shared>>
        %dma_wait3A_341 = arith.constant 0 : i32
        %dma_wait3A_342 = arith.constant 0 : i32
        %dma_wait3A_343 = tpu.memref_slice %arg13[%dma_wait3A_341, %dma_wait3A_342] : memref<128x128xf32, #tpu.memory_space<vmem>> -> memref<64x128xf32, #tpu.memory_space<vmem>>
        tpu.wait_dma2 semaphore(%run_scoped3A : memref<!tpu.dma_semaphore, #tpu.memory_space<semaphore_mem>>) src(%dma_wait3A_343 : memref<64x128xf32, #tpu.memory_space<vmem>>) dst(%dma_wait3A_340 : memref<64x128xf32, #tpu.memory_space<vmem_shared>>)
        tpu.yield
      }) : () -> ()
      %add3A_26 = arith.constant 128 : i32
      %add3A_27 = arith.addi %mul3A_5, %add3A_26 : i32
      "tpu.region"() ({
        %run_scoped3A = tpu.sem_alloc : memref<!tpu.dma_semaphore, #tpu.memory_space<semaphore_mem>>
        %dma_start3A_325 = arith.constant 0 : i32
        %dma_start3A_326 = arith.constant 0 : i32
        %dma_start3A_327 = tpu.memref_slice %arg13[%dma_start3A_325, %dma_start3A_326] : memref<128x128xf32, #tpu.memory_space<vmem>> -> memref<64x128xf32, #tpu.memory_space<vmem>>
        %dma_start3A_328 = arith.constant 0 : i32
        %dma_start3A_329 = tpu.memref_slice %arg6[%add3A_27, %dma_start3A_328] : memref<8208x128xf32, #tpu.memory_space<vmem_shared>> -> memref<64x128xf32, #tpu.memory_space<vmem_shared>>
        %dma_start3A_330 = arith.constant 0 : i32
        %dma_start3A_331 = tpu.memref_slice %arg6[%add3A_27, %dma_start3A_330] : memref<8208x128xf32, #tpu.memory_space<vmem_shared>> -> memref<64x128xf32, #tpu.memory_space<vmem_shared>>
        %dma_start3A_332 = arith.constant 0 : i32
        %dma_start3A_333 = arith.constant 0 : i32
        %dma_start3A_334 = tpu.memref_slice %arg13[%dma_start3A_332, %dma_start3A_333] : memref<128x128xf32, #tpu.memory_space<vmem>> -> memref<64x128xf32, #tpu.memory_space<vmem>>
        tpu.enqueue_dma source(%dma_start3A_334 : memref<64x128xf32, #tpu.memory_space<vmem>>) target(%dma_start3A_331 : memref<64x128xf32, #tpu.memory_space<vmem_shared>>) target_semaphore(%run_scoped3A : memref<!tpu.dma_semaphore, #tpu.memory_space<semaphore_mem>>)
        %dma_wait3A = arith.constant 0 : i32
        %dma_wait3A_335 = arith.constant 0 : i32
        %dma_wait3A_336 = tpu.memref_slice %arg13[%dma_wait3A, %dma_wait3A_335] : memref<128x128xf32, #tpu.memory_space<vmem>> -> memref<64x128xf32, #tpu.memory_space<vmem>>
        %dma_wait3A_337 = arith.constant 0 : i32
        %dma_wait3A_338 = tpu.memref_slice %arg6[%add3A_27, %dma_wait3A_337] : memref<8208x128xf32, #tpu.memory_space<vmem_shared>> -> memref<64x128xf32, #tpu.memory_space<vmem_shared>>
        %dma_wait3A_339 = arith.constant 0 : i32
        %dma_wait3A_340 = tpu.memref_slice %arg6[%add3A_27, %dma_wait3A_339] : memref<8208x128xf32, #tpu.memory_space<vmem_shared>> -> memref<64x128xf32, #tpu.memory_space<vmem_shared>>
        %dma_wait3A_341 = arith.constant 0 : i32
        %dma_wait3A_342 = arith.constant 0 : i32
        %dma_wait3A_343 = tpu.memref_slice %arg13[%dma_wait3A_341, %dma_wait3A_342] : memref<128x128xf32, #tpu.memory_space<vmem>> -> memref<64x128xf32, #tpu.memory_space<vmem>>
        tpu.wait_dma2 semaphore(%run_scoped3A : memref<!tpu.dma_semaphore, #tpu.memory_space<semaphore_mem>>) src(%dma_wait3A_343 : memref<64x128xf32, #tpu.memory_space<vmem>>) dst(%dma_wait3A_340 : memref<64x128xf32, #tpu.memory_space<vmem_shared>>)
        tpu.yield
      }) : () -> ()
      %add3A_28 = arith.constant 192 : i32
      %add3A_29 = arith.addi %mul3A_5, %add3A_28 : i32
      "tpu.region"() ({
        %run_scoped3A = tpu.sem_alloc : memref<!tpu.dma_semaphore, #tpu.memory_space<semaphore_mem>>
        %dma_start3A_325 = arith.constant 0 : i32
        %dma_start3A_326 = arith.constant 0 : i32
        %dma_start3A_327 = tpu.memref_slice %arg13[%dma_start3A_325, %dma_start3A_326] : memref<128x128xf32, #tpu.memory_space<vmem>> -> memref<64x128xf32, #tpu.memory_space<vmem>>
        %dma_start3A_328 = arith.constant 0 : i32
        %dma_start3A_329 = tpu.memref_slice %arg6[%add3A_29, %dma_start3A_328] : memref<8208x128xf32, #tpu.memory_space<vmem_shared>> -> memref<64x128xf32, #tpu.memory_space<vmem_shared>>
        %dma_start3A_330 = arith.constant 0 : i32
        %dma_start3A_331 = tpu.memref_slice %arg6[%add3A_29, %dma_start3A_330] : memref<8208x128xf32, #tpu.memory_space<vmem_shared>> -> memref<64x128xf32, #tpu.memory_space<vmem_shared>>
        %dma_start3A_332 = arith.constant 0 : i32
        %dma_start3A_333 = arith.constant 0 : i32
        %dma_start3A_334 = tpu.memref_slice %arg13[%dma_start3A_332, %dma_start3A_333] : memref<128x128xf32, #tpu.memory_space<vmem>> -> memref<64x128xf32, #tpu.memory_space<vmem>>
        tpu.enqueue_dma source(%dma_start3A_334 : memref<64x128xf32, #tpu.memory_space<vmem>>) target(%dma_start3A_331 : memref<64x128xf32, #tpu.memory_space<vmem_shared>>) target_semaphore(%run_scoped3A : memref<!tpu.dma_semaphore, #tpu.memory_space<semaphore_mem>>)
        %dma_wait3A = arith.constant 0 : i32
        %dma_wait3A_335 = arith.constant 0 : i32
        %dma_wait3A_336 = tpu.memref_slice %arg13[%dma_wait3A, %dma_wait3A_335] : memref<128x128xf32, #tpu.memory_space<vmem>> -> memref<64x128xf32, #tpu.memory_space<vmem>>
        %dma_wait3A_337 = arith.constant 0 : i32
        %dma_wait3A_338 = tpu.memref_slice %arg6[%add3A_29, %dma_wait3A_337] : memref<8208x128xf32, #tpu.memory_space<vmem_shared>> -> memref<64x128xf32, #tpu.memory_space<vmem_shared>>
        %dma_wait3A_339 = arith.constant 0 : i32
        %dma_wait3A_340 = tpu.memref_slice %arg6[%add3A_29, %dma_wait3A_339] : memref<8208x128xf32, #tpu.memory_space<vmem_shared>> -> memref<64x128xf32, #tpu.memory_space<vmem_shared>>
        %dma_wait3A_341 = arith.constant 0 : i32
        %dma_wait3A_342 = arith.constant 0 : i32
        %dma_wait3A_343 = tpu.memref_slice %arg13[%dma_wait3A_341, %dma_wait3A_342] : memref<128x128xf32, #tpu.memory_space<vmem>> -> memref<64x128xf32, #tpu.memory_space<vmem>>
        tpu.wait_dma2 semaphore(%run_scoped3A : memref<!tpu.dma_semaphore, #tpu.memory_space<semaphore_mem>>) src(%dma_wait3A_343 : memref<64x128xf32, #tpu.memory_space<vmem>>) dst(%dma_wait3A_340 : memref<64x128xf32, #tpu.memory_space<vmem_shared>>)
        tpu.yield
      }) : () -> ()
      %add3A_30 = arith.constant 256 : i32
      %add3A_31 = arith.addi %mul3A_5, %add3A_30 : i32
      "tpu.region"() ({
        %run_scoped3A = tpu.sem_alloc : memref<!tpu.dma_semaphore, #tpu.memory_space<semaphore_mem>>
        %dma_start3A_325 = arith.constant 0 : i32
        %dma_start3A_326 = arith.constant 0 : i32
        %dma_start3A_327 = tpu.memref_slice %arg13[%dma_start3A_325, %dma_start3A_326] : memref<128x128xf32, #tpu.memory_space<vmem>> -> memref<64x128xf32, #tpu.memory_space<vmem>>
        %dma_start3A_328 = arith.constant 0 : i32
        %dma_start3A_329 = tpu.memref_slice %arg6[%add3A_31, %dma_start3A_328] : memref<8208x128xf32, #tpu.memory_space<vmem_shared>> -> memref<64x128xf32, #tpu.memory_space<vmem_shared>>
        %dma_start3A_330 = arith.constant 0 : i32
        %dma_start3A_331 = tpu.memref_slice %arg6[%add3A_31, %dma_start3A_330] : memref<8208x128xf32, #tpu.memory_space<vmem_shared>> -> memref<64x128xf32, #tpu.memory_space<vmem_shared>>
        %dma_start3A_332 = arith.constant 0 : i32
        %dma_start3A_333 = arith.constant 0 : i32
        %dma_start3A_334 = tpu.memref_slice %arg13[%dma_start3A_332, %dma_start3A_333] : memref<128x128xf32, #tpu.memory_space<vmem>> -> memref<64x128xf32, #tpu.memory_space<vmem>>
        tpu.enqueue_dma source(%dma_start3A_334 : memref<64x128xf32, #tpu.memory_space<vmem>>) target(%dma_start3A_331 : memref<64x128xf32, #tpu.memory_space<vmem_shared>>) target_semaphore(%run_scoped3A : memref<!tpu.dma_semaphore, #tpu.memory_space<semaphore_mem>>)
        %dma_wait3A = arith.constant 0 : i32
        %dma_wait3A_335 = arith.constant 0 : i32
        %dma_wait3A_336 = tpu.memref_slice %arg13[%dma_wait3A, %dma_wait3A_335] : memref<128x128xf32, #tpu.memory_space<vmem>> -> memref<64x128xf32, #tpu.memory_space<vmem>>
        %dma_wait3A_337 = arith.constant 0 : i32
        %dma_wait3A_338 = tpu.memref_slice %arg6[%add3A_31, %dma_wait3A_337] : memref<8208x128xf32, #tpu.memory_space<vmem_shared>> -> memref<64x128xf32, #tpu.memory_space<vmem_shared>>
        %dma_wait3A_339 = arith.constant 0 : i32
        %dma_wait3A_340 = tpu.memref_slice %arg6[%add3A_31, %dma_wait3A_339] : memref<8208x128xf32, #tpu.memory_space<vmem_shared>> -> memref<64x128xf32, #tpu.memory_space<vmem_shared>>
        %dma_wait3A_341 = arith.constant 0 : i32
        %dma_wait3A_342 = arith.constant 0 : i32
        %dma_wait3A_343 = tpu.memref_slice %arg13[%dma_wait3A_341, %dma_wait3A_342] : memref<128x128xf32, #tpu.memory_space<vmem>> -> memref<64x128xf32, #tpu.memory_space<vmem>>
        tpu.wait_dma2 semaphore(%run_scoped3A : memref<!tpu.dma_semaphore, #tpu.memory_space<semaphore_mem>>) src(%dma_wait3A_343 : memref<64x128xf32, #tpu.memory_space<vmem>>) dst(%dma_wait3A_340 : memref<64x128xf32, #tpu.memory_space<vmem_shared>>)
        tpu.yield
      }) : () -> ()
      %add3A_32 = arith.constant 320 : i32
      %add3A_33 = arith.addi %mul3A_5, %add3A_32 : i32
      "tpu.region"() ({
        %run_scoped3A = tpu.sem_alloc : memref<!tpu.dma_semaphore, #tpu.memory_space<semaphore_mem>>
        %dma_start3A_325 = arith.constant 0 : i32
        %dma_start3A_326 = arith.constant 0 : i32
        %dma_start3A_327 = tpu.memref_slice %arg13[%dma_start3A_325, %dma_start3A_326] : memref<128x128xf32, #tpu.memory_space<vmem>> -> memref<64x128xf32, #tpu.memory_space<vmem>>
        %dma_start3A_328 = arith.constant 0 : i32
        %dma_start3A_329 = tpu.memref_slice %arg6[%add3A_33, %dma_start3A_328] : memref<8208x128xf32, #tpu.memory_space<vmem_shared>> -> memref<64x128xf32, #tpu.memory_space<vmem_shared>>
        %dma_start3A_330 = arith.constant 0 : i32
        %dma_start3A_331 = tpu.memref_slice %arg6[%add3A_33, %dma_start3A_330] : memref<8208x128xf32, #tpu.memory_space<vmem_shared>> -> memref<64x128xf32, #tpu.memory_space<vmem_shared>>
        %dma_start3A_332 = arith.constant 0 : i32
        %dma_start3A_333 = arith.constant 0 : i32
        %dma_start3A_334 = tpu.memref_slice %arg13[%dma_start3A_332, %dma_start3A_333] : memref<128x128xf32, #tpu.memory_space<vmem>> -> memref<64x128xf32, #tpu.memory_space<vmem>>
        tpu.enqueue_dma source(%dma_start3A_334 : memref<64x128xf32, #tpu.memory_space<vmem>>) target(%dma_start3A_331 : memref<64x128xf32, #tpu.memory_space<vmem_shared>>) target_semaphore(%run_scoped3A : memref<!tpu.dma_semaphore, #tpu.memory_space<semaphore_mem>>)
        %dma_wait3A = arith.constant 0 : i32
        %dma_wait3A_335 = arith.constant 0 : i32
        %dma_wait3A_336 = tpu.memref_slice %arg13[%dma_wait3A, %dma_wait3A_335] : memref<128x128xf32, #tpu.memory_space<vmem>> -> memref<64x128xf32, #tpu.memory_space<vmem>>
        %dma_wait3A_337 = arith.constant 0 : i32
        %dma_wait3A_338 = tpu.memref_slice %arg6[%add3A_33, %dma_wait3A_337] : memref<8208x128xf32, #tpu.memory_space<vmem_shared>> -> memref<64x128xf32, #tpu.memory_space<vmem_shared>>
        %dma_wait3A_339 = arith.constant 0 : i32
        %dma_wait3A_340 = tpu.memref_slice %arg6[%add3A_33, %dma_wait3A_339] : memref<8208x128xf32, #tpu.memory_space<vmem_shared>> -> memref<64x128xf32, #tpu.memory_space<vmem_shared>>
        %dma_wait3A_341 = arith.constant 0 : i32
        %dma_wait3A_342 = arith.constant 0 : i32
        %dma_wait3A_343 = tpu.memref_slice %arg13[%dma_wait3A_341, %dma_wait3A_342] : memref<128x128xf32, #tpu.memory_space<vmem>> -> memref<64x128xf32, #tpu.memory_space<vmem>>
        tpu.wait_dma2 semaphore(%run_scoped3A : memref<!tpu.dma_semaphore, #tpu.memory_space<semaphore_mem>>) src(%dma_wait3A_343 : memref<64x128xf32, #tpu.memory_space<vmem>>) dst(%dma_wait3A_340 : memref<64x128xf32, #tpu.memory_space<vmem_shared>>)
        tpu.yield
      }) : () -> ()
      %add3A_34 = arith.constant 384 : i32
      %add3A_35 = arith.addi %mul3A_5, %add3A_34 : i32
      "tpu.region"() ({
        %run_scoped3A = tpu.sem_alloc : memref<!tpu.dma_semaphore, #tpu.memory_space<semaphore_mem>>
        %dma_start3A_325 = arith.constant 0 : i32
        %dma_start3A_326 = arith.constant 0 : i32
        %dma_start3A_327 = tpu.memref_slice %arg13[%dma_start3A_325, %dma_start3A_326] : memref<128x128xf32, #tpu.memory_space<vmem>> -> memref<64x128xf32, #tpu.memory_space<vmem>>
        %dma_start3A_328 = arith.constant 0 : i32
        %dma_start3A_329 = tpu.memref_slice %arg6[%add3A_35, %dma_start3A_328] : memref<8208x128xf32, #tpu.memory_space<vmem_shared>> -> memref<64x128xf32, #tpu.memory_space<vmem_shared>>
        %dma_start3A_330 = arith.constant 0 : i32
        %dma_start3A_331 = tpu.memref_slice %arg6[%add3A_35, %dma_start3A_330] : memref<8208x128xf32, #tpu.memory_space<vmem_shared>> -> memref<64x128xf32, #tpu.memory_space<vmem_shared>>
        %dma_start3A_332 = arith.constant 0 : i32
        %dma_start3A_333 = arith.constant 0 : i32
        %dma_start3A_334 = tpu.memref_slice %arg13[%dma_start3A_332, %dma_start3A_333] : memref<128x128xf32, #tpu.memory_space<vmem>> -> memref<64x128xf32, #tpu.memory_space<vmem>>
        tpu.enqueue_dma source(%dma_start3A_334 : memref<64x128xf32, #tpu.memory_space<vmem>>) target(%dma_start3A_331 : memref<64x128xf32, #tpu.memory_space<vmem_shared>>) target_semaphore(%run_scoped3A : memref<!tpu.dma_semaphore, #tpu.memory_space<semaphore_mem>>)
        %dma_wait3A = arith.constant 0 : i32
        %dma_wait3A_335 = arith.constant 0 : i32
        %dma_wait3A_336 = tpu.memref_slice %arg13[%dma_wait3A, %dma_wait3A_335] : memref<128x128xf32, #tpu.memory_space<vmem>> -> memref<64x128xf32, #tpu.memory_space<vmem>>
        %dma_wait3A_337 = arith.constant 0 : i32
        %dma_wait3A_338 = tpu.memref_slice %arg6[%add3A_35, %dma_wait3A_337] : memref<8208x128xf32, #tpu.memory_space<vmem_shared>> -> memref<64x128xf32, #tpu.memory_space<vmem_shared>>
        %dma_wait3A_339 = arith.constant 0 : i32
        %dma_wait3A_340 = tpu.memref_slice %arg6[%add3A_35, %dma_wait3A_339] : memref<8208x128xf32, #tpu.memory_space<vmem_shared>> -> memref<64x128xf32, #tpu.memory_space<vmem_shared>>
        %dma_wait3A_341 = arith.constant 0 : i32
        %dma_wait3A_342 = arith.constant 0 : i32
        %dma_wait3A_343 = tpu.memref_slice %arg13[%dma_wait3A_341, %dma_wait3A_342] : memref<128x128xf32, #tpu.memory_space<vmem>> -> memref<64x128xf32, #tpu.memory_space<vmem>>
        tpu.wait_dma2 semaphore(%run_scoped3A : memref<!tpu.dma_semaphore, #tpu.memory_space<semaphore_mem>>) src(%dma_wait3A_343 : memref<64x128xf32, #tpu.memory_space<vmem>>) dst(%dma_wait3A_340 : memref<64x128xf32, #tpu.memory_space<vmem_shared>>)
        tpu.yield
      }) : () -> ()
      %add3A_36 = arith.constant 448 : i32
      %add3A_37 = arith.addi %mul3A_5, %add3A_36 : i32
      "tpu.region"() ({
        %run_scoped3A = tpu.sem_alloc : memref<!tpu.dma_semaphore, #tpu.memory_space<semaphore_mem>>
        %dma_start3A_325 = arith.constant 0 : i32
        %dma_start3A_326 = arith.constant 0 : i32
        %dma_start3A_327 = tpu.memref_slice %arg13[%dma_start3A_325, %dma_start3A_326] : memref<128x128xf32, #tpu.memory_space<vmem>> -> memref<64x128xf32, #tpu.memory_space<vmem>>
        %dma_start3A_328 = arith.constant 0 : i32
        %dma_start3A_329 = tpu.memref_slice %arg6[%add3A_37, %dma_start3A_328] : memref<8208x128xf32, #tpu.memory_space<vmem_shared>> -> memref<64x128xf32, #tpu.memory_space<vmem_shared>>
        %dma_start3A_330 = arith.constant 0 : i32
        %dma_start3A_331 = tpu.memref_slice %arg6[%add3A_37, %dma_start3A_330] : memref<8208x128xf32, #tpu.memory_space<vmem_shared>> -> memref<64x128xf32, #tpu.memory_space<vmem_shared>>
        %dma_start3A_332 = arith.constant 0 : i32
        %dma_start3A_333 = arith.constant 0 : i32
        %dma_start3A_334 = tpu.memref_slice %arg13[%dma_start3A_332, %dma_start3A_333] : memref<128x128xf32, #tpu.memory_space<vmem>> -> memref<64x128xf32, #tpu.memory_space<vmem>>
        tpu.enqueue_dma source(%dma_start3A_334 : memref<64x128xf32, #tpu.memory_space<vmem>>) target(%dma_start3A_331 : memref<64x128xf32, #tpu.memory_space<vmem_shared>>) target_semaphore(%run_scoped3A : memref<!tpu.dma_semaphore, #tpu.memory_space<semaphore_mem>>)
        %dma_wait3A = arith.constant 0 : i32
        %dma_wait3A_335 = arith.constant 0 : i32
        %dma_wait3A_336 = tpu.memref_slice %arg13[%dma_wait3A, %dma_wait3A_335] : memref<128x128xf32, #tpu.memory_space<vmem>> -> memref<64x128xf32, #tpu.memory_space<vmem>>
        %dma_wait3A_337 = arith.constant 0 : i32
        %dma_wait3A_338 = tpu.memref_slice %arg6[%add3A_37, %dma_wait3A_337] : memref<8208x128xf32, #tpu.memory_space<vmem_shared>> -> memref<64x128xf32, #tpu.memory_space<vmem_shared>>
        %dma_wait3A_339 = arith.constant 0 : i32
        %dma_wait3A_340 = tpu.memref_slice %arg6[%add3A_37, %dma_wait3A_339] : memref<8208x128xf32, #tpu.memory_space<vmem_shared>> -> memref<64x128xf32, #tpu.memory_space<vmem_shared>>
        %dma_wait3A_341 = arith.constant 0 : i32
        %dma_wait3A_342 = arith.constant 0 : i32
        %dma_wait3A_343 = tpu.memref_slice %arg13[%dma_wait3A_341, %dma_wait3A_342] : memref<128x128xf32, #tpu.memory_space<vmem>> -> memref<64x128xf32, #tpu.memory_space<vmem>>
        tpu.wait_dma2 semaphore(%run_scoped3A : memref<!tpu.dma_semaphore, #tpu.memory_space<semaphore_mem>>) src(%dma_wait3A_343 : memref<64x128xf32, #tpu.memory_space<vmem>>) dst(%dma_wait3A_340 : memref<64x128xf32, #tpu.memory_space<vmem_shared>>)
        tpu.yield
      }) : () -> ()
      %barrier3A = arith.constant 0 : index
      tpu.barrier barrier_id(%barrier3A)
      %mul3A_38 = arith.constant 8 : i32
      %mul3A_39 = arith.muli %mul3A_15, %mul3A_38 : i32
      %add3A_40 = arith.constant 0 : i32
      %add3A_41 = arith.addi %mul3A_3, %add3A_40 : i32
      %dma_start3A = tpu.memref_slice %arg3[%add3A_41] : memref<320000xi32, #tpu.memory_space<hbm>> -> memref<800xi32, #tpu.memory_space<hbm>>
      %dma_start3A_42 = tpu.memref_slice %arg3[%add3A_41] : memref<320000xi32, #tpu.memory_space<hbm>> -> memref<800xi32, #tpu.memory_space<hbm>>
      tpu.enqueue_dma source(%dma_start3A_42 : memref<800xi32, #tpu.memory_space<hbm>>) target(%arg7 : memref<800xi32, #tpu.memory_space<vmem>>) target_semaphore(%arg17 : memref<!tpu.dma_semaphore, #tpu.memory_space<semaphore_mem>>)
      %dma_start3A_43 = tpu.memref_slice %arg4[%add3A_41] : memref<320000xi32, #tpu.memory_space<hbm>> -> memref<800xi32, #tpu.memory_space<hbm>>
      %dma_start3A_44 = tpu.memref_slice %arg4[%add3A_41] : memref<320000xi32, #tpu.memory_space<hbm>> -> memref<800xi32, #tpu.memory_space<hbm>>
      tpu.enqueue_dma source(%dma_start3A_44 : memref<800xi32, #tpu.memory_space<hbm>>) target(%arg9 : memref<800xi32, #tpu.memory_space<vmem>>) target_semaphore(%arg17 : memref<!tpu.dma_semaphore, #tpu.memory_space<semaphore_mem>>)
      %scan3A_45 = arith.constant 0 : i32
      %scan3A_46 = arith.constant 0 : i32
      %scan3A_47 = arith.constant 0 : i32
      %scan3A_48 = arith.constant 25 : i32
      %scan3A_49 = arith.addi %scan3A_47, %scan3A_48 : i32
      %scan3A_50 = arith.constant 1 : i32
      %scan3A_51:2 = scf.for %scan3A_325 = %scan3A_47 to %scan3A_49 step %scan3A_50 iter_args(%scan3A_326 = %scan3A_45, %scan3A_327 = %scan3A_46) -> (i32, i32)  : i32 {
        %mul3A_328 = arith.constant 800 : i32
        %mul3A_329 = arith.muli %scan3A_325, %mul3A_328 : i32
        %add3A_330 = arith.addi %mul3A_3, %mul3A_329 : i32
        %and3A_331 = arith.constant 1 : i32
        %and3A_332 = arith.andi %scan3A_325, %and3A_331 : i32
        %eq3A = arith.constant 0 : i32
        %eq3A_333 = arith.cmpi eq, %and3A_332, %eq3A : i32
        %convert_element_type3A_334 = arith.extui %eq3A_333 : i1 to i32
        %cond3A_335 = arith.constant 0 : i32
        %cond3A_336 = arith.cmpi ne, %convert_element_type3A_334, %cond3A_335 : i32
        scf.if %cond3A_336 {
          %dma_wait3A = tpu.memref_slice %arg3[%add3A_330] : memref<320000xi32, #tpu.memory_space<hbm>> -> memref<800xi32, #tpu.memory_space<hbm>>
          %dma_wait3A_368 = tpu.memref_slice %arg3[%add3A_330] : memref<320000xi32, #tpu.memory_space<hbm>> -> memref<800xi32, #tpu.memory_space<hbm>>
          tpu.wait_dma2 semaphore(%arg17 : memref<!tpu.dma_semaphore, #tpu.memory_space<semaphore_mem>>) src(%dma_wait3A_368 : memref<800xi32, #tpu.memory_space<hbm>>) dst(%arg7 : memref<800xi32, #tpu.memory_space<vmem>>)
          %dma_wait3A_369 = tpu.memref_slice %arg4[%add3A_330] : memref<320000xi32, #tpu.memory_space<hbm>> -> memref<800xi32, #tpu.memory_space<hbm>>
          %dma_wait3A_370 = tpu.memref_slice %arg4[%add3A_330] : memref<320000xi32, #tpu.memory_space<hbm>> -> memref<800xi32, #tpu.memory_space<hbm>>
          tpu.wait_dma2 semaphore(%arg17 : memref<!tpu.dma_semaphore, #tpu.memory_space<semaphore_mem>>) src(%dma_wait3A_370 : memref<800xi32, #tpu.memory_space<hbm>>) dst(%arg9 : memref<800xi32, #tpu.memory_space<vmem>>)
        } else {
        }
        %and3A_337 = arith.constant 1 : i32
        %and3A_338 = arith.andi %scan3A_325, %and3A_337 : i32
        %eq3A_339 = arith.constant 1 : i32
        %eq3A_340 = arith.cmpi eq, %and3A_338, %eq3A_339 : i32
        %convert_element_type3A_341 = arith.extui %eq3A_340 : i1 to i32
        %cond3A_342 = arith.constant 0 : i32
        %cond3A_343 = arith.cmpi ne, %convert_element_type3A_341, %cond3A_342 : i32
        scf.if %cond3A_343 {
          %dma_wait3A = tpu.memref_slice %arg3[%add3A_330] : memref<320000xi32, #tpu.memory_space<hbm>> -> memref<800xi32, #tpu.memory_space<hbm>>
          %dma_wait3A_368 = tpu.memref_slice %arg3[%add3A_330] : memref<320000xi32, #tpu.memory_space<hbm>> -> memref<800xi32, #tpu.memory_space<hbm>>
          tpu.wait_dma2 semaphore(%arg18 : memref<!tpu.dma_semaphore, #tpu.memory_space<semaphore_mem>>) src(%dma_wait3A_368 : memref<800xi32, #tpu.memory_space<hbm>>) dst(%arg8 : memref<800xi32, #tpu.memory_space<vmem>>)
          %dma_wait3A_369 = tpu.memref_slice %arg4[%add3A_330] : memref<320000xi32, #tpu.memory_space<hbm>> -> memref<800xi32, #tpu.memory_space<hbm>>
          %dma_wait3A_370 = tpu.memref_slice %arg4[%add3A_330] : memref<320000xi32, #tpu.memory_space<hbm>> -> memref<800xi32, #tpu.memory_space<hbm>>
          tpu.wait_dma2 semaphore(%arg18 : memref<!tpu.dma_semaphore, #tpu.memory_space<semaphore_mem>>) src(%dma_wait3A_370 : memref<800xi32, #tpu.memory_space<hbm>>) dst(%arg10 : memref<800xi32, #tpu.memory_space<vmem>>)
        } else {
        }
        %add3A_344 = arith.constant 1 : i32
        %add3A_345 = arith.addi %scan3A_325, %add3A_344 : i32
        %lt3A_346 = arith.constant 25 : i32
        %lt3A_347 = arith.cmpi slt, %add3A_345, %lt3A_346 : i32
        %convert_element_type3A_348 = arith.extui %lt3A_347 : i1 to i32
        %cond3A_349 = arith.constant 0 : i32
        %cond3A_350 = arith.cmpi ne, %convert_element_type3A_348, %cond3A_349 : i32
        scf.if %cond3A_350 {
          %add3A_368 = arith.constant 1 : i32
          %add3A_369 = arith.addi %scan3A_325, %add3A_368 : i32
          %mul3A_370 = arith.constant 800 : i32
          %mul3A_371 = arith.muli %add3A_369, %mul3A_370 : i32
          %add3A_372 = arith.addi %mul3A_3, %mul3A_371 : i32
          %and3A_373 = arith.constant 1 : i32
          %and3A_374 = arith.andi %add3A_369, %and3A_373 : i32
          %eq3A_375 = arith.constant 0 : i32
          %eq3A_376 = arith.cmpi eq, %and3A_374, %eq3A_375 : i32
          %convert_element_type3A_377 = arith.extui %eq3A_376 : i1 to i32
          %cond3A_378 = arith.constant 0 : i32
          %cond3A_379 = arith.cmpi ne, %convert_element_type3A_377, %cond3A_378 : i32
          scf.if %cond3A_379 {
            %dma_start3A_387 = tpu.memref_slice %arg3[%add3A_372] : memref<320000xi32, #tpu.memory_space<hbm>> -> memref<800xi32, #tpu.memory_space<hbm>>
            %dma_start3A_388 = tpu.memref_slice %arg3[%add3A_372] : memref<320000xi32, #tpu.memory_space<hbm>> -> memref<800xi32, #tpu.memory_space<hbm>>
            tpu.enqueue_dma source(%dma_start3A_388 : memref<800xi32, #tpu.memory_space<hbm>>) target(%arg7 : memref<800xi32, #tpu.memory_space<vmem>>) target_semaphore(%arg17 : memref<!tpu.dma_semaphore, #tpu.memory_space<semaphore_mem>>)
            %dma_start3A_389 = tpu.memref_slice %arg4[%add3A_372] : memref<320000xi32, #tpu.memory_space<hbm>> -> memref<800xi32, #tpu.memory_space<hbm>>
            %dma_start3A_390 = tpu.memref_slice %arg4[%add3A_372] : memref<320000xi32, #tpu.memory_space<hbm>> -> memref<800xi32, #tpu.memory_space<hbm>>
            tpu.enqueue_dma source(%dma_start3A_390 : memref<800xi32, #tpu.memory_space<hbm>>) target(%arg9 : memref<800xi32, #tpu.memory_space<vmem>>) target_semaphore(%arg17 : memref<!tpu.dma_semaphore, #tpu.memory_space<semaphore_mem>>)
          } else {
          }
          %and3A_380 = arith.constant 1 : i32
          %and3A_381 = arith.andi %add3A_369, %and3A_380 : i32
          %eq3A_382 = arith.constant 1 : i32
          %eq3A_383 = arith.cmpi eq, %and3A_381, %eq3A_382 : i32
          %convert_element_type3A_384 = arith.extui %eq3A_383 : i1 to i32
          %cond3A_385 = arith.constant 0 : i32
          %cond3A_386 = arith.cmpi ne, %convert_element_type3A_384, %cond3A_385 : i32
          scf.if %cond3A_386 {
            %dma_start3A_387 = tpu.memref_slice %arg3[%add3A_372] : memref<320000xi32, #tpu.memory_space<hbm>> -> memref<800xi32, #tpu.memory_space<hbm>>
            %dma_start3A_388 = tpu.memref_slice %arg3[%add3A_372] : memref<320000xi32, #tpu.memory_space<hbm>> -> memref<800xi32, #tpu.memory_space<hbm>>
            tpu.enqueue_dma source(%dma_start3A_388 : memref<800xi32, #tpu.memory_space<hbm>>) target(%arg8 : memref<800xi32, #tpu.memory_space<vmem>>) target_semaphore(%arg18 : memref<!tpu.dma_semaphore, #tpu.memory_space<semaphore_mem>>)
            %dma_start3A_389 = tpu.memref_slice %arg4[%add3A_372] : memref<320000xi32, #tpu.memory_space<hbm>> -> memref<800xi32, #tpu.memory_space<hbm>>
            %dma_start3A_390 = tpu.memref_slice %arg4[%add3A_372] : memref<320000xi32, #tpu.memory_space<hbm>> -> memref<800xi32, #tpu.memory_space<hbm>>
            tpu.enqueue_dma source(%dma_start3A_390 : memref<800xi32, #tpu.memory_space<hbm>>) target(%arg10 : memref<800xi32, #tpu.memory_space<vmem>>) target_semaphore(%arg18 : memref<!tpu.dma_semaphore, #tpu.memory_space<semaphore_mem>>)
          } else {
          }
        } else {
        }
        %and3A_351 = arith.constant 1 : i32
        %and3A_352 = arith.andi %scan3A_325, %and3A_351 : i32
        %eq3A_353 = arith.constant 0 : i32
        %eq3A_354 = arith.cmpi eq, %and3A_352, %eq3A_353 : i32
        %convert_element_type3A_355 = arith.extui %eq3A_354 : i1 to i32
        %cond3A_356 = arith.constant 0 : i32
        %cond3A_357 = arith.cmpi ne, %convert_element_type3A_355, %cond3A_356 : i32
        %cond3A_358 = scf.if %cond3A_357 -> (i32) {
          %scan3A_368 = arith.constant 0 : i32
          %scan3A_369 = arith.constant 50 : i32
          %scan3A_370 = arith.addi %scan3A_368, %scan3A_369 : i32
          %scan3A_371 = arith.constant 1 : i32
          %scan3A_372 = scf.for %scan3A_374 = %scan3A_368 to %scan3A_370 step %scan3A_371 iter_args(%scan3A_375 = %scan3A_326) -> (i32)  : i32 {
            %mul3A_376 = arith.constant 16 : i32
            %mul3A_377 = arith.muli %scan3A_374, %mul3A_376 : i32
            %get3A = arith.index_cast %mul3A_377 : i32 to index
            %get3A_378 = tpu.vector_load %arg7[%get3A] {strides = array<i32>} : memref<800xi32, #tpu.memory_space<vmem>>, vector<16xi32>,
            %sub3A_379 = vector.broadcast %mul3A_39 : i32 to vector<16xi32>
            %sub3A_380 = arith.subi %get3A_378, %sub3A_379 : vector<16xi32>
            %ge3A_381 = arith.constant 0 : i32
            %ge3A_382 = vector.broadcast %ge3A_381 : i32 to vector<16xi32>
            %ge3A_383 = arith.cmpi sge, %sub3A_380, %ge3A_382 : vector<16xi32>
            %lt3A_384 = arith.constant 8192 : i32
            %lt3A_385 = vector.broadcast %lt3A_384 : i32 to vector<16xi32>
            %lt3A_386 = arith.cmpi slt, %sub3A_380, %lt3A_385 : vector<16xi32>
            %and3A_387 = arith.andi %ge3A_383, %lt3A_386 : vector<16xi1>
            %convert_element_type3A_388 = arith.extui %and3A_387 : vector<16xi1> to vector<16xi32>
            %broadcast_in_dim3A_389 = arith.constant true
            %broadcast_in_dim3A_390 = vector.broadcast %broadcast_in_dim3A_389 : i1 to vector<16xi1>
            %masked_cumsum3A = tpu.scan <sum>, %convert_element_type3A_388 masked %broadcast_in_dim3A_390 : vector<16xi32>, vector<16xi1> -> vector<16xi32>
            %sub3A_391 = arith.subi %masked_cumsum3A, %convert_element_type3A_388 : vector<16xi32>
            %add3A_392 = vector.broadcast %scan3A_375 : i32 to vector<16xi32>
            %add3A_393 = arith.addi %add3A_392, %sub3A_391 : vector<16xi32>
            %and3A_394 = arith.constant 2047 : i32
            %and3A_395 = vector.broadcast %and3A_394 : i32 to vector<16xi32>
            %and3A_396 = arith.andi %add3A_393, %and3A_395 : vector<16xi32>
            %shift_right_arithmetic3A_397 = arith.constant 7 : i32
            %shift_right_arithmetic3A_398 = vector.broadcast %shift_right_arithmetic3A_397 : i32 to vector<16xi32>
            %shift_right_arithmetic3A_399 = arith.shrsi %and3A_396, %shift_right_arithmetic3A_398 : vector<16xi32>
            %and3A_400 = arith.constant 127 : i32
            %and3A_401 = vector.broadcast %and3A_400 : i32 to vector<16xi32>
            %and3A_402 = arith.andi %and3A_396, %and3A_401 : vector<16xi32>
            %mul3A_403 = arith.constant 16 : i32
            %mul3A_404 = arith.muli %scan3A_374, %mul3A_403 : i32
            %get3A_405 = arith.index_cast %mul3A_404 : i32 to index
            %get3A_406 = tpu.vector_load %arg9[%get3A_405] {strides = array<i32>} : memref<800xi32, #tpu.memory_space<vmem>>, vector<16xi32>,
            tpu.vector_store_idx %arg11[%shift_right_arithmetic3A_399, %and3A_402], %get3A_406 masked %and3A_387 : memref<16x128xi32, #tpu.memory_space<vmem>>[vector<16xi32>, vector<16xi32>], vector<16xi32>, vector<16xi1>
            %shift_right_arithmetic3A_407 = arith.constant 7 : i32
            %shift_right_arithmetic3A_408 = vector.broadcast %shift_right_arithmetic3A_407 : i32 to vector<16xi32>
            %shift_right_arithmetic3A_409 = arith.shrsi %and3A_396, %shift_right_arithmetic3A_408 : vector<16xi32>
            %and3A_410 = arith.constant 127 : i32
            %and3A_411 = vector.broadcast %and3A_410 : i32 to vector<16xi32>
            %and3A_412 = arith.andi %and3A_396, %and3A_411 : vector<16xi32>
            tpu.vector_store_idx %arg12[%shift_right_arithmetic3A_409, %and3A_412], %sub3A_380 masked %and3A_387 : memref<16x128xi32, #tpu.memory_space<vmem>>[vector<16xi32>, vector<16xi32>], vector<16xi32>, vector<16xi1>
            %reduce_sum3A = arith.constant true
            %reduce_sum3A_413 = vector.broadcast %reduce_sum3A : i1 to vector<16xi1>
            %reduce_sum3A_414 = tpu.scan <sum>, %convert_element_type3A_388 masked %reduce_sum3A_413 : vector<16xi32>, vector<16xi1> -> vector<16xi32>
            %reduce_sum3A_415 = vector.extract %reduce_sum3A_414[15] : i32 from vector<16xi32>
            %add3A_416 = arith.addi %scan3A_375, %reduce_sum3A_415 : i32
            scf.yield %add3A_416 : i32
          }
          %scan3A_373 = arith.constant 50 : i32
          scf.yield %scan3A_372 : i32
        } else {
          %scan3A_368 = arith.constant 0 : i32
          %scan3A_369 = arith.constant 50 : i32
          %scan3A_370 = arith.addi %scan3A_368, %scan3A_369 : i32
          %scan3A_371 = arith.constant 1 : i32
          %scan3A_372 = scf.for %scan3A_374 = %scan3A_368 to %scan3A_370 step %scan3A_371 iter_args(%scan3A_375 = %scan3A_326) -> (i32)  : i32 {
            %mul3A_376 = arith.constant 16 : i32
            %mul3A_377 = arith.muli %scan3A_374, %mul3A_376 : i32
            %get3A = arith.index_cast %mul3A_377 : i32 to index
            %get3A_378 = tpu.vector_load %arg8[%get3A] {strides = array<i32>} : memref<800xi32, #tpu.memory_space<vmem>>, vector<16xi32>,
            %sub3A_379 = vector.broadcast %mul3A_39 : i32 to vector<16xi32>
            %sub3A_380 = arith.subi %get3A_378, %sub3A_379 : vector<16xi32>
            %ge3A_381 = arith.constant 0 : i32
            %ge3A_382 = vector.broadcast %ge3A_381 : i32 to vector<16xi32>
            %ge3A_383 = arith.cmpi sge, %sub3A_380, %ge3A_382 : vector<16xi32>
            %lt3A_384 = arith.constant 8192 : i32
            %lt3A_385 = vector.broadcast %lt3A_384 : i32 to vector<16xi32>
            %lt3A_386 = arith.cmpi slt, %sub3A_380, %lt3A_385 : vector<16xi32>
            %and3A_387 = arith.andi %ge3A_383, %lt3A_386 : vector<16xi1>
            %convert_element_type3A_388 = arith.extui %and3A_387 : vector<16xi1> to vector<16xi32>
            %broadcast_in_dim3A_389 = arith.constant true
            %broadcast_in_dim3A_390 = vector.broadcast %broadcast_in_dim3A_389 : i1 to vector<16xi1>
            %masked_cumsum3A = tpu.scan <sum>, %convert_element_type3A_388 masked %broadcast_in_dim3A_390 : vector<16xi32>, vector<16xi1> -> vector<16xi32>
            %sub3A_391 = arith.subi %masked_cumsum3A, %convert_element_type3A_388 : vector<16xi32>
            %add3A_392 = vector.broadcast %scan3A_375 : i32 to vector<16xi32>
            %add3A_393 = arith.addi %add3A_392, %sub3A_391 : vector<16xi32>
            %and3A_394 = arith.constant 2047 : i32
            %and3A_395 = vector.broadcast %and3A_394 : i32 to vector<16xi32>
            %and3A_396 = arith.andi %add3A_393, %and3A_395 : vector<16xi32>
            %shift_right_arithmetic3A_397 = arith.constant 7 : i32
            %shift_right_arithmetic3A_398 = vector.broadcast %shift_right_arithmetic3A_397 : i32 to vector<16xi32>
            %shift_right_arithmetic3A_399 = arith.shrsi %and3A_396, %shift_right_arithmetic3A_398 : vector<16xi32>
            %and3A_400 = arith.constant 127 : i32
            %and3A_401 = vector.broadcast %and3A_400 : i32 to vector<16xi32>
            %and3A_402 = arith.andi %and3A_396, %and3A_401 : vector<16xi32>
            %mul3A_403 = arith.constant 16 : i32
            %mul3A_404 = arith.muli %scan3A_374, %mul3A_403 : i32
            %get3A_405 = arith.index_cast %mul3A_404 : i32 to index
            %get3A_406 = tpu.vector_load %arg10[%get3A_405] {strides = array<i32>} : memref<800xi32, #tpu.memory_space<vmem>>, vector<16xi32>,
            tpu.vector_store_idx %arg11[%shift_right_arithmetic3A_399, %and3A_402], %get3A_406 masked %and3A_387 : memref<16x128xi32, #tpu.memory_space<vmem>>[vector<16xi32>, vector<16xi32>], vector<16xi32>, vector<16xi1>
            %shift_right_arithmetic3A_407 = arith.constant 7 : i32
            %shift_right_arithmetic3A_408 = vector.broadcast %shift_right_arithmetic3A_407 : i32 to vector<16xi32>
            %shift_right_arithmetic3A_409 = arith.shrsi %and3A_396, %shift_right_arithmetic3A_408 : vector<16xi32>
            %and3A_410 = arith.constant 127 : i32
            %and3A_411 = vector.broadcast %and3A_410 : i32 to vector<16xi32>
            %and3A_412 = arith.andi %and3A_396, %and3A_411 : vector<16xi32>
            tpu.vector_store_idx %arg12[%shift_right_arithmetic3A_409, %and3A_412], %sub3A_380 masked %and3A_387 : memref<16x128xi32, #tpu.memory_space<vmem>>[vector<16xi32>, vector<16xi32>], vector<16xi32>, vector<16xi1>
            %reduce_sum3A = arith.constant true
            %reduce_sum3A_413 = vector.broadcast %reduce_sum3A : i1 to vector<16xi1>
            %reduce_sum3A_414 = tpu.scan <sum>, %convert_element_type3A_388 masked %reduce_sum3A_413 : vector<16xi32>, vector<16xi1> -> vector<16xi32>
            %reduce_sum3A_415 = vector.extract %reduce_sum3A_414[15] : i32 from vector<16xi32>
            %add3A_416 = arith.addi %scan3A_375, %reduce_sum3A_415 : i32
            scf.yield %add3A_416 : i32
          }
          %scan3A_373 = arith.constant 50 : i32
          scf.yield %scan3A_372 : i32
        }
        %shift_right_arithmetic3A_359 = arith.constant 7 : i32
        %shift_right_arithmetic3A_360 = arith.shrsi %cond3A_358, %shift_right_arithmetic3A_359 : i32
        %sub3A_361 = arith.subi %shift_right_arithmetic3A_360, %scan3A_327 : i32
        %ge3A = arith.constant 8 : i32
        %ge3A_362 = arith.cmpi sge, %sub3A_361, %ge3A : i32
        %select_n3A_363 = arith.select %ge3A_362, %shift_right_arithmetic3A_360, %scan3A_327 : i32
        %gt3A_364 = arith.cmpi sgt, %select_n3A_363, %scan3A_327 : i32
        %convert_element_type3A_365 = arith.extui %gt3A_364 : i1 to i32
        %cond3A_366 = arith.constant 0 : i32
        %cond3A_367 = arith.cmpi ne, %convert_element_type3A_365, %cond3A_366 : i32
        scf.if %cond3A_367 {
          %and3A_368 = arith.constant 1 : i32
          %and3A_369 = arith.andi %scan3A_327, %and3A_368 : i32
          %eq3A_370 = arith.constant 0 : i32
          %eq3A_371 = arith.cmpi eq, %and3A_369, %eq3A_370 : i32
          %convert_element_type3A_372 = arith.extui %eq3A_371 : i1 to i32
          %cond3A_373 = arith.constant 0 : i32
          %cond3A_374 = arith.cmpi ne, %convert_element_type3A_372, %cond3A_373 : i32
          scf.if %cond3A_374 {
            %and3A_412 = arith.constant 15 : i32
            %and3A_413 = arith.andi %scan3A_327, %and3A_412 : i32
            %dma_start3A_414 = arith.constant 0 : i32
            %dma_start3A_415 = tpu.memref_slice %arg11[%and3A_413, %dma_start3A_414] : memref<16x128xi32, #tpu.memory_space<vmem>> -> memref<1x128xi32, #tpu.memory_space<vmem>>
            %dma_start3A_416 = tpu.memref_squeeze %dma_start3A_415 : memref<1x128xi32, #tpu.memory_space<vmem>> -> memref<128xi32, #tpu.memory_space<vmem>>
            %dma_start3A_417 = arith.constant 0 : i32
            %dma_start3A_418 = arith.constant 0 : i32
            %dma_start3A_419 = tpu.memref_slice %arg2[%dma_start3A_417, %dma_start3A_418] : memref<10000x128xf32, #tpu.memory_space<hbm>> -> memref<10000x128xf32, #tpu.memory_space<hbm>>
            tpu.enqueue_indirect_dma source(%dma_start3A_419 : memref<10000x128xf32, #tpu.memory_space<hbm>>) target(%arg13 : memref<128x128xf32, #tpu.memory_space<vmem>>) offsets(%dma_start3A_416 : memref<128xi32, #tpu.memory_space<vmem>>) semaphore(%arg15 : memref<!tpu.dma_semaphore, #tpu.memory_space<semaphore_mem>>)
          } else {
          }
          %and3A_375 = arith.constant 1 : i32
          %and3A_376 = arith.andi %scan3A_327, %and3A_375 : i32
          %eq3A_377 = arith.constant 1 : i32
          %eq3A_378 = arith.cmpi eq, %and3A_376, %eq3A_377 : i32
          %convert_element_type3A_379 = arith.extui %eq3A_378 : i1 to i32
          %cond3A_380 = arith.constant 0 : i32
          %cond3A_381 = arith.cmpi ne, %convert_element_type3A_379, %cond3A_380 : i32
          scf.if %cond3A_381 {
            %and3A_412 = arith.constant 15 : i32
            %and3A_413 = arith.andi %scan3A_327, %and3A_412 : i32
            %dma_start3A_414 = arith.constant 0 : i32
            %dma_start3A_415 = tpu.memref_slice %arg11[%and3A_413, %dma_start3A_414] : memref<16x128xi32, #tpu.memory_space<vmem>> -> memref<1x128xi32, #tpu.memory_space<vmem>>
            %dma_start3A_416 = tpu.memref_squeeze %dma_start3A_415 : memref<1x128xi32, #tpu.memory_space<vmem>> -> memref<128xi32, #tpu.memory_space<vmem>>
            %dma_start3A_417 = arith.constant 0 : i32
            %dma_start3A_418 = arith.constant 0 : i32
            %dma_start3A_419 = tpu.memref_slice %arg2[%dma_start3A_417, %dma_start3A_418] : memref<10000x128xf32, #tpu.memory_space<hbm>> -> memref<10000x128xf32, #tpu.memory_space<hbm>>
            tpu.enqueue_indirect_dma source(%dma_start3A_419 : memref<10000x128xf32, #tpu.memory_space<hbm>>) target(%arg14 : memref<128x128xf32, #tpu.memory_space<vmem>>) offsets(%dma_start3A_416 : memref<128xi32, #tpu.memory_space<vmem>>) semaphore(%arg16 : memref<!tpu.dma_semaphore, #tpu.memory_space<semaphore_mem>>)
          } else {
          }
          %while3A = arith.constant 0 : i32
          %while3A_382 = arith.subi %select_n3A_363, %scan3A_327 : i32
          %while3A_383 = arith.addi %scan3A_327, %while3A_382 : i32
          %while3A_384 = arith.constant 1 : i32
          %while3A_385 = arith.divsi %while3A_382, %while3A_384 : i32
          %while3A_386 = arith.muli %while3A_385, %while3A_384 : i32
          %while3A_387 = arith.addi %scan3A_327, %while3A_386 : i32
          %while3A_388 = arith.constant 1 : i32
          scf.for %while3A_412 = %scan3A_327 to %while3A_387 step %while3A_388  : i32 {
            %add3A_413 = arith.constant 1 : i32
            %add3A_414 = arith.addi %while3A_412, %add3A_413 : i32
            %lt3A_415 = arith.cmpi slt, %add3A_414, %select_n3A_363 : i32
            %convert_element_type3A_416 = arith.extui %lt3A_415 : i1 to i32
            %cond3A_417 = arith.constant 0 : i32
            %cond3A_418 = arith.cmpi ne, %convert_element_type3A_416, %cond3A_417 : i32
            scf.if %cond3A_418 {
              %gt3A_447 = arith.cmpi sgt, %while3A_412, %scan3A_327 : i32
              %convert_element_type3A_448 = arith.extui %gt3A_447 : i1 to i32
              %cond3A_449 = arith.constant 0 : i32
              %cond3A_450 = arith.cmpi ne, %convert_element_type3A_448, %cond3A_449 : i32
              scf.if %cond3A_450 {
                %sub3A_467 = arith.constant 1 : i32
                %sub3A_468 = arith.subi %while3A_412, %sub3A_467 : i32
                %and3A_469 = arith.constant 1 : i32
                %and3A_470 = arith.andi %sub3A_468, %and3A_469 : i32
                %eq3A_471 = arith.constant 0 : i32
                %eq3A_472 = arith.cmpi eq, %and3A_470, %eq3A_471 : i32
                %convert_element_type3A_473 = arith.extui %eq3A_472 : i1 to i32
                %cond3A_474 = arith.constant 0 : i32
                %cond3A_475 = arith.cmpi ne, %convert_element_type3A_473, %cond3A_474 : i32
                scf.if %cond3A_475 {
                  %and3A_483 = arith.constant 15 : i32
                  %and3A_484 = arith.andi %sub3A_468, %and3A_483 : i32
                  %dma_wait3A = arith.constant 0 : i32
                  %dma_wait3A_485 = tpu.memref_slice %arg12[%and3A_484, %dma_wait3A] : memref<16x128xi32, #tpu.memory_space<vmem>> -> memref<1x128xi32, #tpu.memory_space<vmem>>
                  %dma_wait3A_486 = tpu.memref_squeeze %dma_wait3A_485 : memref<1x128xi32, #tpu.memory_space<vmem>> -> memref<128xi32, #tpu.memory_space<vmem>>
                  %dma_wait3A_487 = arith.constant 0 : i32
                  %dma_wait3A_488 = arith.constant 0 : i32
                  %dma_wait3A_489 = tpu.memref_slice %arg6[%dma_wait3A_487, %dma_wait3A_488] : memref<8208x128xf32, #tpu.memory_space<vmem_shared>> -> memref<8208x128xf32, #tpu.memory_space<vmem_shared>>
                  tpu.wait_indirect_dma semaphore(%arg19 : memref<!tpu.dma_semaphore, #tpu.memory_space<semaphore_mem>>) src(%arg13 : memref<128x128xf32, #tpu.memory_space<vmem>>) dst(%dma_wait3A_489 : memref<8208x128xf32, #tpu.memory_space<vmem_shared>>)
                } else {
                }
                %and3A_476 = arith.constant 1 : i32
                %and3A_477 = arith.andi %sub3A_468, %and3A_476 : i32
                %eq3A_478 = arith.constant 1 : i32
                %eq3A_479 = arith.cmpi eq, %and3A_477, %eq3A_478 : i32
                %convert_element_type3A_480 = arith.extui %eq3A_479 : i1 to i32
                %cond3A_481 = arith.constant 0 : i32
                %cond3A_482 = arith.cmpi ne, %convert_element_type3A_480, %cond3A_481 : i32
                scf.if %cond3A_482 {
                  %and3A_483 = arith.constant 15 : i32
                  %and3A_484 = arith.andi %sub3A_468, %and3A_483 : i32
                  %dma_wait3A = arith.constant 0 : i32
                  %dma_wait3A_485 = tpu.memref_slice %arg12[%and3A_484, %dma_wait3A] : memref<16x128xi32, #tpu.memory_space<vmem>> -> memref<1x128xi32, #tpu.memory_space<vmem>>
                  %dma_wait3A_486 = tpu.memref_squeeze %dma_wait3A_485 : memref<1x128xi32, #tpu.memory_space<vmem>> -> memref<128xi32, #tpu.memory_space<vmem>>
                  %dma_wait3A_487 = arith.constant 0 : i32
                  %dma_wait3A_488 = arith.constant 0 : i32
                  %dma_wait3A_489 = tpu.memref_slice %arg6[%dma_wait3A_487, %dma_wait3A_488] : memref<8208x128xf32, #tpu.memory_space<vmem_shared>> -> memref<8208x128xf32, #tpu.memory_space<vmem_shared>>
                  tpu.wait_indirect_dma semaphore(%arg20 : memref<!tpu.dma_semaphore, #tpu.memory_space<semaphore_mem>>) src(%arg14 : memref<128x128xf32, #tpu.memory_space<vmem>>) dst(%dma_wait3A_489 : memref<8208x128xf32, #tpu.memory_space<vmem_shared>>)
                } else {
                }
              } else {
              }
              %add3A_451 = arith.constant 1 : i32
              %add3A_452 = arith.addi %while3A_412, %add3A_451 : i32
              %and3A_453 = arith.constant 1 : i32
              %and3A_454 = arith.andi %add3A_452, %and3A_453 : i32
              %eq3A_455 = arith.constant 0 : i32
              %eq3A_456 = arith.cmpi eq, %and3A_454, %eq3A_455 : i32
              %convert_element_type3A_457 = arith.extui %eq3A_456 : i1 to i32
              %cond3A_458 = arith.constant 0 : i32
              %cond3A_459 = arith.cmpi ne, %convert_element_type3A_457, %cond3A_458 : i32
              scf.if %cond3A_459 {
                %and3A_467 = arith.constant 15 : i32
                %and3A_468 = arith.andi %add3A_452, %and3A_467 : i32
                %dma_start3A_469 = arith.constant 0 : i32
                %dma_start3A_470 = tpu.memref_slice %arg11[%and3A_468, %dma_start3A_469] : memref<16x128xi32, #tpu.memory_space<vmem>> -> memref<1x128xi32, #tpu.memory_space<vmem>>
                %dma_start3A_471 = tpu.memref_squeeze %dma_start3A_470 : memref<1x128xi32, #tpu.memory_space<vmem>> -> memref<128xi32, #tpu.memory_space<vmem>>
                %dma_start3A_472 = arith.constant 0 : i32
                %dma_start3A_473 = arith.constant 0 : i32
                %dma_start3A_474 = tpu.memref_slice %arg2[%dma_start3A_472, %dma_start3A_473] : memref<10000x128xf32, #tpu.memory_space<hbm>> -> memref<10000x128xf32, #tpu.memory_space<hbm>>
                tpu.enqueue_indirect_dma source(%dma_start3A_474 : memref<10000x128xf32, #tpu.memory_space<hbm>>) target(%arg13 : memref<128x128xf32, #tpu.memory_space<vmem>>) offsets(%dma_start3A_471 : memref<128xi32, #tpu.memory_space<vmem>>) semaphore(%arg15 : memref<!tpu.dma_semaphore, #tpu.memory_space<semaphore_mem>>)
              } else {
              }
              %and3A_460 = arith.constant 1 : i32
              %and3A_461 = arith.andi %add3A_452, %and3A_460 : i32
              %eq3A_462 = arith.constant 1 : i32
              %eq3A_463 = arith.cmpi eq, %and3A_461, %eq3A_462 : i32
              %convert_element_type3A_464 = arith.extui %eq3A_463 : i1 to i32
              %cond3A_465 = arith.constant 0 : i32
              %cond3A_466 = arith.cmpi ne, %convert_element_type3A_464, %cond3A_465 : i32
              scf.if %cond3A_466 {
                %and3A_467 = arith.constant 15 : i32
                %and3A_468 = arith.andi %add3A_452, %and3A_467 : i32
                %dma_start3A_469 = arith.constant 0 : i32
                %dma_start3A_470 = tpu.memref_slice %arg11[%and3A_468, %dma_start3A_469] : memref<16x128xi32, #tpu.memory_space<vmem>> -> memref<1x128xi32, #tpu.memory_space<vmem>>
                %dma_start3A_471 = tpu.memref_squeeze %dma_start3A_470 : memref<1x128xi32, #tpu.memory_space<vmem>> -> memref<128xi32, #tpu.memory_space<vmem>>
                %dma_start3A_472 = arith.constant 0 : i32
                %dma_start3A_473 = arith.constant 0 : i32
                %dma_start3A_474 = tpu.memref_slice %arg2[%dma_start3A_472, %dma_start3A_473] : memref<10000x128xf32, #tpu.memory_space<hbm>> -> memref<10000x128xf32, #tpu.memory_space<hbm>>
                tpu.enqueue_indirect_dma source(%dma_start3A_474 : memref<10000x128xf32, #tpu.memory_space<hbm>>) target(%arg14 : memref<128x128xf32, #tpu.memory_space<vmem>>) offsets(%dma_start3A_471 : memref<128xi32, #tpu.memory_space<vmem>>) semaphore(%arg16 : memref<!tpu.dma_semaphore, #tpu.memory_space<semaphore_mem>>)
              } else {
              }
            } else {
            }
            %and3A_419 = arith.constant 1 : i32
            %and3A_420 = arith.andi %while3A_412, %and3A_419 : i32
            %eq3A_421 = arith.constant 0 : i32
            %eq3A_422 = arith.cmpi eq, %and3A_420, %eq3A_421 : i32
            %convert_element_type3A_423 = arith.extui %eq3A_422 : i1 to i32
            %cond3A_424 = arith.constant 0 : i32
            %cond3A_425 = arith.cmpi ne, %convert_element_type3A_423, %cond3A_424 : i32
            scf.if %cond3A_425 {
              %and3A_447 = arith.constant 15 : i32
              %and3A_448 = arith.andi %while3A_412, %and3A_447 : i32
              %dma_wait3A = arith.constant 0 : i32
              %dma_wait3A_449 = tpu.memref_slice %arg11[%and3A_448, %dma_wait3A] : memref<16x128xi32, #tpu.memory_space<vmem>> -> memref<1x128xi32, #tpu.memory_space<vmem>>
              %dma_wait3A_450 = tpu.memref_squeeze %dma_wait3A_449 : memref<1x128xi32, #tpu.memory_space<vmem>> -> memref<128xi32, #tpu.memory_space<vmem>>
              %dma_wait3A_451 = arith.constant 0 : i32
              %dma_wait3A_452 = arith.constant 0 : i32
              %dma_wait3A_453 = tpu.memref_slice %arg2[%dma_wait3A_451, %dma_wait3A_452] : memref<10000x128xf32, #tpu.memory_space<hbm>> -> memref<10000x128xf32, #tpu.memory_space<hbm>>
              tpu.wait_indirect_dma semaphore(%arg15 : memref<!tpu.dma_semaphore, #tpu.memory_space<semaphore_mem>>) src(%dma_wait3A_453 : memref<10000x128xf32, #tpu.memory_space<hbm>>) dst(%arg13 : memref<128x128xf32, #tpu.memory_space<vmem>>)
            } else {
            }
            %and3A_426 = arith.constant 1 : i32
            %and3A_427 = arith.andi %while3A_412, %and3A_426 : i32
            %eq3A_428 = arith.constant 1 : i32
            %eq3A_429 = arith.cmpi eq, %and3A_427, %eq3A_428 : i32
            %convert_element_type3A_430 = arith.extui %eq3A_429 : i1 to i32
            %cond3A_431 = arith.constant 0 : i32
            %cond3A_432 = arith.cmpi ne, %convert_element_type3A_430, %cond3A_431 : i32
            scf.if %cond3A_432 {
              %and3A_447 = arith.constant 15 : i32
              %and3A_448 = arith.andi %while3A_412, %and3A_447 : i32
              %dma_wait3A = arith.constant 0 : i32
              %dma_wait3A_449 = tpu.memref_slice %arg11[%and3A_448, %dma_wait3A] : memref<16x128xi32, #tpu.memory_space<vmem>> -> memref<1x128xi32, #tpu.memory_space<vmem>>
              %dma_wait3A_450 = tpu.memref_squeeze %dma_wait3A_449 : memref<1x128xi32, #tpu.memory_space<vmem>> -> memref<128xi32, #tpu.memory_space<vmem>>
              %dma_wait3A_451 = arith.constant 0 : i32
              %dma_wait3A_452 = arith.constant 0 : i32
              %dma_wait3A_453 = tpu.memref_slice %arg2[%dma_wait3A_451, %dma_wait3A_452] : memref<10000x128xf32, #tpu.memory_space<hbm>> -> memref<10000x128xf32, #tpu.memory_space<hbm>>
              tpu.wait_indirect_dma semaphore(%arg16 : memref<!tpu.dma_semaphore, #tpu.memory_space<semaphore_mem>>) src(%dma_wait3A_453 : memref<10000x128xf32, #tpu.memory_space<hbm>>) dst(%arg14 : memref<128x128xf32, #tpu.memory_space<vmem>>)
            } else {
            }
            %and3A_433 = arith.constant 1 : i32
            %and3A_434 = arith.andi %while3A_412, %and3A_433 : i32
            %eq3A_435 = arith.constant 0 : i32
            %eq3A_436 = arith.cmpi eq, %and3A_434, %eq3A_435 : i32
            %convert_element_type3A_437 = arith.extui %eq3A_436 : i1 to i32
            %cond3A_438 = arith.constant 0 : i32
            %cond3A_439 = arith.cmpi ne, %convert_element_type3A_437, %cond3A_438 : i32
            scf.if %cond3A_439 {
              %and3A_447 = arith.constant 15 : i32
              %and3A_448 = arith.andi %while3A_412, %and3A_447 : i32
              %dma_start3A_449 = arith.constant 0 : i32
              %dma_start3A_450 = tpu.memref_slice %arg12[%and3A_448, %dma_start3A_449] : memref<16x128xi32, #tpu.memory_space<vmem>> -> memref<1x128xi32, #tpu.memory_space<vmem>>
              %dma_start3A_451 = tpu.memref_squeeze %dma_start3A_450 : memref<1x128xi32, #tpu.memory_space<vmem>> -> memref<128xi32, #tpu.memory_space<vmem>>
              %dma_start3A_452 = arith.constant 0 : i32
              %dma_start3A_453 = arith.constant 0 : i32
              %dma_start3A_454 = tpu.memref_slice %arg6[%dma_start3A_452, %dma_start3A_453] : memref<8208x128xf32, #tpu.memory_space<vmem_shared>> -> memref<8208x128xf32, #tpu.memory_space<vmem_shared>>
              tpu.enqueue_indirect_dma source(%arg13 : memref<128x128xf32, #tpu.memory_space<vmem>>) target(%dma_start3A_454 : memref<8208x128xf32, #tpu.memory_space<vmem_shared>>) offsets(%dma_start3A_451 : memref<128xi32, #tpu.memory_space<vmem>>) semaphore(%arg19 : memref<!tpu.dma_semaphore, #tpu.memory_space<semaphore_mem>>) {add = true}
            } else {
            }
            %and3A_440 = arith.constant 1 : i32
            %and3A_441 = arith.andi %while3A_412, %and3A_440 : i32
            %eq3A_442 = arith.constant 1 : i32
            %eq3A_443 = arith.cmpi eq, %and3A_441, %eq3A_442 : i32
            %convert_element_type3A_444 = arith.extui %eq3A_443 : i1 to i32
            %cond3A_445 = arith.constant 0 : i32
            %cond3A_446 = arith.cmpi ne, %convert_element_type3A_444, %cond3A_445 : i32
            scf.if %cond3A_446 {
              %and3A_447 = arith.constant 15 : i32
              %and3A_448 = arith.andi %while3A_412, %and3A_447 : i32
              %dma_start3A_449 = arith.constant 0 : i32
              %dma_start3A_450 = tpu.memref_slice %arg12[%and3A_448, %dma_start3A_449] : memref<16x128xi32, #tpu.memory_space<vmem>> -> memref<1x128xi32, #tpu.memory_space<vmem>>
              %dma_start3A_451 = tpu.memref_squeeze %dma_start3A_450 : memref<1x128xi32, #tpu.memory_space<vmem>> -> memref<128xi32, #tpu.memory_space<vmem>>
              %dma_start3A_452 = arith.constant 0 : i32
              %dma_start3A_453 = arith.constant 0 : i32
              %dma_start3A_454 = tpu.memref_slice %arg6[%dma_start3A_452, %dma_start3A_453] : memref<8208x128xf32, #tpu.memory_space<vmem_shared>> -> memref<8208x128xf32, #tpu.memory_space<vmem_shared>>
              tpu.enqueue_indirect_dma source(%arg14 : memref<128x128xf32, #tpu.memory_space<vmem>>) target(%dma_start3A_454 : memref<8208x128xf32, #tpu.memory_space<vmem_shared>>) offsets(%dma_start3A_451 : memref<128xi32, #tpu.memory_space<vmem>>) semaphore(%arg20 : memref<!tpu.dma_semaphore, #tpu.memory_space<semaphore_mem>>) {add = true}
            } else {
            }
          }
          %while3A_389 = arith.constant 1 : i32
          scf.for %while3A_412 = %while3A_387 to %while3A_383 step %while3A_389  : i32 {
            %add3A_413 = arith.constant 1 : i32
            %add3A_414 = arith.addi %while3A_412, %add3A_413 : i32
            %lt3A_415 = arith.cmpi slt, %add3A_414, %select_n3A_363 : i32
            %convert_element_type3A_416 = arith.extui %lt3A_415 : i1 to i32
            %cond3A_417 = arith.constant 0 : i32
            %cond3A_418 = arith.cmpi ne, %convert_element_type3A_416, %cond3A_417 : i32
            scf.if %cond3A_418 {
              %gt3A_447 = arith.cmpi sgt, %while3A_412, %scan3A_327 : i32
              %convert_element_type3A_448 = arith.extui %gt3A_447 : i1 to i32
              %cond3A_449 = arith.constant 0 : i32
              %cond3A_450 = arith.cmpi ne, %convert_element_type3A_448, %cond3A_449 : i32
              scf.if %cond3A_450 {
                %sub3A_467 = arith.constant 1 : i32
                %sub3A_468 = arith.subi %while3A_412, %sub3A_467 : i32
                %and3A_469 = arith.constant 1 : i32
                %and3A_470 = arith.andi %sub3A_468, %and3A_469 : i32
                %eq3A_471 = arith.constant 0 : i32
                %eq3A_472 = arith.cmpi eq, %and3A_470, %eq3A_471 : i32
                %convert_element_type3A_473 = arith.extui %eq3A_472 : i1 to i32
                %cond3A_474 = arith.constant 0 : i32
                %cond3A_475 = arith.cmpi ne, %convert_element_type3A_473, %cond3A_474 : i32
                scf.if %cond3A_475 {
                  %and3A_483 = arith.constant 15 : i32
                  %and3A_484 = arith.andi %sub3A_468, %and3A_483 : i32
                  %dma_wait3A = arith.constant 0 : i32
                  %dma_wait3A_485 = tpu.memref_slice %arg12[%and3A_484, %dma_wait3A] : memref<16x128xi32, #tpu.memory_space<vmem>> -> memref<1x128xi32, #tpu.memory_space<vmem>>
                  %dma_wait3A_486 = tpu.memref_squeeze %dma_wait3A_485 : memref<1x128xi32, #tpu.memory_space<vmem>> -> memref<128xi32, #tpu.memory_space<vmem>>
                  %dma_wait3A_487 = arith.constant 0 : i32
                  %dma_wait3A_488 = arith.constant 0 : i32
                  %dma_wait3A_489 = tpu.memref_slice %arg6[%dma_wait3A_487, %dma_wait3A_488] : memref<8208x128xf32, #tpu.memory_space<vmem_shared>> -> memref<8208x128xf32, #tpu.memory_space<vmem_shared>>
                  tpu.wait_indirect_dma semaphore(%arg19 : memref<!tpu.dma_semaphore, #tpu.memory_space<semaphore_mem>>) src(%arg13 : memref<128x128xf32, #tpu.memory_space<vmem>>) dst(%dma_wait3A_489 : memref<8208x128xf32, #tpu.memory_space<vmem_shared>>)
                } else {
                }
                %and3A_476 = arith.constant 1 : i32
                %and3A_477 = arith.andi %sub3A_468, %and3A_476 : i32
                %eq3A_478 = arith.constant 1 : i32
                %eq3A_479 = arith.cmpi eq, %and3A_477, %eq3A_478 : i32
                %convert_element_type3A_480 = arith.extui %eq3A_479 : i1 to i32
                %cond3A_481 = arith.constant 0 : i32
                %cond3A_482 = arith.cmpi ne, %convert_element_type3A_480, %cond3A_481 : i32
                scf.if %cond3A_482 {
                  %and3A_483 = arith.constant 15 : i32
                  %and3A_484 = arith.andi %sub3A_468, %and3A_483 : i32
                  %dma_wait3A = arith.constant 0 : i32
                  %dma_wait3A_485 = tpu.memref_slice %arg12[%and3A_484, %dma_wait3A] : memref<16x128xi32, #tpu.memory_space<vmem>> -> memref<1x128xi32, #tpu.memory_space<vmem>>
                  %dma_wait3A_486 = tpu.memref_squeeze %dma_wait3A_485 : memref<1x128xi32, #tpu.memory_space<vmem>> -> memref<128xi32, #tpu.memory_space<vmem>>
                  %dma_wait3A_487 = arith.constant 0 : i32
                  %dma_wait3A_488 = arith.constant 0 : i32
                  %dma_wait3A_489 = tpu.memref_slice %arg6[%dma_wait3A_487, %dma_wait3A_488] : memref<8208x128xf32, #tpu.memory_space<vmem_shared>> -> memref<8208x128xf32, #tpu.memory_space<vmem_shared>>
                  tpu.wait_indirect_dma semaphore(%arg20 : memref<!tpu.dma_semaphore, #tpu.memory_space<semaphore_mem>>) src(%arg14 : memref<128x128xf32, #tpu.memory_space<vmem>>) dst(%dma_wait3A_489 : memref<8208x128xf32, #tpu.memory_space<vmem_shared>>)
                } else {
                }
              } else {
              }
              %add3A_451 = arith.constant 1 : i32
              %add3A_452 = arith.addi %while3A_412, %add3A_451 : i32
              %and3A_453 = arith.constant 1 : i32
              %and3A_454 = arith.andi %add3A_452, %and3A_453 : i32
              %eq3A_455 = arith.constant 0 : i32
              %eq3A_456 = arith.cmpi eq, %and3A_454, %eq3A_455 : i32
              %convert_element_type3A_457 = arith.extui %eq3A_456 : i1 to i32
              %cond3A_458 = arith.constant 0 : i32
              %cond3A_459 = arith.cmpi ne, %convert_element_type3A_457, %cond3A_458 : i32
              scf.if %cond3A_459 {
                %and3A_467 = arith.constant 15 : i32
                %and3A_468 = arith.andi %add3A_452, %and3A_467 : i32
                %dma_start3A_469 = arith.constant 0 : i32
                %dma_start3A_470 = tpu.memref_slice %arg11[%and3A_468, %dma_start3A_469] : memref<16x128xi32, #tpu.memory_space<vmem>> -> memref<1x128xi32, #tpu.memory_space<vmem>>
                %dma_start3A_471 = tpu.memref_squeeze %dma_start3A_470 : memref<1x128xi32, #tpu.memory_space<vmem>> -> memref<128xi32, #tpu.memory_space<vmem>>
                %dma_start3A_472 = arith.constant 0 : i32
                %dma_start3A_473 = arith.constant 0 : i32
                %dma_start3A_474 = tpu.memref_slice %arg2[%dma_start3A_472, %dma_start3A_473] : memref<10000x128xf32, #tpu.memory_space<hbm>> -> memref<10000x128xf32, #tpu.memory_space<hbm>>
                tpu.enqueue_indirect_dma source(%dma_start3A_474 : memref<10000x128xf32, #tpu.memory_space<hbm>>) target(%arg13 : memref<128x128xf32, #tpu.memory_space<vmem>>) offsets(%dma_start3A_471 : memref<128xi32, #tpu.memory_space<vmem>>) semaphore(%arg15 : memref<!tpu.dma_semaphore, #tpu.memory_space<semaphore_mem>>)
              } else {
              }
              %and3A_460 = arith.constant 1 : i32
              %and3A_461 = arith.andi %add3A_452, %and3A_460 : i32
              %eq3A_462 = arith.constant 1 : i32
              %eq3A_463 = arith.cmpi eq, %and3A_461, %eq3A_462 : i32
              %convert_element_type3A_464 = arith.extui %eq3A_463 : i1 to i32
              %cond3A_465 = arith.constant 0 : i32
              %cond3A_466 = arith.cmpi ne, %convert_element_type3A_464, %cond3A_465 : i32
              scf.if %cond3A_466 {
                %and3A_467 = arith.constant 15 : i32
                %and3A_468 = arith.andi %add3A_452, %and3A_467 : i32
                %dma_start3A_469 = arith.constant 0 : i32
                %dma_start3A_470 = tpu.memref_slice %arg11[%and3A_468, %dma_start3A_469] : memref<16x128xi32, #tpu.memory_space<vmem>> -> memref<1x128xi32, #tpu.memory_space<vmem>>
                %dma_start3A_471 = tpu.memref_squeeze %dma_start3A_470 : memref<1x128xi32, #tpu.memory_space<vmem>> -> memref<128xi32, #tpu.memory_space<vmem>>
                %dma_start3A_472 = arith.constant 0 : i32
                %dma_start3A_473 = arith.constant 0 : i32
                %dma_start3A_474 = tpu.memref_slice %arg2[%dma_start3A_472, %dma_start3A_473] : memref<10000x128xf32, #tpu.memory_space<hbm>> -> memref<10000x128xf32, #tpu.memory_space<hbm>>
                tpu.enqueue_indirect_dma source(%dma_start3A_474 : memref<10000x128xf32, #tpu.memory_space<hbm>>) target(%arg14 : memref<128x128xf32, #tpu.memory_space<vmem>>) offsets(%dma_start3A_471 : memref<128xi32, #tpu.memory_space<vmem>>) semaphore(%arg16 : memref<!tpu.dma_semaphore, #tpu.memory_space<semaphore_mem>>)
              } else {
              }
            } else {
            }
            %and3A_419 = arith.constant 1 : i32
            %and3A_420 = arith.andi %while3A_412, %and3A_419 : i32
            %eq3A_421 = arith.constant 0 : i32
            %eq3A_422 = arith.cmpi eq, %and3A_420, %eq3A_421 : i32
            %convert_element_type3A_423 = arith.extui %eq3A_422 : i1 to i32
            %cond3A_424 = arith.constant 0 : i32
            %cond3A_425 = arith.cmpi ne, %convert_element_type3A_423, %cond3A_424 : i32
            scf.if %cond3A_425 {
              %and3A_447 = arith.constant 15 : i32
              %and3A_448 = arith.andi %while3A_412, %and3A_447 : i32
              %dma_wait3A = arith.constant 0 : i32
              %dma_wait3A_449 = tpu.memref_slice %arg11[%and3A_448, %dma_wait3A] : memref<16x128xi32, #tpu.memory_space<vmem>> -> memref<1x128xi32, #tpu.memory_space<vmem>>
              %dma_wait3A_450 = tpu.memref_squeeze %dma_wait3A_449 : memref<1x128xi32, #tpu.memory_space<vmem>> -> memref<128xi32, #tpu.memory_space<vmem>>
              %dma_wait3A_451 = arith.constant 0 : i32
              %dma_wait3A_452 = arith.constant 0 : i32
              %dma_wait3A_453 = tpu.memref_slice %arg2[%dma_wait3A_451, %dma_wait3A_452] : memref<10000x128xf32, #tpu.memory_space<hbm>> -> memref<10000x128xf32, #tpu.memory_space<hbm>>
              tpu.wait_indirect_dma semaphore(%arg15 : memref<!tpu.dma_semaphore, #tpu.memory_space<semaphore_mem>>) src(%dma_wait3A_453 : memref<10000x128xf32, #tpu.memory_space<hbm>>) dst(%arg13 : memref<128x128xf32, #tpu.memory_space<vmem>>)
            } else {
            }
            %and3A_426 = arith.constant 1 : i32
            %and3A_427 = arith.andi %while3A_412, %and3A_426 : i32
            %eq3A_428 = arith.constant 1 : i32
            %eq3A_429 = arith.cmpi eq, %and3A_427, %eq3A_428 : i32
            %convert_element_type3A_430 = arith.extui %eq3A_429 : i1 to i32
            %cond3A_431 = arith.constant 0 : i32
            %cond3A_432 = arith.cmpi ne, %convert_element_type3A_430, %cond3A_431 : i32
            scf.if %cond3A_432 {
              %and3A_447 = arith.constant 15 : i32
              %and3A_448 = arith.andi %while3A_412, %and3A_447 : i32
              %dma_wait3A = arith.constant 0 : i32
              %dma_wait3A_449 = tpu.memref_slice %arg11[%and3A_448, %dma_wait3A] : memref<16x128xi32, #tpu.memory_space<vmem>> -> memref<1x128xi32, #tpu.memory_space<vmem>>
              %dma_wait3A_450 = tpu.memref_squeeze %dma_wait3A_449 : memref<1x128xi32, #tpu.memory_space<vmem>> -> memref<128xi32, #tpu.memory_space<vmem>>
              %dma_wait3A_451 = arith.constant 0 : i32
              %dma_wait3A_452 = arith.constant 0 : i32
              %dma_wait3A_453 = tpu.memref_slice %arg2[%dma_wait3A_451, %dma_wait3A_452] : memref<10000x128xf32, #tpu.memory_space<hbm>> -> memref<10000x128xf32, #tpu.memory_space<hbm>>
              tpu.wait_indirect_dma semaphore(%arg16 : memref<!tpu.dma_semaphore, #tpu.memory_space<semaphore_mem>>) src(%dma_wait3A_453 : memref<10000x128xf32, #tpu.memory_space<hbm>>) dst(%arg14 : memref<128x128xf32, #tpu.memory_space<vmem>>)
            } else {
            }
            %and3A_433 = arith.constant 1 : i32
            %and3A_434 = arith.andi %while3A_412, %and3A_433 : i32
            %eq3A_435 = arith.constant 0 : i32
            %eq3A_436 = arith.cmpi eq, %and3A_434, %eq3A_435 : i32
            %convert_element_type3A_437 = arith.extui %eq3A_436 : i1 to i32
            %cond3A_438 = arith.constant 0 : i32
            %cond3A_439 = arith.cmpi ne, %convert_element_type3A_437, %cond3A_438 : i32
            scf.if %cond3A_439 {
              %and3A_447 = arith.constant 15 : i32
              %and3A_448 = arith.andi %while3A_412, %and3A_447 : i32
              %dma_start3A_449 = arith.constant 0 : i32
              %dma_start3A_450 = tpu.memref_slice %arg12[%and3A_448, %dma_start3A_449] : memref<16x128xi32, #tpu.memory_space<vmem>> -> memref<1x128xi32, #tpu.memory_space<vmem>>
              %dma_start3A_451 = tpu.memref_squeeze %dma_start3A_450 : memref<1x128xi32, #tpu.memory_space<vmem>> -> memref<128xi32, #tpu.memory_space<vmem>>
              %dma_start3A_452 = arith.constant 0 : i32
              %dma_start3A_453 = arith.constant 0 : i32
              %dma_start3A_454 = tpu.memref_slice %arg6[%dma_start3A_452, %dma_start3A_453] : memref<8208x128xf32, #tpu.memory_space<vmem_shared>> -> memref<8208x128xf32, #tpu.memory_space<vmem_shared>>
              tpu.enqueue_indirect_dma source(%arg13 : memref<128x128xf32, #tpu.memory_space<vmem>>) target(%dma_start3A_454 : memref<8208x128xf32, #tpu.memory_space<vmem_shared>>) offsets(%dma_start3A_451 : memref<128xi32, #tpu.memory_space<vmem>>) semaphore(%arg19 : memref<!tpu.dma_semaphore, #tpu.memory_space<semaphore_mem>>) {add = true}
            } else {
            }
            %and3A_440 = arith.constant 1 : i32
            %and3A_441 = arith.andi %while3A_412, %and3A_440 : i32
            %eq3A_442 = arith.constant 1 : i32
            %eq3A_443 = arith.cmpi eq, %and3A_441, %eq3A_442 : i32
            %convert_element_type3A_444 = arith.extui %eq3A_443 : i1 to i32
            %cond3A_445 = arith.constant 0 : i32
            %cond3A_446 = arith.cmpi ne, %convert_element_type3A_444, %cond3A_445 : i32
            scf.if %cond3A_446 {
              %and3A_447 = arith.constant 15 : i32
              %and3A_448 = arith.andi %while3A_412, %and3A_447 : i32
              %dma_start3A_449 = arith.constant 0 : i32
              %dma_start3A_450 = tpu.memref_slice %arg12[%and3A_448, %dma_start3A_449] : memref<16x128xi32, #tpu.memory_space<vmem>> -> memref<1x128xi32, #tpu.memory_space<vmem>>
              %dma_start3A_451 = tpu.memref_squeeze %dma_start3A_450 : memref<1x128xi32, #tpu.memory_space<vmem>> -> memref<128xi32, #tpu.memory_space<vmem>>
              %dma_start3A_452 = arith.constant 0 : i32
              %dma_start3A_453 = arith.constant 0 : i32
              %dma_start3A_454 = tpu.memref_slice %arg6[%dma_start3A_452, %dma_start3A_453] : memref<8208x128xf32, #tpu.memory_space<vmem_shared>> -> memref<8208x128xf32, #tpu.memory_space<vmem_shared>>
              tpu.enqueue_indirect_dma source(%arg14 : memref<128x128xf32, #tpu.memory_space<vmem>>) target(%dma_start3A_454 : memref<8208x128xf32, #tpu.memory_space<vmem_shared>>) offsets(%dma_start3A_451 : memref<128xi32, #tpu.memory_space<vmem>>) semaphore(%arg20 : memref<!tpu.dma_semaphore, #tpu.memory_space<semaphore_mem>>) {add = true}
            } else {
            }
          }
          %sub3A_390 = arith.constant 1 : i32
          %sub3A_391 = arith.subi %select_n3A_363, %sub3A_390 : i32
          %and3A_392 = arith.constant 1 : i32
          %and3A_393 = arith.andi %sub3A_391, %and3A_392 : i32
          %eq3A_394 = arith.constant 0 : i32
          %eq3A_395 = arith.cmpi eq, %and3A_393, %eq3A_394 : i32
          %convert_element_type3A_396 = arith.extui %eq3A_395 : i1 to i32
          %cond3A_397 = arith.constant 0 : i32
          %cond3A_398 = arith.cmpi ne, %convert_element_type3A_396, %cond3A_397 : i32
          scf.if %cond3A_398 {
            %and3A_412 = arith.constant 15 : i32
            %and3A_413 = arith.andi %sub3A_391, %and3A_412 : i32
            %dma_wait3A = arith.constant 0 : i32
            %dma_wait3A_414 = tpu.memref_slice %arg12[%and3A_413, %dma_wait3A] : memref<16x128xi32, #tpu.memory_space<vmem>> -> memref<1x128xi32, #tpu.memory_space<vmem>>
            %dma_wait3A_415 = tpu.memref_squeeze %dma_wait3A_414 : memref<1x128xi32, #tpu.memory_space<vmem>> -> memref<128xi32, #tpu.memory_space<vmem>>
            %dma_wait3A_416 = arith.constant 0 : i32
            %dma_wait3A_417 = arith.constant 0 : i32
            %dma_wait3A_418 = tpu.memref_slice %arg6[%dma_wait3A_416, %dma_wait3A_417] : memref<8208x128xf32, #tpu.memory_space<vmem_shared>> -> memref<8208x128xf32, #tpu.memory_space<vmem_shared>>
            tpu.wait_indirect_dma semaphore(%arg19 : memref<!tpu.dma_semaphore, #tpu.memory_space<semaphore_mem>>) src(%arg13 : memref<128x128xf32, #tpu.memory_space<vmem>>) dst(%dma_wait3A_418 : memref<8208x128xf32, #tpu.memory_space<vmem_shared>>)
          } else {
          }
          %and3A_399 = arith.constant 1 : i32
          %and3A_400 = arith.andi %sub3A_391, %and3A_399 : i32
          %eq3A_401 = arith.constant 1 : i32
          %eq3A_402 = arith.cmpi eq, %and3A_400, %eq3A_401 : i32
          %convert_element_type3A_403 = arith.extui %eq3A_402 : i1 to i32
          %cond3A_404 = arith.constant 0 : i32
          %cond3A_405 = arith.cmpi ne, %convert_element_type3A_403, %cond3A_404 : i32
          scf.if %cond3A_405 {
            %and3A_412 = arith.constant 15 : i32
            %and3A_413 = arith.andi %sub3A_391, %and3A_412 : i32
            %dma_wait3A = arith.constant 0 : i32
            %dma_wait3A_414 = tpu.memref_slice %arg12[%and3A_413, %dma_wait3A] : memref<16x128xi32, #tpu.memory_space<vmem>> -> memref<1x128xi32, #tpu.memory_space<vmem>>
            %dma_wait3A_415 = tpu.memref_squeeze %dma_wait3A_414 : memref<1x128xi32, #tpu.memory_space<vmem>> -> memref<128xi32, #tpu.memory_space<vmem>>
            %dma_wait3A_416 = arith.constant 0 : i32
            %dma_wait3A_417 = arith.constant 0 : i32
            %dma_wait3A_418 = tpu.memref_slice %arg6[%dma_wait3A_416, %dma_wait3A_417] : memref<8208x128xf32, #tpu.memory_space<vmem_shared>> -> memref<8208x128xf32, #tpu.memory_space<vmem_shared>>
            tpu.wait_indirect_dma semaphore(%arg20 : memref<!tpu.dma_semaphore, #tpu.memory_space<semaphore_mem>>) src(%arg14 : memref<128x128xf32, #tpu.memory_space<vmem>>) dst(%dma_wait3A_418 : memref<8208x128xf32, #tpu.memory_space<vmem_shared>>)
          } else {
          }
          %sub3A_406 = arith.constant 1 : i32
          %sub3A_407 = arith.subi %select_n3A_363, %sub3A_406 : i32
          %gt3A_408 = arith.cmpi sgt, %sub3A_407, %scan3A_327 : i32
          %convert_element_type3A_409 = arith.extui %gt3A_408 : i1 to i32
          %cond3A_410 = arith.constant 0 : i32
          %cond3A_411 = arith.cmpi ne, %convert_element_type3A_409, %cond3A_410 : i32
          scf.if %cond3A_411 {
            %sub3A_412 = arith.constant 2 : i32
            %sub3A_413 = arith.subi %select_n3A_363, %sub3A_412 : i32
            %and3A_414 = arith.constant 1 : i32
            %and3A_415 = arith.andi %sub3A_413, %and3A_414 : i32
            %eq3A_416 = arith.constant 0 : i32
            %eq3A_417 = arith.cmpi eq, %and3A_415, %eq3A_416 : i32
            %convert_element_type3A_418 = arith.extui %eq3A_417 : i1 to i32
            %cond3A_419 = arith.constant 0 : i32
            %cond3A_420 = arith.cmpi ne, %convert_element_type3A_418, %cond3A_419 : i32
            scf.if %cond3A_420 {
              %and3A_428 = arith.constant 15 : i32
              %and3A_429 = arith.andi %sub3A_413, %and3A_428 : i32
              %dma_wait3A = arith.constant 0 : i32
              %dma_wait3A_430 = tpu.memref_slice %arg12[%and3A_429, %dma_wait3A] : memref<16x128xi32, #tpu.memory_space<vmem>> -> memref<1x128xi32, #tpu.memory_space<vmem>>
              %dma_wait3A_431 = tpu.memref_squeeze %dma_wait3A_430 : memref<1x128xi32, #tpu.memory_space<vmem>> -> memref<128xi32, #tpu.memory_space<vmem>>
              %dma_wait3A_432 = arith.constant 0 : i32
              %dma_wait3A_433 = arith.constant 0 : i32
              %dma_wait3A_434 = tpu.memref_slice %arg6[%dma_wait3A_432, %dma_wait3A_433] : memref<8208x128xf32, #tpu.memory_space<vmem_shared>> -> memref<8208x128xf32, #tpu.memory_space<vmem_shared>>
              tpu.wait_indirect_dma semaphore(%arg19 : memref<!tpu.dma_semaphore, #tpu.memory_space<semaphore_mem>>) src(%arg13 : memref<128x128xf32, #tpu.memory_space<vmem>>) dst(%dma_wait3A_434 : memref<8208x128xf32, #tpu.memory_space<vmem_shared>>)
            } else {
            }
            %and3A_421 = arith.constant 1 : i32
            %and3A_422 = arith.andi %sub3A_413, %and3A_421 : i32
            %eq3A_423 = arith.constant 1 : i32
            %eq3A_424 = arith.cmpi eq, %and3A_422, %eq3A_423 : i32
            %convert_element_type3A_425 = arith.extui %eq3A_424 : i1 to i32
            %cond3A_426 = arith.constant 0 : i32
            %cond3A_427 = arith.cmpi ne, %convert_element_type3A_425, %cond3A_426 : i32
            scf.if %cond3A_427 {
              %and3A_428 = arith.constant 15 : i32
              %and3A_429 = arith.andi %sub3A_413, %and3A_428 : i32
              %dma_wait3A = arith.constant 0 : i32
              %dma_wait3A_430 = tpu.memref_slice %arg12[%and3A_429, %dma_wait3A] : memref<16x128xi32, #tpu.memory_space<vmem>> -> memref<1x128xi32, #tpu.memory_space<vmem>>
              %dma_wait3A_431 = tpu.memref_squeeze %dma_wait3A_430 : memref<1x128xi32, #tpu.memory_space<vmem>> -> memref<128xi32, #tpu.memory_space<vmem>>
              %dma_wait3A_432 = arith.constant 0 : i32
              %dma_wait3A_433 = arith.constant 0 : i32
              %dma_wait3A_434 = tpu.memref_slice %arg6[%dma_wait3A_432, %dma_wait3A_433] : memref<8208x128xf32, #tpu.memory_space<vmem_shared>> -> memref<8208x128xf32, #tpu.memory_space<vmem_shared>>
              tpu.wait_indirect_dma semaphore(%arg20 : memref<!tpu.dma_semaphore, #tpu.memory_space<semaphore_mem>>) src(%arg14 : memref<128x128xf32, #tpu.memory_space<vmem>>) dst(%dma_wait3A_434 : memref<8208x128xf32, #tpu.memory_space<vmem_shared>>)
            } else {
            }
          } else {
          }
        } else {
        }
        scf.yield %cond3A_358, %select_n3A_363 : i32, i32
      }
      %scan3A_52 = arith.constant 25 : i32
      %add3A_53 = arith.constant 127 : i32
      %add3A_54 = arith.addi %scan3A_51#0, %add3A_53 : i32
      %jit3A = arith.constant 128 : i32
      %div3A = arith.divsi %add3A_54, %jit3A : i32
      %sign3A = arith.constant 0 : i32
      %sign3A_55 = arith.cmpi sgt, %add3A_54, %sign3A : i32
      %sign3A_56 = arith.extui %sign3A_55 : i1 to i32
      %sign3A_57 = arith.constant 0 : i32
      %sign3A_58 = arith.cmpi slt, %add3A_54, %sign3A_57 : i32
      %sign3A_59 = arith.extui %sign3A_58 : i1 to i32
      %sign3A_60 = arith.subi %sign3A_56, %sign3A_59 : i32
      %sign3A_61 = arith.constant 0 : i32
      %sign3A_62 = arith.cmpi sgt, %jit3A, %sign3A_61 : i32
      %sign3A_63 = arith.extui %sign3A_62 : i1 to i32
      %sign3A_64 = arith.constant 0 : i32
      %sign3A_65 = arith.cmpi slt, %jit3A, %sign3A_64 : i32
      %sign3A_66 = arith.extui %sign3A_65 : i1 to i32
      %sign3A_67 = arith.subi %sign3A_63, %sign3A_66 : i32
      %ne3A = arith.cmpi ne, %sign3A_60, %sign3A_67 : i32
      %rem3A = arith.remsi %add3A_54, %jit3A : i32
      %ne3A_68 = arith.constant 0 : i32
      %ne3A_69 = arith.cmpi ne, %rem3A, %ne3A_68 : i32
      %and3A = arith.andi %ne3A, %ne3A_69 : i1
      %sub3A = arith.constant 1 : i32
      %sub3A_70 = arith.subi %div3A, %sub3A : i32
      %select_n3A = arith.select %and3A, %sub3A_70, %div3A : i32
      %mul3A_71 = arith.constant 128 : i32
      %mul3A_72 = arith.muli %select_n3A, %mul3A_71 : i32
      %sub3A_73 = arith.subi %mul3A_72, %scan3A_51#0 : i32
      %add3A_74 = arith.constant 0 : i32
      %add3A_75 = arith.addi %scan3A_51#0, %add3A_74 : i32
      %add3A_76 = vector.broadcast %add3A_75 : i32 to vector<16xi32>
      %add3A_77 = arith.addi %add3A_76, %iota3A : vector<16xi32>
      %and3A_78 = arith.constant 2047 : i32
      %and3A_79 = vector.broadcast %and3A_78 : i32 to vector<16xi32>
      %and3A_80 = arith.andi %add3A_77, %and3A_79 : vector<16xi32>
      %add3A_81 = arith.constant 0 : i32
      %add3A_82 = vector.broadcast %add3A_81 : i32 to vector<16xi32>
      %add3A_83 = arith.addi %add3A_82, %iota3A : vector<16xi32>
      %lt3A = vector.broadcast %sub3A_73 : i32 to vector<16xi32>
      %lt3A_84 = arith.cmpi slt, %add3A_83, %lt3A : vector<16xi32>
      %shift_right_arithmetic3A = arith.constant 7 : i32
      %shift_right_arithmetic3A_85 = vector.broadcast %shift_right_arithmetic3A : i32 to vector<16xi32>
      %shift_right_arithmetic3A_86 = arith.shrsi %and3A_80, %shift_right_arithmetic3A_85 : vector<16xi32>
      %and3A_87 = arith.constant 127 : i32
      %and3A_88 = vector.broadcast %and3A_87 : i32 to vector<16xi32>
      %and3A_89 = arith.andi %and3A_80, %and3A_88 : vector<16xi32>
      %mul3A_90 = arith.constant 16 : i32
      %mul3A_91 = arith.muli %arg1, %mul3A_90 : i32
      %add3A_92 = vector.broadcast %mul3A_91 : i32 to vector<16xi32>
      %add3A_93 = arith.addi %add3A_92, %iota3A : vector<16xi32>
      tpu.vector_store_idx %arg11[%shift_right_arithmetic3A_86, %and3A_89], %add3A_93 masked %lt3A_84 : memref<16x128xi32, #tpu.memory_space<vmem>>[vector<16xi32>, vector<16xi32>], vector<16xi32>, vector<16xi1>
      %shift_right_arithmetic3A_94 = arith.constant 7 : i32
      %shift_right_arithmetic3A_95 = vector.broadcast %shift_right_arithmetic3A_94 : i32 to vector<16xi32>
      %shift_right_arithmetic3A_96 = arith.shrsi %and3A_80, %shift_right_arithmetic3A_95 : vector<16xi32>
      %and3A_97 = arith.constant 127 : i32
      %and3A_98 = vector.broadcast %and3A_97 : i32 to vector<16xi32>
      %and3A_99 = arith.andi %and3A_80, %and3A_98 : vector<16xi32>
      %add3A_100 = arith.constant 8192 : i32
      %add3A_101 = vector.broadcast %add3A_100 : i32 to vector<16xi32>
      %add3A_102 = arith.addi %add3A_101, %iota3A : vector<16xi32>
      tpu.vector_store_idx %arg12[%shift_right_arithmetic3A_96, %and3A_99], %add3A_102 masked %lt3A_84 : memref<16x128xi32, #tpu.memory_space<vmem>>[vector<16xi32>, vector<16xi32>], vector<16xi32>, vector<16xi1>
      %add3A_103 = arith.constant 16 : i32
      %add3A_104 = arith.addi %scan3A_51#0, %add3A_103 : i32
      %add3A_105 = vector.broadcast %add3A_104 : i32 to vector<16xi32>
      %add3A_106 = arith.addi %add3A_105, %iota3A : vector<16xi32>
      %and3A_107 = arith.constant 2047 : i32
      %and3A_108 = vector.broadcast %and3A_107 : i32 to vector<16xi32>
      %and3A_109 = arith.andi %add3A_106, %and3A_108 : vector<16xi32>
      %add3A_110 = arith.constant 16 : i32
      %add3A_111 = vector.broadcast %add3A_110 : i32 to vector<16xi32>
      %add3A_112 = arith.addi %add3A_111, %iota3A : vector<16xi32>
      %lt3A_113 = vector.broadcast %sub3A_73 : i32 to vector<16xi32>
      %lt3A_114 = arith.cmpi slt, %add3A_112, %lt3A_113 : vector<16xi32>
      %shift_right_arithmetic3A_115 = arith.constant 7 : i32
      %shift_right_arithmetic3A_116 = vector.broadcast %shift_right_arithmetic3A_115 : i32 to vector<16xi32>
      %shift_right_arithmetic3A_117 = arith.shrsi %and3A_109, %shift_right_arithmetic3A_116 : vector<16xi32>
      %and3A_118 = arith.constant 127 : i32
      %and3A_119 = vector.broadcast %and3A_118 : i32 to vector<16xi32>
      %and3A_120 = arith.andi %and3A_109, %and3A_119 : vector<16xi32>
      %mul3A_121 = arith.constant 16 : i32
      %mul3A_122 = arith.muli %arg1, %mul3A_121 : i32
      %add3A_123 = vector.broadcast %mul3A_122 : i32 to vector<16xi32>
      %add3A_124 = arith.addi %add3A_123, %iota3A : vector<16xi32>
      tpu.vector_store_idx %arg11[%shift_right_arithmetic3A_117, %and3A_120], %add3A_124 masked %lt3A_114 : memref<16x128xi32, #tpu.memory_space<vmem>>[vector<16xi32>, vector<16xi32>], vector<16xi32>, vector<16xi1>
      %shift_right_arithmetic3A_125 = arith.constant 7 : i32
      %shift_right_arithmetic3A_126 = vector.broadcast %shift_right_arithmetic3A_125 : i32 to vector<16xi32>
      %shift_right_arithmetic3A_127 = arith.shrsi %and3A_109, %shift_right_arithmetic3A_126 : vector<16xi32>
      %and3A_128 = arith.constant 127 : i32
      %and3A_129 = vector.broadcast %and3A_128 : i32 to vector<16xi32>
      %and3A_130 = arith.andi %and3A_109, %and3A_129 : vector<16xi32>
      %add3A_131 = arith.constant 8192 : i32
      %add3A_132 = vector.broadcast %add3A_131 : i32 to vector<16xi32>
      %add3A_133 = arith.addi %add3A_132, %iota3A : vector<16xi32>
      tpu.vector_store_idx %arg12[%shift_right_arithmetic3A_127, %and3A_130], %add3A_133 masked %lt3A_114 : memref<16x128xi32, #tpu.memory_space<vmem>>[vector<16xi32>, vector<16xi32>], vector<16xi32>, vector<16xi1>
      %add3A_134 = arith.constant 32 : i32
      %add3A_135 = arith.addi %scan3A_51#0, %add3A_134 : i32
      %add3A_136 = vector.broadcast %add3A_135 : i32 to vector<16xi32>
      %add3A_137 = arith.addi %add3A_136, %iota3A : vector<16xi32>
      %and3A_138 = arith.constant 2047 : i32
      %and3A_139 = vector.broadcast %and3A_138 : i32 to vector<16xi32>
      %and3A_140 = arith.andi %add3A_137, %and3A_139 : vector<16xi32>
      %add3A_141 = arith.constant 32 : i32
      %add3A_142 = vector.broadcast %add3A_141 : i32 to vector<16xi32>
      %add3A_143 = arith.addi %add3A_142, %iota3A : vector<16xi32>
      %lt3A_144 = vector.broadcast %sub3A_73 : i32 to vector<16xi32>
      %lt3A_145 = arith.cmpi slt, %add3A_143, %lt3A_144 : vector<16xi32>
      %shift_right_arithmetic3A_146 = arith.constant 7 : i32
      %shift_right_arithmetic3A_147 = vector.broadcast %shift_right_arithmetic3A_146 : i32 to vector<16xi32>
      %shift_right_arithmetic3A_148 = arith.shrsi %and3A_140, %shift_right_arithmetic3A_147 : vector<16xi32>
      %and3A_149 = arith.constant 127 : i32
      %and3A_150 = vector.broadcast %and3A_149 : i32 to vector<16xi32>
      %and3A_151 = arith.andi %and3A_140, %and3A_150 : vector<16xi32>
      %mul3A_152 = arith.constant 16 : i32
      %mul3A_153 = arith.muli %arg1, %mul3A_152 : i32
      %add3A_154 = vector.broadcast %mul3A_153 : i32 to vector<16xi32>
      %add3A_155 = arith.addi %add3A_154, %iota3A : vector<16xi32>
      tpu.vector_store_idx %arg11[%shift_right_arithmetic3A_148, %and3A_151], %add3A_155 masked %lt3A_145 : memref<16x128xi32, #tpu.memory_space<vmem>>[vector<16xi32>, vector<16xi32>], vector<16xi32>, vector<16xi1>
      %shift_right_arithmetic3A_156 = arith.constant 7 : i32
      %shift_right_arithmetic3A_157 = vector.broadcast %shift_right_arithmetic3A_156 : i32 to vector<16xi32>
      %shift_right_arithmetic3A_158 = arith.shrsi %and3A_140, %shift_right_arithmetic3A_157 : vector<16xi32>
      %and3A_159 = arith.constant 127 : i32
      %and3A_160 = vector.broadcast %and3A_159 : i32 to vector<16xi32>
      %and3A_161 = arith.andi %and3A_140, %and3A_160 : vector<16xi32>
      %add3A_162 = arith.constant 8192 : i32
      %add3A_163 = vector.broadcast %add3A_162 : i32 to vector<16xi32>
      %add3A_164 = arith.addi %add3A_163, %iota3A : vector<16xi32>
      tpu.vector_store_idx %arg12[%shift_right_arithmetic3A_158, %and3A_161], %add3A_164 masked %lt3A_145 : memref<16x128xi32, #tpu.memory_space<vmem>>[vector<16xi32>, vector<16xi32>], vector<16xi32>, vector<16xi1>
      %add3A_165 = arith.constant 48 : i32
      %add3A_166 = arith.addi %scan3A_51#0, %add3A_165 : i32
      %add3A_167 = vector.broadcast %add3A_166 : i32 to vector<16xi32>
      %add3A_168 = arith.addi %add3A_167, %iota3A : vector<16xi32>
      %and3A_169 = arith.constant 2047 : i32
      %and3A_170 = vector.broadcast %and3A_169 : i32 to vector<16xi32>
      %and3A_171 = arith.andi %add3A_168, %and3A_170 : vector<16xi32>
      %add3A_172 = arith.constant 48 : i32
      %add3A_173 = vector.broadcast %add3A_172 : i32 to vector<16xi32>
      %add3A_174 = arith.addi %add3A_173, %iota3A : vector<16xi32>
      %lt3A_175 = vector.broadcast %sub3A_73 : i32 to vector<16xi32>
      %lt3A_176 = arith.cmpi slt, %add3A_174, %lt3A_175 : vector<16xi32>
      %shift_right_arithmetic3A_177 = arith.constant 7 : i32
      %shift_right_arithmetic3A_178 = vector.broadcast %shift_right_arithmetic3A_177 : i32 to vector<16xi32>
      %shift_right_arithmetic3A_179 = arith.shrsi %and3A_171, %shift_right_arithmetic3A_178 : vector<16xi32>
      %and3A_180 = arith.constant 127 : i32
      %and3A_181 = vector.broadcast %and3A_180 : i32 to vector<16xi32>
      %and3A_182 = arith.andi %and3A_171, %and3A_181 : vector<16xi32>
      %mul3A_183 = arith.constant 16 : i32
      %mul3A_184 = arith.muli %arg1, %mul3A_183 : i32
      %add3A_185 = vector.broadcast %mul3A_184 : i32 to vector<16xi32>
      %add3A_186 = arith.addi %add3A_185, %iota3A : vector<16xi32>
      tpu.vector_store_idx %arg11[%shift_right_arithmetic3A_179, %and3A_182], %add3A_186 masked %lt3A_176 : memref<16x128xi32, #tpu.memory_space<vmem>>[vector<16xi32>, vector<16xi32>], vector<16xi32>, vector<16xi1>
      %shift_right_arithmetic3A_187 = arith.constant 7 : i32
      %shift_right_arithmetic3A_188 = vector.broadcast %shift_right_arithmetic3A_187 : i32 to vector<16xi32>
      %shift_right_arithmetic3A_189 = arith.shrsi %and3A_171, %shift_right_arithmetic3A_188 : vector<16xi32>
      %and3A_190 = arith.constant 127 : i32
      %and3A_191 = vector.broadcast %and3A_190 : i32 to vector<16xi32>
      %and3A_192 = arith.andi %and3A_171, %and3A_191 : vector<16xi32>
      %add3A_193 = arith.constant 8192 : i32
      %add3A_194 = vector.broadcast %add3A_193 : i32 to vector<16xi32>
      %add3A_195 = arith.addi %add3A_194, %iota3A : vector<16xi32>
      tpu.vector_store_idx %arg12[%shift_right_arithmetic3A_189, %and3A_192], %add3A_195 masked %lt3A_176 : memref<16x128xi32, #tpu.memory_space<vmem>>[vector<16xi32>, vector<16xi32>], vector<16xi32>, vector<16xi1>
      %add3A_196 = arith.constant 64 : i32
      %add3A_197 = arith.addi %scan3A_51#0, %add3A_196 : i32
      %add3A_198 = vector.broadcast %add3A_197 : i32 to vector<16xi32>
      %add3A_199 = arith.addi %add3A_198, %iota3A : vector<16xi32>
      %and3A_200 = arith.constant 2047 : i32
      %and3A_201 = vector.broadcast %and3A_200 : i32 to vector<16xi32>
      %and3A_202 = arith.andi %add3A_199, %and3A_201 : vector<16xi32>
      %add3A_203 = arith.constant 64 : i32
      %add3A_204 = vector.broadcast %add3A_203 : i32 to vector<16xi32>
      %add3A_205 = arith.addi %add3A_204, %iota3A : vector<16xi32>
      %lt3A_206 = vector.broadcast %sub3A_73 : i32 to vector<16xi32>
      %lt3A_207 = arith.cmpi slt, %add3A_205, %lt3A_206 : vector<16xi32>
      %shift_right_arithmetic3A_208 = arith.constant 7 : i32
      %shift_right_arithmetic3A_209 = vector.broadcast %shift_right_arithmetic3A_208 : i32 to vector<16xi32>
      %shift_right_arithmetic3A_210 = arith.shrsi %and3A_202, %shift_right_arithmetic3A_209 : vector<16xi32>
      %and3A_211 = arith.constant 127 : i32
      %and3A_212 = vector.broadcast %and3A_211 : i32 to vector<16xi32>
      %and3A_213 = arith.andi %and3A_202, %and3A_212 : vector<16xi32>
      %mul3A_214 = arith.constant 16 : i32
      %mul3A_215 = arith.muli %arg1, %mul3A_214 : i32
      %add3A_216 = vector.broadcast %mul3A_215 : i32 to vector<16xi32>
      %add3A_217 = arith.addi %add3A_216, %iota3A : vector<16xi32>
      tpu.vector_store_idx %arg11[%shift_right_arithmetic3A_210, %and3A_213], %add3A_217 masked %lt3A_207 : memref<16x128xi32, #tpu.memory_space<vmem>>[vector<16xi32>, vector<16xi32>], vector<16xi32>, vector<16xi1>
      %shift_right_arithmetic3A_218 = arith.constant 7 : i32
      %shift_right_arithmetic3A_219 = vector.broadcast %shift_right_arithmetic3A_218 : i32 to vector<16xi32>
      %shift_right_arithmetic3A_220 = arith.shrsi %and3A_202, %shift_right_arithmetic3A_219 : vector<16xi32>
      %and3A_221 = arith.constant 127 : i32
      %and3A_222 = vector.broadcast %and3A_221 : i32 to vector<16xi32>
      %and3A_223 = arith.andi %and3A_202, %and3A_222 : vector<16xi32>
      %add3A_224 = arith.constant 8192 : i32
      %add3A_225 = vector.broadcast %add3A_224 : i32 to vector<16xi32>
      %add3A_226 = arith.addi %add3A_225, %iota3A : vector<16xi32>
      tpu.vector_store_idx %arg12[%shift_right_arithmetic3A_220, %and3A_223], %add3A_226 masked %lt3A_207 : memref<16x128xi32, #tpu.memory_space<vmem>>[vector<16xi32>, vector<16xi32>], vector<16xi32>, vector<16xi1>
      %add3A_227 = arith.constant 80 : i32
      %add3A_228 = arith.addi %scan3A_51#0, %add3A_227 : i32
      %add3A_229 = vector.broadcast %add3A_228 : i32 to vector<16xi32>
      %add3A_230 = arith.addi %add3A_229, %iota3A : vector<16xi32>
      %and3A_231 = arith.constant 2047 : i32
      %and3A_232 = vector.broadcast %and3A_231 : i32 to vector<16xi32>
      %and3A_233 = arith.andi %add3A_230, %and3A_232 : vector<16xi32>
      %add3A_234 = arith.constant 80 : i32
      %add3A_235 = vector.broadcast %add3A_234 : i32 to vector<16xi32>
      %add3A_236 = arith.addi %add3A_235, %iota3A : vector<16xi32>
      %lt3A_237 = vector.broadcast %sub3A_73 : i32 to vector<16xi32>
      %lt3A_238 = arith.cmpi slt, %add3A_236, %lt3A_237 : vector<16xi32>
      %shift_right_arithmetic3A_239 = arith.constant 7 : i32
      %shift_right_arithmetic3A_240 = vector.broadcast %shift_right_arithmetic3A_239 : i32 to vector<16xi32>
      %shift_right_arithmetic3A_241 = arith.shrsi %and3A_233, %shift_right_arithmetic3A_240 : vector<16xi32>
      %and3A_242 = arith.constant 127 : i32
      %and3A_243 = vector.broadcast %and3A_242 : i32 to vector<16xi32>
      %and3A_244 = arith.andi %and3A_233, %and3A_243 : vector<16xi32>
      %mul3A_245 = arith.constant 16 : i32
      %mul3A_246 = arith.muli %arg1, %mul3A_245 : i32
      %add3A_247 = vector.broadcast %mul3A_246 : i32 to vector<16xi32>
      %add3A_248 = arith.addi %add3A_247, %iota3A : vector<16xi32>
      tpu.vector_store_idx %arg11[%shift_right_arithmetic3A_241, %and3A_244], %add3A_248 masked %lt3A_238 : memref<16x128xi32, #tpu.memory_space<vmem>>[vector<16xi32>, vector<16xi32>], vector<16xi32>, vector<16xi1>
      %shift_right_arithmetic3A_249 = arith.constant 7 : i32
      %shift_right_arithmetic3A_250 = vector.broadcast %shift_right_arithmetic3A_249 : i32 to vector<16xi32>
      %shift_right_arithmetic3A_251 = arith.shrsi %and3A_233, %shift_right_arithmetic3A_250 : vector<16xi32>
      %and3A_252 = arith.constant 127 : i32
      %and3A_253 = vector.broadcast %and3A_252 : i32 to vector<16xi32>
      %and3A_254 = arith.andi %and3A_233, %and3A_253 : vector<16xi32>
      %add3A_255 = arith.constant 8192 : i32
      %add3A_256 = vector.broadcast %add3A_255 : i32 to vector<16xi32>
      %add3A_257 = arith.addi %add3A_256, %iota3A : vector<16xi32>
      tpu.vector_store_idx %arg12[%shift_right_arithmetic3A_251, %and3A_254], %add3A_257 masked %lt3A_238 : memref<16x128xi32, #tpu.memory_space<vmem>>[vector<16xi32>, vector<16xi32>], vector<16xi32>, vector<16xi1>
      %add3A_258 = arith.constant 96 : i32
      %add3A_259 = arith.addi %scan3A_51#0, %add3A_258 : i32
      %add3A_260 = vector.broadcast %add3A_259 : i32 to vector<16xi32>
      %add3A_261 = arith.addi %add3A_260, %iota3A : vector<16xi32>
      %and3A_262 = arith.constant 2047 : i32
      %and3A_263 = vector.broadcast %and3A_262 : i32 to vector<16xi32>
      %and3A_264 = arith.andi %add3A_261, %and3A_263 : vector<16xi32>
      %add3A_265 = arith.constant 96 : i32
      %add3A_266 = vector.broadcast %add3A_265 : i32 to vector<16xi32>
      %add3A_267 = arith.addi %add3A_266, %iota3A : vector<16xi32>
      %lt3A_268 = vector.broadcast %sub3A_73 : i32 to vector<16xi32>
      %lt3A_269 = arith.cmpi slt, %add3A_267, %lt3A_268 : vector<16xi32>
      %shift_right_arithmetic3A_270 = arith.constant 7 : i32
      %shift_right_arithmetic3A_271 = vector.broadcast %shift_right_arithmetic3A_270 : i32 to vector<16xi32>
      %shift_right_arithmetic3A_272 = arith.shrsi %and3A_264, %shift_right_arithmetic3A_271 : vector<16xi32>
      %and3A_273 = arith.constant 127 : i32
      %and3A_274 = vector.broadcast %and3A_273 : i32 to vector<16xi32>
      %and3A_275 = arith.andi %and3A_264, %and3A_274 : vector<16xi32>
      %mul3A_276 = arith.constant 16 : i32
      %mul3A_277 = arith.muli %arg1, %mul3A_276 : i32
      %add3A_278 = vector.broadcast %mul3A_277 : i32 to vector<16xi32>
      %add3A_279 = arith.addi %add3A_278, %iota3A : vector<16xi32>
      tpu.vector_store_idx %arg11[%shift_right_arithmetic3A_272, %and3A_275], %add3A_279 masked %lt3A_269 : memref<16x128xi32, #tpu.memory_space<vmem>>[vector<16xi32>, vector<16xi32>], vector<16xi32>, vector<16xi1>
      %shift_right_arithmetic3A_280 = arith.constant 7 : i32
      %shift_right_arithmetic3A_281 = vector.broadcast %shift_right_arithmetic3A_280 : i32 to vector<16xi32>
      %shift_right_arithmetic3A_282 = arith.shrsi %and3A_264, %shift_right_arithmetic3A_281 : vector<16xi32>
      %and3A_283 = arith.constant 127 : i32
      %and3A_284 = vector.broadcast %and3A_283 : i32 to vector<16xi32>
      %and3A_285 = arith.andi %and3A_264, %and3A_284 : vector<16xi32>
      %add3A_286 = arith.constant 8192 : i32
      %add3A_287 = vector.broadcast %add3A_286 : i32 to vector<16xi32>
      %add3A_288 = arith.addi %add3A_287, %iota3A : vector<16xi32>
      tpu.vector_store_idx %arg12[%shift_right_arithmetic3A_282, %and3A_285], %add3A_288 masked %lt3A_269 : memref<16x128xi32, #tpu.memory_space<vmem>>[vector<16xi32>, vector<16xi32>], vector<16xi32>, vector<16xi1>
      %add3A_289 = arith.constant 112 : i32
      %add3A_290 = arith.addi %scan3A_51#0, %add3A_289 : i32
      %add3A_291 = vector.broadcast %add3A_290 : i32 to vector<16xi32>
      %add3A_292 = arith.addi %add3A_291, %iota3A : vector<16xi32>
      %and3A_293 = arith.constant 2047 : i32
      %and3A_294 = vector.broadcast %and3A_293 : i32 to vector<16xi32>
      %and3A_295 = arith.andi %add3A_292, %and3A_294 : vector<16xi32>
      %add3A_296 = arith.constant 112 : i32
      %add3A_297 = vector.broadcast %add3A_296 : i32 to vector<16xi32>
      %add3A_298 = arith.addi %add3A_297, %iota3A : vector<16xi32>
      %lt3A_299 = vector.broadcast %sub3A_73 : i32 to vector<16xi32>
      %lt3A_300 = arith.cmpi slt, %add3A_298, %lt3A_299 : vector<16xi32>
      %shift_right_arithmetic3A_301 = arith.constant 7 : i32
      %shift_right_arithmetic3A_302 = vector.broadcast %shift_right_arithmetic3A_301 : i32 to vector<16xi32>
      %shift_right_arithmetic3A_303 = arith.shrsi %and3A_295, %shift_right_arithmetic3A_302 : vector<16xi32>
      %and3A_304 = arith.constant 127 : i32
      %and3A_305 = vector.broadcast %and3A_304 : i32 to vector<16xi32>
      %and3A_306 = arith.andi %and3A_295, %and3A_305 : vector<16xi32>
      %mul3A_307 = arith.constant 16 : i32
      %mul3A_308 = arith.muli %arg1, %mul3A_307 : i32
      %add3A_309 = vector.broadcast %mul3A_308 : i32 to vector<16xi32>
      %add3A_310 = arith.addi %add3A_309, %iota3A : vector<16xi32>
      tpu.vector_store_idx %arg11[%shift_right_arithmetic3A_303, %and3A_306], %add3A_310 masked %lt3A_300 : memref<16x128xi32, #tpu.memory_space<vmem>>[vector<16xi32>, vector<16xi32>], vector<16xi32>, vector<16xi1>
      %shift_right_arithmetic3A_311 = arith.constant 7 : i32
      %shift_right_arithmetic3A_312 = vector.broadcast %shift_right_arithmetic3A_311 : i32 to vector<16xi32>
      %shift_right_arithmetic3A_313 = arith.shrsi %and3A_295, %shift_right_arithmetic3A_312 : vector<16xi32>
      %and3A_314 = arith.constant 127 : i32
      %and3A_315 = vector.broadcast %and3A_314 : i32 to vector<16xi32>
      %and3A_316 = arith.andi %and3A_295, %and3A_315 : vector<16xi32>
      %add3A_317 = arith.constant 8192 : i32
      %add3A_318 = vector.broadcast %add3A_317 : i32 to vector<16xi32>
      %add3A_319 = arith.addi %add3A_318, %iota3A : vector<16xi32>
      tpu.vector_store_idx %arg12[%shift_right_arithmetic3A_313, %and3A_316], %add3A_319 masked %lt3A_300 : memref<16x128xi32, #tpu.memory_space<vmem>>[vector<16xi32>, vector<16xi32>], vector<16xi32>, vector<16xi1>
      %gt3A = arith.cmpi sgt, %select_n3A, %scan3A_51#1 : i32
      %convert_element_type3A = arith.extui %gt3A : i1 to i32
      %cond3A = arith.constant 0 : i32
      %cond3A_320 = arith.cmpi ne, %convert_element_type3A, %cond3A : i32
      scf.if %cond3A_320 {
        %and3A_325 = arith.constant 1 : i32
        %and3A_326 = arith.andi %scan3A_51#1, %and3A_325 : i32
        %eq3A = arith.constant 0 : i32
        %eq3A_327 = arith.cmpi eq, %and3A_326, %eq3A : i32
        %convert_element_type3A_328 = arith.extui %eq3A_327 : i1 to i32
        %cond3A_329 = arith.constant 0 : i32
        %cond3A_330 = arith.cmpi ne, %convert_element_type3A_328, %cond3A_329 : i32
        scf.if %cond3A_330 {
          %and3A_368 = arith.constant 15 : i32
          %and3A_369 = arith.andi %scan3A_51#1, %and3A_368 : i32
          %dma_start3A_370 = arith.constant 0 : i32
          %dma_start3A_371 = tpu.memref_slice %arg11[%and3A_369, %dma_start3A_370] : memref<16x128xi32, #tpu.memory_space<vmem>> -> memref<1x128xi32, #tpu.memory_space<vmem>>
          %dma_start3A_372 = tpu.memref_squeeze %dma_start3A_371 : memref<1x128xi32, #tpu.memory_space<vmem>> -> memref<128xi32, #tpu.memory_space<vmem>>
          %dma_start3A_373 = arith.constant 0 : i32
          %dma_start3A_374 = arith.constant 0 : i32
          %dma_start3A_375 = tpu.memref_slice %arg2[%dma_start3A_373, %dma_start3A_374] : memref<10000x128xf32, #tpu.memory_space<hbm>> -> memref<10000x128xf32, #tpu.memory_space<hbm>>
          tpu.enqueue_indirect_dma source(%dma_start3A_375 : memref<10000x128xf32, #tpu.memory_space<hbm>>) target(%arg13 : memref<128x128xf32, #tpu.memory_space<vmem>>) offsets(%dma_start3A_372 : memref<128xi32, #tpu.memory_space<vmem>>) semaphore(%arg15 : memref<!tpu.dma_semaphore, #tpu.memory_space<semaphore_mem>>)
        } else {
        }
        %and3A_331 = arith.constant 1 : i32
        %and3A_332 = arith.andi %scan3A_51#1, %and3A_331 : i32
        %eq3A_333 = arith.constant 1 : i32
        %eq3A_334 = arith.cmpi eq, %and3A_332, %eq3A_333 : i32
        %convert_element_type3A_335 = arith.extui %eq3A_334 : i1 to i32
        %cond3A_336 = arith.constant 0 : i32
        %cond3A_337 = arith.cmpi ne, %convert_element_type3A_335, %cond3A_336 : i32
        scf.if %cond3A_337 {
          %and3A_368 = arith.constant 15 : i32
          %and3A_369 = arith.andi %scan3A_51#1, %and3A_368 : i32
          %dma_start3A_370 = arith.constant 0 : i32
          %dma_start3A_371 = tpu.memref_slice %arg11[%and3A_369, %dma_start3A_370] : memref<16x128xi32, #tpu.memory_space<vmem>> -> memref<1x128xi32, #tpu.memory_space<vmem>>
          %dma_start3A_372 = tpu.memref_squeeze %dma_start3A_371 : memref<1x128xi32, #tpu.memory_space<vmem>> -> memref<128xi32, #tpu.memory_space<vmem>>
          %dma_start3A_373 = arith.constant 0 : i32
          %dma_start3A_374 = arith.constant 0 : i32
          %dma_start3A_375 = tpu.memref_slice %arg2[%dma_start3A_373, %dma_start3A_374] : memref<10000x128xf32, #tpu.memory_space<hbm>> -> memref<10000x128xf32, #tpu.memory_space<hbm>>
          tpu.enqueue_indirect_dma source(%dma_start3A_375 : memref<10000x128xf32, #tpu.memory_space<hbm>>) target(%arg14 : memref<128x128xf32, #tpu.memory_space<vmem>>) offsets(%dma_start3A_372 : memref<128xi32, #tpu.memory_space<vmem>>) semaphore(%arg16 : memref<!tpu.dma_semaphore, #tpu.memory_space<semaphore_mem>>)
        } else {
        }
        %while3A = arith.constant 0 : i32
        %while3A_338 = arith.subi %select_n3A, %scan3A_51#1 : i32
        %while3A_339 = arith.addi %scan3A_51#1, %while3A_338 : i32
        %while3A_340 = arith.constant 1 : i32
        %while3A_341 = arith.divsi %while3A_338, %while3A_340 : i32
        %while3A_342 = arith.muli %while3A_341, %while3A_340 : i32
        %while3A_343 = arith.addi %scan3A_51#1, %while3A_342 : i32
        %while3A_344 = arith.constant 1 : i32
        scf.for %while3A_368 = %scan3A_51#1 to %while3A_343 step %while3A_344  : i32 {
          %add3A_369 = arith.constant 1 : i32
          %add3A_370 = arith.addi %while3A_368, %add3A_369 : i32
          %lt3A_371 = arith.cmpi slt, %add3A_370, %select_n3A : i32
          %convert_element_type3A_372 = arith.extui %lt3A_371 : i1 to i32
          %cond3A_373 = arith.constant 0 : i32
          %cond3A_374 = arith.cmpi ne, %convert_element_type3A_372, %cond3A_373 : i32
          scf.if %cond3A_374 {
            %gt3A_403 = arith.cmpi sgt, %while3A_368, %scan3A_51#1 : i32
            %convert_element_type3A_404 = arith.extui %gt3A_403 : i1 to i32
            %cond3A_405 = arith.constant 0 : i32
            %cond3A_406 = arith.cmpi ne, %convert_element_type3A_404, %cond3A_405 : i32
            scf.if %cond3A_406 {
              %sub3A_423 = arith.constant 1 : i32
              %sub3A_424 = arith.subi %while3A_368, %sub3A_423 : i32
              %and3A_425 = arith.constant 1 : i32
              %and3A_426 = arith.andi %sub3A_424, %and3A_425 : i32
              %eq3A_427 = arith.constant 0 : i32
              %eq3A_428 = arith.cmpi eq, %and3A_426, %eq3A_427 : i32
              %convert_element_type3A_429 = arith.extui %eq3A_428 : i1 to i32
              %cond3A_430 = arith.constant 0 : i32
              %cond3A_431 = arith.cmpi ne, %convert_element_type3A_429, %cond3A_430 : i32
              scf.if %cond3A_431 {
                %and3A_439 = arith.constant 15 : i32
                %and3A_440 = arith.andi %sub3A_424, %and3A_439 : i32
                %dma_wait3A = arith.constant 0 : i32
                %dma_wait3A_441 = tpu.memref_slice %arg12[%and3A_440, %dma_wait3A] : memref<16x128xi32, #tpu.memory_space<vmem>> -> memref<1x128xi32, #tpu.memory_space<vmem>>
                %dma_wait3A_442 = tpu.memref_squeeze %dma_wait3A_441 : memref<1x128xi32, #tpu.memory_space<vmem>> -> memref<128xi32, #tpu.memory_space<vmem>>
                %dma_wait3A_443 = arith.constant 0 : i32
                %dma_wait3A_444 = arith.constant 0 : i32
                %dma_wait3A_445 = tpu.memref_slice %arg6[%dma_wait3A_443, %dma_wait3A_444] : memref<8208x128xf32, #tpu.memory_space<vmem_shared>> -> memref<8208x128xf32, #tpu.memory_space<vmem_shared>>
                tpu.wait_indirect_dma semaphore(%arg19 : memref<!tpu.dma_semaphore, #tpu.memory_space<semaphore_mem>>) src(%arg13 : memref<128x128xf32, #tpu.memory_space<vmem>>) dst(%dma_wait3A_445 : memref<8208x128xf32, #tpu.memory_space<vmem_shared>>)
              } else {
              }
              %and3A_432 = arith.constant 1 : i32
              %and3A_433 = arith.andi %sub3A_424, %and3A_432 : i32
              %eq3A_434 = arith.constant 1 : i32
              %eq3A_435 = arith.cmpi eq, %and3A_433, %eq3A_434 : i32
              %convert_element_type3A_436 = arith.extui %eq3A_435 : i1 to i32
              %cond3A_437 = arith.constant 0 : i32
              %cond3A_438 = arith.cmpi ne, %convert_element_type3A_436, %cond3A_437 : i32
              scf.if %cond3A_438 {
                %and3A_439 = arith.constant 15 : i32
                %and3A_440 = arith.andi %sub3A_424, %and3A_439 : i32
                %dma_wait3A = arith.constant 0 : i32
                %dma_wait3A_441 = tpu.memref_slice %arg12[%and3A_440, %dma_wait3A] : memref<16x128xi32, #tpu.memory_space<vmem>> -> memref<1x128xi32, #tpu.memory_space<vmem>>
                %dma_wait3A_442 = tpu.memref_squeeze %dma_wait3A_441 : memref<1x128xi32, #tpu.memory_space<vmem>> -> memref<128xi32, #tpu.memory_space<vmem>>
                %dma_wait3A_443 = arith.constant 0 : i32
                %dma_wait3A_444 = arith.constant 0 : i32
                %dma_wait3A_445 = tpu.memref_slice %arg6[%dma_wait3A_443, %dma_wait3A_444] : memref<8208x128xf32, #tpu.memory_space<vmem_shared>> -> memref<8208x128xf32, #tpu.memory_space<vmem_shared>>
                tpu.wait_indirect_dma semaphore(%arg20 : memref<!tpu.dma_semaphore, #tpu.memory_space<semaphore_mem>>) src(%arg14 : memref<128x128xf32, #tpu.memory_space<vmem>>) dst(%dma_wait3A_445 : memref<8208x128xf32, #tpu.memory_space<vmem_shared>>)
              } else {
              }
            } else {
            }
            %add3A_407 = arith.constant 1 : i32
            %add3A_408 = arith.addi %while3A_368, %add3A_407 : i32
            %and3A_409 = arith.constant 1 : i32
            %and3A_410 = arith.andi %add3A_408, %and3A_409 : i32
            %eq3A_411 = arith.constant 0 : i32
            %eq3A_412 = arith.cmpi eq, %and3A_410, %eq3A_411 : i32
            %convert_element_type3A_413 = arith.extui %eq3A_412 : i1 to i32
            %cond3A_414 = arith.constant 0 : i32
            %cond3A_415 = arith.cmpi ne, %convert_element_type3A_413, %cond3A_414 : i32
            scf.if %cond3A_415 {
              %and3A_423 = arith.constant 15 : i32
              %and3A_424 = arith.andi %add3A_408, %and3A_423 : i32
              %dma_start3A_425 = arith.constant 0 : i32
              %dma_start3A_426 = tpu.memref_slice %arg11[%and3A_424, %dma_start3A_425] : memref<16x128xi32, #tpu.memory_space<vmem>> -> memref<1x128xi32, #tpu.memory_space<vmem>>
              %dma_start3A_427 = tpu.memref_squeeze %dma_start3A_426 : memref<1x128xi32, #tpu.memory_space<vmem>> -> memref<128xi32, #tpu.memory_space<vmem>>
              %dma_start3A_428 = arith.constant 0 : i32
              %dma_start3A_429 = arith.constant 0 : i32
              %dma_start3A_430 = tpu.memref_slice %arg2[%dma_start3A_428, %dma_start3A_429] : memref<10000x128xf32, #tpu.memory_space<hbm>> -> memref<10000x128xf32, #tpu.memory_space<hbm>>
              tpu.enqueue_indirect_dma source(%dma_start3A_430 : memref<10000x128xf32, #tpu.memory_space<hbm>>) target(%arg13 : memref<128x128xf32, #tpu.memory_space<vmem>>) offsets(%dma_start3A_427 : memref<128xi32, #tpu.memory_space<vmem>>) semaphore(%arg15 : memref<!tpu.dma_semaphore, #tpu.memory_space<semaphore_mem>>)
            } else {
            }
            %and3A_416 = arith.constant 1 : i32
            %and3A_417 = arith.andi %add3A_408, %and3A_416 : i32
            %eq3A_418 = arith.constant 1 : i32
            %eq3A_419 = arith.cmpi eq, %and3A_417, %eq3A_418 : i32
            %convert_element_type3A_420 = arith.extui %eq3A_419 : i1 to i32
            %cond3A_421 = arith.constant 0 : i32
            %cond3A_422 = arith.cmpi ne, %convert_element_type3A_420, %cond3A_421 : i32
            scf.if %cond3A_422 {
              %and3A_423 = arith.constant 15 : i32
              %and3A_424 = arith.andi %add3A_408, %and3A_423 : i32
              %dma_start3A_425 = arith.constant 0 : i32
              %dma_start3A_426 = tpu.memref_slice %arg11[%and3A_424, %dma_start3A_425] : memref<16x128xi32, #tpu.memory_space<vmem>> -> memref<1x128xi32, #tpu.memory_space<vmem>>
              %dma_start3A_427 = tpu.memref_squeeze %dma_start3A_426 : memref<1x128xi32, #tpu.memory_space<vmem>> -> memref<128xi32, #tpu.memory_space<vmem>>
              %dma_start3A_428 = arith.constant 0 : i32
              %dma_start3A_429 = arith.constant 0 : i32
              %dma_start3A_430 = tpu.memref_slice %arg2[%dma_start3A_428, %dma_start3A_429] : memref<10000x128xf32, #tpu.memory_space<hbm>> -> memref<10000x128xf32, #tpu.memory_space<hbm>>
              tpu.enqueue_indirect_dma source(%dma_start3A_430 : memref<10000x128xf32, #tpu.memory_space<hbm>>) target(%arg14 : memref<128x128xf32, #tpu.memory_space<vmem>>) offsets(%dma_start3A_427 : memref<128xi32, #tpu.memory_space<vmem>>) semaphore(%arg16 : memref<!tpu.dma_semaphore, #tpu.memory_space<semaphore_mem>>)
            } else {
            }
          } else {
          }
          %and3A_375 = arith.constant 1 : i32
          %and3A_376 = arith.andi %while3A_368, %and3A_375 : i32
          %eq3A_377 = arith.constant 0 : i32
          %eq3A_378 = arith.cmpi eq, %and3A_376, %eq3A_377 : i32
          %convert_element_type3A_379 = arith.extui %eq3A_378 : i1 to i32
          %cond3A_380 = arith.constant 0 : i32
          %cond3A_381 = arith.cmpi ne, %convert_element_type3A_379, %cond3A_380 : i32
          scf.if %cond3A_381 {
            %and3A_403 = arith.constant 15 : i32
            %and3A_404 = arith.andi %while3A_368, %and3A_403 : i32
            %dma_wait3A = arith.constant 0 : i32
            %dma_wait3A_405 = tpu.memref_slice %arg11[%and3A_404, %dma_wait3A] : memref<16x128xi32, #tpu.memory_space<vmem>> -> memref<1x128xi32, #tpu.memory_space<vmem>>
            %dma_wait3A_406 = tpu.memref_squeeze %dma_wait3A_405 : memref<1x128xi32, #tpu.memory_space<vmem>> -> memref<128xi32, #tpu.memory_space<vmem>>
            %dma_wait3A_407 = arith.constant 0 : i32
            %dma_wait3A_408 = arith.constant 0 : i32
            %dma_wait3A_409 = tpu.memref_slice %arg2[%dma_wait3A_407, %dma_wait3A_408] : memref<10000x128xf32, #tpu.memory_space<hbm>> -> memref<10000x128xf32, #tpu.memory_space<hbm>>
            tpu.wait_indirect_dma semaphore(%arg15 : memref<!tpu.dma_semaphore, #tpu.memory_space<semaphore_mem>>) src(%dma_wait3A_409 : memref<10000x128xf32, #tpu.memory_space<hbm>>) dst(%arg13 : memref<128x128xf32, #tpu.memory_space<vmem>>)
          } else {
          }
          %and3A_382 = arith.constant 1 : i32
          %and3A_383 = arith.andi %while3A_368, %and3A_382 : i32
          %eq3A_384 = arith.constant 1 : i32
          %eq3A_385 = arith.cmpi eq, %and3A_383, %eq3A_384 : i32
          %convert_element_type3A_386 = arith.extui %eq3A_385 : i1 to i32
          %cond3A_387 = arith.constant 0 : i32
          %cond3A_388 = arith.cmpi ne, %convert_element_type3A_386, %cond3A_387 : i32
          scf.if %cond3A_388 {
            %and3A_403 = arith.constant 15 : i32
            %and3A_404 = arith.andi %while3A_368, %and3A_403 : i32
            %dma_wait3A = arith.constant 0 : i32
            %dma_wait3A_405 = tpu.memref_slice %arg11[%and3A_404, %dma_wait3A] : memref<16x128xi32, #tpu.memory_space<vmem>> -> memref<1x128xi32, #tpu.memory_space<vmem>>
            %dma_wait3A_406 = tpu.memref_squeeze %dma_wait3A_405 : memref<1x128xi32, #tpu.memory_space<vmem>> -> memref<128xi32, #tpu.memory_space<vmem>>
            %dma_wait3A_407 = arith.constant 0 : i32
            %dma_wait3A_408 = arith.constant 0 : i32
            %dma_wait3A_409 = tpu.memref_slice %arg2[%dma_wait3A_407, %dma_wait3A_408] : memref<10000x128xf32, #tpu.memory_space<hbm>> -> memref<10000x128xf32, #tpu.memory_space<hbm>>
            tpu.wait_indirect_dma semaphore(%arg16 : memref<!tpu.dma_semaphore, #tpu.memory_space<semaphore_mem>>) src(%dma_wait3A_409 : memref<10000x128xf32, #tpu.memory_space<hbm>>) dst(%arg14 : memref<128x128xf32, #tpu.memory_space<vmem>>)
          } else {
          }
          %and3A_389 = arith.constant 1 : i32
          %and3A_390 = arith.andi %while3A_368, %and3A_389 : i32
          %eq3A_391 = arith.constant 0 : i32
          %eq3A_392 = arith.cmpi eq, %and3A_390, %eq3A_391 : i32
          %convert_element_type3A_393 = arith.extui %eq3A_392 : i1 to i32
          %cond3A_394 = arith.constant 0 : i32
          %cond3A_395 = arith.cmpi ne, %convert_element_type3A_393, %cond3A_394 : i32
          scf.if %cond3A_395 {
            %and3A_403 = arith.constant 15 : i32
            %and3A_404 = arith.andi %while3A_368, %and3A_403 : i32
            %dma_start3A_405 = arith.constant 0 : i32
            %dma_start3A_406 = tpu.memref_slice %arg12[%and3A_404, %dma_start3A_405] : memref<16x128xi32, #tpu.memory_space<vmem>> -> memref<1x128xi32, #tpu.memory_space<vmem>>
            %dma_start3A_407 = tpu.memref_squeeze %dma_start3A_406 : memref<1x128xi32, #tpu.memory_space<vmem>> -> memref<128xi32, #tpu.memory_space<vmem>>
            %dma_start3A_408 = arith.constant 0 : i32
            %dma_start3A_409 = arith.constant 0 : i32
            %dma_start3A_410 = tpu.memref_slice %arg6[%dma_start3A_408, %dma_start3A_409] : memref<8208x128xf32, #tpu.memory_space<vmem_shared>> -> memref<8208x128xf32, #tpu.memory_space<vmem_shared>>
            tpu.enqueue_indirect_dma source(%arg13 : memref<128x128xf32, #tpu.memory_space<vmem>>) target(%dma_start3A_410 : memref<8208x128xf32, #tpu.memory_space<vmem_shared>>) offsets(%dma_start3A_407 : memref<128xi32, #tpu.memory_space<vmem>>) semaphore(%arg19 : memref<!tpu.dma_semaphore, #tpu.memory_space<semaphore_mem>>) {add = true}
          } else {
          }
          %and3A_396 = arith.constant 1 : i32
          %and3A_397 = arith.andi %while3A_368, %and3A_396 : i32
          %eq3A_398 = arith.constant 1 : i32
          %eq3A_399 = arith.cmpi eq, %and3A_397, %eq3A_398 : i32
          %convert_element_type3A_400 = arith.extui %eq3A_399 : i1 to i32
          %cond3A_401 = arith.constant 0 : i32
          %cond3A_402 = arith.cmpi ne, %convert_element_type3A_400, %cond3A_401 : i32
          scf.if %cond3A_402 {
            %and3A_403 = arith.constant 15 : i32
            %and3A_404 = arith.andi %while3A_368, %and3A_403 : i32
            %dma_start3A_405 = arith.constant 0 : i32
            %dma_start3A_406 = tpu.memref_slice %arg12[%and3A_404, %dma_start3A_405] : memref<16x128xi32, #tpu.memory_space<vmem>> -> memref<1x128xi32, #tpu.memory_space<vmem>>
            %dma_start3A_407 = tpu.memref_squeeze %dma_start3A_406 : memref<1x128xi32, #tpu.memory_space<vmem>> -> memref<128xi32, #tpu.memory_space<vmem>>
            %dma_start3A_408 = arith.constant 0 : i32
            %dma_start3A_409 = arith.constant 0 : i32
            %dma_start3A_410 = tpu.memref_slice %arg6[%dma_start3A_408, %dma_start3A_409] : memref<8208x128xf32, #tpu.memory_space<vmem_shared>> -> memref<8208x128xf32, #tpu.memory_space<vmem_shared>>
            tpu.enqueue_indirect_dma source(%arg14 : memref<128x128xf32, #tpu.memory_space<vmem>>) target(%dma_start3A_410 : memref<8208x128xf32, #tpu.memory_space<vmem_shared>>) offsets(%dma_start3A_407 : memref<128xi32, #tpu.memory_space<vmem>>) semaphore(%arg20 : memref<!tpu.dma_semaphore, #tpu.memory_space<semaphore_mem>>) {add = true}
          } else {
          }
        }
        %while3A_345 = arith.constant 1 : i32
        scf.for %while3A_368 = %while3A_343 to %while3A_339 step %while3A_345  : i32 {
          %add3A_369 = arith.constant 1 : i32
          %add3A_370 = arith.addi %while3A_368, %add3A_369 : i32
          %lt3A_371 = arith.cmpi slt, %add3A_370, %select_n3A : i32
          %convert_element_type3A_372 = arith.extui %lt3A_371 : i1 to i32
          %cond3A_373 = arith.constant 0 : i32
          %cond3A_374 = arith.cmpi ne, %convert_element_type3A_372, %cond3A_373 : i32
          scf.if %cond3A_374 {
            %gt3A_403 = arith.cmpi sgt, %while3A_368, %scan3A_51#1 : i32
            %convert_element_type3A_404 = arith.extui %gt3A_403 : i1 to i32
            %cond3A_405 = arith.constant 0 : i32
            %cond3A_406 = arith.cmpi ne, %convert_element_type3A_404, %cond3A_405 : i32
            scf.if %cond3A_406 {
              %sub3A_423 = arith.constant 1 : i32
              %sub3A_424 = arith.subi %while3A_368, %sub3A_423 : i32
              %and3A_425 = arith.constant 1 : i32
              %and3A_426 = arith.andi %sub3A_424, %and3A_425 : i32
              %eq3A_427 = arith.constant 0 : i32
              %eq3A_428 = arith.cmpi eq, %and3A_426, %eq3A_427 : i32
              %convert_element_type3A_429 = arith.extui %eq3A_428 : i1 to i32
              %cond3A_430 = arith.constant 0 : i32
              %cond3A_431 = arith.cmpi ne, %convert_element_type3A_429, %cond3A_430 : i32
              scf.if %cond3A_431 {
                %and3A_439 = arith.constant 15 : i32
                %and3A_440 = arith.andi %sub3A_424, %and3A_439 : i32
                %dma_wait3A = arith.constant 0 : i32
                %dma_wait3A_441 = tpu.memref_slice %arg12[%and3A_440, %dma_wait3A] : memref<16x128xi32, #tpu.memory_space<vmem>> -> memref<1x128xi32, #tpu.memory_space<vmem>>
                %dma_wait3A_442 = tpu.memref_squeeze %dma_wait3A_441 : memref<1x128xi32, #tpu.memory_space<vmem>> -> memref<128xi32, #tpu.memory_space<vmem>>
                %dma_wait3A_443 = arith.constant 0 : i32
                %dma_wait3A_444 = arith.constant 0 : i32
                %dma_wait3A_445 = tpu.memref_slice %arg6[%dma_wait3A_443, %dma_wait3A_444] : memref<8208x128xf32, #tpu.memory_space<vmem_shared>> -> memref<8208x128xf32, #tpu.memory_space<vmem_shared>>
                tpu.wait_indirect_dma semaphore(%arg19 : memref<!tpu.dma_semaphore, #tpu.memory_space<semaphore_mem>>) src(%arg13 : memref<128x128xf32, #tpu.memory_space<vmem>>) dst(%dma_wait3A_445 : memref<8208x128xf32, #tpu.memory_space<vmem_shared>>)
              } else {
              }
              %and3A_432 = arith.constant 1 : i32
              %and3A_433 = arith.andi %sub3A_424, %and3A_432 : i32
              %eq3A_434 = arith.constant 1 : i32
              %eq3A_435 = arith.cmpi eq, %and3A_433, %eq3A_434 : i32
              %convert_element_type3A_436 = arith.extui %eq3A_435 : i1 to i32
              %cond3A_437 = arith.constant 0 : i32
              %cond3A_438 = arith.cmpi ne, %convert_element_type3A_436, %cond3A_437 : i32
              scf.if %cond3A_438 {
                %and3A_439 = arith.constant 15 : i32
                %and3A_440 = arith.andi %sub3A_424, %and3A_439 : i32
                %dma_wait3A = arith.constant 0 : i32
                %dma_wait3A_441 = tpu.memref_slice %arg12[%and3A_440, %dma_wait3A] : memref<16x128xi32, #tpu.memory_space<vmem>> -> memref<1x128xi32, #tpu.memory_space<vmem>>
                %dma_wait3A_442 = tpu.memref_squeeze %dma_wait3A_441 : memref<1x128xi32, #tpu.memory_space<vmem>> -> memref<128xi32, #tpu.memory_space<vmem>>
                %dma_wait3A_443 = arith.constant 0 : i32
                %dma_wait3A_444 = arith.constant 0 : i32
                %dma_wait3A_445 = tpu.memref_slice %arg6[%dma_wait3A_443, %dma_wait3A_444] : memref<8208x128xf32, #tpu.memory_space<vmem_shared>> -> memref<8208x128xf32, #tpu.memory_space<vmem_shared>>
                tpu.wait_indirect_dma semaphore(%arg20 : memref<!tpu.dma_semaphore, #tpu.memory_space<semaphore_mem>>) src(%arg14 : memref<128x128xf32, #tpu.memory_space<vmem>>) dst(%dma_wait3A_445 : memref<8208x128xf32, #tpu.memory_space<vmem_shared>>)
              } else {
              }
            } else {
            }
            %add3A_407 = arith.constant 1 : i32
            %add3A_408 = arith.addi %while3A_368, %add3A_407 : i32
            %and3A_409 = arith.constant 1 : i32
            %and3A_410 = arith.andi %add3A_408, %and3A_409 : i32
            %eq3A_411 = arith.constant 0 : i32
            %eq3A_412 = arith.cmpi eq, %and3A_410, %eq3A_411 : i32
            %convert_element_type3A_413 = arith.extui %eq3A_412 : i1 to i32
            %cond3A_414 = arith.constant 0 : i32
            %cond3A_415 = arith.cmpi ne, %convert_element_type3A_413, %cond3A_414 : i32
            scf.if %cond3A_415 {
              %and3A_423 = arith.constant 15 : i32
              %and3A_424 = arith.andi %add3A_408, %and3A_423 : i32
              %dma_start3A_425 = arith.constant 0 : i32
              %dma_start3A_426 = tpu.memref_slice %arg11[%and3A_424, %dma_start3A_425] : memref<16x128xi32, #tpu.memory_space<vmem>> -> memref<1x128xi32, #tpu.memory_space<vmem>>
              %dma_start3A_427 = tpu.memref_squeeze %dma_start3A_426 : memref<1x128xi32, #tpu.memory_space<vmem>> -> memref<128xi32, #tpu.memory_space<vmem>>
              %dma_start3A_428 = arith.constant 0 : i32
              %dma_start3A_429 = arith.constant 0 : i32
              %dma_start3A_430 = tpu.memref_slice %arg2[%dma_start3A_428, %dma_start3A_429] : memref<10000x128xf32, #tpu.memory_space<hbm>> -> memref<10000x128xf32, #tpu.memory_space<hbm>>
              tpu.enqueue_indirect_dma source(%dma_start3A_430 : memref<10000x128xf32, #tpu.memory_space<hbm>>) target(%arg13 : memref<128x128xf32, #tpu.memory_space<vmem>>) offsets(%dma_start3A_427 : memref<128xi32, #tpu.memory_space<vmem>>) semaphore(%arg15 : memref<!tpu.dma_semaphore, #tpu.memory_space<semaphore_mem>>)
            } else {
            }
            %and3A_416 = arith.constant 1 : i32
            %and3A_417 = arith.andi %add3A_408, %and3A_416 : i32
            %eq3A_418 = arith.constant 1 : i32
            %eq3A_419 = arith.cmpi eq, %and3A_417, %eq3A_418 : i32
            %convert_element_type3A_420 = arith.extui %eq3A_419 : i1 to i32
            %cond3A_421 = arith.constant 0 : i32
            %cond3A_422 = arith.cmpi ne, %convert_element_type3A_420, %cond3A_421 : i32
            scf.if %cond3A_422 {
              %and3A_423 = arith.constant 15 : i32
              %and3A_424 = arith.andi %add3A_408, %and3A_423 : i32
              %dma_start3A_425 = arith.constant 0 : i32
              %dma_start3A_426 = tpu.memref_slice %arg11[%and3A_424, %dma_start3A_425] : memref<16x128xi32, #tpu.memory_space<vmem>> -> memref<1x128xi32, #tpu.memory_space<vmem>>
              %dma_start3A_427 = tpu.memref_squeeze %dma_start3A_426 : memref<1x128xi32, #tpu.memory_space<vmem>> -> memref<128xi32, #tpu.memory_space<vmem>>
              %dma_start3A_428 = arith.constant 0 : i32
              %dma_start3A_429 = arith.constant 0 : i32
              %dma_start3A_430 = tpu.memref_slice %arg2[%dma_start3A_428, %dma_start3A_429] : memref<10000x128xf32, #tpu.memory_space<hbm>> -> memref<10000x128xf32, #tpu.memory_space<hbm>>
              tpu.enqueue_indirect_dma source(%dma_start3A_430 : memref<10000x128xf32, #tpu.memory_space<hbm>>) target(%arg14 : memref<128x128xf32, #tpu.memory_space<vmem>>) offsets(%dma_start3A_427 : memref<128xi32, #tpu.memory_space<vmem>>) semaphore(%arg16 : memref<!tpu.dma_semaphore, #tpu.memory_space<semaphore_mem>>)
            } else {
            }
          } else {
          }
          %and3A_375 = arith.constant 1 : i32
          %and3A_376 = arith.andi %while3A_368, %and3A_375 : i32
          %eq3A_377 = arith.constant 0 : i32
          %eq3A_378 = arith.cmpi eq, %and3A_376, %eq3A_377 : i32
          %convert_element_type3A_379 = arith.extui %eq3A_378 : i1 to i32
          %cond3A_380 = arith.constant 0 : i32
          %cond3A_381 = arith.cmpi ne, %convert_element_type3A_379, %cond3A_380 : i32
          scf.if %cond3A_381 {
            %and3A_403 = arith.constant 15 : i32
            %and3A_404 = arith.andi %while3A_368, %and3A_403 : i32
            %dma_wait3A = arith.constant 0 : i32
            %dma_wait3A_405 = tpu.memref_slice %arg11[%and3A_404, %dma_wait3A] : memref<16x128xi32, #tpu.memory_space<vmem>> -> memref<1x128xi32, #tpu.memory_space<vmem>>
            %dma_wait3A_406 = tpu.memref_squeeze %dma_wait3A_405 : memref<1x128xi32, #tpu.memory_space<vmem>> -> memref<128xi32, #tpu.memory_space<vmem>>
            %dma_wait3A_407 = arith.constant 0 : i32
            %dma_wait3A_408 = arith.constant 0 : i32
            %dma_wait3A_409 = tpu.memref_slice %arg2[%dma_wait3A_407, %dma_wait3A_408] : memref<10000x128xf32, #tpu.memory_space<hbm>> -> memref<10000x128xf32, #tpu.memory_space<hbm>>
            tpu.wait_indirect_dma semaphore(%arg15 : memref<!tpu.dma_semaphore, #tpu.memory_space<semaphore_mem>>) src(%dma_wait3A_409 : memref<10000x128xf32, #tpu.memory_space<hbm>>) dst(%arg13 : memref<128x128xf32, #tpu.memory_space<vmem>>)
          } else {
          }
          %and3A_382 = arith.constant 1 : i32
          %and3A_383 = arith.andi %while3A_368, %and3A_382 : i32
          %eq3A_384 = arith.constant 1 : i32
          %eq3A_385 = arith.cmpi eq, %and3A_383, %eq3A_384 : i32
          %convert_element_type3A_386 = arith.extui %eq3A_385 : i1 to i32
          %cond3A_387 = arith.constant 0 : i32
          %cond3A_388 = arith.cmpi ne, %convert_element_type3A_386, %cond3A_387 : i32
          scf.if %cond3A_388 {
            %and3A_403 = arith.constant 15 : i32
            %and3A_404 = arith.andi %while3A_368, %and3A_403 : i32
            %dma_wait3A = arith.constant 0 : i32
            %dma_wait3A_405 = tpu.memref_slice %arg11[%and3A_404, %dma_wait3A] : memref<16x128xi32, #tpu.memory_space<vmem>> -> memref<1x128xi32, #tpu.memory_space<vmem>>
            %dma_wait3A_406 = tpu.memref_squeeze %dma_wait3A_405 : memref<1x128xi32, #tpu.memory_space<vmem>> -> memref<128xi32, #tpu.memory_space<vmem>>
            %dma_wait3A_407 = arith.constant 0 : i32
            %dma_wait3A_408 = arith.constant 0 : i32
            %dma_wait3A_409 = tpu.memref_slice %arg2[%dma_wait3A_407, %dma_wait3A_408] : memref<10000x128xf32, #tpu.memory_space<hbm>> -> memref<10000x128xf32, #tpu.memory_space<hbm>>
            tpu.wait_indirect_dma semaphore(%arg16 : memref<!tpu.dma_semaphore, #tpu.memory_space<semaphore_mem>>) src(%dma_wait3A_409 : memref<10000x128xf32, #tpu.memory_space<hbm>>) dst(%arg14 : memref<128x128xf32, #tpu.memory_space<vmem>>)
          } else {
          }
          %and3A_389 = arith.constant 1 : i32
          %and3A_390 = arith.andi %while3A_368, %and3A_389 : i32
          %eq3A_391 = arith.constant 0 : i32
          %eq3A_392 = arith.cmpi eq, %and3A_390, %eq3A_391 : i32
          %convert_element_type3A_393 = arith.extui %eq3A_392 : i1 to i32
          %cond3A_394 = arith.constant 0 : i32
          %cond3A_395 = arith.cmpi ne, %convert_element_type3A_393, %cond3A_394 : i32
          scf.if %cond3A_395 {
            %and3A_403 = arith.constant 15 : i32
            %and3A_404 = arith.andi %while3A_368, %and3A_403 : i32
            %dma_start3A_405 = arith.constant 0 : i32
            %dma_start3A_406 = tpu.memref_slice %arg12[%and3A_404, %dma_start3A_405] : memref<16x128xi32, #tpu.memory_space<vmem>> -> memref<1x128xi32, #tpu.memory_space<vmem>>
            %dma_start3A_407 = tpu.memref_squeeze %dma_start3A_406 : memref<1x128xi32, #tpu.memory_space<vmem>> -> memref<128xi32, #tpu.memory_space<vmem>>
            %dma_start3A_408 = arith.constant 0 : i32
            %dma_start3A_409 = arith.constant 0 : i32
            %dma_start3A_410 = tpu.memref_slice %arg6[%dma_start3A_408, %dma_start3A_409] : memref<8208x128xf32, #tpu.memory_space<vmem_shared>> -> memref<8208x128xf32, #tpu.memory_space<vmem_shared>>
            tpu.enqueue_indirect_dma source(%arg13 : memref<128x128xf32, #tpu.memory_space<vmem>>) target(%dma_start3A_410 : memref<8208x128xf32, #tpu.memory_space<vmem_shared>>) offsets(%dma_start3A_407 : memref<128xi32, #tpu.memory_space<vmem>>) semaphore(%arg19 : memref<!tpu.dma_semaphore, #tpu.memory_space<semaphore_mem>>) {add = true}
          } else {
          }
          %and3A_396 = arith.constant 1 : i32
          %and3A_397 = arith.andi %while3A_368, %and3A_396 : i32
          %eq3A_398 = arith.constant 1 : i32
          %eq3A_399 = arith.cmpi eq, %and3A_397, %eq3A_398 : i32
          %convert_element_type3A_400 = arith.extui %eq3A_399 : i1 to i32
          %cond3A_401 = arith.constant 0 : i32
          %cond3A_402 = arith.cmpi ne, %convert_element_type3A_400, %cond3A_401 : i32
          scf.if %cond3A_402 {
            %and3A_403 = arith.constant 15 : i32
            %and3A_404 = arith.andi %while3A_368, %and3A_403 : i32
            %dma_start3A_405 = arith.constant 0 : i32
            %dma_start3A_406 = tpu.memref_slice %arg12[%and3A_404, %dma_start3A_405] : memref<16x128xi32, #tpu.memory_space<vmem>> -> memref<1x128xi32, #tpu.memory_space<vmem>>
            %dma_start3A_407 = tpu.memref_squeeze %dma_start3A_406 : memref<1x128xi32, #tpu.memory_space<vmem>> -> memref<128xi32, #tpu.memory_space<vmem>>
            %dma_start3A_408 = arith.constant 0 : i32
            %dma_start3A_409 = arith.constant 0 : i32
            %dma_start3A_410 = tpu.memref_slice %arg6[%dma_start3A_408, %dma_start3A_409] : memref<8208x128xf32, #tpu.memory_space<vmem_shared>> -> memref<8208x128xf32, #tpu.memory_space<vmem_shared>>
            tpu.enqueue_indirect_dma source(%arg14 : memref<128x128xf32, #tpu.memory_space<vmem>>) target(%dma_start3A_410 : memref<8208x128xf32, #tpu.memory_space<vmem_shared>>) offsets(%dma_start3A_407 : memref<128xi32, #tpu.memory_space<vmem>>) semaphore(%arg20 : memref<!tpu.dma_semaphore, #tpu.memory_space<semaphore_mem>>) {add = true}
          } else {
          }
        }
        %sub3A_346 = arith.constant 1 : i32
        %sub3A_347 = arith.subi %select_n3A, %sub3A_346 : i32
        %and3A_348 = arith.constant 1 : i32
        %and3A_349 = arith.andi %sub3A_347, %and3A_348 : i32
        %eq3A_350 = arith.constant 0 : i32
        %eq3A_351 = arith.cmpi eq, %and3A_349, %eq3A_350 : i32
        %convert_element_type3A_352 = arith.extui %eq3A_351 : i1 to i32
        %cond3A_353 = arith.constant 0 : i32
        %cond3A_354 = arith.cmpi ne, %convert_element_type3A_352, %cond3A_353 : i32
        scf.if %cond3A_354 {
          %and3A_368 = arith.constant 15 : i32
          %and3A_369 = arith.andi %sub3A_347, %and3A_368 : i32
          %dma_wait3A = arith.constant 0 : i32
          %dma_wait3A_370 = tpu.memref_slice %arg12[%and3A_369, %dma_wait3A] : memref<16x128xi32, #tpu.memory_space<vmem>> -> memref<1x128xi32, #tpu.memory_space<vmem>>
          %dma_wait3A_371 = tpu.memref_squeeze %dma_wait3A_370 : memref<1x128xi32, #tpu.memory_space<vmem>> -> memref<128xi32, #tpu.memory_space<vmem>>
          %dma_wait3A_372 = arith.constant 0 : i32
          %dma_wait3A_373 = arith.constant 0 : i32
          %dma_wait3A_374 = tpu.memref_slice %arg6[%dma_wait3A_372, %dma_wait3A_373] : memref<8208x128xf32, #tpu.memory_space<vmem_shared>> -> memref<8208x128xf32, #tpu.memory_space<vmem_shared>>
          tpu.wait_indirect_dma semaphore(%arg19 : memref<!tpu.dma_semaphore, #tpu.memory_space<semaphore_mem>>) src(%arg13 : memref<128x128xf32, #tpu.memory_space<vmem>>) dst(%dma_wait3A_374 : memref<8208x128xf32, #tpu.memory_space<vmem_shared>>)
        } else {
        }
        %and3A_355 = arith.constant 1 : i32
        %and3A_356 = arith.andi %sub3A_347, %and3A_355 : i32
        %eq3A_357 = arith.constant 1 : i32
        %eq3A_358 = arith.cmpi eq, %and3A_356, %eq3A_357 : i32
        %convert_element_type3A_359 = arith.extui %eq3A_358 : i1 to i32
        %cond3A_360 = arith.constant 0 : i32
        %cond3A_361 = arith.cmpi ne, %convert_element_type3A_359, %cond3A_360 : i32
        scf.if %cond3A_361 {
          %and3A_368 = arith.constant 15 : i32
          %and3A_369 = arith.andi %sub3A_347, %and3A_368 : i32
          %dma_wait3A = arith.constant 0 : i32
          %dma_wait3A_370 = tpu.memref_slice %arg12[%and3A_369, %dma_wait3A] : memref<16x128xi32, #tpu.memory_space<vmem>> -> memref<1x128xi32, #tpu.memory_space<vmem>>
          %dma_wait3A_371 = tpu.memref_squeeze %dma_wait3A_370 : memref<1x128xi32, #tpu.memory_space<vmem>> -> memref<128xi32, #tpu.memory_space<vmem>>
          %dma_wait3A_372 = arith.constant 0 : i32
          %dma_wait3A_373 = arith.constant 0 : i32
          %dma_wait3A_374 = tpu.memref_slice %arg6[%dma_wait3A_372, %dma_wait3A_373] : memref<8208x128xf32, #tpu.memory_space<vmem_shared>> -> memref<8208x128xf32, #tpu.memory_space<vmem_shared>>
          tpu.wait_indirect_dma semaphore(%arg20 : memref<!tpu.dma_semaphore, #tpu.memory_space<semaphore_mem>>) src(%arg14 : memref<128x128xf32, #tpu.memory_space<vmem>>) dst(%dma_wait3A_374 : memref<8208x128xf32, #tpu.memory_space<vmem_shared>>)
        } else {
        }
        %sub3A_362 = arith.constant 1 : i32
        %sub3A_363 = arith.subi %select_n3A, %sub3A_362 : i32
        %gt3A_364 = arith.cmpi sgt, %sub3A_363, %scan3A_51#1 : i32
        %convert_element_type3A_365 = arith.extui %gt3A_364 : i1 to i32
        %cond3A_366 = arith.constant 0 : i32
        %cond3A_367 = arith.cmpi ne, %convert_element_type3A_365, %cond3A_366 : i32
        scf.if %cond3A_367 {
          %sub3A_368 = arith.constant 2 : i32
          %sub3A_369 = arith.subi %select_n3A, %sub3A_368 : i32
          %and3A_370 = arith.constant 1 : i32
          %and3A_371 = arith.andi %sub3A_369, %and3A_370 : i32
          %eq3A_372 = arith.constant 0 : i32
          %eq3A_373 = arith.cmpi eq, %and3A_371, %eq3A_372 : i32
          %convert_element_type3A_374 = arith.extui %eq3A_373 : i1 to i32
          %cond3A_375 = arith.constant 0 : i32
          %cond3A_376 = arith.cmpi ne, %convert_element_type3A_374, %cond3A_375 : i32
          scf.if %cond3A_376 {
            %and3A_384 = arith.constant 15 : i32
            %and3A_385 = arith.andi %sub3A_369, %and3A_384 : i32
            %dma_wait3A = arith.constant 0 : i32
            %dma_wait3A_386 = tpu.memref_slice %arg12[%and3A_385, %dma_wait3A] : memref<16x128xi32, #tpu.memory_space<vmem>> -> memref<1x128xi32, #tpu.memory_space<vmem>>
            %dma_wait3A_387 = tpu.memref_squeeze %dma_wait3A_386 : memref<1x128xi32, #tpu.memory_space<vmem>> -> memref<128xi32, #tpu.memory_space<vmem>>
            %dma_wait3A_388 = arith.constant 0 : i32
            %dma_wait3A_389 = arith.constant 0 : i32
            %dma_wait3A_390 = tpu.memref_slice %arg6[%dma_wait3A_388, %dma_wait3A_389] : memref<8208x128xf32, #tpu.memory_space<vmem_shared>> -> memref<8208x128xf32, #tpu.memory_space<vmem_shared>>
            tpu.wait_indirect_dma semaphore(%arg19 : memref<!tpu.dma_semaphore, #tpu.memory_space<semaphore_mem>>) src(%arg13 : memref<128x128xf32, #tpu.memory_space<vmem>>) dst(%dma_wait3A_390 : memref<8208x128xf32, #tpu.memory_space<vmem_shared>>)
          } else {
          }
          %and3A_377 = arith.constant 1 : i32
          %and3A_378 = arith.andi %sub3A_369, %and3A_377 : i32
          %eq3A_379 = arith.constant 1 : i32
          %eq3A_380 = arith.cmpi eq, %and3A_378, %eq3A_379 : i32
          %convert_element_type3A_381 = arith.extui %eq3A_380 : i1 to i32
          %cond3A_382 = arith.constant 0 : i32
          %cond3A_383 = arith.cmpi ne, %convert_element_type3A_381, %cond3A_382 : i32
          scf.if %cond3A_383 {
            %and3A_384 = arith.constant 15 : i32
            %and3A_385 = arith.andi %sub3A_369, %and3A_384 : i32
            %dma_wait3A = arith.constant 0 : i32
            %dma_wait3A_386 = tpu.memref_slice %arg12[%and3A_385, %dma_wait3A] : memref<16x128xi32, #tpu.memory_space<vmem>> -> memref<1x128xi32, #tpu.memory_space<vmem>>
            %dma_wait3A_387 = tpu.memref_squeeze %dma_wait3A_386 : memref<1x128xi32, #tpu.memory_space<vmem>> -> memref<128xi32, #tpu.memory_space<vmem>>
            %dma_wait3A_388 = arith.constant 0 : i32
            %dma_wait3A_389 = arith.constant 0 : i32
            %dma_wait3A_390 = tpu.memref_slice %arg6[%dma_wait3A_388, %dma_wait3A_389] : memref<8208x128xf32, #tpu.memory_space<vmem_shared>> -> memref<8208x128xf32, #tpu.memory_space<vmem_shared>>
            tpu.wait_indirect_dma semaphore(%arg20 : memref<!tpu.dma_semaphore, #tpu.memory_space<semaphore_mem>>) src(%arg14 : memref<128x128xf32, #tpu.memory_space<vmem>>) dst(%dma_wait3A_390 : memref<8208x128xf32, #tpu.memory_space<vmem_shared>>)
          } else {
          }
        } else {
        }
      } else {
      }
      %barrier3A_321 = arith.constant 0 : index
      tpu.barrier barrier_id(%barrier3A_321)
      %mul3A_322 = arith.constant 8192 : i32
      %mul3A_323 = arith.muli %add3A, %mul3A_322 : i32
      %add3A_324 = arith.addi %mul3A_323, %mul3A_5 : i32
      "tpu.region"() ({
        %run_scoped3A = tpu.sem_alloc : memref<!tpu.dma_semaphore, #tpu.memory_space<semaphore_mem>>
        %dma_start3A_325 = arith.constant 0 : i32
        %dma_start3A_326 = tpu.memref_slice %arg5[%add3A_324, %dma_start3A_325] : memref<81920x128xf32, #tpu.memory_space<hbm>> -> memref<512x128xf32, #tpu.memory_space<hbm>>
        %dma_start3A_327 = arith.constant 0 : i32
        %dma_start3A_328 = tpu.memref_slice %arg6[%mul3A_5, %dma_start3A_327] : memref<8208x128xf32, #tpu.memory_space<vmem_shared>> -> memref<512x128xf32, #tpu.memory_space<vmem_shared>>
        tpu.enqueue_dma source(%dma_start3A_328 : memref<512x128xf32, #tpu.memory_space<vmem_shared>>) target(%dma_start3A_326 : memref<512x128xf32, #tpu.memory_space<hbm>>) target_semaphore(%run_scoped3A : memref<!tpu.dma_semaphore, #tpu.memory_space<semaphore_mem>>)
        %dma_wait3A = arith.constant 0 : i32
        %dma_wait3A_329 = tpu.memref_slice %arg5[%add3A_324, %dma_wait3A] : memref<81920x128xf32, #tpu.memory_space<hbm>> -> memref<512x128xf32, #tpu.memory_space<hbm>>
        %dma_wait3A_330 = arith.constant 0 : i32
        %dma_wait3A_331 = tpu.memref_slice %arg6[%mul3A_5, %dma_wait3A_330] : memref<8208x128xf32, #tpu.memory_space<vmem_shared>> -> memref<512x128xf32, #tpu.memory_space<vmem_shared>>
        tpu.wait_dma2 semaphore(%run_scoped3A : memref<!tpu.dma_semaphore, #tpu.memory_space<semaphore_mem>>) src(%dma_wait3A_331 : memref<512x128xf32, #tpu.memory_space<vmem_shared>>) dst(%dma_wait3A_329 : memref<512x128xf32, #tpu.memory_space<hbm>>)
        tpu.yield
      }) : () -> ()
    }
    %scan3A_10 = arith.constant 5 : i32
    return
  }
}

#map = affine_map<(d0, d1) -> (0)>
#map1 = affine_map<(d0, d1) -> (0, 0)>
module attributes {stable_mosaic.version = 14 : i64} {
  func.func @_sc_body(%arg0: i32, %arg1: i32, %arg2: memref<320000xi32, #tpu.memory_space<hbm>>, %arg3: memref<81920x128xf32, #tpu.memory_space<hbm>>, %arg4: memref<8208x128xf32, #tpu.memory_space<vmem_shared>>, %arg5: memref<800xi32, #tpu.memory_space<vmem>>, %arg6: memref<800xi32, #tpu.memory_space<vmem>>, %arg7: memref<16x128xi32, #tpu.memory_space<vmem>>, %arg8: memref<128x128xf32, #tpu.memory_space<vmem>>, %arg9: memref<!tpu.dma_semaphore, #tpu.memory_space<semaphore_mem>>, %arg10: memref<!tpu.dma_semaphore, #tpu.memory_space<semaphore_mem>>, %arg11: memref<!tpu.dma_semaphore, #tpu.memory_space<semaphore_mem>>) attributes {dimension_semantics = [#tpu.dimension_semantics<core_parallel>, #tpu.dimension_semantics<subcore_parallel>], iteration_bounds = array<i64: 2, 16>, scalar_prefetch = 0 : i64, scratch_operands = 8 : i64, tpu.core_type = #tpu.core_type<sc_vector_subcore>, window_params = [{transform_indices = #map}, {transform_indices = #map1}]} {
    %iota3A = tpu.iota {dimensions = array<i32: 0>} : vector<16xi32>
    %broadcast_in_dim3A = arith.constant 0.000000e+00 : f32
    %broadcast_in_dim3A_0 = vector.broadcast %broadcast_in_dim3A : f32 to vector<16xf32>
    %broadcast_in_dim3A_1 = arith.constant 1.000000e+00 : f32
    %broadcast_in_dim3A_2 = vector.broadcast %broadcast_in_dim3A_1 : f32 to vector<16xf32>
    %mul3A = arith.constant 20000 : i32
    %mul3A_3 = arith.muli %arg1, %mul3A : i32
    %mul3A_4 = arith.constant 512 : i32
    %mul3A_5 = arith.muli %arg1, %mul3A_4 : i32
    %scan3A = arith.constant 0 : i32
    %scan3A_6 = arith.constant 0 : i32
    %scan3A_7 = arith.constant 5 : i32
    %scan3A_8 = arith.addi %scan3A_6, %scan3A_7 : i32
    %scan3A_9 = arith.constant 1 : i32
    scf.for %scan3A_11 = %scan3A_6 to %scan3A_8 step %scan3A_9  : i32 {
      %mul3A_12 = arith.constant 5 : i32
      %mul3A_13 = arith.muli %arg0, %mul3A_12 : i32
      %add3A = arith.addi %mul3A_13, %scan3A_11 : i32
      %mul3A_14 = arith.constant 1024 : i32
      %mul3A_15 = arith.muli %add3A, %mul3A_14 : i32
      %scan3A_16 = arith.constant 0 : i32
      %scan3A_17 = arith.constant 0 : i32
      %scan3A_18 = arith.constant 64 : i32
      %scan3A_19 = arith.addi %scan3A_17, %scan3A_18 : i32
      %scan3A_20 = arith.constant 1 : i32
      scf.for %scan3A_275 = %scan3A_17 to %scan3A_19 step %scan3A_20  : i32 {
        %swap3A = arith.index_cast %scan3A_275 : i32 to index
        %swap3A_276 = arith.constant 0 : index
        %swap3A_277 = tpu.vector_load %arg8[%swap3A, %swap3A_276] {strides = array<i32>} : memref<128x128xf32, #tpu.memory_space<vmem>>, vector<16xf32>,
        tpu.vector_store %arg8[%swap3A, %swap3A_276], %broadcast_in_dim3A_0 {strides = array<i32>} : memref<128x128xf32, #tpu.memory_space<vmem>>, vector<16xf32>,
        %swap3A_278 = arith.index_cast %scan3A_275 : i32 to index
        %swap3A_279 = arith.constant 16 : index
        %swap3A_280 = tpu.vector_load %arg8[%swap3A_278, %swap3A_279] {strides = array<i32>} : memref<128x128xf32, #tpu.memory_space<vmem>>, vector<16xf32>,
        tpu.vector_store %arg8[%swap3A_278, %swap3A_279], %broadcast_in_dim3A_0 {strides = array<i32>} : memref<128x128xf32, #tpu.memory_space<vmem>>, vector<16xf32>,
        %swap3A_281 = arith.index_cast %scan3A_275 : i32 to index
        %swap3A_282 = arith.constant 32 : index
        %swap3A_283 = tpu.vector_load %arg8[%swap3A_281, %swap3A_282] {strides = array<i32>} : memref<128x128xf32, #tpu.memory_space<vmem>>, vector<16xf32>,
        tpu.vector_store %arg8[%swap3A_281, %swap3A_282], %broadcast_in_dim3A_0 {strides = array<i32>} : memref<128x128xf32, #tpu.memory_space<vmem>>, vector<16xf32>,
        %swap3A_284 = arith.index_cast %scan3A_275 : i32 to index
        %swap3A_285 = arith.constant 48 : index
        %swap3A_286 = tpu.vector_load %arg8[%swap3A_284, %swap3A_285] {strides = array<i32>} : memref<128x128xf32, #tpu.memory_space<vmem>>, vector<16xf32>,
        tpu.vector_store %arg8[%swap3A_284, %swap3A_285], %broadcast_in_dim3A_0 {strides = array<i32>} : memref<128x128xf32, #tpu.memory_space<vmem>>, vector<16xf32>,
        %swap3A_287 = arith.index_cast %scan3A_275 : i32 to index
        %swap3A_288 = arith.constant 64 : index
        %swap3A_289 = tpu.vector_load %arg8[%swap3A_287, %swap3A_288] {strides = array<i32>} : memref<128x128xf32, #tpu.memory_space<vmem>>, vector<16xf32>,
        tpu.vector_store %arg8[%swap3A_287, %swap3A_288], %broadcast_in_dim3A_0 {strides = array<i32>} : memref<128x128xf32, #tpu.memory_space<vmem>>, vector<16xf32>,
        %swap3A_290 = arith.index_cast %scan3A_275 : i32 to index
        %swap3A_291 = arith.constant 80 : index
        %swap3A_292 = tpu.vector_load %arg8[%swap3A_290, %swap3A_291] {strides = array<i32>} : memref<128x128xf32, #tpu.memory_space<vmem>>, vector<16xf32>,
        tpu.vector_store %arg8[%swap3A_290, %swap3A_291], %broadcast_in_dim3A_0 {strides = array<i32>} : memref<128x128xf32, #tpu.memory_space<vmem>>, vector<16xf32>,
        %swap3A_293 = arith.index_cast %scan3A_275 : i32 to index
        %swap3A_294 = arith.constant 96 : index
        %swap3A_295 = tpu.vector_load %arg8[%swap3A_293, %swap3A_294] {strides = array<i32>} : memref<128x128xf32, #tpu.memory_space<vmem>>, vector<16xf32>,
        tpu.vector_store %arg8[%swap3A_293, %swap3A_294], %broadcast_in_dim3A_0 {strides = array<i32>} : memref<128x128xf32, #tpu.memory_space<vmem>>, vector<16xf32>,
        %swap3A_296 = arith.index_cast %scan3A_275 : i32 to index
        %swap3A_297 = arith.constant 112 : index
        %swap3A_298 = tpu.vector_load %arg8[%swap3A_296, %swap3A_297] {strides = array<i32>} : memref<128x128xf32, #tpu.memory_space<vmem>>, vector<16xf32>,
        tpu.vector_store %arg8[%swap3A_296, %swap3A_297], %broadcast_in_dim3A_0 {strides = array<i32>} : memref<128x128xf32, #tpu.memory_space<vmem>>, vector<16xf32>,
      }
      %scan3A_21 = arith.constant 64 : i32
      %add3A_22 = arith.constant 0 : i32
      %add3A_23 = arith.addi %mul3A_5, %add3A_22 : i32
      "tpu.region"() ({
        %run_scoped3A = tpu.sem_alloc : memref<!tpu.dma_semaphore, #tpu.memory_space<semaphore_mem>>
        %dma_start3A_275 = arith.constant 0 : i32
        %dma_start3A_276 = arith.constant 0 : i32
        %dma_start3A_277 = tpu.memref_slice %arg8[%dma_start3A_275, %dma_start3A_276] : memref<128x128xf32, #tpu.memory_space<vmem>> -> memref<64x128xf32, #tpu.memory_space<vmem>>
        %dma_start3A_278 = arith.constant 0 : i32
        %dma_start3A_279 = tpu.memref_slice %arg4[%add3A_23, %dma_start3A_278] : memref<8208x128xf32, #tpu.memory_space<vmem_shared>> -> memref<64x128xf32, #tpu.memory_space<vmem_shared>>
        %dma_start3A_280 = arith.constant 0 : i32
        %dma_start3A_281 = tpu.memref_slice %arg4[%add3A_23, %dma_start3A_280] : memref<8208x128xf32, #tpu.memory_space<vmem_shared>> -> memref<64x128xf32, #tpu.memory_space<vmem_shared>>
        %dma_start3A_282 = arith.constant 0 : i32
        %dma_start3A_283 = arith.constant 0 : i32
        %dma_start3A_284 = tpu.memref_slice %arg8[%dma_start3A_282, %dma_start3A_283] : memref<128x128xf32, #tpu.memory_space<vmem>> -> memref<64x128xf32, #tpu.memory_space<vmem>>
        tpu.enqueue_dma source(%dma_start3A_284 : memref<64x128xf32, #tpu.memory_space<vmem>>) target(%dma_start3A_281 : memref<64x128xf32, #tpu.memory_space<vmem_shared>>) target_semaphore(%run_scoped3A : memref<!tpu.dma_semaphore, #tpu.memory_space<semaphore_mem>>)
        %dma_wait3A = arith.constant 0 : i32
        %dma_wait3A_285 = arith.constant 0 : i32
        %dma_wait3A_286 = tpu.memref_slice %arg8[%dma_wait3A, %dma_wait3A_285] : memref<128x128xf32, #tpu.memory_space<vmem>> -> memref<64x128xf32, #tpu.memory_space<vmem>>
        %dma_wait3A_287 = arith.constant 0 : i32
        %dma_wait3A_288 = tpu.memref_slice %arg4[%add3A_23, %dma_wait3A_287] : memref<8208x128xf32, #tpu.memory_space<vmem_shared>> -> memref<64x128xf32, #tpu.memory_space<vmem_shared>>
        %dma_wait3A_289 = arith.constant 0 : i32
        %dma_wait3A_290 = tpu.memref_slice %arg4[%add3A_23, %dma_wait3A_289] : memref<8208x128xf32, #tpu.memory_space<vmem_shared>> -> memref<64x128xf32, #tpu.memory_space<vmem_shared>>
        %dma_wait3A_291 = arith.constant 0 : i32
        %dma_wait3A_292 = arith.constant 0 : i32
        %dma_wait3A_293 = tpu.memref_slice %arg8[%dma_wait3A_291, %dma_wait3A_292] : memref<128x128xf32, #tpu.memory_space<vmem>> -> memref<64x128xf32, #tpu.memory_space<vmem>>
        tpu.wait_dma2 semaphore(%run_scoped3A : memref<!tpu.dma_semaphore, #tpu.memory_space<semaphore_mem>>) src(%dma_wait3A_293 : memref<64x128xf32, #tpu.memory_space<vmem>>) dst(%dma_wait3A_290 : memref<64x128xf32, #tpu.memory_space<vmem_shared>>)
        tpu.yield
      }) : () -> ()
      %add3A_24 = arith.constant 64 : i32
      %add3A_25 = arith.addi %mul3A_5, %add3A_24 : i32
      "tpu.region"() ({
        %run_scoped3A = tpu.sem_alloc : memref<!tpu.dma_semaphore, #tpu.memory_space<semaphore_mem>>
        %dma_start3A_275 = arith.constant 0 : i32
        %dma_start3A_276 = arith.constant 0 : i32
        %dma_start3A_277 = tpu.memref_slice %arg8[%dma_start3A_275, %dma_start3A_276] : memref<128x128xf32, #tpu.memory_space<vmem>> -> memref<64x128xf32, #tpu.memory_space<vmem>>
        %dma_start3A_278 = arith.constant 0 : i32
        %dma_start3A_279 = tpu.memref_slice %arg4[%add3A_25, %dma_start3A_278] : memref<8208x128xf32, #tpu.memory_space<vmem_shared>> -> memref<64x128xf32, #tpu.memory_space<vmem_shared>>
        %dma_start3A_280 = arith.constant 0 : i32
        %dma_start3A_281 = tpu.memref_slice %arg4[%add3A_25, %dma_start3A_280] : memref<8208x128xf32, #tpu.memory_space<vmem_shared>> -> memref<64x128xf32, #tpu.memory_space<vmem_shared>>
        %dma_start3A_282 = arith.constant 0 : i32
        %dma_start3A_283 = arith.constant 0 : i32
        %dma_start3A_284 = tpu.memref_slice %arg8[%dma_start3A_282, %dma_start3A_283] : memref<128x128xf32, #tpu.memory_space<vmem>> -> memref<64x128xf32, #tpu.memory_space<vmem>>
        tpu.enqueue_dma source(%dma_start3A_284 : memref<64x128xf32, #tpu.memory_space<vmem>>) target(%dma_start3A_281 : memref<64x128xf32, #tpu.memory_space<vmem_shared>>) target_semaphore(%run_scoped3A : memref<!tpu.dma_semaphore, #tpu.memory_space<semaphore_mem>>)
        %dma_wait3A = arith.constant 0 : i32
        %dma_wait3A_285 = arith.constant 0 : i32
        %dma_wait3A_286 = tpu.memref_slice %arg8[%dma_wait3A, %dma_wait3A_285] : memref<128x128xf32, #tpu.memory_space<vmem>> -> memref<64x128xf32, #tpu.memory_space<vmem>>
        %dma_wait3A_287 = arith.constant 0 : i32
        %dma_wait3A_288 = tpu.memref_slice %arg4[%add3A_25, %dma_wait3A_287] : memref<8208x128xf32, #tpu.memory_space<vmem_shared>> -> memref<64x128xf32, #tpu.memory_space<vmem_shared>>
        %dma_wait3A_289 = arith.constant 0 : i32
        %dma_wait3A_290 = tpu.memref_slice %arg4[%add3A_25, %dma_wait3A_289] : memref<8208x128xf32, #tpu.memory_space<vmem_shared>> -> memref<64x128xf32, #tpu.memory_space<vmem_shared>>
        %dma_wait3A_291 = arith.constant 0 : i32
        %dma_wait3A_292 = arith.constant 0 : i32
        %dma_wait3A_293 = tpu.memref_slice %arg8[%dma_wait3A_291, %dma_wait3A_292] : memref<128x128xf32, #tpu.memory_space<vmem>> -> memref<64x128xf32, #tpu.memory_space<vmem>>
        tpu.wait_dma2 semaphore(%run_scoped3A : memref<!tpu.dma_semaphore, #tpu.memory_space<semaphore_mem>>) src(%dma_wait3A_293 : memref<64x128xf32, #tpu.memory_space<vmem>>) dst(%dma_wait3A_290 : memref<64x128xf32, #tpu.memory_space<vmem_shared>>)
        tpu.yield
      }) : () -> ()
      %add3A_26 = arith.constant 128 : i32
      %add3A_27 = arith.addi %mul3A_5, %add3A_26 : i32
      "tpu.region"() ({
        %run_scoped3A = tpu.sem_alloc : memref<!tpu.dma_semaphore, #tpu.memory_space<semaphore_mem>>
        %dma_start3A_275 = arith.constant 0 : i32
        %dma_start3A_276 = arith.constant 0 : i32
        %dma_start3A_277 = tpu.memref_slice %arg8[%dma_start3A_275, %dma_start3A_276] : memref<128x128xf32, #tpu.memory_space<vmem>> -> memref<64x128xf32, #tpu.memory_space<vmem>>
        %dma_start3A_278 = arith.constant 0 : i32
        %dma_start3A_279 = tpu.memref_slice %arg4[%add3A_27, %dma_start3A_278] : memref<8208x128xf32, #tpu.memory_space<vmem_shared>> -> memref<64x128xf32, #tpu.memory_space<vmem_shared>>
        %dma_start3A_280 = arith.constant 0 : i32
        %dma_start3A_281 = tpu.memref_slice %arg4[%add3A_27, %dma_start3A_280] : memref<8208x128xf32, #tpu.memory_space<vmem_shared>> -> memref<64x128xf32, #tpu.memory_space<vmem_shared>>
        %dma_start3A_282 = arith.constant 0 : i32
        %dma_start3A_283 = arith.constant 0 : i32
        %dma_start3A_284 = tpu.memref_slice %arg8[%dma_start3A_282, %dma_start3A_283] : memref<128x128xf32, #tpu.memory_space<vmem>> -> memref<64x128xf32, #tpu.memory_space<vmem>>
        tpu.enqueue_dma source(%dma_start3A_284 : memref<64x128xf32, #tpu.memory_space<vmem>>) target(%dma_start3A_281 : memref<64x128xf32, #tpu.memory_space<vmem_shared>>) target_semaphore(%run_scoped3A : memref<!tpu.dma_semaphore, #tpu.memory_space<semaphore_mem>>)
        %dma_wait3A = arith.constant 0 : i32
        %dma_wait3A_285 = arith.constant 0 : i32
        %dma_wait3A_286 = tpu.memref_slice %arg8[%dma_wait3A, %dma_wait3A_285] : memref<128x128xf32, #tpu.memory_space<vmem>> -> memref<64x128xf32, #tpu.memory_space<vmem>>
        %dma_wait3A_287 = arith.constant 0 : i32
        %dma_wait3A_288 = tpu.memref_slice %arg4[%add3A_27, %dma_wait3A_287] : memref<8208x128xf32, #tpu.memory_space<vmem_shared>> -> memref<64x128xf32, #tpu.memory_space<vmem_shared>>
        %dma_wait3A_289 = arith.constant 0 : i32
        %dma_wait3A_290 = tpu.memref_slice %arg4[%add3A_27, %dma_wait3A_289] : memref<8208x128xf32, #tpu.memory_space<vmem_shared>> -> memref<64x128xf32, #tpu.memory_space<vmem_shared>>
        %dma_wait3A_291 = arith.constant 0 : i32
        %dma_wait3A_292 = arith.constant 0 : i32
        %dma_wait3A_293 = tpu.memref_slice %arg8[%dma_wait3A_291, %dma_wait3A_292] : memref<128x128xf32, #tpu.memory_space<vmem>> -> memref<64x128xf32, #tpu.memory_space<vmem>>
        tpu.wait_dma2 semaphore(%run_scoped3A : memref<!tpu.dma_semaphore, #tpu.memory_space<semaphore_mem>>) src(%dma_wait3A_293 : memref<64x128xf32, #tpu.memory_space<vmem>>) dst(%dma_wait3A_290 : memref<64x128xf32, #tpu.memory_space<vmem_shared>>)
        tpu.yield
      }) : () -> ()
      %add3A_28 = arith.constant 192 : i32
      %add3A_29 = arith.addi %mul3A_5, %add3A_28 : i32
      "tpu.region"() ({
        %run_scoped3A = tpu.sem_alloc : memref<!tpu.dma_semaphore, #tpu.memory_space<semaphore_mem>>
        %dma_start3A_275 = arith.constant 0 : i32
        %dma_start3A_276 = arith.constant 0 : i32
        %dma_start3A_277 = tpu.memref_slice %arg8[%dma_start3A_275, %dma_start3A_276] : memref<128x128xf32, #tpu.memory_space<vmem>> -> memref<64x128xf32, #tpu.memory_space<vmem>>
        %dma_start3A_278 = arith.constant 0 : i32
        %dma_start3A_279 = tpu.memref_slice %arg4[%add3A_29, %dma_start3A_278] : memref<8208x128xf32, #tpu.memory_space<vmem_shared>> -> memref<64x128xf32, #tpu.memory_space<vmem_shared>>
        %dma_start3A_280 = arith.constant 0 : i32
        %dma_start3A_281 = tpu.memref_slice %arg4[%add3A_29, %dma_start3A_280] : memref<8208x128xf32, #tpu.memory_space<vmem_shared>> -> memref<64x128xf32, #tpu.memory_space<vmem_shared>>
        %dma_start3A_282 = arith.constant 0 : i32
        %dma_start3A_283 = arith.constant 0 : i32
        %dma_start3A_284 = tpu.memref_slice %arg8[%dma_start3A_282, %dma_start3A_283] : memref<128x128xf32, #tpu.memory_space<vmem>> -> memref<64x128xf32, #tpu.memory_space<vmem>>
        tpu.enqueue_dma source(%dma_start3A_284 : memref<64x128xf32, #tpu.memory_space<vmem>>) target(%dma_start3A_281 : memref<64x128xf32, #tpu.memory_space<vmem_shared>>) target_semaphore(%run_scoped3A : memref<!tpu.dma_semaphore, #tpu.memory_space<semaphore_mem>>)
        %dma_wait3A = arith.constant 0 : i32
        %dma_wait3A_285 = arith.constant 0 : i32
        %dma_wait3A_286 = tpu.memref_slice %arg8[%dma_wait3A, %dma_wait3A_285] : memref<128x128xf32, #tpu.memory_space<vmem>> -> memref<64x128xf32, #tpu.memory_space<vmem>>
        %dma_wait3A_287 = arith.constant 0 : i32
        %dma_wait3A_288 = tpu.memref_slice %arg4[%add3A_29, %dma_wait3A_287] : memref<8208x128xf32, #tpu.memory_space<vmem_shared>> -> memref<64x128xf32, #tpu.memory_space<vmem_shared>>
        %dma_wait3A_289 = arith.constant 0 : i32
        %dma_wait3A_290 = tpu.memref_slice %arg4[%add3A_29, %dma_wait3A_289] : memref<8208x128xf32, #tpu.memory_space<vmem_shared>> -> memref<64x128xf32, #tpu.memory_space<vmem_shared>>
        %dma_wait3A_291 = arith.constant 0 : i32
        %dma_wait3A_292 = arith.constant 0 : i32
        %dma_wait3A_293 = tpu.memref_slice %arg8[%dma_wait3A_291, %dma_wait3A_292] : memref<128x128xf32, #tpu.memory_space<vmem>> -> memref<64x128xf32, #tpu.memory_space<vmem>>
        tpu.wait_dma2 semaphore(%run_scoped3A : memref<!tpu.dma_semaphore, #tpu.memory_space<semaphore_mem>>) src(%dma_wait3A_293 : memref<64x128xf32, #tpu.memory_space<vmem>>) dst(%dma_wait3A_290 : memref<64x128xf32, #tpu.memory_space<vmem_shared>>)
        tpu.yield
      }) : () -> ()
      %add3A_30 = arith.constant 256 : i32
      %add3A_31 = arith.addi %mul3A_5, %add3A_30 : i32
      "tpu.region"() ({
        %run_scoped3A = tpu.sem_alloc : memref<!tpu.dma_semaphore, #tpu.memory_space<semaphore_mem>>
        %dma_start3A_275 = arith.constant 0 : i32
        %dma_start3A_276 = arith.constant 0 : i32
        %dma_start3A_277 = tpu.memref_slice %arg8[%dma_start3A_275, %dma_start3A_276] : memref<128x128xf32, #tpu.memory_space<vmem>> -> memref<64x128xf32, #tpu.memory_space<vmem>>
        %dma_start3A_278 = arith.constant 0 : i32
        %dma_start3A_279 = tpu.memref_slice %arg4[%add3A_31, %dma_start3A_278] : memref<8208x128xf32, #tpu.memory_space<vmem_shared>> -> memref<64x128xf32, #tpu.memory_space<vmem_shared>>
        %dma_start3A_280 = arith.constant 0 : i32
        %dma_start3A_281 = tpu.memref_slice %arg4[%add3A_31, %dma_start3A_280] : memref<8208x128xf32, #tpu.memory_space<vmem_shared>> -> memref<64x128xf32, #tpu.memory_space<vmem_shared>>
        %dma_start3A_282 = arith.constant 0 : i32
        %dma_start3A_283 = arith.constant 0 : i32
        %dma_start3A_284 = tpu.memref_slice %arg8[%dma_start3A_282, %dma_start3A_283] : memref<128x128xf32, #tpu.memory_space<vmem>> -> memref<64x128xf32, #tpu.memory_space<vmem>>
        tpu.enqueue_dma source(%dma_start3A_284 : memref<64x128xf32, #tpu.memory_space<vmem>>) target(%dma_start3A_281 : memref<64x128xf32, #tpu.memory_space<vmem_shared>>) target_semaphore(%run_scoped3A : memref<!tpu.dma_semaphore, #tpu.memory_space<semaphore_mem>>)
        %dma_wait3A = arith.constant 0 : i32
        %dma_wait3A_285 = arith.constant 0 : i32
        %dma_wait3A_286 = tpu.memref_slice %arg8[%dma_wait3A, %dma_wait3A_285] : memref<128x128xf32, #tpu.memory_space<vmem>> -> memref<64x128xf32, #tpu.memory_space<vmem>>
        %dma_wait3A_287 = arith.constant 0 : i32
        %dma_wait3A_288 = tpu.memref_slice %arg4[%add3A_31, %dma_wait3A_287] : memref<8208x128xf32, #tpu.memory_space<vmem_shared>> -> memref<64x128xf32, #tpu.memory_space<vmem_shared>>
        %dma_wait3A_289 = arith.constant 0 : i32
        %dma_wait3A_290 = tpu.memref_slice %arg4[%add3A_31, %dma_wait3A_289] : memref<8208x128xf32, #tpu.memory_space<vmem_shared>> -> memref<64x128xf32, #tpu.memory_space<vmem_shared>>
        %dma_wait3A_291 = arith.constant 0 : i32
        %dma_wait3A_292 = arith.constant 0 : i32
        %dma_wait3A_293 = tpu.memref_slice %arg8[%dma_wait3A_291, %dma_wait3A_292] : memref<128x128xf32, #tpu.memory_space<vmem>> -> memref<64x128xf32, #tpu.memory_space<vmem>>
        tpu.wait_dma2 semaphore(%run_scoped3A : memref<!tpu.dma_semaphore, #tpu.memory_space<semaphore_mem>>) src(%dma_wait3A_293 : memref<64x128xf32, #tpu.memory_space<vmem>>) dst(%dma_wait3A_290 : memref<64x128xf32, #tpu.memory_space<vmem_shared>>)
        tpu.yield
      }) : () -> ()
      %add3A_32 = arith.constant 320 : i32
      %add3A_33 = arith.addi %mul3A_5, %add3A_32 : i32
      "tpu.region"() ({
        %run_scoped3A = tpu.sem_alloc : memref<!tpu.dma_semaphore, #tpu.memory_space<semaphore_mem>>
        %dma_start3A_275 = arith.constant 0 : i32
        %dma_start3A_276 = arith.constant 0 : i32
        %dma_start3A_277 = tpu.memref_slice %arg8[%dma_start3A_275, %dma_start3A_276] : memref<128x128xf32, #tpu.memory_space<vmem>> -> memref<64x128xf32, #tpu.memory_space<vmem>>
        %dma_start3A_278 = arith.constant 0 : i32
        %dma_start3A_279 = tpu.memref_slice %arg4[%add3A_33, %dma_start3A_278] : memref<8208x128xf32, #tpu.memory_space<vmem_shared>> -> memref<64x128xf32, #tpu.memory_space<vmem_shared>>
        %dma_start3A_280 = arith.constant 0 : i32
        %dma_start3A_281 = tpu.memref_slice %arg4[%add3A_33, %dma_start3A_280] : memref<8208x128xf32, #tpu.memory_space<vmem_shared>> -> memref<64x128xf32, #tpu.memory_space<vmem_shared>>
        %dma_start3A_282 = arith.constant 0 : i32
        %dma_start3A_283 = arith.constant 0 : i32
        %dma_start3A_284 = tpu.memref_slice %arg8[%dma_start3A_282, %dma_start3A_283] : memref<128x128xf32, #tpu.memory_space<vmem>> -> memref<64x128xf32, #tpu.memory_space<vmem>>
        tpu.enqueue_dma source(%dma_start3A_284 : memref<64x128xf32, #tpu.memory_space<vmem>>) target(%dma_start3A_281 : memref<64x128xf32, #tpu.memory_space<vmem_shared>>) target_semaphore(%run_scoped3A : memref<!tpu.dma_semaphore, #tpu.memory_space<semaphore_mem>>)
        %dma_wait3A = arith.constant 0 : i32
        %dma_wait3A_285 = arith.constant 0 : i32
        %dma_wait3A_286 = tpu.memref_slice %arg8[%dma_wait3A, %dma_wait3A_285] : memref<128x128xf32, #tpu.memory_space<vmem>> -> memref<64x128xf32, #tpu.memory_space<vmem>>
        %dma_wait3A_287 = arith.constant 0 : i32
        %dma_wait3A_288 = tpu.memref_slice %arg4[%add3A_33, %dma_wait3A_287] : memref<8208x128xf32, #tpu.memory_space<vmem_shared>> -> memref<64x128xf32, #tpu.memory_space<vmem_shared>>
        %dma_wait3A_289 = arith.constant 0 : i32
        %dma_wait3A_290 = tpu.memref_slice %arg4[%add3A_33, %dma_wait3A_289] : memref<8208x128xf32, #tpu.memory_space<vmem_shared>> -> memref<64x128xf32, #tpu.memory_space<vmem_shared>>
        %dma_wait3A_291 = arith.constant 0 : i32
        %dma_wait3A_292 = arith.constant 0 : i32
        %dma_wait3A_293 = tpu.memref_slice %arg8[%dma_wait3A_291, %dma_wait3A_292] : memref<128x128xf32, #tpu.memory_space<vmem>> -> memref<64x128xf32, #tpu.memory_space<vmem>>
        tpu.wait_dma2 semaphore(%run_scoped3A : memref<!tpu.dma_semaphore, #tpu.memory_space<semaphore_mem>>) src(%dma_wait3A_293 : memref<64x128xf32, #tpu.memory_space<vmem>>) dst(%dma_wait3A_290 : memref<64x128xf32, #tpu.memory_space<vmem_shared>>)
        tpu.yield
      }) : () -> ()
      %add3A_34 = arith.constant 384 : i32
      %add3A_35 = arith.addi %mul3A_5, %add3A_34 : i32
      "tpu.region"() ({
        %run_scoped3A = tpu.sem_alloc : memref<!tpu.dma_semaphore, #tpu.memory_space<semaphore_mem>>
        %dma_start3A_275 = arith.constant 0 : i32
        %dma_start3A_276 = arith.constant 0 : i32
        %dma_start3A_277 = tpu.memref_slice %arg8[%dma_start3A_275, %dma_start3A_276] : memref<128x128xf32, #tpu.memory_space<vmem>> -> memref<64x128xf32, #tpu.memory_space<vmem>>
        %dma_start3A_278 = arith.constant 0 : i32
        %dma_start3A_279 = tpu.memref_slice %arg4[%add3A_35, %dma_start3A_278] : memref<8208x128xf32, #tpu.memory_space<vmem_shared>> -> memref<64x128xf32, #tpu.memory_space<vmem_shared>>
        %dma_start3A_280 = arith.constant 0 : i32
        %dma_start3A_281 = tpu.memref_slice %arg4[%add3A_35, %dma_start3A_280] : memref<8208x128xf32, #tpu.memory_space<vmem_shared>> -> memref<64x128xf32, #tpu.memory_space<vmem_shared>>
        %dma_start3A_282 = arith.constant 0 : i32
        %dma_start3A_283 = arith.constant 0 : i32
        %dma_start3A_284 = tpu.memref_slice %arg8[%dma_start3A_282, %dma_start3A_283] : memref<128x128xf32, #tpu.memory_space<vmem>> -> memref<64x128xf32, #tpu.memory_space<vmem>>
        tpu.enqueue_dma source(%dma_start3A_284 : memref<64x128xf32, #tpu.memory_space<vmem>>) target(%dma_start3A_281 : memref<64x128xf32, #tpu.memory_space<vmem_shared>>) target_semaphore(%run_scoped3A : memref<!tpu.dma_semaphore, #tpu.memory_space<semaphore_mem>>)
        %dma_wait3A = arith.constant 0 : i32
        %dma_wait3A_285 = arith.constant 0 : i32
        %dma_wait3A_286 = tpu.memref_slice %arg8[%dma_wait3A, %dma_wait3A_285] : memref<128x128xf32, #tpu.memory_space<vmem>> -> memref<64x128xf32, #tpu.memory_space<vmem>>
        %dma_wait3A_287 = arith.constant 0 : i32
        %dma_wait3A_288 = tpu.memref_slice %arg4[%add3A_35, %dma_wait3A_287] : memref<8208x128xf32, #tpu.memory_space<vmem_shared>> -> memref<64x128xf32, #tpu.memory_space<vmem_shared>>
        %dma_wait3A_289 = arith.constant 0 : i32
        %dma_wait3A_290 = tpu.memref_slice %arg4[%add3A_35, %dma_wait3A_289] : memref<8208x128xf32, #tpu.memory_space<vmem_shared>> -> memref<64x128xf32, #tpu.memory_space<vmem_shared>>
        %dma_wait3A_291 = arith.constant 0 : i32
        %dma_wait3A_292 = arith.constant 0 : i32
        %dma_wait3A_293 = tpu.memref_slice %arg8[%dma_wait3A_291, %dma_wait3A_292] : memref<128x128xf32, #tpu.memory_space<vmem>> -> memref<64x128xf32, #tpu.memory_space<vmem>>
        tpu.wait_dma2 semaphore(%run_scoped3A : memref<!tpu.dma_semaphore, #tpu.memory_space<semaphore_mem>>) src(%dma_wait3A_293 : memref<64x128xf32, #tpu.memory_space<vmem>>) dst(%dma_wait3A_290 : memref<64x128xf32, #tpu.memory_space<vmem_shared>>)
        tpu.yield
      }) : () -> ()
      %add3A_36 = arith.constant 448 : i32
      %add3A_37 = arith.addi %mul3A_5, %add3A_36 : i32
      "tpu.region"() ({
        %run_scoped3A = tpu.sem_alloc : memref<!tpu.dma_semaphore, #tpu.memory_space<semaphore_mem>>
        %dma_start3A_275 = arith.constant 0 : i32
        %dma_start3A_276 = arith.constant 0 : i32
        %dma_start3A_277 = tpu.memref_slice %arg8[%dma_start3A_275, %dma_start3A_276] : memref<128x128xf32, #tpu.memory_space<vmem>> -> memref<64x128xf32, #tpu.memory_space<vmem>>
        %dma_start3A_278 = arith.constant 0 : i32
        %dma_start3A_279 = tpu.memref_slice %arg4[%add3A_37, %dma_start3A_278] : memref<8208x128xf32, #tpu.memory_space<vmem_shared>> -> memref<64x128xf32, #tpu.memory_space<vmem_shared>>
        %dma_start3A_280 = arith.constant 0 : i32
        %dma_start3A_281 = tpu.memref_slice %arg4[%add3A_37, %dma_start3A_280] : memref<8208x128xf32, #tpu.memory_space<vmem_shared>> -> memref<64x128xf32, #tpu.memory_space<vmem_shared>>
        %dma_start3A_282 = arith.constant 0 : i32
        %dma_start3A_283 = arith.constant 0 : i32
        %dma_start3A_284 = tpu.memref_slice %arg8[%dma_start3A_282, %dma_start3A_283] : memref<128x128xf32, #tpu.memory_space<vmem>> -> memref<64x128xf32, #tpu.memory_space<vmem>>
        tpu.enqueue_dma source(%dma_start3A_284 : memref<64x128xf32, #tpu.memory_space<vmem>>) target(%dma_start3A_281 : memref<64x128xf32, #tpu.memory_space<vmem_shared>>) target_semaphore(%run_scoped3A : memref<!tpu.dma_semaphore, #tpu.memory_space<semaphore_mem>>)
        %dma_wait3A = arith.constant 0 : i32
        %dma_wait3A_285 = arith.constant 0 : i32
        %dma_wait3A_286 = tpu.memref_slice %arg8[%dma_wait3A, %dma_wait3A_285] : memref<128x128xf32, #tpu.memory_space<vmem>> -> memref<64x128xf32, #tpu.memory_space<vmem>>
        %dma_wait3A_287 = arith.constant 0 : i32
        %dma_wait3A_288 = tpu.memref_slice %arg4[%add3A_37, %dma_wait3A_287] : memref<8208x128xf32, #tpu.memory_space<vmem_shared>> -> memref<64x128xf32, #tpu.memory_space<vmem_shared>>
        %dma_wait3A_289 = arith.constant 0 : i32
        %dma_wait3A_290 = tpu.memref_slice %arg4[%add3A_37, %dma_wait3A_289] : memref<8208x128xf32, #tpu.memory_space<vmem_shared>> -> memref<64x128xf32, #tpu.memory_space<vmem_shared>>
        %dma_wait3A_291 = arith.constant 0 : i32
        %dma_wait3A_292 = arith.constant 0 : i32
        %dma_wait3A_293 = tpu.memref_slice %arg8[%dma_wait3A_291, %dma_wait3A_292] : memref<128x128xf32, #tpu.memory_space<vmem>> -> memref<64x128xf32, #tpu.memory_space<vmem>>
        tpu.wait_dma2 semaphore(%run_scoped3A : memref<!tpu.dma_semaphore, #tpu.memory_space<semaphore_mem>>) src(%dma_wait3A_293 : memref<64x128xf32, #tpu.memory_space<vmem>>) dst(%dma_wait3A_290 : memref<64x128xf32, #tpu.memory_space<vmem_shared>>)
        tpu.yield
      }) : () -> ()
      %scan3A_38 = arith.constant 0 : i32
      %scan3A_39 = arith.constant 0 : i32
      %scan3A_40 = arith.constant 128 : i32
      %scan3A_41 = arith.addi %scan3A_39, %scan3A_40 : i32
      %scan3A_42 = arith.constant 1 : i32
      scf.for %scan3A_275 = %scan3A_39 to %scan3A_41 step %scan3A_42  : i32 {
        %swap3A = arith.index_cast %scan3A_275 : i32 to index
        %swap3A_276 = arith.constant 0 : index
        %swap3A_277 = tpu.vector_load %arg8[%swap3A, %swap3A_276] {strides = array<i32>} : memref<128x128xf32, #tpu.memory_space<vmem>>, vector<16xf32>,
        tpu.vector_store %arg8[%swap3A, %swap3A_276], %broadcast_in_dim3A_2 {strides = array<i32>} : memref<128x128xf32, #tpu.memory_space<vmem>>, vector<16xf32>,
        %swap3A_278 = arith.index_cast %scan3A_275 : i32 to index
        %swap3A_279 = arith.constant 16 : index
        %swap3A_280 = tpu.vector_load %arg8[%swap3A_278, %swap3A_279] {strides = array<i32>} : memref<128x128xf32, #tpu.memory_space<vmem>>, vector<16xf32>,
        tpu.vector_store %arg8[%swap3A_278, %swap3A_279], %broadcast_in_dim3A_2 {strides = array<i32>} : memref<128x128xf32, #tpu.memory_space<vmem>>, vector<16xf32>,
        %swap3A_281 = arith.index_cast %scan3A_275 : i32 to index
        %swap3A_282 = arith.constant 32 : index
        %swap3A_283 = tpu.vector_load %arg8[%swap3A_281, %swap3A_282] {strides = array<i32>} : memref<128x128xf32, #tpu.memory_space<vmem>>, vector<16xf32>,
        tpu.vector_store %arg8[%swap3A_281, %swap3A_282], %broadcast_in_dim3A_2 {strides = array<i32>} : memref<128x128xf32, #tpu.memory_space<vmem>>, vector<16xf32>,
        %swap3A_284 = arith.index_cast %scan3A_275 : i32 to index
        %swap3A_285 = arith.constant 48 : index
        %swap3A_286 = tpu.vector_load %arg8[%swap3A_284, %swap3A_285] {strides = array<i32>} : memref<128x128xf32, #tpu.memory_space<vmem>>, vector<16xf32>,
        tpu.vector_store %arg8[%swap3A_284, %swap3A_285], %broadcast_in_dim3A_2 {strides = array<i32>} : memref<128x128xf32, #tpu.memory_space<vmem>>, vector<16xf32>,
        %swap3A_287 = arith.index_cast %scan3A_275 : i32 to index
        %swap3A_288 = arith.constant 64 : index
        %swap3A_289 = tpu.vector_load %arg8[%swap3A_287, %swap3A_288] {strides = array<i32>} : memref<128x128xf32, #tpu.memory_space<vmem>>, vector<16xf32>,
        tpu.vector_store %arg8[%swap3A_287, %swap3A_288], %broadcast_in_dim3A_2 {strides = array<i32>} : memref<128x128xf32, #tpu.memory_space<vmem>>, vector<16xf32>,
        %swap3A_290 = arith.index_cast %scan3A_275 : i32 to index
        %swap3A_291 = arith.constant 80 : index
        %swap3A_292 = tpu.vector_load %arg8[%swap3A_290, %swap3A_291] {strides = array<i32>} : memref<128x128xf32, #tpu.memory_space<vmem>>, vector<16xf32>,
        tpu.vector_store %arg8[%swap3A_290, %swap3A_291], %broadcast_in_dim3A_2 {strides = array<i32>} : memref<128x128xf32, #tpu.memory_space<vmem>>, vector<16xf32>,
        %swap3A_293 = arith.index_cast %scan3A_275 : i32 to index
        %swap3A_294 = arith.constant 96 : index
        %swap3A_295 = tpu.vector_load %arg8[%swap3A_293, %swap3A_294] {strides = array<i32>} : memref<128x128xf32, #tpu.memory_space<vmem>>, vector<16xf32>,
        tpu.vector_store %arg8[%swap3A_293, %swap3A_294], %broadcast_in_dim3A_2 {strides = array<i32>} : memref<128x128xf32, #tpu.memory_space<vmem>>, vector<16xf32>,
        %swap3A_296 = arith.index_cast %scan3A_275 : i32 to index
        %swap3A_297 = arith.constant 112 : index
        %swap3A_298 = tpu.vector_load %arg8[%swap3A_296, %swap3A_297] {strides = array<i32>} : memref<128x128xf32, #tpu.memory_space<vmem>>, vector<16xf32>,
        tpu.vector_store %arg8[%swap3A_296, %swap3A_297], %broadcast_in_dim3A_2 {strides = array<i32>} : memref<128x128xf32, #tpu.memory_space<vmem>>, vector<16xf32>,
      }
      %scan3A_43 = arith.constant 128 : i32
      %barrier3A = arith.constant 0 : index
      tpu.barrier barrier_id(%barrier3A)
      %mul3A_44 = arith.constant 8 : i32
      %mul3A_45 = arith.muli %mul3A_15, %mul3A_44 : i32
      %add3A_46 = arith.constant 0 : i32
      %add3A_47 = arith.addi %mul3A_3, %add3A_46 : i32
      %dma_start3A = tpu.memref_slice %arg2[%add3A_47] : memref<320000xi32, #tpu.memory_space<hbm>> -> memref<800xi32, #tpu.memory_space<hbm>>
      %dma_start3A_48 = tpu.memref_slice %arg2[%add3A_47] : memref<320000xi32, #tpu.memory_space<hbm>> -> memref<800xi32, #tpu.memory_space<hbm>>
      tpu.enqueue_dma source(%dma_start3A_48 : memref<800xi32, #tpu.memory_space<hbm>>) target(%arg5 : memref<800xi32, #tpu.memory_space<vmem>>) target_semaphore(%arg9 : memref<!tpu.dma_semaphore, #tpu.memory_space<semaphore_mem>>)
      %scan3A_49 = arith.constant 0 : i32
      %scan3A_50 = arith.constant 0 : i32
      %scan3A_51 = arith.constant 0 : i32
      %scan3A_52 = arith.constant 25 : i32
      %scan3A_53 = arith.addi %scan3A_51, %scan3A_52 : i32
      %scan3A_54 = arith.constant 1 : i32
      %scan3A_55:2 = scf.for %scan3A_275 = %scan3A_51 to %scan3A_53 step %scan3A_54 iter_args(%scan3A_276 = %scan3A_49, %scan3A_277 = %scan3A_50) -> (i32, i32)  : i32 {
        %mul3A_278 = arith.constant 800 : i32
        %mul3A_279 = arith.muli %scan3A_275, %mul3A_278 : i32
        %add3A_280 = arith.addi %mul3A_3, %mul3A_279 : i32
        %and3A_281 = arith.constant 1 : i32
        %and3A_282 = arith.andi %scan3A_275, %and3A_281 : i32
        %eq3A = arith.constant 0 : i32
        %eq3A_283 = arith.cmpi eq, %and3A_282, %eq3A : i32
        %convert_element_type3A_284 = arith.extui %eq3A_283 : i1 to i32
        %cond3A_285 = arith.constant 0 : i32
        %cond3A_286 = arith.cmpi ne, %convert_element_type3A_284, %cond3A_285 : i32
        scf.if %cond3A_286 {
          %dma_wait3A = tpu.memref_slice %arg2[%add3A_280] : memref<320000xi32, #tpu.memory_space<hbm>> -> memref<800xi32, #tpu.memory_space<hbm>>
          %dma_wait3A_346 = tpu.memref_slice %arg2[%add3A_280] : memref<320000xi32, #tpu.memory_space<hbm>> -> memref<800xi32, #tpu.memory_space<hbm>>
          tpu.wait_dma2 semaphore(%arg9 : memref<!tpu.dma_semaphore, #tpu.memory_space<semaphore_mem>>) src(%dma_wait3A_346 : memref<800xi32, #tpu.memory_space<hbm>>) dst(%arg5 : memref<800xi32, #tpu.memory_space<vmem>>)
        } else {
        }
        %and3A_287 = arith.constant 1 : i32
        %and3A_288 = arith.andi %scan3A_275, %and3A_287 : i32
        %eq3A_289 = arith.constant 1 : i32
        %eq3A_290 = arith.cmpi eq, %and3A_288, %eq3A_289 : i32
        %convert_element_type3A_291 = arith.extui %eq3A_290 : i1 to i32
        %cond3A_292 = arith.constant 0 : i32
        %cond3A_293 = arith.cmpi ne, %convert_element_type3A_291, %cond3A_292 : i32
        scf.if %cond3A_293 {
          %dma_wait3A = tpu.memref_slice %arg2[%add3A_280] : memref<320000xi32, #tpu.memory_space<hbm>> -> memref<800xi32, #tpu.memory_space<hbm>>
          %dma_wait3A_346 = tpu.memref_slice %arg2[%add3A_280] : memref<320000xi32, #tpu.memory_space<hbm>> -> memref<800xi32, #tpu.memory_space<hbm>>
          tpu.wait_dma2 semaphore(%arg10 : memref<!tpu.dma_semaphore, #tpu.memory_space<semaphore_mem>>) src(%dma_wait3A_346 : memref<800xi32, #tpu.memory_space<hbm>>) dst(%arg6 : memref<800xi32, #tpu.memory_space<vmem>>)
        } else {
        }
        %add3A_294 = arith.constant 1 : i32
        %add3A_295 = arith.addi %scan3A_275, %add3A_294 : i32
        %lt3A_296 = arith.constant 25 : i32
        %lt3A_297 = arith.cmpi slt, %add3A_295, %lt3A_296 : i32
        %convert_element_type3A_298 = arith.extui %lt3A_297 : i1 to i32
        %cond3A_299 = arith.constant 0 : i32
        %cond3A_300 = arith.cmpi ne, %convert_element_type3A_298, %cond3A_299 : i32
        scf.if %cond3A_300 {
          %add3A_346 = arith.constant 1 : i32
          %add3A_347 = arith.addi %scan3A_275, %add3A_346 : i32
          %mul3A_348 = arith.constant 800 : i32
          %mul3A_349 = arith.muli %add3A_347, %mul3A_348 : i32
          %add3A_350 = arith.addi %mul3A_3, %mul3A_349 : i32
          %and3A_351 = arith.constant 1 : i32
          %and3A_352 = arith.andi %add3A_347, %and3A_351 : i32
          %eq3A_353 = arith.constant 0 : i32
          %eq3A_354 = arith.cmpi eq, %and3A_352, %eq3A_353 : i32
          %convert_element_type3A_355 = arith.extui %eq3A_354 : i1 to i32
          %cond3A_356 = arith.constant 0 : i32
          %cond3A_357 = arith.cmpi ne, %convert_element_type3A_355, %cond3A_356 : i32
          scf.if %cond3A_357 {
            %dma_start3A_365 = tpu.memref_slice %arg2[%add3A_350] : memref<320000xi32, #tpu.memory_space<hbm>> -> memref<800xi32, #tpu.memory_space<hbm>>
            %dma_start3A_366 = tpu.memref_slice %arg2[%add3A_350] : memref<320000xi32, #tpu.memory_space<hbm>> -> memref<800xi32, #tpu.memory_space<hbm>>
            tpu.enqueue_dma source(%dma_start3A_366 : memref<800xi32, #tpu.memory_space<hbm>>) target(%arg5 : memref<800xi32, #tpu.memory_space<vmem>>) target_semaphore(%arg9 : memref<!tpu.dma_semaphore, #tpu.memory_space<semaphore_mem>>)
          } else {
          }
          %and3A_358 = arith.constant 1 : i32
          %and3A_359 = arith.andi %add3A_347, %and3A_358 : i32
          %eq3A_360 = arith.constant 1 : i32
          %eq3A_361 = arith.cmpi eq, %and3A_359, %eq3A_360 : i32
          %convert_element_type3A_362 = arith.extui %eq3A_361 : i1 to i32
          %cond3A_363 = arith.constant 0 : i32
          %cond3A_364 = arith.cmpi ne, %convert_element_type3A_362, %cond3A_363 : i32
          scf.if %cond3A_364 {
            %dma_start3A_365 = tpu.memref_slice %arg2[%add3A_350] : memref<320000xi32, #tpu.memory_space<hbm>> -> memref<800xi32, #tpu.memory_space<hbm>>
            %dma_start3A_366 = tpu.memref_slice %arg2[%add3A_350] : memref<320000xi32, #tpu.memory_space<hbm>> -> memref<800xi32, #tpu.memory_space<hbm>>
            tpu.enqueue_dma source(%dma_start3A_366 : memref<800xi32, #tpu.memory_space<hbm>>) target(%arg6 : memref<800xi32, #tpu.memory_space<vmem>>) target_semaphore(%arg10 : memref<!tpu.dma_semaphore, #tpu.memory_space<semaphore_mem>>)
          } else {
          }
        } else {
        }
        %and3A_301 = arith.constant 1 : i32
        %and3A_302 = arith.andi %scan3A_275, %and3A_301 : i32
        %eq3A_303 = arith.constant 0 : i32
        %eq3A_304 = arith.cmpi eq, %and3A_302, %eq3A_303 : i32
        %convert_element_type3A_305 = arith.extui %eq3A_304 : i1 to i32
        %cond3A_306 = arith.constant 0 : i32
        %cond3A_307 = arith.cmpi ne, %convert_element_type3A_305, %cond3A_306 : i32
        %cond3A_308 = scf.if %cond3A_307 -> (i32) {
          %scan3A_346 = arith.constant 0 : i32
          %scan3A_347 = arith.constant 50 : i32
          %scan3A_348 = arith.addi %scan3A_346, %scan3A_347 : i32
          %scan3A_349 = arith.constant 1 : i32
          %scan3A_350 = scf.for %scan3A_352 = %scan3A_346 to %scan3A_348 step %scan3A_349 iter_args(%scan3A_353 = %scan3A_276) -> (i32)  : i32 {
            %mul3A_354 = arith.constant 16 : i32
            %mul3A_355 = arith.muli %scan3A_352, %mul3A_354 : i32
            %get3A = arith.index_cast %mul3A_355 : i32 to index
            %get3A_356 = tpu.vector_load %arg5[%get3A] {strides = array<i32>} : memref<800xi32, #tpu.memory_space<vmem>>, vector<16xi32>,
            %sub3A_357 = vector.broadcast %mul3A_45 : i32 to vector<16xi32>
            %sub3A_358 = arith.subi %get3A_356, %sub3A_357 : vector<16xi32>
            %ge3A_359 = arith.constant 0 : i32
            %ge3A_360 = vector.broadcast %ge3A_359 : i32 to vector<16xi32>
            %ge3A_361 = arith.cmpi sge, %sub3A_358, %ge3A_360 : vector<16xi32>
            %lt3A_362 = arith.constant 8192 : i32
            %lt3A_363 = vector.broadcast %lt3A_362 : i32 to vector<16xi32>
            %lt3A_364 = arith.cmpi slt, %sub3A_358, %lt3A_363 : vector<16xi32>
            %and3A_365 = arith.andi %ge3A_361, %lt3A_364 : vector<16xi1>
            %convert_element_type3A_366 = arith.extui %and3A_365 : vector<16xi1> to vector<16xi32>
            %broadcast_in_dim3A_367 = arith.constant true
            %broadcast_in_dim3A_368 = vector.broadcast %broadcast_in_dim3A_367 : i1 to vector<16xi1>
            %masked_cumsum3A = tpu.scan <sum>, %convert_element_type3A_366 masked %broadcast_in_dim3A_368 : vector<16xi32>, vector<16xi1> -> vector<16xi32>
            %sub3A_369 = arith.subi %masked_cumsum3A, %convert_element_type3A_366 : vector<16xi32>
            %add3A_370 = vector.broadcast %scan3A_353 : i32 to vector<16xi32>
            %add3A_371 = arith.addi %add3A_370, %sub3A_369 : vector<16xi32>
            %and3A_372 = arith.constant 2047 : i32
            %and3A_373 = vector.broadcast %and3A_372 : i32 to vector<16xi32>
            %and3A_374 = arith.andi %add3A_371, %and3A_373 : vector<16xi32>
            %shift_right_arithmetic3A_375 = arith.constant 7 : i32
            %shift_right_arithmetic3A_376 = vector.broadcast %shift_right_arithmetic3A_375 : i32 to vector<16xi32>
            %shift_right_arithmetic3A_377 = arith.shrsi %and3A_374, %shift_right_arithmetic3A_376 : vector<16xi32>
            %and3A_378 = arith.constant 127 : i32
            %and3A_379 = vector.broadcast %and3A_378 : i32 to vector<16xi32>
            %and3A_380 = arith.andi %and3A_374, %and3A_379 : vector<16xi32>
            tpu.vector_store_idx %arg7[%shift_right_arithmetic3A_377, %and3A_380], %sub3A_358 masked %and3A_365 : memref<16x128xi32, #tpu.memory_space<vmem>>[vector<16xi32>, vector<16xi32>], vector<16xi32>, vector<16xi1>
            %reduce_sum3A = arith.constant true
            %reduce_sum3A_381 = vector.broadcast %reduce_sum3A : i1 to vector<16xi1>
            %reduce_sum3A_382 = tpu.scan <sum>, %convert_element_type3A_366 masked %reduce_sum3A_381 : vector<16xi32>, vector<16xi1> -> vector<16xi32>
            %reduce_sum3A_383 = vector.extract %reduce_sum3A_382[15] : i32 from vector<16xi32>
            %add3A_384 = arith.addi %scan3A_353, %reduce_sum3A_383 : i32
            scf.yield %add3A_384 : i32
          }
          %scan3A_351 = arith.constant 50 : i32
          scf.yield %scan3A_350 : i32
        } else {
          %scan3A_346 = arith.constant 0 : i32
          %scan3A_347 = arith.constant 50 : i32
          %scan3A_348 = arith.addi %scan3A_346, %scan3A_347 : i32
          %scan3A_349 = arith.constant 1 : i32
          %scan3A_350 = scf.for %scan3A_352 = %scan3A_346 to %scan3A_348 step %scan3A_349 iter_args(%scan3A_353 = %scan3A_276) -> (i32)  : i32 {
            %mul3A_354 = arith.constant 16 : i32
            %mul3A_355 = arith.muli %scan3A_352, %mul3A_354 : i32
            %get3A = arith.index_cast %mul3A_355 : i32 to index
            %get3A_356 = tpu.vector_load %arg6[%get3A] {strides = array<i32>} : memref<800xi32, #tpu.memory_space<vmem>>, vector<16xi32>,
            %sub3A_357 = vector.broadcast %mul3A_45 : i32 to vector<16xi32>
            %sub3A_358 = arith.subi %get3A_356, %sub3A_357 : vector<16xi32>
            %ge3A_359 = arith.constant 0 : i32
            %ge3A_360 = vector.broadcast %ge3A_359 : i32 to vector<16xi32>
            %ge3A_361 = arith.cmpi sge, %sub3A_358, %ge3A_360 : vector<16xi32>
            %lt3A_362 = arith.constant 8192 : i32
            %lt3A_363 = vector.broadcast %lt3A_362 : i32 to vector<16xi32>
            %lt3A_364 = arith.cmpi slt, %sub3A_358, %lt3A_363 : vector<16xi32>
            %and3A_365 = arith.andi %ge3A_361, %lt3A_364 : vector<16xi1>
            %convert_element_type3A_366 = arith.extui %and3A_365 : vector<16xi1> to vector<16xi32>
            %broadcast_in_dim3A_367 = arith.constant true
            %broadcast_in_dim3A_368 = vector.broadcast %broadcast_in_dim3A_367 : i1 to vector<16xi1>
            %masked_cumsum3A = tpu.scan <sum>, %convert_element_type3A_366 masked %broadcast_in_dim3A_368 : vector<16xi32>, vector<16xi1> -> vector<16xi32>
            %sub3A_369 = arith.subi %masked_cumsum3A, %convert_element_type3A_366 : vector<16xi32>
            %add3A_370 = vector.broadcast %scan3A_353 : i32 to vector<16xi32>
            %add3A_371 = arith.addi %add3A_370, %sub3A_369 : vector<16xi32>
            %and3A_372 = arith.constant 2047 : i32
            %and3A_373 = vector.broadcast %and3A_372 : i32 to vector<16xi32>
            %and3A_374 = arith.andi %add3A_371, %and3A_373 : vector<16xi32>
            %shift_right_arithmetic3A_375 = arith.constant 7 : i32
            %shift_right_arithmetic3A_376 = vector.broadcast %shift_right_arithmetic3A_375 : i32 to vector<16xi32>
            %shift_right_arithmetic3A_377 = arith.shrsi %and3A_374, %shift_right_arithmetic3A_376 : vector<16xi32>
            %and3A_378 = arith.constant 127 : i32
            %and3A_379 = vector.broadcast %and3A_378 : i32 to vector<16xi32>
            %and3A_380 = arith.andi %and3A_374, %and3A_379 : vector<16xi32>
            tpu.vector_store_idx %arg7[%shift_right_arithmetic3A_377, %and3A_380], %sub3A_358 masked %and3A_365 : memref<16x128xi32, #tpu.memory_space<vmem>>[vector<16xi32>, vector<16xi32>], vector<16xi32>, vector<16xi1>
            %reduce_sum3A = arith.constant true
            %reduce_sum3A_381 = vector.broadcast %reduce_sum3A : i1 to vector<16xi1>
            %reduce_sum3A_382 = tpu.scan <sum>, %convert_element_type3A_366 masked %reduce_sum3A_381 : vector<16xi32>, vector<16xi1> -> vector<16xi32>
            %reduce_sum3A_383 = vector.extract %reduce_sum3A_382[15] : i32 from vector<16xi32>
            %add3A_384 = arith.addi %scan3A_353, %reduce_sum3A_383 : i32
            scf.yield %add3A_384 : i32
          }
          %scan3A_351 = arith.constant 50 : i32
          scf.yield %scan3A_350 : i32
        }
        %shift_right_arithmetic3A_309 = arith.constant 7 : i32
        %shift_right_arithmetic3A_310 = arith.shrsi %cond3A_308, %shift_right_arithmetic3A_309 : i32
        %sub3A_311 = arith.subi %shift_right_arithmetic3A_310, %scan3A_277 : i32
        %ge3A = arith.constant 8 : i32
        %ge3A_312 = arith.cmpi sge, %sub3A_311, %ge3A : i32
        %select_n3A_313 = arith.select %ge3A_312, %shift_right_arithmetic3A_310, %scan3A_277 : i32
        %while3A_314 = arith.constant 0 : i32
        %while3A_315 = arith.subi %select_n3A_313, %scan3A_277 : i32
        %while3A_316 = arith.addi %scan3A_277, %while3A_315 : i32
        %while3A_317 = arith.constant 1 : i32
        %while3A_318 = arith.divsi %while3A_315, %while3A_317 : i32
        %while3A_319 = arith.muli %while3A_318, %while3A_317 : i32
        %while3A_320 = arith.addi %scan3A_277, %while3A_319 : i32
        %while3A_321 = arith.constant 1 : i32
        scf.for %while3A_346 = %scan3A_277 to %while3A_320 step %while3A_321  : i32 {
          %and3A_347 = arith.constant 15 : i32
          %and3A_348 = arith.andi %while3A_346, %and3A_347 : i32
          %dma_start3A_349 = arith.constant 0 : i32
          %dma_start3A_350 = tpu.memref_slice %arg7[%and3A_348, %dma_start3A_349] : memref<16x128xi32, #tpu.memory_space<vmem>> -> memref<1x128xi32, #tpu.memory_space<vmem>>
          %dma_start3A_351 = tpu.memref_squeeze %dma_start3A_350 : memref<1x128xi32, #tpu.memory_space<vmem>> -> memref<128xi32, #tpu.memory_space<vmem>>
          %dma_start3A_352 = arith.constant 0 : i32
          %dma_start3A_353 = arith.constant 0 : i32
          %dma_start3A_354 = tpu.memref_slice %arg4[%dma_start3A_352, %dma_start3A_353] : memref<8208x128xf32, #tpu.memory_space<vmem_shared>> -> memref<8208x128xf32, #tpu.memory_space<vmem_shared>>
          tpu.enqueue_indirect_dma source(%arg8 : memref<128x128xf32, #tpu.memory_space<vmem>>) target(%dma_start3A_354 : memref<8208x128xf32, #tpu.memory_space<vmem_shared>>) offsets(%dma_start3A_351 : memref<128xi32, #tpu.memory_space<vmem>>) semaphore(%arg11 : memref<!tpu.dma_semaphore, #tpu.memory_space<semaphore_mem>>) {add = true}
          %sub3A_355 = arith.subi %while3A_346, %scan3A_277 : i32
          %ge3A_356 = arith.constant 4 : i32
          %ge3A_357 = arith.cmpi sge, %sub3A_355, %ge3A_356 : i32
          %convert_element_type3A_358 = arith.extui %ge3A_357 : i1 to i32
          %cond3A_359 = arith.constant 0 : i32
          %cond3A_360 = arith.cmpi ne, %convert_element_type3A_358, %cond3A_359 : i32
          scf.if %cond3A_360 {
            %sub3A_361 = arith.constant 4 : i32
            %sub3A_362 = arith.subi %while3A_346, %sub3A_361 : i32
            %and3A_363 = arith.constant 15 : i32
            %and3A_364 = arith.andi %sub3A_362, %and3A_363 : i32
            %dma_wait3A = arith.constant 0 : i32
            %dma_wait3A_365 = tpu.memref_slice %arg7[%and3A_364, %dma_wait3A] : memref<16x128xi32, #tpu.memory_space<vmem>> -> memref<1x128xi32, #tpu.memory_space<vmem>>
            %dma_wait3A_366 = tpu.memref_squeeze %dma_wait3A_365 : memref<1x128xi32, #tpu.memory_space<vmem>> -> memref<128xi32, #tpu.memory_space<vmem>>
            %dma_wait3A_367 = arith.constant 0 : i32
            %dma_wait3A_368 = arith.constant 0 : i32
            %dma_wait3A_369 = tpu.memref_slice %arg4[%dma_wait3A_367, %dma_wait3A_368] : memref<8208x128xf32, #tpu.memory_space<vmem_shared>> -> memref<8208x128xf32, #tpu.memory_space<vmem_shared>>
            tpu.wait_indirect_dma semaphore(%arg11 : memref<!tpu.dma_semaphore, #tpu.memory_space<semaphore_mem>>) src(%arg8 : memref<128x128xf32, #tpu.memory_space<vmem>>) dst(%dma_wait3A_369 : memref<8208x128xf32, #tpu.memory_space<vmem_shared>>)
          } else {
          }
        }
        %while3A_322 = arith.constant 1 : i32
        scf.for %while3A_346 = %while3A_320 to %while3A_316 step %while3A_322  : i32 {
          %and3A_347 = arith.constant 15 : i32
          %and3A_348 = arith.andi %while3A_346, %and3A_347 : i32
          %dma_start3A_349 = arith.constant 0 : i32
          %dma_start3A_350 = tpu.memref_slice %arg7[%and3A_348, %dma_start3A_349] : memref<16x128xi32, #tpu.memory_space<vmem>> -> memref<1x128xi32, #tpu.memory_space<vmem>>
          %dma_start3A_351 = tpu.memref_squeeze %dma_start3A_350 : memref<1x128xi32, #tpu.memory_space<vmem>> -> memref<128xi32, #tpu.memory_space<vmem>>
          %dma_start3A_352 = arith.constant 0 : i32
          %dma_start3A_353 = arith.constant 0 : i32
          %dma_start3A_354 = tpu.memref_slice %arg4[%dma_start3A_352, %dma_start3A_353] : memref<8208x128xf32, #tpu.memory_space<vmem_shared>> -> memref<8208x128xf32, #tpu.memory_space<vmem_shared>>
          tpu.enqueue_indirect_dma source(%arg8 : memref<128x128xf32, #tpu.memory_space<vmem>>) target(%dma_start3A_354 : memref<8208x128xf32, #tpu.memory_space<vmem_shared>>) offsets(%dma_start3A_351 : memref<128xi32, #tpu.memory_space<vmem>>) semaphore(%arg11 : memref<!tpu.dma_semaphore, #tpu.memory_space<semaphore_mem>>) {add = true}
          %sub3A_355 = arith.subi %while3A_346, %scan3A_277 : i32
          %ge3A_356 = arith.constant 4 : i32
          %ge3A_357 = arith.cmpi sge, %sub3A_355, %ge3A_356 : i32
          %convert_element_type3A_358 = arith.extui %ge3A_357 : i1 to i32
          %cond3A_359 = arith.constant 0 : i32
          %cond3A_360 = arith.cmpi ne, %convert_element_type3A_358, %cond3A_359 : i32
          scf.if %cond3A_360 {
            %sub3A_361 = arith.constant 4 : i32
            %sub3A_362 = arith.subi %while3A_346, %sub3A_361 : i32
            %and3A_363 = arith.constant 15 : i32
            %and3A_364 = arith.andi %sub3A_362, %and3A_363 : i32
            %dma_wait3A = arith.constant 0 : i32
            %dma_wait3A_365 = tpu.memref_slice %arg7[%and3A_364, %dma_wait3A] : memref<16x128xi32, #tpu.memory_space<vmem>> -> memref<1x128xi32, #tpu.memory_space<vmem>>
            %dma_wait3A_366 = tpu.memref_squeeze %dma_wait3A_365 : memref<1x128xi32, #tpu.memory_space<vmem>> -> memref<128xi32, #tpu.memory_space<vmem>>
            %dma_wait3A_367 = arith.constant 0 : i32
            %dma_wait3A_368 = arith.constant 0 : i32
            %dma_wait3A_369 = tpu.memref_slice %arg4[%dma_wait3A_367, %dma_wait3A_368] : memref<8208x128xf32, #tpu.memory_space<vmem_shared>> -> memref<8208x128xf32, #tpu.memory_space<vmem_shared>>
            tpu.wait_indirect_dma semaphore(%arg11 : memref<!tpu.dma_semaphore, #tpu.memory_space<semaphore_mem>>) src(%arg8 : memref<128x128xf32, #tpu.memory_space<vmem>>) dst(%dma_wait3A_369 : memref<8208x128xf32, #tpu.memory_space<vmem_shared>>)
          } else {
          }
        }
        %sub3A_323 = arith.subi %select_n3A_313, %scan3A_277 : i32
        %min3A_324 = arith.constant 4 : i32
        %min3A_325 = arith.minsi %sub3A_323, %min3A_324 : i32
        %gt3A_326 = arith.constant 0 : i32
        %gt3A_327 = arith.cmpi sgt, %min3A_325, %gt3A_326 : i32
        %convert_element_type3A_328 = arith.extui %gt3A_327 : i1 to i32
        %cond3A_329 = arith.constant 0 : i32
        %cond3A_330 = arith.cmpi ne, %convert_element_type3A_328, %cond3A_329 : i32
        scf.if %cond3A_330 {
          %sub3A_346 = arith.subi %select_n3A_313, %min3A_325 : i32
          %add3A_347 = arith.constant 0 : i32
          %add3A_348 = arith.addi %sub3A_346, %add3A_347 : i32
          %and3A_349 = arith.constant 15 : i32
          %and3A_350 = arith.andi %add3A_348, %and3A_349 : i32
          %dma_wait3A = arith.constant 0 : i32
          %dma_wait3A_351 = tpu.memref_slice %arg7[%and3A_350, %dma_wait3A] : memref<16x128xi32, #tpu.memory_space<vmem>> -> memref<1x128xi32, #tpu.memory_space<vmem>>
          %dma_wait3A_352 = tpu.memref_squeeze %dma_wait3A_351 : memref<1x128xi32, #tpu.memory_space<vmem>> -> memref<128xi32, #tpu.memory_space<vmem>>
          %dma_wait3A_353 = arith.constant 0 : i32
          %dma_wait3A_354 = arith.constant 0 : i32
          %dma_wait3A_355 = tpu.memref_slice %arg4[%dma_wait3A_353, %dma_wait3A_354] : memref<8208x128xf32, #tpu.memory_space<vmem_shared>> -> memref<8208x128xf32, #tpu.memory_space<vmem_shared>>
          tpu.wait_indirect_dma semaphore(%arg11 : memref<!tpu.dma_semaphore, #tpu.memory_space<semaphore_mem>>) src(%arg8 : memref<128x128xf32, #tpu.memory_space<vmem>>) dst(%dma_wait3A_355 : memref<8208x128xf32, #tpu.memory_space<vmem_shared>>)
        } else {
        }
        %gt3A_331 = arith.constant 1 : i32
        %gt3A_332 = arith.cmpi sgt, %min3A_325, %gt3A_331 : i32
        %convert_element_type3A_333 = arith.extui %gt3A_332 : i1 to i32
        %cond3A_334 = arith.constant 0 : i32
        %cond3A_335 = arith.cmpi ne, %convert_element_type3A_333, %cond3A_334 : i32
        scf.if %cond3A_335 {
          %sub3A_346 = arith.subi %select_n3A_313, %min3A_325 : i32
          %add3A_347 = arith.constant 1 : i32
          %add3A_348 = arith.addi %sub3A_346, %add3A_347 : i32
          %and3A_349 = arith.constant 15 : i32
          %and3A_350 = arith.andi %add3A_348, %and3A_349 : i32
          %dma_wait3A = arith.constant 0 : i32
          %dma_wait3A_351 = tpu.memref_slice %arg7[%and3A_350, %dma_wait3A] : memref<16x128xi32, #tpu.memory_space<vmem>> -> memref<1x128xi32, #tpu.memory_space<vmem>>
          %dma_wait3A_352 = tpu.memref_squeeze %dma_wait3A_351 : memref<1x128xi32, #tpu.memory_space<vmem>> -> memref<128xi32, #tpu.memory_space<vmem>>
          %dma_wait3A_353 = arith.constant 0 : i32
          %dma_wait3A_354 = arith.constant 0 : i32
          %dma_wait3A_355 = tpu.memref_slice %arg4[%dma_wait3A_353, %dma_wait3A_354] : memref<8208x128xf32, #tpu.memory_space<vmem_shared>> -> memref<8208x128xf32, #tpu.memory_space<vmem_shared>>
          tpu.wait_indirect_dma semaphore(%arg11 : memref<!tpu.dma_semaphore, #tpu.memory_space<semaphore_mem>>) src(%arg8 : memref<128x128xf32, #tpu.memory_space<vmem>>) dst(%dma_wait3A_355 : memref<8208x128xf32, #tpu.memory_space<vmem_shared>>)
        } else {
        }
        %gt3A_336 = arith.constant 2 : i32
        %gt3A_337 = arith.cmpi sgt, %min3A_325, %gt3A_336 : i32
        %convert_element_type3A_338 = arith.extui %gt3A_337 : i1 to i32
        %cond3A_339 = arith.constant 0 : i32
        %cond3A_340 = arith.cmpi ne, %convert_element_type3A_338, %cond3A_339 : i32
        scf.if %cond3A_340 {
          %sub3A_346 = arith.subi %select_n3A_313, %min3A_325 : i32
          %add3A_347 = arith.constant 2 : i32
          %add3A_348 = arith.addi %sub3A_346, %add3A_347 : i32
          %and3A_349 = arith.constant 15 : i32
          %and3A_350 = arith.andi %add3A_348, %and3A_349 : i32
          %dma_wait3A = arith.constant 0 : i32
          %dma_wait3A_351 = tpu.memref_slice %arg7[%and3A_350, %dma_wait3A] : memref<16x128xi32, #tpu.memory_space<vmem>> -> memref<1x128xi32, #tpu.memory_space<vmem>>
          %dma_wait3A_352 = tpu.memref_squeeze %dma_wait3A_351 : memref<1x128xi32, #tpu.memory_space<vmem>> -> memref<128xi32, #tpu.memory_space<vmem>>
          %dma_wait3A_353 = arith.constant 0 : i32
          %dma_wait3A_354 = arith.constant 0 : i32
          %dma_wait3A_355 = tpu.memref_slice %arg4[%dma_wait3A_353, %dma_wait3A_354] : memref<8208x128xf32, #tpu.memory_space<vmem_shared>> -> memref<8208x128xf32, #tpu.memory_space<vmem_shared>>
          tpu.wait_indirect_dma semaphore(%arg11 : memref<!tpu.dma_semaphore, #tpu.memory_space<semaphore_mem>>) src(%arg8 : memref<128x128xf32, #tpu.memory_space<vmem>>) dst(%dma_wait3A_355 : memref<8208x128xf32, #tpu.memory_space<vmem_shared>>)
        } else {
        }
        %gt3A_341 = arith.constant 3 : i32
        %gt3A_342 = arith.cmpi sgt, %min3A_325, %gt3A_341 : i32
        %convert_element_type3A_343 = arith.extui %gt3A_342 : i1 to i32
        %cond3A_344 = arith.constant 0 : i32
        %cond3A_345 = arith.cmpi ne, %convert_element_type3A_343, %cond3A_344 : i32
        scf.if %cond3A_345 {
          %sub3A_346 = arith.subi %select_n3A_313, %min3A_325 : i32
          %add3A_347 = arith.constant 3 : i32
          %add3A_348 = arith.addi %sub3A_346, %add3A_347 : i32
          %and3A_349 = arith.constant 15 : i32
          %and3A_350 = arith.andi %add3A_348, %and3A_349 : i32
          %dma_wait3A = arith.constant 0 : i32
          %dma_wait3A_351 = tpu.memref_slice %arg7[%and3A_350, %dma_wait3A] : memref<16x128xi32, #tpu.memory_space<vmem>> -> memref<1x128xi32, #tpu.memory_space<vmem>>
          %dma_wait3A_352 = tpu.memref_squeeze %dma_wait3A_351 : memref<1x128xi32, #tpu.memory_space<vmem>> -> memref<128xi32, #tpu.memory_space<vmem>>
          %dma_wait3A_353 = arith.constant 0 : i32
          %dma_wait3A_354 = arith.constant 0 : i32
          %dma_wait3A_355 = tpu.memref_slice %arg4[%dma_wait3A_353, %dma_wait3A_354] : memref<8208x128xf32, #tpu.memory_space<vmem_shared>> -> memref<8208x128xf32, #tpu.memory_space<vmem_shared>>
          tpu.wait_indirect_dma semaphore(%arg11 : memref<!tpu.dma_semaphore, #tpu.memory_space<semaphore_mem>>) src(%arg8 : memref<128x128xf32, #tpu.memory_space<vmem>>) dst(%dma_wait3A_355 : memref<8208x128xf32, #tpu.memory_space<vmem_shared>>)
        } else {
        }
        scf.yield %cond3A_308, %select_n3A_313 : i32, i32
      }
      %scan3A_56 = arith.constant 25 : i32
      %add3A_57 = arith.constant 127 : i32
      %add3A_58 = arith.addi %scan3A_55#0, %add3A_57 : i32
      %jit3A = arith.constant 128 : i32
      %div3A = arith.divsi %add3A_58, %jit3A : i32
      %sign3A = arith.constant 0 : i32
      %sign3A_59 = arith.cmpi sgt, %add3A_58, %sign3A : i32
      %sign3A_60 = arith.extui %sign3A_59 : i1 to i32
      %sign3A_61 = arith.constant 0 : i32
      %sign3A_62 = arith.cmpi slt, %add3A_58, %sign3A_61 : i32
      %sign3A_63 = arith.extui %sign3A_62 : i1 to i32
      %sign3A_64 = arith.subi %sign3A_60, %sign3A_63 : i32
      %sign3A_65 = arith.constant 0 : i32
      %sign3A_66 = arith.cmpi sgt, %jit3A, %sign3A_65 : i32
      %sign3A_67 = arith.extui %sign3A_66 : i1 to i32
      %sign3A_68 = arith.constant 0 : i32
      %sign3A_69 = arith.cmpi slt, %jit3A, %sign3A_68 : i32
      %sign3A_70 = arith.extui %sign3A_69 : i1 to i32
      %sign3A_71 = arith.subi %sign3A_67, %sign3A_70 : i32
      %ne3A = arith.cmpi ne, %sign3A_64, %sign3A_71 : i32
      %rem3A = arith.remsi %add3A_58, %jit3A : i32
      %ne3A_72 = arith.constant 0 : i32
      %ne3A_73 = arith.cmpi ne, %rem3A, %ne3A_72 : i32
      %and3A = arith.andi %ne3A, %ne3A_73 : i1
      %sub3A = arith.constant 1 : i32
      %sub3A_74 = arith.subi %div3A, %sub3A : i32
      %select_n3A = arith.select %and3A, %sub3A_74, %div3A : i32
      %mul3A_75 = arith.constant 128 : i32
      %mul3A_76 = arith.muli %select_n3A, %mul3A_75 : i32
      %sub3A_77 = arith.subi %mul3A_76, %scan3A_55#0 : i32
      %add3A_78 = arith.constant 0 : i32
      %add3A_79 = arith.addi %scan3A_55#0, %add3A_78 : i32
      %add3A_80 = vector.broadcast %add3A_79 : i32 to vector<16xi32>
      %add3A_81 = arith.addi %add3A_80, %iota3A : vector<16xi32>
      %and3A_82 = arith.constant 2047 : i32
      %and3A_83 = vector.broadcast %and3A_82 : i32 to vector<16xi32>
      %and3A_84 = arith.andi %add3A_81, %and3A_83 : vector<16xi32>
      %add3A_85 = arith.constant 0 : i32
      %add3A_86 = vector.broadcast %add3A_85 : i32 to vector<16xi32>
      %add3A_87 = arith.addi %add3A_86, %iota3A : vector<16xi32>
      %lt3A = vector.broadcast %sub3A_77 : i32 to vector<16xi32>
      %lt3A_88 = arith.cmpi slt, %add3A_87, %lt3A : vector<16xi32>
      %shift_right_arithmetic3A = arith.constant 7 : i32
      %shift_right_arithmetic3A_89 = vector.broadcast %shift_right_arithmetic3A : i32 to vector<16xi32>
      %shift_right_arithmetic3A_90 = arith.shrsi %and3A_84, %shift_right_arithmetic3A_89 : vector<16xi32>
      %and3A_91 = arith.constant 127 : i32
      %and3A_92 = vector.broadcast %and3A_91 : i32 to vector<16xi32>
      %and3A_93 = arith.andi %and3A_84, %and3A_92 : vector<16xi32>
      %add3A_94 = arith.constant 8192 : i32
      %add3A_95 = vector.broadcast %add3A_94 : i32 to vector<16xi32>
      %add3A_96 = arith.addi %add3A_95, %iota3A : vector<16xi32>
      tpu.vector_store_idx %arg7[%shift_right_arithmetic3A_90, %and3A_93], %add3A_96 masked %lt3A_88 : memref<16x128xi32, #tpu.memory_space<vmem>>[vector<16xi32>, vector<16xi32>], vector<16xi32>, vector<16xi1>
      %add3A_97 = arith.constant 16 : i32
      %add3A_98 = arith.addi %scan3A_55#0, %add3A_97 : i32
      %add3A_99 = vector.broadcast %add3A_98 : i32 to vector<16xi32>
      %add3A_100 = arith.addi %add3A_99, %iota3A : vector<16xi32>
      %and3A_101 = arith.constant 2047 : i32
      %and3A_102 = vector.broadcast %and3A_101 : i32 to vector<16xi32>
      %and3A_103 = arith.andi %add3A_100, %and3A_102 : vector<16xi32>
      %add3A_104 = arith.constant 16 : i32
      %add3A_105 = vector.broadcast %add3A_104 : i32 to vector<16xi32>
      %add3A_106 = arith.addi %add3A_105, %iota3A : vector<16xi32>
      %lt3A_107 = vector.broadcast %sub3A_77 : i32 to vector<16xi32>
      %lt3A_108 = arith.cmpi slt, %add3A_106, %lt3A_107 : vector<16xi32>
      %shift_right_arithmetic3A_109 = arith.constant 7 : i32
      %shift_right_arithmetic3A_110 = vector.broadcast %shift_right_arithmetic3A_109 : i32 to vector<16xi32>
      %shift_right_arithmetic3A_111 = arith.shrsi %and3A_103, %shift_right_arithmetic3A_110 : vector<16xi32>
      %and3A_112 = arith.constant 127 : i32
      %and3A_113 = vector.broadcast %and3A_112 : i32 to vector<16xi32>
      %and3A_114 = arith.andi %and3A_103, %and3A_113 : vector<16xi32>
      %add3A_115 = arith.constant 8192 : i32
      %add3A_116 = vector.broadcast %add3A_115 : i32 to vector<16xi32>
      %add3A_117 = arith.addi %add3A_116, %iota3A : vector<16xi32>
      tpu.vector_store_idx %arg7[%shift_right_arithmetic3A_111, %and3A_114], %add3A_117 masked %lt3A_108 : memref<16x128xi32, #tpu.memory_space<vmem>>[vector<16xi32>, vector<16xi32>], vector<16xi32>, vector<16xi1>
      %add3A_118 = arith.constant 32 : i32
      %add3A_119 = arith.addi %scan3A_55#0, %add3A_118 : i32
      %add3A_120 = vector.broadcast %add3A_119 : i32 to vector<16xi32>
      %add3A_121 = arith.addi %add3A_120, %iota3A : vector<16xi32>
      %and3A_122 = arith.constant 2047 : i32
      %and3A_123 = vector.broadcast %and3A_122 : i32 to vector<16xi32>
      %and3A_124 = arith.andi %add3A_121, %and3A_123 : vector<16xi32>
      %add3A_125 = arith.constant 32 : i32
      %add3A_126 = vector.broadcast %add3A_125 : i32 to vector<16xi32>
      %add3A_127 = arith.addi %add3A_126, %iota3A : vector<16xi32>
      %lt3A_128 = vector.broadcast %sub3A_77 : i32 to vector<16xi32>
      %lt3A_129 = arith.cmpi slt, %add3A_127, %lt3A_128 : vector<16xi32>
      %shift_right_arithmetic3A_130 = arith.constant 7 : i32
      %shift_right_arithmetic3A_131 = vector.broadcast %shift_right_arithmetic3A_130 : i32 to vector<16xi32>
      %shift_right_arithmetic3A_132 = arith.shrsi %and3A_124, %shift_right_arithmetic3A_131 : vector<16xi32>
      %and3A_133 = arith.constant 127 : i32
      %and3A_134 = vector.broadcast %and3A_133 : i32 to vector<16xi32>
      %and3A_135 = arith.andi %and3A_124, %and3A_134 : vector<16xi32>
      %add3A_136 = arith.constant 8192 : i32
      %add3A_137 = vector.broadcast %add3A_136 : i32 to vector<16xi32>
      %add3A_138 = arith.addi %add3A_137, %iota3A : vector<16xi32>
      tpu.vector_store_idx %arg7[%shift_right_arithmetic3A_132, %and3A_135], %add3A_138 masked %lt3A_129 : memref<16x128xi32, #tpu.memory_space<vmem>>[vector<16xi32>, vector<16xi32>], vector<16xi32>, vector<16xi1>
      %add3A_139 = arith.constant 48 : i32
      %add3A_140 = arith.addi %scan3A_55#0, %add3A_139 : i32
      %add3A_141 = vector.broadcast %add3A_140 : i32 to vector<16xi32>
      %add3A_142 = arith.addi %add3A_141, %iota3A : vector<16xi32>
      %and3A_143 = arith.constant 2047 : i32
      %and3A_144 = vector.broadcast %and3A_143 : i32 to vector<16xi32>
      %and3A_145 = arith.andi %add3A_142, %and3A_144 : vector<16xi32>
      %add3A_146 = arith.constant 48 : i32
      %add3A_147 = vector.broadcast %add3A_146 : i32 to vector<16xi32>
      %add3A_148 = arith.addi %add3A_147, %iota3A : vector<16xi32>
      %lt3A_149 = vector.broadcast %sub3A_77 : i32 to vector<16xi32>
      %lt3A_150 = arith.cmpi slt, %add3A_148, %lt3A_149 : vector<16xi32>
      %shift_right_arithmetic3A_151 = arith.constant 7 : i32
      %shift_right_arithmetic3A_152 = vector.broadcast %shift_right_arithmetic3A_151 : i32 to vector<16xi32>
      %shift_right_arithmetic3A_153 = arith.shrsi %and3A_145, %shift_right_arithmetic3A_152 : vector<16xi32>
      %and3A_154 = arith.constant 127 : i32
      %and3A_155 = vector.broadcast %and3A_154 : i32 to vector<16xi32>
      %and3A_156 = arith.andi %and3A_145, %and3A_155 : vector<16xi32>
      %add3A_157 = arith.constant 8192 : i32
      %add3A_158 = vector.broadcast %add3A_157 : i32 to vector<16xi32>
      %add3A_159 = arith.addi %add3A_158, %iota3A : vector<16xi32>
      tpu.vector_store_idx %arg7[%shift_right_arithmetic3A_153, %and3A_156], %add3A_159 masked %lt3A_150 : memref<16x128xi32, #tpu.memory_space<vmem>>[vector<16xi32>, vector<16xi32>], vector<16xi32>, vector<16xi1>
      %add3A_160 = arith.constant 64 : i32
      %add3A_161 = arith.addi %scan3A_55#0, %add3A_160 : i32
      %add3A_162 = vector.broadcast %add3A_161 : i32 to vector<16xi32>
      %add3A_163 = arith.addi %add3A_162, %iota3A : vector<16xi32>
      %and3A_164 = arith.constant 2047 : i32
      %and3A_165 = vector.broadcast %and3A_164 : i32 to vector<16xi32>
      %and3A_166 = arith.andi %add3A_163, %and3A_165 : vector<16xi32>
      %add3A_167 = arith.constant 64 : i32
      %add3A_168 = vector.broadcast %add3A_167 : i32 to vector<16xi32>
      %add3A_169 = arith.addi %add3A_168, %iota3A : vector<16xi32>
      %lt3A_170 = vector.broadcast %sub3A_77 : i32 to vector<16xi32>
      %lt3A_171 = arith.cmpi slt, %add3A_169, %lt3A_170 : vector<16xi32>
      %shift_right_arithmetic3A_172 = arith.constant 7 : i32
      %shift_right_arithmetic3A_173 = vector.broadcast %shift_right_arithmetic3A_172 : i32 to vector<16xi32>
      %shift_right_arithmetic3A_174 = arith.shrsi %and3A_166, %shift_right_arithmetic3A_173 : vector<16xi32>
      %and3A_175 = arith.constant 127 : i32
      %and3A_176 = vector.broadcast %and3A_175 : i32 to vector<16xi32>
      %and3A_177 = arith.andi %and3A_166, %and3A_176 : vector<16xi32>
      %add3A_178 = arith.constant 8192 : i32
      %add3A_179 = vector.broadcast %add3A_178 : i32 to vector<16xi32>
      %add3A_180 = arith.addi %add3A_179, %iota3A : vector<16xi32>
      tpu.vector_store_idx %arg7[%shift_right_arithmetic3A_174, %and3A_177], %add3A_180 masked %lt3A_171 : memref<16x128xi32, #tpu.memory_space<vmem>>[vector<16xi32>, vector<16xi32>], vector<16xi32>, vector<16xi1>
      %add3A_181 = arith.constant 80 : i32
      %add3A_182 = arith.addi %scan3A_55#0, %add3A_181 : i32
      %add3A_183 = vector.broadcast %add3A_182 : i32 to vector<16xi32>
      %add3A_184 = arith.addi %add3A_183, %iota3A : vector<16xi32>
      %and3A_185 = arith.constant 2047 : i32
      %and3A_186 = vector.broadcast %and3A_185 : i32 to vector<16xi32>
      %and3A_187 = arith.andi %add3A_184, %and3A_186 : vector<16xi32>
      %add3A_188 = arith.constant 80 : i32
      %add3A_189 = vector.broadcast %add3A_188 : i32 to vector<16xi32>
      %add3A_190 = arith.addi %add3A_189, %iota3A : vector<16xi32>
      %lt3A_191 = vector.broadcast %sub3A_77 : i32 to vector<16xi32>
      %lt3A_192 = arith.cmpi slt, %add3A_190, %lt3A_191 : vector<16xi32>
      %shift_right_arithmetic3A_193 = arith.constant 7 : i32
      %shift_right_arithmetic3A_194 = vector.broadcast %shift_right_arithmetic3A_193 : i32 to vector<16xi32>
      %shift_right_arithmetic3A_195 = arith.shrsi %and3A_187, %shift_right_arithmetic3A_194 : vector<16xi32>
      %and3A_196 = arith.constant 127 : i32
      %and3A_197 = vector.broadcast %and3A_196 : i32 to vector<16xi32>
      %and3A_198 = arith.andi %and3A_187, %and3A_197 : vector<16xi32>
      %add3A_199 = arith.constant 8192 : i32
      %add3A_200 = vector.broadcast %add3A_199 : i32 to vector<16xi32>
      %add3A_201 = arith.addi %add3A_200, %iota3A : vector<16xi32>
      tpu.vector_store_idx %arg7[%shift_right_arithmetic3A_195, %and3A_198], %add3A_201 masked %lt3A_192 : memref<16x128xi32, #tpu.memory_space<vmem>>[vector<16xi32>, vector<16xi32>], vector<16xi32>, vector<16xi1>
      %add3A_202 = arith.constant 96 : i32
      %add3A_203 = arith.addi %scan3A_55#0, %add3A_202 : i32
      %add3A_204 = vector.broadcast %add3A_203 : i32 to vector<16xi32>
      %add3A_205 = arith.addi %add3A_204, %iota3A : vector<16xi32>
      %and3A_206 = arith.constant 2047 : i32
      %and3A_207 = vector.broadcast %and3A_206 : i32 to vector<16xi32>
      %and3A_208 = arith.andi %add3A_205, %and3A_207 : vector<16xi32>
      %add3A_209 = arith.constant 96 : i32
      %add3A_210 = vector.broadcast %add3A_209 : i32 to vector<16xi32>
      %add3A_211 = arith.addi %add3A_210, %iota3A : vector<16xi32>
      %lt3A_212 = vector.broadcast %sub3A_77 : i32 to vector<16xi32>
      %lt3A_213 = arith.cmpi slt, %add3A_211, %lt3A_212 : vector<16xi32>
      %shift_right_arithmetic3A_214 = arith.constant 7 : i32
      %shift_right_arithmetic3A_215 = vector.broadcast %shift_right_arithmetic3A_214 : i32 to vector<16xi32>
      %shift_right_arithmetic3A_216 = arith.shrsi %and3A_208, %shift_right_arithmetic3A_215 : vector<16xi32>
      %and3A_217 = arith.constant 127 : i32
      %and3A_218 = vector.broadcast %and3A_217 : i32 to vector<16xi32>
      %and3A_219 = arith.andi %and3A_208, %and3A_218 : vector<16xi32>
      %add3A_220 = arith.constant 8192 : i32
      %add3A_221 = vector.broadcast %add3A_220 : i32 to vector<16xi32>
      %add3A_222 = arith.addi %add3A_221, %iota3A : vector<16xi32>
      tpu.vector_store_idx %arg7[%shift_right_arithmetic3A_216, %and3A_219], %add3A_222 masked %lt3A_213 : memref<16x128xi32, #tpu.memory_space<vmem>>[vector<16xi32>, vector<16xi32>], vector<16xi32>, vector<16xi1>
      %add3A_223 = arith.constant 112 : i32
      %add3A_224 = arith.addi %scan3A_55#0, %add3A_223 : i32
      %add3A_225 = vector.broadcast %add3A_224 : i32 to vector<16xi32>
      %add3A_226 = arith.addi %add3A_225, %iota3A : vector<16xi32>
      %and3A_227 = arith.constant 2047 : i32
      %and3A_228 = vector.broadcast %and3A_227 : i32 to vector<16xi32>
      %and3A_229 = arith.andi %add3A_226, %and3A_228 : vector<16xi32>
      %add3A_230 = arith.constant 112 : i32
      %add3A_231 = vector.broadcast %add3A_230 : i32 to vector<16xi32>
      %add3A_232 = arith.addi %add3A_231, %iota3A : vector<16xi32>
      %lt3A_233 = vector.broadcast %sub3A_77 : i32 to vector<16xi32>
      %lt3A_234 = arith.cmpi slt, %add3A_232, %lt3A_233 : vector<16xi32>
      %shift_right_arithmetic3A_235 = arith.constant 7 : i32
      %shift_right_arithmetic3A_236 = vector.broadcast %shift_right_arithmetic3A_235 : i32 to vector<16xi32>
      %shift_right_arithmetic3A_237 = arith.shrsi %and3A_229, %shift_right_arithmetic3A_236 : vector<16xi32>
      %and3A_238 = arith.constant 127 : i32
      %and3A_239 = vector.broadcast %and3A_238 : i32 to vector<16xi32>
      %and3A_240 = arith.andi %and3A_229, %and3A_239 : vector<16xi32>
      %add3A_241 = arith.constant 8192 : i32
      %add3A_242 = vector.broadcast %add3A_241 : i32 to vector<16xi32>
      %add3A_243 = arith.addi %add3A_242, %iota3A : vector<16xi32>
      tpu.vector_store_idx %arg7[%shift_right_arithmetic3A_237, %and3A_240], %add3A_243 masked %lt3A_234 : memref<16x128xi32, #tpu.memory_space<vmem>>[vector<16xi32>, vector<16xi32>], vector<16xi32>, vector<16xi1>
      %while3A = arith.constant 0 : i32
      %while3A_244 = arith.subi %select_n3A, %scan3A_55#1 : i32
      %while3A_245 = arith.addi %scan3A_55#1, %while3A_244 : i32
      %while3A_246 = arith.constant 1 : i32
      %while3A_247 = arith.divsi %while3A_244, %while3A_246 : i32
      %while3A_248 = arith.muli %while3A_247, %while3A_246 : i32
      %while3A_249 = arith.addi %scan3A_55#1, %while3A_248 : i32
      %while3A_250 = arith.constant 1 : i32
      scf.for %while3A_275 = %scan3A_55#1 to %while3A_249 step %while3A_250  : i32 {
        %and3A_276 = arith.constant 15 : i32
        %and3A_277 = arith.andi %while3A_275, %and3A_276 : i32
        %dma_start3A_278 = arith.constant 0 : i32
        %dma_start3A_279 = tpu.memref_slice %arg7[%and3A_277, %dma_start3A_278] : memref<16x128xi32, #tpu.memory_space<vmem>> -> memref<1x128xi32, #tpu.memory_space<vmem>>
        %dma_start3A_280 = tpu.memref_squeeze %dma_start3A_279 : memref<1x128xi32, #tpu.memory_space<vmem>> -> memref<128xi32, #tpu.memory_space<vmem>>
        %dma_start3A_281 = arith.constant 0 : i32
        %dma_start3A_282 = arith.constant 0 : i32
        %dma_start3A_283 = tpu.memref_slice %arg4[%dma_start3A_281, %dma_start3A_282] : memref<8208x128xf32, #tpu.memory_space<vmem_shared>> -> memref<8208x128xf32, #tpu.memory_space<vmem_shared>>
        tpu.enqueue_indirect_dma source(%arg8 : memref<128x128xf32, #tpu.memory_space<vmem>>) target(%dma_start3A_283 : memref<8208x128xf32, #tpu.memory_space<vmem_shared>>) offsets(%dma_start3A_280 : memref<128xi32, #tpu.memory_space<vmem>>) semaphore(%arg11 : memref<!tpu.dma_semaphore, #tpu.memory_space<semaphore_mem>>) {add = true}
        %sub3A_284 = arith.subi %while3A_275, %scan3A_55#1 : i32
        %ge3A = arith.constant 4 : i32
        %ge3A_285 = arith.cmpi sge, %sub3A_284, %ge3A : i32
        %convert_element_type3A_286 = arith.extui %ge3A_285 : i1 to i32
        %cond3A_287 = arith.constant 0 : i32
        %cond3A_288 = arith.cmpi ne, %convert_element_type3A_286, %cond3A_287 : i32
        scf.if %cond3A_288 {
          %sub3A_289 = arith.constant 4 : i32
          %sub3A_290 = arith.subi %while3A_275, %sub3A_289 : i32
          %and3A_291 = arith.constant 15 : i32
          %and3A_292 = arith.andi %sub3A_290, %and3A_291 : i32
          %dma_wait3A = arith.constant 0 : i32
          %dma_wait3A_293 = tpu.memref_slice %arg7[%and3A_292, %dma_wait3A] : memref<16x128xi32, #tpu.memory_space<vmem>> -> memref<1x128xi32, #tpu.memory_space<vmem>>
          %dma_wait3A_294 = tpu.memref_squeeze %dma_wait3A_293 : memref<1x128xi32, #tpu.memory_space<vmem>> -> memref<128xi32, #tpu.memory_space<vmem>>
          %dma_wait3A_295 = arith.constant 0 : i32
          %dma_wait3A_296 = arith.constant 0 : i32
          %dma_wait3A_297 = tpu.memref_slice %arg4[%dma_wait3A_295, %dma_wait3A_296] : memref<8208x128xf32, #tpu.memory_space<vmem_shared>> -> memref<8208x128xf32, #tpu.memory_space<vmem_shared>>
          tpu.wait_indirect_dma semaphore(%arg11 : memref<!tpu.dma_semaphore, #tpu.memory_space<semaphore_mem>>) src(%arg8 : memref<128x128xf32, #tpu.memory_space<vmem>>) dst(%dma_wait3A_297 : memref<8208x128xf32, #tpu.memory_space<vmem_shared>>)
        } else {
        }
      }
      %while3A_251 = arith.constant 1 : i32
      scf.for %while3A_275 = %while3A_249 to %while3A_245 step %while3A_251  : i32 {
        %and3A_276 = arith.constant 15 : i32
        %and3A_277 = arith.andi %while3A_275, %and3A_276 : i32
        %dma_start3A_278 = arith.constant 0 : i32
        %dma_start3A_279 = tpu.memref_slice %arg7[%and3A_277, %dma_start3A_278] : memref<16x128xi32, #tpu.memory_space<vmem>> -> memref<1x128xi32, #tpu.memory_space<vmem>>
        %dma_start3A_280 = tpu.memref_squeeze %dma_start3A_279 : memref<1x128xi32, #tpu.memory_space<vmem>> -> memref<128xi32, #tpu.memory_space<vmem>>
        %dma_start3A_281 = arith.constant 0 : i32
        %dma_start3A_282 = arith.constant 0 : i32
        %dma_start3A_283 = tpu.memref_slice %arg4[%dma_start3A_281, %dma_start3A_282] : memref<8208x128xf32, #tpu.memory_space<vmem_shared>> -> memref<8208x128xf32, #tpu.memory_space<vmem_shared>>
        tpu.enqueue_indirect_dma source(%arg8 : memref<128x128xf32, #tpu.memory_space<vmem>>) target(%dma_start3A_283 : memref<8208x128xf32, #tpu.memory_space<vmem_shared>>) offsets(%dma_start3A_280 : memref<128xi32, #tpu.memory_space<vmem>>) semaphore(%arg11 : memref<!tpu.dma_semaphore, #tpu.memory_space<semaphore_mem>>) {add = true}
        %sub3A_284 = arith.subi %while3A_275, %scan3A_55#1 : i32
        %ge3A = arith.constant 4 : i32
        %ge3A_285 = arith.cmpi sge, %sub3A_284, %ge3A : i32
        %convert_element_type3A_286 = arith.extui %ge3A_285 : i1 to i32
        %cond3A_287 = arith.constant 0 : i32
        %cond3A_288 = arith.cmpi ne, %convert_element_type3A_286, %cond3A_287 : i32
        scf.if %cond3A_288 {
          %sub3A_289 = arith.constant 4 : i32
          %sub3A_290 = arith.subi %while3A_275, %sub3A_289 : i32
          %and3A_291 = arith.constant 15 : i32
          %and3A_292 = arith.andi %sub3A_290, %and3A_291 : i32
          %dma_wait3A = arith.constant 0 : i32
          %dma_wait3A_293 = tpu.memref_slice %arg7[%and3A_292, %dma_wait3A] : memref<16x128xi32, #tpu.memory_space<vmem>> -> memref<1x128xi32, #tpu.memory_space<vmem>>
          %dma_wait3A_294 = tpu.memref_squeeze %dma_wait3A_293 : memref<1x128xi32, #tpu.memory_space<vmem>> -> memref<128xi32, #tpu.memory_space<vmem>>
          %dma_wait3A_295 = arith.constant 0 : i32
          %dma_wait3A_296 = arith.constant 0 : i32
          %dma_wait3A_297 = tpu.memref_slice %arg4[%dma_wait3A_295, %dma_wait3A_296] : memref<8208x128xf32, #tpu.memory_space<vmem_shared>> -> memref<8208x128xf32, #tpu.memory_space<vmem_shared>>
          tpu.wait_indirect_dma semaphore(%arg11 : memref<!tpu.dma_semaphore, #tpu.memory_space<semaphore_mem>>) src(%arg8 : memref<128x128xf32, #tpu.memory_space<vmem>>) dst(%dma_wait3A_297 : memref<8208x128xf32, #tpu.memory_space<vmem_shared>>)
        } else {
        }
      }
      %sub3A_252 = arith.subi %select_n3A, %scan3A_55#1 : i32
      %min3A = arith.constant 4 : i32
      %min3A_253 = arith.minsi %sub3A_252, %min3A : i32
      %gt3A = arith.constant 0 : i32
      %gt3A_254 = arith.cmpi sgt, %min3A_253, %gt3A : i32
      %convert_element_type3A = arith.extui %gt3A_254 : i1 to i32
      %cond3A = arith.constant 0 : i32
      %cond3A_255 = arith.cmpi ne, %convert_element_type3A, %cond3A : i32
      scf.if %cond3A_255 {
        %sub3A_275 = arith.subi %select_n3A, %min3A_253 : i32
        %add3A_276 = arith.constant 0 : i32
        %add3A_277 = arith.addi %sub3A_275, %add3A_276 : i32
        %and3A_278 = arith.constant 15 : i32
        %and3A_279 = arith.andi %add3A_277, %and3A_278 : i32
        %dma_wait3A = arith.constant 0 : i32
        %dma_wait3A_280 = tpu.memref_slice %arg7[%and3A_279, %dma_wait3A] : memref<16x128xi32, #tpu.memory_space<vmem>> -> memref<1x128xi32, #tpu.memory_space<vmem>>
        %dma_wait3A_281 = tpu.memref_squeeze %dma_wait3A_280 : memref<1x128xi32, #tpu.memory_space<vmem>> -> memref<128xi32, #tpu.memory_space<vmem>>
        %dma_wait3A_282 = arith.constant 0 : i32
        %dma_wait3A_283 = arith.constant 0 : i32
        %dma_wait3A_284 = tpu.memref_slice %arg4[%dma_wait3A_282, %dma_wait3A_283] : memref<8208x128xf32, #tpu.memory_space<vmem_shared>> -> memref<8208x128xf32, #tpu.memory_space<vmem_shared>>
        tpu.wait_indirect_dma semaphore(%arg11 : memref<!tpu.dma_semaphore, #tpu.memory_space<semaphore_mem>>) src(%arg8 : memref<128x128xf32, #tpu.memory_space<vmem>>) dst(%dma_wait3A_284 : memref<8208x128xf32, #tpu.memory_space<vmem_shared>>)
      } else {
      }
      %gt3A_256 = arith.constant 1 : i32
      %gt3A_257 = arith.cmpi sgt, %min3A_253, %gt3A_256 : i32
      %convert_element_type3A_258 = arith.extui %gt3A_257 : i1 to i32
      %cond3A_259 = arith.constant 0 : i32
      %cond3A_260 = arith.cmpi ne, %convert_element_type3A_258, %cond3A_259 : i32
      scf.if %cond3A_260 {
        %sub3A_275 = arith.subi %select_n3A, %min3A_253 : i32
        %add3A_276 = arith.constant 1 : i32
        %add3A_277 = arith.addi %sub3A_275, %add3A_276 : i32
        %and3A_278 = arith.constant 15 : i32
        %and3A_279 = arith.andi %add3A_277, %and3A_278 : i32
        %dma_wait3A = arith.constant 0 : i32
        %dma_wait3A_280 = tpu.memref_slice %arg7[%and3A_279, %dma_wait3A] : memref<16x128xi32, #tpu.memory_space<vmem>> -> memref<1x128xi32, #tpu.memory_space<vmem>>
        %dma_wait3A_281 = tpu.memref_squeeze %dma_wait3A_280 : memref<1x128xi32, #tpu.memory_space<vmem>> -> memref<128xi32, #tpu.memory_space<vmem>>
        %dma_wait3A_282 = arith.constant 0 : i32
        %dma_wait3A_283 = arith.constant 0 : i32
        %dma_wait3A_284 = tpu.memref_slice %arg4[%dma_wait3A_282, %dma_wait3A_283] : memref<8208x128xf32, #tpu.memory_space<vmem_shared>> -> memref<8208x128xf32, #tpu.memory_space<vmem_shared>>
        tpu.wait_indirect_dma semaphore(%arg11 : memref<!tpu.dma_semaphore, #tpu.memory_space<semaphore_mem>>) src(%arg8 : memref<128x128xf32, #tpu.memory_space<vmem>>) dst(%dma_wait3A_284 : memref<8208x128xf32, #tpu.memory_space<vmem_shared>>)
      } else {
      }
      %gt3A_261 = arith.constant 2 : i32
      %gt3A_262 = arith.cmpi sgt, %min3A_253, %gt3A_261 : i32
      %convert_element_type3A_263 = arith.extui %gt3A_262 : i1 to i32
      %cond3A_264 = arith.constant 0 : i32
      %cond3A_265 = arith.cmpi ne, %convert_element_type3A_263, %cond3A_264 : i32
      scf.if %cond3A_265 {
        %sub3A_275 = arith.subi %select_n3A, %min3A_253 : i32
        %add3A_276 = arith.constant 2 : i32
        %add3A_277 = arith.addi %sub3A_275, %add3A_276 : i32
        %and3A_278 = arith.constant 15 : i32
        %and3A_279 = arith.andi %add3A_277, %and3A_278 : i32
        %dma_wait3A = arith.constant 0 : i32
        %dma_wait3A_280 = tpu.memref_slice %arg7[%and3A_279, %dma_wait3A] : memref<16x128xi32, #tpu.memory_space<vmem>> -> memref<1x128xi32, #tpu.memory_space<vmem>>
        %dma_wait3A_281 = tpu.memref_squeeze %dma_wait3A_280 : memref<1x128xi32, #tpu.memory_space<vmem>> -> memref<128xi32, #tpu.memory_space<vmem>>
        %dma_wait3A_282 = arith.constant 0 : i32
        %dma_wait3A_283 = arith.constant 0 : i32
        %dma_wait3A_284 = tpu.memref_slice %arg4[%dma_wait3A_282, %dma_wait3A_283] : memref<8208x128xf32, #tpu.memory_space<vmem_shared>> -> memref<8208x128xf32, #tpu.memory_space<vmem_shared>>
        tpu.wait_indirect_dma semaphore(%arg11 : memref<!tpu.dma_semaphore, #tpu.memory_space<semaphore_mem>>) src(%arg8 : memref<128x128xf32, #tpu.memory_space<vmem>>) dst(%dma_wait3A_284 : memref<8208x128xf32, #tpu.memory_space<vmem_shared>>)
      } else {
      }
      %gt3A_266 = arith.constant 3 : i32
      %gt3A_267 = arith.cmpi sgt, %min3A_253, %gt3A_266 : i32
      %convert_element_type3A_268 = arith.extui %gt3A_267 : i1 to i32
      %cond3A_269 = arith.constant 0 : i32
      %cond3A_270 = arith.cmpi ne, %convert_element_type3A_268, %cond3A_269 : i32
      scf.if %cond3A_270 {
        %sub3A_275 = arith.subi %select_n3A, %min3A_253 : i32
        %add3A_276 = arith.constant 3 : i32
        %add3A_277 = arith.addi %sub3A_275, %add3A_276 : i32
        %and3A_278 = arith.constant 15 : i32
        %and3A_279 = arith.andi %add3A_277, %and3A_278 : i32
        %dma_wait3A = arith.constant 0 : i32
        %dma_wait3A_280 = tpu.memref_slice %arg7[%and3A_279, %dma_wait3A] : memref<16x128xi32, #tpu.memory_space<vmem>> -> memref<1x128xi32, #tpu.memory_space<vmem>>
        %dma_wait3A_281 = tpu.memref_squeeze %dma_wait3A_280 : memref<1x128xi32, #tpu.memory_space<vmem>> -> memref<128xi32, #tpu.memory_space<vmem>>
        %dma_wait3A_282 = arith.constant 0 : i32
        %dma_wait3A_283 = arith.constant 0 : i32
        %dma_wait3A_284 = tpu.memref_slice %arg4[%dma_wait3A_282, %dma_wait3A_283] : memref<8208x128xf32, #tpu.memory_space<vmem_shared>> -> memref<8208x128xf32, #tpu.memory_space<vmem_shared>>
        tpu.wait_indirect_dma semaphore(%arg11 : memref<!tpu.dma_semaphore, #tpu.memory_space<semaphore_mem>>) src(%arg8 : memref<128x128xf32, #tpu.memory_space<vmem>>) dst(%dma_wait3A_284 : memref<8208x128xf32, #tpu.memory_space<vmem_shared>>)
      } else {
      }
      %barrier3A_271 = arith.constant 0 : index
      tpu.barrier barrier_id(%barrier3A_271)
      %mul3A_272 = arith.constant 8192 : i32
      %mul3A_273 = arith.muli %add3A, %mul3A_272 : i32
      %add3A_274 = arith.addi %mul3A_273, %mul3A_5 : i32
      "tpu.region"() ({
        %run_scoped3A = tpu.sem_alloc : memref<!tpu.dma_semaphore, #tpu.memory_space<semaphore_mem>>
        %dma_start3A_275 = arith.constant 0 : i32
        %dma_start3A_276 = tpu.memref_slice %arg3[%add3A_274, %dma_start3A_275] : memref<81920x128xf32, #tpu.memory_space<hbm>> -> memref<512x128xf32, #tpu.memory_space<hbm>>
        %dma_start3A_277 = arith.constant 0 : i32
        %dma_start3A_278 = tpu.memref_slice %arg4[%mul3A_5, %dma_start3A_277] : memref<8208x128xf32, #tpu.memory_space<vmem_shared>> -> memref<512x128xf32, #tpu.memory_space<vmem_shared>>
        tpu.enqueue_dma source(%dma_start3A_278 : memref<512x128xf32, #tpu.memory_space<vmem_shared>>) target(%dma_start3A_276 : memref<512x128xf32, #tpu.memory_space<hbm>>) target_semaphore(%run_scoped3A : memref<!tpu.dma_semaphore, #tpu.memory_space<semaphore_mem>>)
        %dma_wait3A = arith.constant 0 : i32
        %dma_wait3A_279 = tpu.memref_slice %arg3[%add3A_274, %dma_wait3A] : memref<81920x128xf32, #tpu.memory_space<hbm>> -> memref<512x128xf32, #tpu.memory_space<hbm>>
        %dma_wait3A_280 = arith.constant 0 : i32
        %dma_wait3A_281 = tpu.memref_slice %arg4[%mul3A_5, %dma_wait3A_280] : memref<8208x128xf32, #tpu.memory_space<vmem_shared>> -> memref<512x128xf32, #tpu.memory_space<vmem_shared>>
        tpu.wait_dma2 semaphore(%run_scoped3A : memref<!tpu.dma_semaphore, #tpu.memory_space<semaphore_mem>>) src(%dma_wait3A_281 : memref<512x128xf32, #tpu.memory_space<vmem_shared>>) dst(%dma_wait3A_279 : memref<512x128xf32, #tpu.memory_space<hbm>>)
        tpu.yield
      }) : () -> ()
    }
    %scan3A_10 = arith.constant 5 : i32
    return
  }
}

#map = affine_map<(d0, d1) -> (0, 0)>
#map1 = affine_map<(d0, d1) -> (0)>
module attributes {stable_mosaic.version = 14 : i64} {
  func.func @_sc_body(%arg0: i32, %arg1: i32, %arg2: memref<10000x128xf32, #tpu.memory_space<hbm>>, %arg3: memref<320000xi32, #tpu.memory_space<hbm>>, %arg4: memref<320000xi32, #tpu.memory_space<hbm>>, %arg5: memref<81920x128xf32, #tpu.memory_space<hbm>>, %arg6: memref<8208x128xf32, #tpu.memory_space<vmem_shared>>, %arg7: memref<800xi32, #tpu.memory_space<vmem>>, %arg8: memref<800xi32, #tpu.memory_space<vmem>>, %arg9: memref<800xi32, #tpu.memory_space<vmem>>, %arg10: memref<800xi32, #tpu.memory_space<vmem>>, %arg11: memref<16x128xi32, #tpu.memory_space<vmem>>, %arg12: memref<16x128xi32, #tpu.memory_space<vmem>>, %arg13: memref<128x128xf32, #tpu.memory_space<vmem>>, %arg14: memref<128x128xf32, #tpu.memory_space<vmem>>, %arg15: memref<!tpu.dma_semaphore, #tpu.memory_space<semaphore_mem>>, %arg16: memref<!tpu.dma_semaphore, #tpu.memory_space<semaphore_mem>>, %arg17: memref<!tpu.dma_semaphore, #tpu.memory_space<semaphore_mem>>, %arg18: memref<!tpu.dma_semaphore, #tpu.memory_space<semaphore_mem>>, %arg19: memref<!tpu.dma_semaphore, #tpu.memory_space<semaphore_mem>>, %arg20: memref<!tpu.dma_semaphore, #tpu.memory_space<semaphore_mem>>) attributes {dimension_semantics = [#tpu.dimension_semantics<core_parallel>, #tpu.dimension_semantics<subcore_parallel>], iteration_bounds = array<i64: 2, 16>, scalar_prefetch = 0 : i64, scratch_operands = 15 : i64, tpu.core_type = #tpu.core_type<sc_vector_subcore>, window_params = [{transform_indices = #map}, {transform_indices = #map1}, {transform_indices = #map1}, {transform_indices = #map}]} {
    %iota3A = tpu.iota {dimensions = array<i32: 0>} : vector<16xi32>
    %broadcast_in_dim3A = arith.constant 0.000000e+00 : f32
    %broadcast_in_dim3A_0 = vector.broadcast %broadcast_in_dim3A : f32 to vector<16xf32>
    %broadcast_in_dim3A_1 = arith.constant 1.000000e+00 : f32
    %broadcast_in_dim3A_2 = vector.broadcast %broadcast_in_dim3A_1 : f32 to vector<16xf32>
    %mul3A = arith.constant 20000 : i32
    %mul3A_3 = arith.muli %arg1, %mul3A : i32
    %mul3A_4 = arith.constant 512 : i32
    %mul3A_5 = arith.muli %arg1, %mul3A_4 : i32
    %scan3A = arith.constant 0 : i32
    %scan3A_6 = arith.constant 0 : i32
    %scan3A_7 = arith.constant 5 : i32
    %scan3A_8 = arith.addi %scan3A_6, %scan3A_7 : i32
    %scan3A_9 = arith.constant 1 : i32
    scf.for %scan3A_11 = %scan3A_6 to %scan3A_8 step %scan3A_9  : i32 {
      %mul3A_12 = arith.constant 5 : i32
      %mul3A_13 = arith.muli %arg0, %mul3A_12 : i32
      %add3A = arith.addi %mul3A_13, %scan3A_11 : i32
      %mul3A_14 = arith.constant 1024 : i32
      %mul3A_15 = arith.muli %add3A, %mul3A_14 : i32
      %scan3A_16 = arith.constant 0 : i32
      %scan3A_17 = arith.constant 0 : i32
      %scan3A_18 = arith.constant 64 : i32
      %scan3A_19 = arith.addi %scan3A_17, %scan3A_18 : i32
      %scan3A_20 = arith.constant 1 : i32
      scf.for %scan3A_325 = %scan3A_17 to %scan3A_19 step %scan3A_20  : i32 {
        %swap3A = arith.index_cast %scan3A_325 : i32 to index
        %swap3A_326 = arith.constant 0 : index
        %swap3A_327 = tpu.vector_load %arg13[%swap3A, %swap3A_326] {strides = array<i32>} : memref<128x128xf32, #tpu.memory_space<vmem>>, vector<16xf32>,
        tpu.vector_store %arg13[%swap3A, %swap3A_326], %broadcast_in_dim3A_0 {strides = array<i32>} : memref<128x128xf32, #tpu.memory_space<vmem>>, vector<16xf32>,
        %swap3A_328 = arith.index_cast %scan3A_325 : i32 to index
        %swap3A_329 = arith.constant 16 : index
        %swap3A_330 = tpu.vector_load %arg13[%swap3A_328, %swap3A_329] {strides = array<i32>} : memref<128x128xf32, #tpu.memory_space<vmem>>, vector<16xf32>,
        tpu.vector_store %arg13[%swap3A_328, %swap3A_329], %broadcast_in_dim3A_0 {strides = array<i32>} : memref<128x128xf32, #tpu.memory_space<vmem>>, vector<16xf32>,
        %swap3A_331 = arith.index_cast %scan3A_325 : i32 to index
        %swap3A_332 = arith.constant 32 : index
        %swap3A_333 = tpu.vector_load %arg13[%swap3A_331, %swap3A_332] {strides = array<i32>} : memref<128x128xf32, #tpu.memory_space<vmem>>, vector<16xf32>,
        tpu.vector_store %arg13[%swap3A_331, %swap3A_332], %broadcast_in_dim3A_0 {strides = array<i32>} : memref<128x128xf32, #tpu.memory_space<vmem>>, vector<16xf32>,
        %swap3A_334 = arith.index_cast %scan3A_325 : i32 to index
        %swap3A_335 = arith.constant 48 : index
        %swap3A_336 = tpu.vector_load %arg13[%swap3A_334, %swap3A_335] {strides = array<i32>} : memref<128x128xf32, #tpu.memory_space<vmem>>, vector<16xf32>,
        tpu.vector_store %arg13[%swap3A_334, %swap3A_335], %broadcast_in_dim3A_0 {strides = array<i32>} : memref<128x128xf32, #tpu.memory_space<vmem>>, vector<16xf32>,
        %swap3A_337 = arith.index_cast %scan3A_325 : i32 to index
        %swap3A_338 = arith.constant 64 : index
        %swap3A_339 = tpu.vector_load %arg13[%swap3A_337, %swap3A_338] {strides = array<i32>} : memref<128x128xf32, #tpu.memory_space<vmem>>, vector<16xf32>,
        tpu.vector_store %arg13[%swap3A_337, %swap3A_338], %broadcast_in_dim3A_0 {strides = array<i32>} : memref<128x128xf32, #tpu.memory_space<vmem>>, vector<16xf32>,
        %swap3A_340 = arith.index_cast %scan3A_325 : i32 to index
        %swap3A_341 = arith.constant 80 : index
        %swap3A_342 = tpu.vector_load %arg13[%swap3A_340, %swap3A_341] {strides = array<i32>} : memref<128x128xf32, #tpu.memory_space<vmem>>, vector<16xf32>,
        tpu.vector_store %arg13[%swap3A_340, %swap3A_341], %broadcast_in_dim3A_0 {strides = array<i32>} : memref<128x128xf32, #tpu.memory_space<vmem>>, vector<16xf32>,
        %swap3A_343 = arith.index_cast %scan3A_325 : i32 to index
        %swap3A_344 = arith.constant 96 : index
        %swap3A_345 = tpu.vector_load %arg13[%swap3A_343, %swap3A_344] {strides = array<i32>} : memref<128x128xf32, #tpu.memory_space<vmem>>, vector<16xf32>,
        tpu.vector_store %arg13[%swap3A_343, %swap3A_344], %broadcast_in_dim3A_0 {strides = array<i32>} : memref<128x128xf32, #tpu.memory_space<vmem>>, vector<16xf32>,
        %swap3A_346 = arith.index_cast %scan3A_325 : i32 to index
        %swap3A_347 = arith.constant 112 : index
        %swap3A_348 = tpu.vector_load %arg13[%swap3A_346, %swap3A_347] {strides = array<i32>} : memref<128x128xf32, #tpu.memory_space<vmem>>, vector<16xf32>,
        tpu.vector_store %arg13[%swap3A_346, %swap3A_347], %broadcast_in_dim3A_0 {strides = array<i32>} : memref<128x128xf32, #tpu.memory_space<vmem>>, vector<16xf32>,
      }
      %scan3A_21 = arith.constant 64 : i32
      %add3A_22 = arith.constant 0 : i32
      %add3A_23 = arith.addi %mul3A_5, %add3A_22 : i32
      "tpu.region"() ({
        %run_scoped3A = tpu.sem_alloc : memref<!tpu.dma_semaphore, #tpu.memory_space<semaphore_mem>>
        %dma_start3A_325 = arith.constant 0 : i32
        %dma_start3A_326 = arith.constant 0 : i32
        %dma_start3A_327 = tpu.memref_slice %arg13[%dma_start3A_325, %dma_start3A_326] : memref<128x128xf32, #tpu.memory_space<vmem>> -> memref<64x128xf32, #tpu.memory_space<vmem>>
        %dma_start3A_328 = arith.constant 0 : i32
        %dma_start3A_329 = tpu.memref_slice %arg6[%add3A_23, %dma_start3A_328] : memref<8208x128xf32, #tpu.memory_space<vmem_shared>> -> memref<64x128xf32, #tpu.memory_space<vmem_shared>>
        %dma_start3A_330 = arith.constant 0 : i32
        %dma_start3A_331 = tpu.memref_slice %arg6[%add3A_23, %dma_start3A_330] : memref<8208x128xf32, #tpu.memory_space<vmem_shared>> -> memref<64x128xf32, #tpu.memory_space<vmem_shared>>
        %dma_start3A_332 = arith.constant 0 : i32
        %dma_start3A_333 = arith.constant 0 : i32
        %dma_start3A_334 = tpu.memref_slice %arg13[%dma_start3A_332, %dma_start3A_333] : memref<128x128xf32, #tpu.memory_space<vmem>> -> memref<64x128xf32, #tpu.memory_space<vmem>>
        tpu.enqueue_dma source(%dma_start3A_334 : memref<64x128xf32, #tpu.memory_space<vmem>>) target(%dma_start3A_331 : memref<64x128xf32, #tpu.memory_space<vmem_shared>>) target_semaphore(%run_scoped3A : memref<!tpu.dma_semaphore, #tpu.memory_space<semaphore_mem>>)
        %dma_wait3A = arith.constant 0 : i32
        %dma_wait3A_335 = arith.constant 0 : i32
        %dma_wait3A_336 = tpu.memref_slice %arg13[%dma_wait3A, %dma_wait3A_335] : memref<128x128xf32, #tpu.memory_space<vmem>> -> memref<64x128xf32, #tpu.memory_space<vmem>>
        %dma_wait3A_337 = arith.constant 0 : i32
        %dma_wait3A_338 = tpu.memref_slice %arg6[%add3A_23, %dma_wait3A_337] : memref<8208x128xf32, #tpu.memory_space<vmem_shared>> -> memref<64x128xf32, #tpu.memory_space<vmem_shared>>
        %dma_wait3A_339 = arith.constant 0 : i32
        %dma_wait3A_340 = tpu.memref_slice %arg6[%add3A_23, %dma_wait3A_339] : memref<8208x128xf32, #tpu.memory_space<vmem_shared>> -> memref<64x128xf32, #tpu.memory_space<vmem_shared>>
        %dma_wait3A_341 = arith.constant 0 : i32
        %dma_wait3A_342 = arith.constant 0 : i32
        %dma_wait3A_343 = tpu.memref_slice %arg13[%dma_wait3A_341, %dma_wait3A_342] : memref<128x128xf32, #tpu.memory_space<vmem>> -> memref<64x128xf32, #tpu.memory_space<vmem>>
        tpu.wait_dma2 semaphore(%run_scoped3A : memref<!tpu.dma_semaphore, #tpu.memory_space<semaphore_mem>>) src(%dma_wait3A_343 : memref<64x128xf32, #tpu.memory_space<vmem>>) dst(%dma_wait3A_340 : memref<64x128xf32, #tpu.memory_space<vmem_shared>>)
        tpu.yield
      }) : () -> ()
      %add3A_24 = arith.constant 64 : i32
      %add3A_25 = arith.addi %mul3A_5, %add3A_24 : i32
      "tpu.region"() ({
        %run_scoped3A = tpu.sem_alloc : memref<!tpu.dma_semaphore, #tpu.memory_space<semaphore_mem>>
        %dma_start3A_325 = arith.constant 0 : i32
        %dma_start3A_326 = arith.constant 0 : i32
        %dma_start3A_327 = tpu.memref_slice %arg13[%dma_start3A_325, %dma_start3A_326] : memref<128x128xf32, #tpu.memory_space<vmem>> -> memref<64x128xf32, #tpu.memory_space<vmem>>
        %dma_start3A_328 = arith.constant 0 : i32
        %dma_start3A_329 = tpu.memref_slice %arg6[%add3A_25, %dma_start3A_328] : memref<8208x128xf32, #tpu.memory_space<vmem_shared>> -> memref<64x128xf32, #tpu.memory_space<vmem_shared>>
        %dma_start3A_330 = arith.constant 0 : i32
        %dma_start3A_331 = tpu.memref_slice %arg6[%add3A_25, %dma_start3A_330] : memref<8208x128xf32, #tpu.memory_space<vmem_shared>> -> memref<64x128xf32, #tpu.memory_space<vmem_shared>>
        %dma_start3A_332 = arith.constant 0 : i32
        %dma_start3A_333 = arith.constant 0 : i32
        %dma_start3A_334 = tpu.memref_slice %arg13[%dma_start3A_332, %dma_start3A_333] : memref<128x128xf32, #tpu.memory_space<vmem>> -> memref<64x128xf32, #tpu.memory_space<vmem>>
        tpu.enqueue_dma source(%dma_start3A_334 : memref<64x128xf32, #tpu.memory_space<vmem>>) target(%dma_start3A_331 : memref<64x128xf32, #tpu.memory_space<vmem_shared>>) target_semaphore(%run_scoped3A : memref<!tpu.dma_semaphore, #tpu.memory_space<semaphore_mem>>)
        %dma_wait3A = arith.constant 0 : i32
        %dma_wait3A_335 = arith.constant 0 : i32
        %dma_wait3A_336 = tpu.memref_slice %arg13[%dma_wait3A, %dma_wait3A_335] : memref<128x128xf32, #tpu.memory_space<vmem>> -> memref<64x128xf32, #tpu.memory_space<vmem>>
        %dma_wait3A_337 = arith.constant 0 : i32
        %dma_wait3A_338 = tpu.memref_slice %arg6[%add3A_25, %dma_wait3A_337] : memref<8208x128xf32, #tpu.memory_space<vmem_shared>> -> memref<64x128xf32, #tpu.memory_space<vmem_shared>>
        %dma_wait3A_339 = arith.constant 0 : i32
        %dma_wait3A_340 = tpu.memref_slice %arg6[%add3A_25, %dma_wait3A_339] : memref<8208x128xf32, #tpu.memory_space<vmem_shared>> -> memref<64x128xf32, #tpu.memory_space<vmem_shared>>
        %dma_wait3A_341 = arith.constant 0 : i32
        %dma_wait3A_342 = arith.constant 0 : i32
        %dma_wait3A_343 = tpu.memref_slice %arg13[%dma_wait3A_341, %dma_wait3A_342] : memref<128x128xf32, #tpu.memory_space<vmem>> -> memref<64x128xf32, #tpu.memory_space<vmem>>
        tpu.wait_dma2 semaphore(%run_scoped3A : memref<!tpu.dma_semaphore, #tpu.memory_space<semaphore_mem>>) src(%dma_wait3A_343 : memref<64x128xf32, #tpu.memory_space<vmem>>) dst(%dma_wait3A_340 : memref<64x128xf32, #tpu.memory_space<vmem_shared>>)
        tpu.yield
      }) : () -> ()
      %add3A_26 = arith.constant 128 : i32
      %add3A_27 = arith.addi %mul3A_5, %add3A_26 : i32
      "tpu.region"() ({
        %run_scoped3A = tpu.sem_alloc : memref<!tpu.dma_semaphore, #tpu.memory_space<semaphore_mem>>
        %dma_start3A_325 = arith.constant 0 : i32
        %dma_start3A_326 = arith.constant 0 : i32
        %dma_start3A_327 = tpu.memref_slice %arg13[%dma_start3A_325, %dma_start3A_326] : memref<128x128xf32, #tpu.memory_space<vmem>> -> memref<64x128xf32, #tpu.memory_space<vmem>>
        %dma_start3A_328 = arith.constant 0 : i32
        %dma_start3A_329 = tpu.memref_slice %arg6[%add3A_27, %dma_start3A_328] : memref<8208x128xf32, #tpu.memory_space<vmem_shared>> -> memref<64x128xf32, #tpu.memory_space<vmem_shared>>
        %dma_start3A_330 = arith.constant 0 : i32
        %dma_start3A_331 = tpu.memref_slice %arg6[%add3A_27, %dma_start3A_330] : memref<8208x128xf32, #tpu.memory_space<vmem_shared>> -> memref<64x128xf32, #tpu.memory_space<vmem_shared>>
        %dma_start3A_332 = arith.constant 0 : i32
        %dma_start3A_333 = arith.constant 0 : i32
        %dma_start3A_334 = tpu.memref_slice %arg13[%dma_start3A_332, %dma_start3A_333] : memref<128x128xf32, #tpu.memory_space<vmem>> -> memref<64x128xf32, #tpu.memory_space<vmem>>
        tpu.enqueue_dma source(%dma_start3A_334 : memref<64x128xf32, #tpu.memory_space<vmem>>) target(%dma_start3A_331 : memref<64x128xf32, #tpu.memory_space<vmem_shared>>) target_semaphore(%run_scoped3A : memref<!tpu.dma_semaphore, #tpu.memory_space<semaphore_mem>>)
        %dma_wait3A = arith.constant 0 : i32
        %dma_wait3A_335 = arith.constant 0 : i32
        %dma_wait3A_336 = tpu.memref_slice %arg13[%dma_wait3A, %dma_wait3A_335] : memref<128x128xf32, #tpu.memory_space<vmem>> -> memref<64x128xf32, #tpu.memory_space<vmem>>
        %dma_wait3A_337 = arith.constant 0 : i32
        %dma_wait3A_338 = tpu.memref_slice %arg6[%add3A_27, %dma_wait3A_337] : memref<8208x128xf32, #tpu.memory_space<vmem_shared>> -> memref<64x128xf32, #tpu.memory_space<vmem_shared>>
        %dma_wait3A_339 = arith.constant 0 : i32
        %dma_wait3A_340 = tpu.memref_slice %arg6[%add3A_27, %dma_wait3A_339] : memref<8208x128xf32, #tpu.memory_space<vmem_shared>> -> memref<64x128xf32, #tpu.memory_space<vmem_shared>>
        %dma_wait3A_341 = arith.constant 0 : i32
        %dma_wait3A_342 = arith.constant 0 : i32
        %dma_wait3A_343 = tpu.memref_slice %arg13[%dma_wait3A_341, %dma_wait3A_342] : memref<128x128xf32, #tpu.memory_space<vmem>> -> memref<64x128xf32, #tpu.memory_space<vmem>>
        tpu.wait_dma2 semaphore(%run_scoped3A : memref<!tpu.dma_semaphore, #tpu.memory_space<semaphore_mem>>) src(%dma_wait3A_343 : memref<64x128xf32, #tpu.memory_space<vmem>>) dst(%dma_wait3A_340 : memref<64x128xf32, #tpu.memory_space<vmem_shared>>)
        tpu.yield
      }) : () -> ()
      %add3A_28 = arith.constant 192 : i32
      %add3A_29 = arith.addi %mul3A_5, %add3A_28 : i32
      "tpu.region"() ({
        %run_scoped3A = tpu.sem_alloc : memref<!tpu.dma_semaphore, #tpu.memory_space<semaphore_mem>>
        %dma_start3A_325 = arith.constant 0 : i32
        %dma_start3A_326 = arith.constant 0 : i32
        %dma_start3A_327 = tpu.memref_slice %arg13[%dma_start3A_325, %dma_start3A_326] : memref<128x128xf32, #tpu.memory_space<vmem>> -> memref<64x128xf32, #tpu.memory_space<vmem>>
        %dma_start3A_328 = arith.constant 0 : i32
        %dma_start3A_329 = tpu.memref_slice %arg6[%add3A_29, %dma_start3A_328] : memref<8208x128xf32, #tpu.memory_space<vmem_shared>> -> memref<64x128xf32, #tpu.memory_space<vmem_shared>>
        %dma_start3A_330 = arith.constant 0 : i32
        %dma_start3A_331 = tpu.memref_slice %arg6[%add3A_29, %dma_start3A_330] : memref<8208x128xf32, #tpu.memory_space<vmem_shared>> -> memref<64x128xf32, #tpu.memory_space<vmem_shared>>
        %dma_start3A_332 = arith.constant 0 : i32
        %dma_start3A_333 = arith.constant 0 : i32
        %dma_start3A_334 = tpu.memref_slice %arg13[%dma_start3A_332, %dma_start3A_333] : memref<128x128xf32, #tpu.memory_space<vmem>> -> memref<64x128xf32, #tpu.memory_space<vmem>>
        tpu.enqueue_dma source(%dma_start3A_334 : memref<64x128xf32, #tpu.memory_space<vmem>>) target(%dma_start3A_331 : memref<64x128xf32, #tpu.memory_space<vmem_shared>>) target_semaphore(%run_scoped3A : memref<!tpu.dma_semaphore, #tpu.memory_space<semaphore_mem>>)
        %dma_wait3A = arith.constant 0 : i32
        %dma_wait3A_335 = arith.constant 0 : i32
        %dma_wait3A_336 = tpu.memref_slice %arg13[%dma_wait3A, %dma_wait3A_335] : memref<128x128xf32, #tpu.memory_space<vmem>> -> memref<64x128xf32, #tpu.memory_space<vmem>>
        %dma_wait3A_337 = arith.constant 0 : i32
        %dma_wait3A_338 = tpu.memref_slice %arg6[%add3A_29, %dma_wait3A_337] : memref<8208x128xf32, #tpu.memory_space<vmem_shared>> -> memref<64x128xf32, #tpu.memory_space<vmem_shared>>
        %dma_wait3A_339 = arith.constant 0 : i32
        %dma_wait3A_340 = tpu.memref_slice %arg6[%add3A_29, %dma_wait3A_339] : memref<8208x128xf32, #tpu.memory_space<vmem_shared>> -> memref<64x128xf32, #tpu.memory_space<vmem_shared>>
        %dma_wait3A_341 = arith.constant 0 : i32
        %dma_wait3A_342 = arith.constant 0 : i32
        %dma_wait3A_343 = tpu.memref_slice %arg13[%dma_wait3A_341, %dma_wait3A_342] : memref<128x128xf32, #tpu.memory_space<vmem>> -> memref<64x128xf32, #tpu.memory_space<vmem>>
        tpu.wait_dma2 semaphore(%run_scoped3A : memref<!tpu.dma_semaphore, #tpu.memory_space<semaphore_mem>>) src(%dma_wait3A_343 : memref<64x128xf32, #tpu.memory_space<vmem>>) dst(%dma_wait3A_340 : memref<64x128xf32, #tpu.memory_space<vmem_shared>>)
        tpu.yield
      }) : () -> ()
      %add3A_30 = arith.constant 256 : i32
      %add3A_31 = arith.addi %mul3A_5, %add3A_30 : i32
      "tpu.region"() ({
        %run_scoped3A = tpu.sem_alloc : memref<!tpu.dma_semaphore, #tpu.memory_space<semaphore_mem>>
        %dma_start3A_325 = arith.constant 0 : i32
        %dma_start3A_326 = arith.constant 0 : i32
        %dma_start3A_327 = tpu.memref_slice %arg13[%dma_start3A_325, %dma_start3A_326] : memref<128x128xf32, #tpu.memory_space<vmem>> -> memref<64x128xf32, #tpu.memory_space<vmem>>
        %dma_start3A_328 = arith.constant 0 : i32
        %dma_start3A_329 = tpu.memref_slice %arg6[%add3A_31, %dma_start3A_328] : memref<8208x128xf32, #tpu.memory_space<vmem_shared>> -> memref<64x128xf32, #tpu.memory_space<vmem_shared>>
        %dma_start3A_330 = arith.constant 0 : i32
        %dma_start3A_331 = tpu.memref_slice %arg6[%add3A_31, %dma_start3A_330] : memref<8208x128xf32, #tpu.memory_space<vmem_shared>> -> memref<64x128xf32, #tpu.memory_space<vmem_shared>>
        %dma_start3A_332 = arith.constant 0 : i32
        %dma_start3A_333 = arith.constant 0 : i32
        %dma_start3A_334 = tpu.memref_slice %arg13[%dma_start3A_332, %dma_start3A_333] : memref<128x128xf32, #tpu.memory_space<vmem>> -> memref<64x128xf32, #tpu.memory_space<vmem>>
        tpu.enqueue_dma source(%dma_start3A_334 : memref<64x128xf32, #tpu.memory_space<vmem>>) target(%dma_start3A_331 : memref<64x128xf32, #tpu.memory_space<vmem_shared>>) target_semaphore(%run_scoped3A : memref<!tpu.dma_semaphore, #tpu.memory_space<semaphore_mem>>)
        %dma_wait3A = arith.constant 0 : i32
        %dma_wait3A_335 = arith.constant 0 : i32
        %dma_wait3A_336 = tpu.memref_slice %arg13[%dma_wait3A, %dma_wait3A_335] : memref<128x128xf32, #tpu.memory_space<vmem>> -> memref<64x128xf32, #tpu.memory_space<vmem>>
        %dma_wait3A_337 = arith.constant 0 : i32
        %dma_wait3A_338 = tpu.memref_slice %arg6[%add3A_31, %dma_wait3A_337] : memref<8208x128xf32, #tpu.memory_space<vmem_shared>> -> memref<64x128xf32, #tpu.memory_space<vmem_shared>>
        %dma_wait3A_339 = arith.constant 0 : i32
        %dma_wait3A_340 = tpu.memref_slice %arg6[%add3A_31, %dma_wait3A_339] : memref<8208x128xf32, #tpu.memory_space<vmem_shared>> -> memref<64x128xf32, #tpu.memory_space<vmem_shared>>
        %dma_wait3A_341 = arith.constant 0 : i32
        %dma_wait3A_342 = arith.constant 0 : i32
        %dma_wait3A_343 = tpu.memref_slice %arg13[%dma_wait3A_341, %dma_wait3A_342] : memref<128x128xf32, #tpu.memory_space<vmem>> -> memref<64x128xf32, #tpu.memory_space<vmem>>
        tpu.wait_dma2 semaphore(%run_scoped3A : memref<!tpu.dma_semaphore, #tpu.memory_space<semaphore_mem>>) src(%dma_wait3A_343 : memref<64x128xf32, #tpu.memory_space<vmem>>) dst(%dma_wait3A_340 : memref<64x128xf32, #tpu.memory_space<vmem_shared>>)
        tpu.yield
      }) : () -> ()
      %add3A_32 = arith.constant 320 : i32
      %add3A_33 = arith.addi %mul3A_5, %add3A_32 : i32
      "tpu.region"() ({
        %run_scoped3A = tpu.sem_alloc : memref<!tpu.dma_semaphore, #tpu.memory_space<semaphore_mem>>
        %dma_start3A_325 = arith.constant 0 : i32
        %dma_start3A_326 = arith.constant 0 : i32
        %dma_start3A_327 = tpu.memref_slice %arg13[%dma_start3A_325, %dma_start3A_326] : memref<128x128xf32, #tpu.memory_space<vmem>> -> memref<64x128xf32, #tpu.memory_space<vmem>>
        %dma_start3A_328 = arith.constant 0 : i32
        %dma_start3A_329 = tpu.memref_slice %arg6[%add3A_33, %dma_start3A_328] : memref<8208x128xf32, #tpu.memory_space<vmem_shared>> -> memref<64x128xf32, #tpu.memory_space<vmem_shared>>
        %dma_start3A_330 = arith.constant 0 : i32
        %dma_start3A_331 = tpu.memref_slice %arg6[%add3A_33, %dma_start3A_330] : memref<8208x128xf32, #tpu.memory_space<vmem_shared>> -> memref<64x128xf32, #tpu.memory_space<vmem_shared>>
        %dma_start3A_332 = arith.constant 0 : i32
        %dma_start3A_333 = arith.constant 0 : i32
        %dma_start3A_334 = tpu.memref_slice %arg13[%dma_start3A_332, %dma_start3A_333] : memref<128x128xf32, #tpu.memory_space<vmem>> -> memref<64x128xf32, #tpu.memory_space<vmem>>
        tpu.enqueue_dma source(%dma_start3A_334 : memref<64x128xf32, #tpu.memory_space<vmem>>) target(%dma_start3A_331 : memref<64x128xf32, #tpu.memory_space<vmem_shared>>) target_semaphore(%run_scoped3A : memref<!tpu.dma_semaphore, #tpu.memory_space<semaphore_mem>>)
        %dma_wait3A = arith.constant 0 : i32
        %dma_wait3A_335 = arith.constant 0 : i32
        %dma_wait3A_336 = tpu.memref_slice %arg13[%dma_wait3A, %dma_wait3A_335] : memref<128x128xf32, #tpu.memory_space<vmem>> -> memref<64x128xf32, #tpu.memory_space<vmem>>
        %dma_wait3A_337 = arith.constant 0 : i32
        %dma_wait3A_338 = tpu.memref_slice %arg6[%add3A_33, %dma_wait3A_337] : memref<8208x128xf32, #tpu.memory_space<vmem_shared>> -> memref<64x128xf32, #tpu.memory_space<vmem_shared>>
        %dma_wait3A_339 = arith.constant 0 : i32
        %dma_wait3A_340 = tpu.memref_slice %arg6[%add3A_33, %dma_wait3A_339] : memref<8208x128xf32, #tpu.memory_space<vmem_shared>> -> memref<64x128xf32, #tpu.memory_space<vmem_shared>>
        %dma_wait3A_341 = arith.constant 0 : i32
        %dma_wait3A_342 = arith.constant 0 : i32
        %dma_wait3A_343 = tpu.memref_slice %arg13[%dma_wait3A_341, %dma_wait3A_342] : memref<128x128xf32, #tpu.memory_space<vmem>> -> memref<64x128xf32, #tpu.memory_space<vmem>>
        tpu.wait_dma2 semaphore(%run_scoped3A : memref<!tpu.dma_semaphore, #tpu.memory_space<semaphore_mem>>) src(%dma_wait3A_343 : memref<64x128xf32, #tpu.memory_space<vmem>>) dst(%dma_wait3A_340 : memref<64x128xf32, #tpu.memory_space<vmem_shared>>)
        tpu.yield
      }) : () -> ()
      %add3A_34 = arith.constant 384 : i32
      %add3A_35 = arith.addi %mul3A_5, %add3A_34 : i32
      "tpu.region"() ({
        %run_scoped3A = tpu.sem_alloc : memref<!tpu.dma_semaphore, #tpu.memory_space<semaphore_mem>>
        %dma_start3A_325 = arith.constant 0 : i32
        %dma_start3A_326 = arith.constant 0 : i32
        %dma_start3A_327 = tpu.memref_slice %arg13[%dma_start3A_325, %dma_start3A_326] : memref<128x128xf32, #tpu.memory_space<vmem>> -> memref<64x128xf32, #tpu.memory_space<vmem>>
        %dma_start3A_328 = arith.constant 0 : i32
        %dma_start3A_329 = tpu.memref_slice %arg6[%add3A_35, %dma_start3A_328] : memref<8208x128xf32, #tpu.memory_space<vmem_shared>> -> memref<64x128xf32, #tpu.memory_space<vmem_shared>>
        %dma_start3A_330 = arith.constant 0 : i32
        %dma_start3A_331 = tpu.memref_slice %arg6[%add3A_35, %dma_start3A_330] : memref<8208x128xf32, #tpu.memory_space<vmem_shared>> -> memref<64x128xf32, #tpu.memory_space<vmem_shared>>
        %dma_start3A_332 = arith.constant 0 : i32
        %dma_start3A_333 = arith.constant 0 : i32
        %dma_start3A_334 = tpu.memref_slice %arg13[%dma_start3A_332, %dma_start3A_333] : memref<128x128xf32, #tpu.memory_space<vmem>> -> memref<64x128xf32, #tpu.memory_space<vmem>>
        tpu.enqueue_dma source(%dma_start3A_334 : memref<64x128xf32, #tpu.memory_space<vmem>>) target(%dma_start3A_331 : memref<64x128xf32, #tpu.memory_space<vmem_shared>>) target_semaphore(%run_scoped3A : memref<!tpu.dma_semaphore, #tpu.memory_space<semaphore_mem>>)
        %dma_wait3A = arith.constant 0 : i32
        %dma_wait3A_335 = arith.constant 0 : i32
        %dma_wait3A_336 = tpu.memref_slice %arg13[%dma_wait3A, %dma_wait3A_335] : memref<128x128xf32, #tpu.memory_space<vmem>> -> memref<64x128xf32, #tpu.memory_space<vmem>>
        %dma_wait3A_337 = arith.constant 0 : i32
        %dma_wait3A_338 = tpu.memref_slice %arg6[%add3A_35, %dma_wait3A_337] : memref<8208x128xf32, #tpu.memory_space<vmem_shared>> -> memref<64x128xf32, #tpu.memory_space<vmem_shared>>
        %dma_wait3A_339 = arith.constant 0 : i32
        %dma_wait3A_340 = tpu.memref_slice %arg6[%add3A_35, %dma_wait3A_339] : memref<8208x128xf32, #tpu.memory_space<vmem_shared>> -> memref<64x128xf32, #tpu.memory_space<vmem_shared>>
        %dma_wait3A_341 = arith.constant 0 : i32
        %dma_wait3A_342 = arith.constant 0 : i32
        %dma_wait3A_343 = tpu.memref_slice %arg13[%dma_wait3A_341, %dma_wait3A_342] : memref<128x128xf32, #tpu.memory_space<vmem>> -> memref<64x128xf32, #tpu.memory_space<vmem>>
        tpu.wait_dma2 semaphore(%run_scoped3A : memref<!tpu.dma_semaphore, #tpu.memory_space<semaphore_mem>>) src(%dma_wait3A_343 : memref<64x128xf32, #tpu.memory_space<vmem>>) dst(%dma_wait3A_340 : memref<64x128xf32, #tpu.memory_space<vmem_shared>>)
        tpu.yield
      }) : () -> ()
      %add3A_36 = arith.constant 448 : i32
      %add3A_37 = arith.addi %mul3A_5, %add3A_36 : i32
      "tpu.region"() ({
        %run_scoped3A = tpu.sem_alloc : memref<!tpu.dma_semaphore, #tpu.memory_space<semaphore_mem>>
        %dma_start3A_325 = arith.constant 0 : i32
        %dma_start3A_326 = arith.constant 0 : i32
        %dma_start3A_327 = tpu.memref_slice %arg13[%dma_start3A_325, %dma_start3A_326] : memref<128x128xf32, #tpu.memory_space<vmem>> -> memref<64x128xf32, #tpu.memory_space<vmem>>
        %dma_start3A_328 = arith.constant 0 : i32
        %dma_start3A_329 = tpu.memref_slice %arg6[%add3A_37, %dma_start3A_328] : memref<8208x128xf32, #tpu.memory_space<vmem_shared>> -> memref<64x128xf32, #tpu.memory_space<vmem_shared>>
        %dma_start3A_330 = arith.constant 0 : i32
        %dma_start3A_331 = tpu.memref_slice %arg6[%add3A_37, %dma_start3A_330] : memref<8208x128xf32, #tpu.memory_space<vmem_shared>> -> memref<64x128xf32, #tpu.memory_space<vmem_shared>>
        %dma_start3A_332 = arith.constant 0 : i32
        %dma_start3A_333 = arith.constant 0 : i32
        %dma_start3A_334 = tpu.memref_slice %arg13[%dma_start3A_332, %dma_start3A_333] : memref<128x128xf32, #tpu.memory_space<vmem>> -> memref<64x128xf32, #tpu.memory_space<vmem>>
        tpu.enqueue_dma source(%dma_start3A_334 : memref<64x128xf32, #tpu.memory_space<vmem>>) target(%dma_start3A_331 : memref<64x128xf32, #tpu.memory_space<vmem_shared>>) target_semaphore(%run_scoped3A : memref<!tpu.dma_semaphore, #tpu.memory_space<semaphore_mem>>)
        %dma_wait3A = arith.constant 0 : i32
        %dma_wait3A_335 = arith.constant 0 : i32
        %dma_wait3A_336 = tpu.memref_slice %arg13[%dma_wait3A, %dma_wait3A_335] : memref<128x128xf32, #tpu.memory_space<vmem>> -> memref<64x128xf32, #tpu.memory_space<vmem>>
        %dma_wait3A_337 = arith.constant 0 : i32
        %dma_wait3A_338 = tpu.memref_slice %arg6[%add3A_37, %dma_wait3A_337] : memref<8208x128xf32, #tpu.memory_space<vmem_shared>> -> memref<64x128xf32, #tpu.memory_space<vmem_shared>>
        %dma_wait3A_339 = arith.constant 0 : i32
        %dma_wait3A_340 = tpu.memref_slice %arg6[%add3A_37, %dma_wait3A_339] : memref<8208x128xf32, #tpu.memory_space<vmem_shared>> -> memref<64x128xf32, #tpu.memory_space<vmem_shared>>
        %dma_wait3A_341 = arith.constant 0 : i32
        %dma_wait3A_342 = arith.constant 0 : i32
        %dma_wait3A_343 = tpu.memref_slice %arg13[%dma_wait3A_341, %dma_wait3A_342] : memref<128x128xf32, #tpu.memory_space<vmem>> -> memref<64x128xf32, #tpu.memory_space<vmem>>
        tpu.wait_dma2 semaphore(%run_scoped3A : memref<!tpu.dma_semaphore, #tpu.memory_space<semaphore_mem>>) src(%dma_wait3A_343 : memref<64x128xf32, #tpu.memory_space<vmem>>) dst(%dma_wait3A_340 : memref<64x128xf32, #tpu.memory_space<vmem_shared>>)
        tpu.yield
      }) : () -> ()
      %barrier3A = arith.constant 0 : index
      tpu.barrier barrier_id(%barrier3A)
      %mul3A_38 = arith.constant 8 : i32
      %mul3A_39 = arith.muli %mul3A_15, %mul3A_38 : i32
      %add3A_40 = arith.constant 0 : i32
      %add3A_41 = arith.addi %mul3A_3, %add3A_40 : i32
      %dma_start3A = tpu.memref_slice %arg3[%add3A_41] : memref<320000xi32, #tpu.memory_space<hbm>> -> memref<800xi32, #tpu.memory_space<hbm>>
      %dma_start3A_42 = tpu.memref_slice %arg3[%add3A_41] : memref<320000xi32, #tpu.memory_space<hbm>> -> memref<800xi32, #tpu.memory_space<hbm>>
      tpu.enqueue_dma source(%dma_start3A_42 : memref<800xi32, #tpu.memory_space<hbm>>) target(%arg7 : memref<800xi32, #tpu.memory_space<vmem>>) target_semaphore(%arg17 : memref<!tpu.dma_semaphore, #tpu.memory_space<semaphore_mem>>)
      %dma_start3A_43 = tpu.memref_slice %arg4[%add3A_41] : memref<320000xi32, #tpu.memory_space<hbm>> -> memref<800xi32, #tpu.memory_space<hbm>>
      %dma_start3A_44 = tpu.memref_slice %arg4[%add3A_41] : memref<320000xi32, #tpu.memory_space<hbm>> -> memref<800xi32, #tpu.memory_space<hbm>>
      tpu.enqueue_dma source(%dma_start3A_44 : memref<800xi32, #tpu.memory_space<hbm>>) target(%arg9 : memref<800xi32, #tpu.memory_space<vmem>>) target_semaphore(%arg17 : memref<!tpu.dma_semaphore, #tpu.memory_space<semaphore_mem>>)
      %scan3A_45 = arith.constant 0 : i32
      %scan3A_46 = arith.constant 0 : i32
      %scan3A_47 = arith.constant 0 : i32
      %scan3A_48 = arith.constant 25 : i32
      %scan3A_49 = arith.addi %scan3A_47, %scan3A_48 : i32
      %scan3A_50 = arith.constant 1 : i32
      %scan3A_51:2 = scf.for %scan3A_325 = %scan3A_47 to %scan3A_49 step %scan3A_50 iter_args(%scan3A_326 = %scan3A_45, %scan3A_327 = %scan3A_46) -> (i32, i32)  : i32 {
        %mul3A_328 = arith.constant 800 : i32
        %mul3A_329 = arith.muli %scan3A_325, %mul3A_328 : i32
        %add3A_330 = arith.addi %mul3A_3, %mul3A_329 : i32
        %and3A_331 = arith.constant 1 : i32
        %and3A_332 = arith.andi %scan3A_325, %and3A_331 : i32
        %eq3A = arith.constant 0 : i32
        %eq3A_333 = arith.cmpi eq, %and3A_332, %eq3A : i32
        %convert_element_type3A_334 = arith.extui %eq3A_333 : i1 to i32
        %cond3A_335 = arith.constant 0 : i32
        %cond3A_336 = arith.cmpi ne, %convert_element_type3A_334, %cond3A_335 : i32
        scf.if %cond3A_336 {
          %dma_wait3A = tpu.memref_slice %arg3[%add3A_330] : memref<320000xi32, #tpu.memory_space<hbm>> -> memref<800xi32, #tpu.memory_space<hbm>>
          %dma_wait3A_368 = tpu.memref_slice %arg3[%add3A_330] : memref<320000xi32, #tpu.memory_space<hbm>> -> memref<800xi32, #tpu.memory_space<hbm>>
          tpu.wait_dma2 semaphore(%arg17 : memref<!tpu.dma_semaphore, #tpu.memory_space<semaphore_mem>>) src(%dma_wait3A_368 : memref<800xi32, #tpu.memory_space<hbm>>) dst(%arg7 : memref<800xi32, #tpu.memory_space<vmem>>)
          %dma_wait3A_369 = tpu.memref_slice %arg4[%add3A_330] : memref<320000xi32, #tpu.memory_space<hbm>> -> memref<800xi32, #tpu.memory_space<hbm>>
          %dma_wait3A_370 = tpu.memref_slice %arg4[%add3A_330] : memref<320000xi32, #tpu.memory_space<hbm>> -> memref<800xi32, #tpu.memory_space<hbm>>
          tpu.wait_dma2 semaphore(%arg17 : memref<!tpu.dma_semaphore, #tpu.memory_space<semaphore_mem>>) src(%dma_wait3A_370 : memref<800xi32, #tpu.memory_space<hbm>>) dst(%arg9 : memref<800xi32, #tpu.memory_space<vmem>>)
        } else {
        }
        %and3A_337 = arith.constant 1 : i32
        %and3A_338 = arith.andi %scan3A_325, %and3A_337 : i32
        %eq3A_339 = arith.constant 1 : i32
        %eq3A_340 = arith.cmpi eq, %and3A_338, %eq3A_339 : i32
        %convert_element_type3A_341 = arith.extui %eq3A_340 : i1 to i32
        %cond3A_342 = arith.constant 0 : i32
        %cond3A_343 = arith.cmpi ne, %convert_element_type3A_341, %cond3A_342 : i32
        scf.if %cond3A_343 {
          %dma_wait3A = tpu.memref_slice %arg3[%add3A_330] : memref<320000xi32, #tpu.memory_space<hbm>> -> memref<800xi32, #tpu.memory_space<hbm>>
          %dma_wait3A_368 = tpu.memref_slice %arg3[%add3A_330] : memref<320000xi32, #tpu.memory_space<hbm>> -> memref<800xi32, #tpu.memory_space<hbm>>
          tpu.wait_dma2 semaphore(%arg18 : memref<!tpu.dma_semaphore, #tpu.memory_space<semaphore_mem>>) src(%dma_wait3A_368 : memref<800xi32, #tpu.memory_space<hbm>>) dst(%arg8 : memref<800xi32, #tpu.memory_space<vmem>>)
          %dma_wait3A_369 = tpu.memref_slice %arg4[%add3A_330] : memref<320000xi32, #tpu.memory_space<hbm>> -> memref<800xi32, #tpu.memory_space<hbm>>
          %dma_wait3A_370 = tpu.memref_slice %arg4[%add3A_330] : memref<320000xi32, #tpu.memory_space<hbm>> -> memref<800xi32, #tpu.memory_space<hbm>>
          tpu.wait_dma2 semaphore(%arg18 : memref<!tpu.dma_semaphore, #tpu.memory_space<semaphore_mem>>) src(%dma_wait3A_370 : memref<800xi32, #tpu.memory_space<hbm>>) dst(%arg10 : memref<800xi32, #tpu.memory_space<vmem>>)
        } else {
        }
        %add3A_344 = arith.constant 1 : i32
        %add3A_345 = arith.addi %scan3A_325, %add3A_344 : i32
        %lt3A_346 = arith.constant 25 : i32
        %lt3A_347 = arith.cmpi slt, %add3A_345, %lt3A_346 : i32
        %convert_element_type3A_348 = arith.extui %lt3A_347 : i1 to i32
        %cond3A_349 = arith.constant 0 : i32
        %cond3A_350 = arith.cmpi ne, %convert_element_type3A_348, %cond3A_349 : i32
        scf.if %cond3A_350 {
          %add3A_368 = arith.constant 1 : i32
          %add3A_369 = arith.addi %scan3A_325, %add3A_368 : i32
          %mul3A_370 = arith.constant 800 : i32
          %mul3A_371 = arith.muli %add3A_369, %mul3A_370 : i32
          %add3A_372 = arith.addi %mul3A_3, %mul3A_371 : i32
          %and3A_373 = arith.constant 1 : i32
          %and3A_374 = arith.andi %add3A_369, %and3A_373 : i32
          %eq3A_375 = arith.constant 0 : i32
          %eq3A_376 = arith.cmpi eq, %and3A_374, %eq3A_375 : i32
          %convert_element_type3A_377 = arith.extui %eq3A_376 : i1 to i32
          %cond3A_378 = arith.constant 0 : i32
          %cond3A_379 = arith.cmpi ne, %convert_element_type3A_377, %cond3A_378 : i32
          scf.if %cond3A_379 {
            %dma_start3A_387 = tpu.memref_slice %arg3[%add3A_372] : memref<320000xi32, #tpu.memory_space<hbm>> -> memref<800xi32, #tpu.memory_space<hbm>>
            %dma_start3A_388 = tpu.memref_slice %arg3[%add3A_372] : memref<320000xi32, #tpu.memory_space<hbm>> -> memref<800xi32, #tpu.memory_space<hbm>>
            tpu.enqueue_dma source(%dma_start3A_388 : memref<800xi32, #tpu.memory_space<hbm>>) target(%arg7 : memref<800xi32, #tpu.memory_space<vmem>>) target_semaphore(%arg17 : memref<!tpu.dma_semaphore, #tpu.memory_space<semaphore_mem>>)
            %dma_start3A_389 = tpu.memref_slice %arg4[%add3A_372] : memref<320000xi32, #tpu.memory_space<hbm>> -> memref<800xi32, #tpu.memory_space<hbm>>
            %dma_start3A_390 = tpu.memref_slice %arg4[%add3A_372] : memref<320000xi32, #tpu.memory_space<hbm>> -> memref<800xi32, #tpu.memory_space<hbm>>
            tpu.enqueue_dma source(%dma_start3A_390 : memref<800xi32, #tpu.memory_space<hbm>>) target(%arg9 : memref<800xi32, #tpu.memory_space<vmem>>) target_semaphore(%arg17 : memref<!tpu.dma_semaphore, #tpu.memory_space<semaphore_mem>>)
          } else {
          }
          %and3A_380 = arith.constant 1 : i32
          %and3A_381 = arith.andi %add3A_369, %and3A_380 : i32
          %eq3A_382 = arith.constant 1 : i32
          %eq3A_383 = arith.cmpi eq, %and3A_381, %eq3A_382 : i32
          %convert_element_type3A_384 = arith.extui %eq3A_383 : i1 to i32
          %cond3A_385 = arith.constant 0 : i32
          %cond3A_386 = arith.cmpi ne, %convert_element_type3A_384, %cond3A_385 : i32
          scf.if %cond3A_386 {
            %dma_start3A_387 = tpu.memref_slice %arg3[%add3A_372] : memref<320000xi32, #tpu.memory_space<hbm>> -> memref<800xi32, #tpu.memory_space<hbm>>
            %dma_start3A_388 = tpu.memref_slice %arg3[%add3A_372] : memref<320000xi32, #tpu.memory_space<hbm>> -> memref<800xi32, #tpu.memory_space<hbm>>
            tpu.enqueue_dma source(%dma_start3A_388 : memref<800xi32, #tpu.memory_space<hbm>>) target(%arg8 : memref<800xi32, #tpu.memory_space<vmem>>) target_semaphore(%arg18 : memref<!tpu.dma_semaphore, #tpu.memory_space<semaphore_mem>>)
            %dma_start3A_389 = tpu.memref_slice %arg4[%add3A_372] : memref<320000xi32, #tpu.memory_space<hbm>> -> memref<800xi32, #tpu.memory_space<hbm>>
            %dma_start3A_390 = tpu.memref_slice %arg4[%add3A_372] : memref<320000xi32, #tpu.memory_space<hbm>> -> memref<800xi32, #tpu.memory_space<hbm>>
            tpu.enqueue_dma source(%dma_start3A_390 : memref<800xi32, #tpu.memory_space<hbm>>) target(%arg10 : memref<800xi32, #tpu.memory_space<vmem>>) target_semaphore(%arg18 : memref<!tpu.dma_semaphore, #tpu.memory_space<semaphore_mem>>)
          } else {
          }
        } else {
        }
        %and3A_351 = arith.constant 1 : i32
        %and3A_352 = arith.andi %scan3A_325, %and3A_351 : i32
        %eq3A_353 = arith.constant 0 : i32
        %eq3A_354 = arith.cmpi eq, %and3A_352, %eq3A_353 : i32
        %convert_element_type3A_355 = arith.extui %eq3A_354 : i1 to i32
        %cond3A_356 = arith.constant 0 : i32
        %cond3A_357 = arith.cmpi ne, %convert_element_type3A_355, %cond3A_356 : i32
        %cond3A_358 = scf.if %cond3A_357 -> (i32) {
          %scan3A_368 = arith.constant 0 : i32
          %scan3A_369 = arith.constant 50 : i32
          %scan3A_370 = arith.addi %scan3A_368, %scan3A_369 : i32
          %scan3A_371 = arith.constant 1 : i32
          %scan3A_372 = scf.for %scan3A_374 = %scan3A_368 to %scan3A_370 step %scan3A_371 iter_args(%scan3A_375 = %scan3A_326) -> (i32)  : i32 {
            %mul3A_376 = arith.constant 16 : i32
            %mul3A_377 = arith.muli %scan3A_374, %mul3A_376 : i32
            %get3A = arith.index_cast %mul3A_377 : i32 to index
            %get3A_378 = tpu.vector_load %arg7[%get3A] {strides = array<i32>} : memref<800xi32, #tpu.memory_space<vmem>>, vector<16xi32>,
            %sub3A_379 = vector.broadcast %mul3A_39 : i32 to vector<16xi32>
            %sub3A_380 = arith.subi %get3A_378, %sub3A_379 : vector<16xi32>
            %ge3A_381 = arith.constant 0 : i32
            %ge3A_382 = vector.broadcast %ge3A_381 : i32 to vector<16xi32>
            %ge3A_383 = arith.cmpi sge, %sub3A_380, %ge3A_382 : vector<16xi32>
            %lt3A_384 = arith.constant 8192 : i32
            %lt3A_385 = vector.broadcast %lt3A_384 : i32 to vector<16xi32>
            %lt3A_386 = arith.cmpi slt, %sub3A_380, %lt3A_385 : vector<16xi32>
            %and3A_387 = arith.andi %ge3A_383, %lt3A_386 : vector<16xi1>
            %convert_element_type3A_388 = arith.extui %and3A_387 : vector<16xi1> to vector<16xi32>
            %broadcast_in_dim3A_389 = arith.constant true
            %broadcast_in_dim3A_390 = vector.broadcast %broadcast_in_dim3A_389 : i1 to vector<16xi1>
            %masked_cumsum3A = tpu.scan <sum>, %convert_element_type3A_388 masked %broadcast_in_dim3A_390 : vector<16xi32>, vector<16xi1> -> vector<16xi32>
            %sub3A_391 = arith.subi %masked_cumsum3A, %convert_element_type3A_388 : vector<16xi32>
            %add3A_392 = vector.broadcast %scan3A_375 : i32 to vector<16xi32>
            %add3A_393 = arith.addi %add3A_392, %sub3A_391 : vector<16xi32>
            %and3A_394 = arith.constant 2047 : i32
            %and3A_395 = vector.broadcast %and3A_394 : i32 to vector<16xi32>
            %and3A_396 = arith.andi %add3A_393, %and3A_395 : vector<16xi32>
            %shift_right_arithmetic3A_397 = arith.constant 7 : i32
            %shift_right_arithmetic3A_398 = vector.broadcast %shift_right_arithmetic3A_397 : i32 to vector<16xi32>
            %shift_right_arithmetic3A_399 = arith.shrsi %and3A_396, %shift_right_arithmetic3A_398 : vector<16xi32>
            %and3A_400 = arith.constant 127 : i32
            %and3A_401 = vector.broadcast %and3A_400 : i32 to vector<16xi32>
            %and3A_402 = arith.andi %and3A_396, %and3A_401 : vector<16xi32>
            %mul3A_403 = arith.constant 16 : i32
            %mul3A_404 = arith.muli %scan3A_374, %mul3A_403 : i32
            %get3A_405 = arith.index_cast %mul3A_404 : i32 to index
            %get3A_406 = tpu.vector_load %arg9[%get3A_405] {strides = array<i32>} : memref<800xi32, #tpu.memory_space<vmem>>, vector<16xi32>,
            tpu.vector_store_idx %arg11[%shift_right_arithmetic3A_399, %and3A_402], %get3A_406 masked %and3A_387 : memref<16x128xi32, #tpu.memory_space<vmem>>[vector<16xi32>, vector<16xi32>], vector<16xi32>, vector<16xi1>
            %shift_right_arithmetic3A_407 = arith.constant 7 : i32
            %shift_right_arithmetic3A_408 = vector.broadcast %shift_right_arithmetic3A_407 : i32 to vector<16xi32>
            %shift_right_arithmetic3A_409 = arith.shrsi %and3A_396, %shift_right_arithmetic3A_408 : vector<16xi32>
            %and3A_410 = arith.constant 127 : i32
            %and3A_411 = vector.broadcast %and3A_410 : i32 to vector<16xi32>
            %and3A_412 = arith.andi %and3A_396, %and3A_411 : vector<16xi32>
            tpu.vector_store_idx %arg12[%shift_right_arithmetic3A_409, %and3A_412], %sub3A_380 masked %and3A_387 : memref<16x128xi32, #tpu.memory_space<vmem>>[vector<16xi32>, vector<16xi32>], vector<16xi32>, vector<16xi1>
            %reduce_sum3A = arith.constant true
            %reduce_sum3A_413 = vector.broadcast %reduce_sum3A : i1 to vector<16xi1>
            %reduce_sum3A_414 = tpu.scan <sum>, %convert_element_type3A_388 masked %reduce_sum3A_413 : vector<16xi32>, vector<16xi1> -> vector<16xi32>
            %reduce_sum3A_415 = vector.extract %reduce_sum3A_414[15] : i32 from vector<16xi32>
            %add3A_416 = arith.addi %scan3A_375, %reduce_sum3A_415 : i32
            scf.yield %add3A_416 : i32
          }
          %scan3A_373 = arith.constant 50 : i32
          scf.yield %scan3A_372 : i32
        } else {
          %scan3A_368 = arith.constant 0 : i32
          %scan3A_369 = arith.constant 50 : i32
          %scan3A_370 = arith.addi %scan3A_368, %scan3A_369 : i32
          %scan3A_371 = arith.constant 1 : i32
          %scan3A_372 = scf.for %scan3A_374 = %scan3A_368 to %scan3A_370 step %scan3A_371 iter_args(%scan3A_375 = %scan3A_326) -> (i32)  : i32 {
            %mul3A_376 = arith.constant 16 : i32
            %mul3A_377 = arith.muli %scan3A_374, %mul3A_376 : i32
            %get3A = arith.index_cast %mul3A_377 : i32 to index
            %get3A_378 = tpu.vector_load %arg8[%get3A] {strides = array<i32>} : memref<800xi32, #tpu.memory_space<vmem>>, vector<16xi32>,
            %sub3A_379 = vector.broadcast %mul3A_39 : i32 to vector<16xi32>
            %sub3A_380 = arith.subi %get3A_378, %sub3A_379 : vector<16xi32>
            %ge3A_381 = arith.constant 0 : i32
            %ge3A_382 = vector.broadcast %ge3A_381 : i32 to vector<16xi32>
            %ge3A_383 = arith.cmpi sge, %sub3A_380, %ge3A_382 : vector<16xi32>
            %lt3A_384 = arith.constant 8192 : i32
            %lt3A_385 = vector.broadcast %lt3A_384 : i32 to vector<16xi32>
            %lt3A_386 = arith.cmpi slt, %sub3A_380, %lt3A_385 : vector<16xi32>
            %and3A_387 = arith.andi %ge3A_383, %lt3A_386 : vector<16xi1>
            %convert_element_type3A_388 = arith.extui %and3A_387 : vector<16xi1> to vector<16xi32>
            %broadcast_in_dim3A_389 = arith.constant true
            %broadcast_in_dim3A_390 = vector.broadcast %broadcast_in_dim3A_389 : i1 to vector<16xi1>
            %masked_cumsum3A = tpu.scan <sum>, %convert_element_type3A_388 masked %broadcast_in_dim3A_390 : vector<16xi32>, vector<16xi1> -> vector<16xi32>
            %sub3A_391 = arith.subi %masked_cumsum3A, %convert_element_type3A_388 : vector<16xi32>
            %add3A_392 = vector.broadcast %scan3A_375 : i32 to vector<16xi32>
            %add3A_393 = arith.addi %add3A_392, %sub3A_391 : vector<16xi32>
            %and3A_394 = arith.constant 2047 : i32
            %and3A_395 = vector.broadcast %and3A_394 : i32 to vector<16xi32>
            %and3A_396 = arith.andi %add3A_393, %and3A_395 : vector<16xi32>
            %shift_right_arithmetic3A_397 = arith.constant 7 : i32
            %shift_right_arithmetic3A_398 = vector.broadcast %shift_right_arithmetic3A_397 : i32 to vector<16xi32>
            %shift_right_arithmetic3A_399 = arith.shrsi %and3A_396, %shift_right_arithmetic3A_398 : vector<16xi32>
            %and3A_400 = arith.constant 127 : i32
            %and3A_401 = vector.broadcast %and3A_400 : i32 to vector<16xi32>
            %and3A_402 = arith.andi %and3A_396, %and3A_401 : vector<16xi32>
            %mul3A_403 = arith.constant 16 : i32
            %mul3A_404 = arith.muli %scan3A_374, %mul3A_403 : i32
            %get3A_405 = arith.index_cast %mul3A_404 : i32 to index
            %get3A_406 = tpu.vector_load %arg10[%get3A_405] {strides = array<i32>} : memref<800xi32, #tpu.memory_space<vmem>>, vector<16xi32>,
            tpu.vector_store_idx %arg11[%shift_right_arithmetic3A_399, %and3A_402], %get3A_406 masked %and3A_387 : memref<16x128xi32, #tpu.memory_space<vmem>>[vector<16xi32>, vector<16xi32>], vector<16xi32>, vector<16xi1>
            %shift_right_arithmetic3A_407 = arith.constant 7 : i32
            %shift_right_arithmetic3A_408 = vector.broadcast %shift_right_arithmetic3A_407 : i32 to vector<16xi32>
            %shift_right_arithmetic3A_409 = arith.shrsi %and3A_396, %shift_right_arithmetic3A_408 : vector<16xi32>
            %and3A_410 = arith.constant 127 : i32
            %and3A_411 = vector.broadcast %and3A_410 : i32 to vector<16xi32>
            %and3A_412 = arith.andi %and3A_396, %and3A_411 : vector<16xi32>
            tpu.vector_store_idx %arg12[%shift_right_arithmetic3A_409, %and3A_412], %sub3A_380 masked %and3A_387 : memref<16x128xi32, #tpu.memory_space<vmem>>[vector<16xi32>, vector<16xi32>], vector<16xi32>, vector<16xi1>
            %reduce_sum3A = arith.constant true
            %reduce_sum3A_413 = vector.broadcast %reduce_sum3A : i1 to vector<16xi1>
            %reduce_sum3A_414 = tpu.scan <sum>, %convert_element_type3A_388 masked %reduce_sum3A_413 : vector<16xi32>, vector<16xi1> -> vector<16xi32>
            %reduce_sum3A_415 = vector.extract %reduce_sum3A_414[15] : i32 from vector<16xi32>
            %add3A_416 = arith.addi %scan3A_375, %reduce_sum3A_415 : i32
            scf.yield %add3A_416 : i32
          }
          %scan3A_373 = arith.constant 50 : i32
          scf.yield %scan3A_372 : i32
        }
        %shift_right_arithmetic3A_359 = arith.constant 7 : i32
        %shift_right_arithmetic3A_360 = arith.shrsi %cond3A_358, %shift_right_arithmetic3A_359 : i32
        %sub3A_361 = arith.subi %shift_right_arithmetic3A_360, %scan3A_327 : i32
        %ge3A = arith.constant 8 : i32
        %ge3A_362 = arith.cmpi sge, %sub3A_361, %ge3A : i32
        %select_n3A_363 = arith.select %ge3A_362, %shift_right_arithmetic3A_360, %scan3A_327 : i32
        %gt3A_364 = arith.cmpi sgt, %select_n3A_363, %scan3A_327 : i32
        %convert_element_type3A_365 = arith.extui %gt3A_364 : i1 to i32
        %cond3A_366 = arith.constant 0 : i32
        %cond3A_367 = arith.cmpi ne, %convert_element_type3A_365, %cond3A_366 : i32
        scf.if %cond3A_367 {
          %and3A_368 = arith.constant 1 : i32
          %and3A_369 = arith.andi %scan3A_327, %and3A_368 : i32
          %eq3A_370 = arith.constant 0 : i32
          %eq3A_371 = arith.cmpi eq, %and3A_369, %eq3A_370 : i32
          %convert_element_type3A_372 = arith.extui %eq3A_371 : i1 to i32
          %cond3A_373 = arith.constant 0 : i32
          %cond3A_374 = arith.cmpi ne, %convert_element_type3A_372, %cond3A_373 : i32
          scf.if %cond3A_374 {
            %and3A_412 = arith.constant 15 : i32
            %and3A_413 = arith.andi %scan3A_327, %and3A_412 : i32
            %dma_start3A_414 = arith.constant 0 : i32
            %dma_start3A_415 = tpu.memref_slice %arg11[%and3A_413, %dma_start3A_414] : memref<16x128xi32, #tpu.memory_space<vmem>> -> memref<1x128xi32, #tpu.memory_space<vmem>>
            %dma_start3A_416 = tpu.memref_squeeze %dma_start3A_415 : memref<1x128xi32, #tpu.memory_space<vmem>> -> memref<128xi32, #tpu.memory_space<vmem>>
            %dma_start3A_417 = arith.constant 0 : i32
            %dma_start3A_418 = arith.constant 0 : i32
            %dma_start3A_419 = tpu.memref_slice %arg2[%dma_start3A_417, %dma_start3A_418] : memref<10000x128xf32, #tpu.memory_space<hbm>> -> memref<10000x128xf32, #tpu.memory_space<hbm>>
            tpu.enqueue_indirect_dma source(%dma_start3A_419 : memref<10000x128xf32, #tpu.memory_space<hbm>>) target(%arg13 : memref<128x128xf32, #tpu.memory_space<vmem>>) offsets(%dma_start3A_416 : memref<128xi32, #tpu.memory_space<vmem>>) semaphore(%arg15 : memref<!tpu.dma_semaphore, #tpu.memory_space<semaphore_mem>>)
          } else {
          }
          %and3A_375 = arith.constant 1 : i32
          %and3A_376 = arith.andi %scan3A_327, %and3A_375 : i32
          %eq3A_377 = arith.constant 1 : i32
          %eq3A_378 = arith.cmpi eq, %and3A_376, %eq3A_377 : i32
          %convert_element_type3A_379 = arith.extui %eq3A_378 : i1 to i32
          %cond3A_380 = arith.constant 0 : i32
          %cond3A_381 = arith.cmpi ne, %convert_element_type3A_379, %cond3A_380 : i32
          scf.if %cond3A_381 {
            %and3A_412 = arith.constant 15 : i32
            %and3A_413 = arith.andi %scan3A_327, %and3A_412 : i32
            %dma_start3A_414 = arith.constant 0 : i32
            %dma_start3A_415 = tpu.memref_slice %arg11[%and3A_413, %dma_start3A_414] : memref<16x128xi32, #tpu.memory_space<vmem>> -> memref<1x128xi32, #tpu.memory_space<vmem>>
            %dma_start3A_416 = tpu.memref_squeeze %dma_start3A_415 : memref<1x128xi32, #tpu.memory_space<vmem>> -> memref<128xi32, #tpu.memory_space<vmem>>
            %dma_start3A_417 = arith.constant 0 : i32
            %dma_start3A_418 = arith.constant 0 : i32
            %dma_start3A_419 = tpu.memref_slice %arg2[%dma_start3A_417, %dma_start3A_418] : memref<10000x128xf32, #tpu.memory_space<hbm>> -> memref<10000x128xf32, #tpu.memory_space<hbm>>
            tpu.enqueue_indirect_dma source(%dma_start3A_419 : memref<10000x128xf32, #tpu.memory_space<hbm>>) target(%arg14 : memref<128x128xf32, #tpu.memory_space<vmem>>) offsets(%dma_start3A_416 : memref<128xi32, #tpu.memory_space<vmem>>) semaphore(%arg16 : memref<!tpu.dma_semaphore, #tpu.memory_space<semaphore_mem>>)
          } else {
          }
          %while3A = arith.constant 0 : i32
          %while3A_382 = arith.subi %select_n3A_363, %scan3A_327 : i32
          %while3A_383 = arith.addi %scan3A_327, %while3A_382 : i32
          %while3A_384 = arith.constant 1 : i32
          %while3A_385 = arith.divsi %while3A_382, %while3A_384 : i32
          %while3A_386 = arith.muli %while3A_385, %while3A_384 : i32
          %while3A_387 = arith.addi %scan3A_327, %while3A_386 : i32
          %while3A_388 = arith.constant 1 : i32
          scf.for %while3A_412 = %scan3A_327 to %while3A_387 step %while3A_388  : i32 {
            %add3A_413 = arith.constant 1 : i32
            %add3A_414 = arith.addi %while3A_412, %add3A_413 : i32
            %lt3A_415 = arith.cmpi slt, %add3A_414, %select_n3A_363 : i32
            %convert_element_type3A_416 = arith.extui %lt3A_415 : i1 to i32
            %cond3A_417 = arith.constant 0 : i32
            %cond3A_418 = arith.cmpi ne, %convert_element_type3A_416, %cond3A_417 : i32
            scf.if %cond3A_418 {
              %gt3A_447 = arith.cmpi sgt, %while3A_412, %scan3A_327 : i32
              %convert_element_type3A_448 = arith.extui %gt3A_447 : i1 to i32
              %cond3A_449 = arith.constant 0 : i32
              %cond3A_450 = arith.cmpi ne, %convert_element_type3A_448, %cond3A_449 : i32
              scf.if %cond3A_450 {
                %sub3A_467 = arith.constant 1 : i32
                %sub3A_468 = arith.subi %while3A_412, %sub3A_467 : i32
                %and3A_469 = arith.constant 1 : i32
                %and3A_470 = arith.andi %sub3A_468, %and3A_469 : i32
                %eq3A_471 = arith.constant 0 : i32
                %eq3A_472 = arith.cmpi eq, %and3A_470, %eq3A_471 : i32
                %convert_element_type3A_473 = arith.extui %eq3A_472 : i1 to i32
                %cond3A_474 = arith.constant 0 : i32
                %cond3A_475 = arith.cmpi ne, %convert_element_type3A_473, %cond3A_474 : i32
                scf.if %cond3A_475 {
                  %and3A_483 = arith.constant 15 : i32
                  %and3A_484 = arith.andi %sub3A_468, %and3A_483 : i32
                  %dma_wait3A = arith.constant 0 : i32
                  %dma_wait3A_485 = tpu.memref_slice %arg12[%and3A_484, %dma_wait3A] : memref<16x128xi32, #tpu.memory_space<vmem>> -> memref<1x128xi32, #tpu.memory_space<vmem>>
                  %dma_wait3A_486 = tpu.memref_squeeze %dma_wait3A_485 : memref<1x128xi32, #tpu.memory_space<vmem>> -> memref<128xi32, #tpu.memory_space<vmem>>
                  %dma_wait3A_487 = arith.constant 0 : i32
                  %dma_wait3A_488 = arith.constant 0 : i32
                  %dma_wait3A_489 = tpu.memref_slice %arg6[%dma_wait3A_487, %dma_wait3A_488] : memref<8208x128xf32, #tpu.memory_space<vmem_shared>> -> memref<8208x128xf32, #tpu.memory_space<vmem_shared>>
                  tpu.wait_indirect_dma semaphore(%arg19 : memref<!tpu.dma_semaphore, #tpu.memory_space<semaphore_mem>>) src(%arg13 : memref<128x128xf32, #tpu.memory_space<vmem>>) dst(%dma_wait3A_489 : memref<8208x128xf32, #tpu.memory_space<vmem_shared>>)
                } else {
                }
                %and3A_476 = arith.constant 1 : i32
                %and3A_477 = arith.andi %sub3A_468, %and3A_476 : i32
                %eq3A_478 = arith.constant 1 : i32
                %eq3A_479 = arith.cmpi eq, %and3A_477, %eq3A_478 : i32
                %convert_element_type3A_480 = arith.extui %eq3A_479 : i1 to i32
                %cond3A_481 = arith.constant 0 : i32
                %cond3A_482 = arith.cmpi ne, %convert_element_type3A_480, %cond3A_481 : i32
                scf.if %cond3A_482 {
                  %and3A_483 = arith.constant 15 : i32
                  %and3A_484 = arith.andi %sub3A_468, %and3A_483 : i32
                  %dma_wait3A = arith.constant 0 : i32
                  %dma_wait3A_485 = tpu.memref_slice %arg12[%and3A_484, %dma_wait3A] : memref<16x128xi32, #tpu.memory_space<vmem>> -> memref<1x128xi32, #tpu.memory_space<vmem>>
                  %dma_wait3A_486 = tpu.memref_squeeze %dma_wait3A_485 : memref<1x128xi32, #tpu.memory_space<vmem>> -> memref<128xi32, #tpu.memory_space<vmem>>
                  %dma_wait3A_487 = arith.constant 0 : i32
                  %dma_wait3A_488 = arith.constant 0 : i32
                  %dma_wait3A_489 = tpu.memref_slice %arg6[%dma_wait3A_487, %dma_wait3A_488] : memref<8208x128xf32, #tpu.memory_space<vmem_shared>> -> memref<8208x128xf32, #tpu.memory_space<vmem_shared>>
                  tpu.wait_indirect_dma semaphore(%arg20 : memref<!tpu.dma_semaphore, #tpu.memory_space<semaphore_mem>>) src(%arg14 : memref<128x128xf32, #tpu.memory_space<vmem>>) dst(%dma_wait3A_489 : memref<8208x128xf32, #tpu.memory_space<vmem_shared>>)
                } else {
                }
              } else {
              }
              %add3A_451 = arith.constant 1 : i32
              %add3A_452 = arith.addi %while3A_412, %add3A_451 : i32
              %and3A_453 = arith.constant 1 : i32
              %and3A_454 = arith.andi %add3A_452, %and3A_453 : i32
              %eq3A_455 = arith.constant 0 : i32
              %eq3A_456 = arith.cmpi eq, %and3A_454, %eq3A_455 : i32
              %convert_element_type3A_457 = arith.extui %eq3A_456 : i1 to i32
              %cond3A_458 = arith.constant 0 : i32
              %cond3A_459 = arith.cmpi ne, %convert_element_type3A_457, %cond3A_458 : i32
              scf.if %cond3A_459 {
                %and3A_467 = arith.constant 15 : i32
                %and3A_468 = arith.andi %add3A_452, %and3A_467 : i32
                %dma_start3A_469 = arith.constant 0 : i32
                %dma_start3A_470 = tpu.memref_slice %arg11[%and3A_468, %dma_start3A_469] : memref<16x128xi32, #tpu.memory_space<vmem>> -> memref<1x128xi32, #tpu.memory_space<vmem>>
                %dma_start3A_471 = tpu.memref_squeeze %dma_start3A_470 : memref<1x128xi32, #tpu.memory_space<vmem>> -> memref<128xi32, #tpu.memory_space<vmem>>
                %dma_start3A_472 = arith.constant 0 : i32
                %dma_start3A_473 = arith.constant 0 : i32
                %dma_start3A_474 = tpu.memref_slice %arg2[%dma_start3A_472, %dma_start3A_473] : memref<10000x128xf32, #tpu.memory_space<hbm>> -> memref<10000x128xf32, #tpu.memory_space<hbm>>
                tpu.enqueue_indirect_dma source(%dma_start3A_474 : memref<10000x128xf32, #tpu.memory_space<hbm>>) target(%arg13 : memref<128x128xf32, #tpu.memory_space<vmem>>) offsets(%dma_start3A_471 : memref<128xi32, #tpu.memory_space<vmem>>) semaphore(%arg15 : memref<!tpu.dma_semaphore, #tpu.memory_space<semaphore_mem>>)
              } else {
              }
              %and3A_460 = arith.constant 1 : i32
              %and3A_461 = arith.andi %add3A_452, %and3A_460 : i32
              %eq3A_462 = arith.constant 1 : i32
              %eq3A_463 = arith.cmpi eq, %and3A_461, %eq3A_462 : i32
              %convert_element_type3A_464 = arith.extui %eq3A_463 : i1 to i32
              %cond3A_465 = arith.constant 0 : i32
              %cond3A_466 = arith.cmpi ne, %convert_element_type3A_464, %cond3A_465 : i32
              scf.if %cond3A_466 {
                %and3A_467 = arith.constant 15 : i32
                %and3A_468 = arith.andi %add3A_452, %and3A_467 : i32
                %dma_start3A_469 = arith.constant 0 : i32
                %dma_start3A_470 = tpu.memref_slice %arg11[%and3A_468, %dma_start3A_469] : memref<16x128xi32, #tpu.memory_space<vmem>> -> memref<1x128xi32, #tpu.memory_space<vmem>>
                %dma_start3A_471 = tpu.memref_squeeze %dma_start3A_470 : memref<1x128xi32, #tpu.memory_space<vmem>> -> memref<128xi32, #tpu.memory_space<vmem>>
                %dma_start3A_472 = arith.constant 0 : i32
                %dma_start3A_473 = arith.constant 0 : i32
                %dma_start3A_474 = tpu.memref_slice %arg2[%dma_start3A_472, %dma_start3A_473] : memref<10000x128xf32, #tpu.memory_space<hbm>> -> memref<10000x128xf32, #tpu.memory_space<hbm>>
                tpu.enqueue_indirect_dma source(%dma_start3A_474 : memref<10000x128xf32, #tpu.memory_space<hbm>>) target(%arg14 : memref<128x128xf32, #tpu.memory_space<vmem>>) offsets(%dma_start3A_471 : memref<128xi32, #tpu.memory_space<vmem>>) semaphore(%arg16 : memref<!tpu.dma_semaphore, #tpu.memory_space<semaphore_mem>>)
              } else {
              }
            } else {
            }
            %and3A_419 = arith.constant 1 : i32
            %and3A_420 = arith.andi %while3A_412, %and3A_419 : i32
            %eq3A_421 = arith.constant 0 : i32
            %eq3A_422 = arith.cmpi eq, %and3A_420, %eq3A_421 : i32
            %convert_element_type3A_423 = arith.extui %eq3A_422 : i1 to i32
            %cond3A_424 = arith.constant 0 : i32
            %cond3A_425 = arith.cmpi ne, %convert_element_type3A_423, %cond3A_424 : i32
            scf.if %cond3A_425 {
              %and3A_447 = arith.constant 15 : i32
              %and3A_448 = arith.andi %while3A_412, %and3A_447 : i32
              %dma_wait3A = arith.constant 0 : i32
              %dma_wait3A_449 = tpu.memref_slice %arg11[%and3A_448, %dma_wait3A] : memref<16x128xi32, #tpu.memory_space<vmem>> -> memref<1x128xi32, #tpu.memory_space<vmem>>
              %dma_wait3A_450 = tpu.memref_squeeze %dma_wait3A_449 : memref<1x128xi32, #tpu.memory_space<vmem>> -> memref<128xi32, #tpu.memory_space<vmem>>
              %dma_wait3A_451 = arith.constant 0 : i32
              %dma_wait3A_452 = arith.constant 0 : i32
              %dma_wait3A_453 = tpu.memref_slice %arg2[%dma_wait3A_451, %dma_wait3A_452] : memref<10000x128xf32, #tpu.memory_space<hbm>> -> memref<10000x128xf32, #tpu.memory_space<hbm>>
              tpu.wait_indirect_dma semaphore(%arg15 : memref<!tpu.dma_semaphore, #tpu.memory_space<semaphore_mem>>) src(%dma_wait3A_453 : memref<10000x128xf32, #tpu.memory_space<hbm>>) dst(%arg13 : memref<128x128xf32, #tpu.memory_space<vmem>>)
            } else {
            }
            %and3A_426 = arith.constant 1 : i32
            %and3A_427 = arith.andi %while3A_412, %and3A_426 : i32
            %eq3A_428 = arith.constant 1 : i32
            %eq3A_429 = arith.cmpi eq, %and3A_427, %eq3A_428 : i32
            %convert_element_type3A_430 = arith.extui %eq3A_429 : i1 to i32
            %cond3A_431 = arith.constant 0 : i32
            %cond3A_432 = arith.cmpi ne, %convert_element_type3A_430, %cond3A_431 : i32
            scf.if %cond3A_432 {
              %and3A_447 = arith.constant 15 : i32
              %and3A_448 = arith.andi %while3A_412, %and3A_447 : i32
              %dma_wait3A = arith.constant 0 : i32
              %dma_wait3A_449 = tpu.memref_slice %arg11[%and3A_448, %dma_wait3A] : memref<16x128xi32, #tpu.memory_space<vmem>> -> memref<1x128xi32, #tpu.memory_space<vmem>>
              %dma_wait3A_450 = tpu.memref_squeeze %dma_wait3A_449 : memref<1x128xi32, #tpu.memory_space<vmem>> -> memref<128xi32, #tpu.memory_space<vmem>>
              %dma_wait3A_451 = arith.constant 0 : i32
              %dma_wait3A_452 = arith.constant 0 : i32
              %dma_wait3A_453 = tpu.memref_slice %arg2[%dma_wait3A_451, %dma_wait3A_452] : memref<10000x128xf32, #tpu.memory_space<hbm>> -> memref<10000x128xf32, #tpu.memory_space<hbm>>
              tpu.wait_indirect_dma semaphore(%arg16 : memref<!tpu.dma_semaphore, #tpu.memory_space<semaphore_mem>>) src(%dma_wait3A_453 : memref<10000x128xf32, #tpu.memory_space<hbm>>) dst(%arg14 : memref<128x128xf32, #tpu.memory_space<vmem>>)
            } else {
            }
            %and3A_433 = arith.constant 1 : i32
            %and3A_434 = arith.andi %while3A_412, %and3A_433 : i32
            %eq3A_435 = arith.constant 0 : i32
            %eq3A_436 = arith.cmpi eq, %and3A_434, %eq3A_435 : i32
            %convert_element_type3A_437 = arith.extui %eq3A_436 : i1 to i32
            %cond3A_438 = arith.constant 0 : i32
            %cond3A_439 = arith.cmpi ne, %convert_element_type3A_437, %cond3A_438 : i32
            scf.if %cond3A_439 {
              %and3A_447 = arith.constant 15 : i32
              %and3A_448 = arith.andi %while3A_412, %and3A_447 : i32
              %dma_start3A_449 = arith.constant 0 : i32
              %dma_start3A_450 = tpu.memref_slice %arg12[%and3A_448, %dma_start3A_449] : memref<16x128xi32, #tpu.memory_space<vmem>> -> memref<1x128xi32, #tpu.memory_space<vmem>>
              %dma_start3A_451 = tpu.memref_squeeze %dma_start3A_450 : memref<1x128xi32, #tpu.memory_space<vmem>> -> memref<128xi32, #tpu.memory_space<vmem>>
              %dma_start3A_452 = arith.constant 0 : i32
              %dma_start3A_453 = arith.constant 0 : i32
              %dma_start3A_454 = tpu.memref_slice %arg6[%dma_start3A_452, %dma_start3A_453] : memref<8208x128xf32, #tpu.memory_space<vmem_shared>> -> memref<8208x128xf32, #tpu.memory_space<vmem_shared>>
              tpu.enqueue_indirect_dma source(%arg13 : memref<128x128xf32, #tpu.memory_space<vmem>>) target(%dma_start3A_454 : memref<8208x128xf32, #tpu.memory_space<vmem_shared>>) offsets(%dma_start3A_451 : memref<128xi32, #tpu.memory_space<vmem>>) semaphore(%arg19 : memref<!tpu.dma_semaphore, #tpu.memory_space<semaphore_mem>>) {add = true}
            } else {
            }
            %and3A_440 = arith.constant 1 : i32
            %and3A_441 = arith.andi %while3A_412, %and3A_440 : i32
            %eq3A_442 = arith.constant 1 : i32
            %eq3A_443 = arith.cmpi eq, %and3A_441, %eq3A_442 : i32
            %convert_element_type3A_444 = arith.extui %eq3A_443 : i1 to i32
            %cond3A_445 = arith.constant 0 : i32
            %cond3A_446 = arith.cmpi ne, %convert_element_type3A_444, %cond3A_445 : i32
            scf.if %cond3A_446 {
              %and3A_447 = arith.constant 15 : i32
              %and3A_448 = arith.andi %while3A_412, %and3A_447 : i32
              %dma_start3A_449 = arith.constant 0 : i32
              %dma_start3A_450 = tpu.memref_slice %arg12[%and3A_448, %dma_start3A_449] : memref<16x128xi32, #tpu.memory_space<vmem>> -> memref<1x128xi32, #tpu.memory_space<vmem>>
              %dma_start3A_451 = tpu.memref_squeeze %dma_start3A_450 : memref<1x128xi32, #tpu.memory_space<vmem>> -> memref<128xi32, #tpu.memory_space<vmem>>
              %dma_start3A_452 = arith.constant 0 : i32
              %dma_start3A_453 = arith.constant 0 : i32
              %dma_start3A_454 = tpu.memref_slice %arg6[%dma_start3A_452, %dma_start3A_453] : memref<8208x128xf32, #tpu.memory_space<vmem_shared>> -> memref<8208x128xf32, #tpu.memory_space<vmem_shared>>
              tpu.enqueue_indirect_dma source(%arg14 : memref<128x128xf32, #tpu.memory_space<vmem>>) target(%dma_start3A_454 : memref<8208x128xf32, #tpu.memory_space<vmem_shared>>) offsets(%dma_start3A_451 : memref<128xi32, #tpu.memory_space<vmem>>) semaphore(%arg20 : memref<!tpu.dma_semaphore, #tpu.memory_space<semaphore_mem>>) {add = true}
            } else {
            }
          }
          %while3A_389 = arith.constant 1 : i32
          scf.for %while3A_412 = %while3A_387 to %while3A_383 step %while3A_389  : i32 {
            %add3A_413 = arith.constant 1 : i32
            %add3A_414 = arith.addi %while3A_412, %add3A_413 : i32
            %lt3A_415 = arith.cmpi slt, %add3A_414, %select_n3A_363 : i32
            %convert_element_type3A_416 = arith.extui %lt3A_415 : i1 to i32
            %cond3A_417 = arith.constant 0 : i32
            %cond3A_418 = arith.cmpi ne, %convert_element_type3A_416, %cond3A_417 : i32
            scf.if %cond3A_418 {
              %gt3A_447 = arith.cmpi sgt, %while3A_412, %scan3A_327 : i32
              %convert_element_type3A_448 = arith.extui %gt3A_447 : i1 to i32
              %cond3A_449 = arith.constant 0 : i32
              %cond3A_450 = arith.cmpi ne, %convert_element_type3A_448, %cond3A_449 : i32
              scf.if %cond3A_450 {
                %sub3A_467 = arith.constant 1 : i32
                %sub3A_468 = arith.subi %while3A_412, %sub3A_467 : i32
                %and3A_469 = arith.constant 1 : i32
                %and3A_470 = arith.andi %sub3A_468, %and3A_469 : i32
                %eq3A_471 = arith.constant 0 : i32
                %eq3A_472 = arith.cmpi eq, %and3A_470, %eq3A_471 : i32
                %convert_element_type3A_473 = arith.extui %eq3A_472 : i1 to i32
                %cond3A_474 = arith.constant 0 : i32
                %cond3A_475 = arith.cmpi ne, %convert_element_type3A_473, %cond3A_474 : i32
                scf.if %cond3A_475 {
                  %and3A_483 = arith.constant 15 : i32
                  %and3A_484 = arith.andi %sub3A_468, %and3A_483 : i32
                  %dma_wait3A = arith.constant 0 : i32
                  %dma_wait3A_485 = tpu.memref_slice %arg12[%and3A_484, %dma_wait3A] : memref<16x128xi32, #tpu.memory_space<vmem>> -> memref<1x128xi32, #tpu.memory_space<vmem>>
                  %dma_wait3A_486 = tpu.memref_squeeze %dma_wait3A_485 : memref<1x128xi32, #tpu.memory_space<vmem>> -> memref<128xi32, #tpu.memory_space<vmem>>
                  %dma_wait3A_487 = arith.constant 0 : i32
                  %dma_wait3A_488 = arith.constant 0 : i32
                  %dma_wait3A_489 = tpu.memref_slice %arg6[%dma_wait3A_487, %dma_wait3A_488] : memref<8208x128xf32, #tpu.memory_space<vmem_shared>> -> memref<8208x128xf32, #tpu.memory_space<vmem_shared>>
                  tpu.wait_indirect_dma semaphore(%arg19 : memref<!tpu.dma_semaphore, #tpu.memory_space<semaphore_mem>>) src(%arg13 : memref<128x128xf32, #tpu.memory_space<vmem>>) dst(%dma_wait3A_489 : memref<8208x128xf32, #tpu.memory_space<vmem_shared>>)
                } else {
                }
                %and3A_476 = arith.constant 1 : i32
                %and3A_477 = arith.andi %sub3A_468, %and3A_476 : i32
                %eq3A_478 = arith.constant 1 : i32
                %eq3A_479 = arith.cmpi eq, %and3A_477, %eq3A_478 : i32
                %convert_element_type3A_480 = arith.extui %eq3A_479 : i1 to i32
                %cond3A_481 = arith.constant 0 : i32
                %cond3A_482 = arith.cmpi ne, %convert_element_type3A_480, %cond3A_481 : i32
                scf.if %cond3A_482 {
                  %and3A_483 = arith.constant 15 : i32
                  %and3A_484 = arith.andi %sub3A_468, %and3A_483 : i32
                  %dma_wait3A = arith.constant 0 : i32
                  %dma_wait3A_485 = tpu.memref_slice %arg12[%and3A_484, %dma_wait3A] : memref<16x128xi32, #tpu.memory_space<vmem>> -> memref<1x128xi32, #tpu.memory_space<vmem>>
                  %dma_wait3A_486 = tpu.memref_squeeze %dma_wait3A_485 : memref<1x128xi32, #tpu.memory_space<vmem>> -> memref<128xi32, #tpu.memory_space<vmem>>
                  %dma_wait3A_487 = arith.constant 0 : i32
                  %dma_wait3A_488 = arith.constant 0 : i32
                  %dma_wait3A_489 = tpu.memref_slice %arg6[%dma_wait3A_487, %dma_wait3A_488] : memref<8208x128xf32, #tpu.memory_space<vmem_shared>> -> memref<8208x128xf32, #tpu.memory_space<vmem_shared>>
                  tpu.wait_indirect_dma semaphore(%arg20 : memref<!tpu.dma_semaphore, #tpu.memory_space<semaphore_mem>>) src(%arg14 : memref<128x128xf32, #tpu.memory_space<vmem>>) dst(%dma_wait3A_489 : memref<8208x128xf32, #tpu.memory_space<vmem_shared>>)
                } else {
                }
              } else {
              }
              %add3A_451 = arith.constant 1 : i32
              %add3A_452 = arith.addi %while3A_412, %add3A_451 : i32
              %and3A_453 = arith.constant 1 : i32
              %and3A_454 = arith.andi %add3A_452, %and3A_453 : i32
              %eq3A_455 = arith.constant 0 : i32
              %eq3A_456 = arith.cmpi eq, %and3A_454, %eq3A_455 : i32
              %convert_element_type3A_457 = arith.extui %eq3A_456 : i1 to i32
              %cond3A_458 = arith.constant 0 : i32
              %cond3A_459 = arith.cmpi ne, %convert_element_type3A_457, %cond3A_458 : i32
              scf.if %cond3A_459 {
                %and3A_467 = arith.constant 15 : i32
                %and3A_468 = arith.andi %add3A_452, %and3A_467 : i32
                %dma_start3A_469 = arith.constant 0 : i32
                %dma_start3A_470 = tpu.memref_slice %arg11[%and3A_468, %dma_start3A_469] : memref<16x128xi32, #tpu.memory_space<vmem>> -> memref<1x128xi32, #tpu.memory_space<vmem>>
                %dma_start3A_471 = tpu.memref_squeeze %dma_start3A_470 : memref<1x128xi32, #tpu.memory_space<vmem>> -> memref<128xi32, #tpu.memory_space<vmem>>
                %dma_start3A_472 = arith.constant 0 : i32
                %dma_start3A_473 = arith.constant 0 : i32
                %dma_start3A_474 = tpu.memref_slice %arg2[%dma_start3A_472, %dma_start3A_473] : memref<10000x128xf32, #tpu.memory_space<hbm>> -> memref<10000x128xf32, #tpu.memory_space<hbm>>
                tpu.enqueue_indirect_dma source(%dma_start3A_474 : memref<10000x128xf32, #tpu.memory_space<hbm>>) target(%arg13 : memref<128x128xf32, #tpu.memory_space<vmem>>) offsets(%dma_start3A_471 : memref<128xi32, #tpu.memory_space<vmem>>) semaphore(%arg15 : memref<!tpu.dma_semaphore, #tpu.memory_space<semaphore_mem>>)
              } else {
              }
              %and3A_460 = arith.constant 1 : i32
              %and3A_461 = arith.andi %add3A_452, %and3A_460 : i32
              %eq3A_462 = arith.constant 1 : i32
              %eq3A_463 = arith.cmpi eq, %and3A_461, %eq3A_462 : i32
              %convert_element_type3A_464 = arith.extui %eq3A_463 : i1 to i32
              %cond3A_465 = arith.constant 0 : i32
              %cond3A_466 = arith.cmpi ne, %convert_element_type3A_464, %cond3A_465 : i32
              scf.if %cond3A_466 {
                %and3A_467 = arith.constant 15 : i32
                %and3A_468 = arith.andi %add3A_452, %and3A_467 : i32
                %dma_start3A_469 = arith.constant 0 : i32
                %dma_start3A_470 = tpu.memref_slice %arg11[%and3A_468, %dma_start3A_469] : memref<16x128xi32, #tpu.memory_space<vmem>> -> memref<1x128xi32, #tpu.memory_space<vmem>>
                %dma_start3A_471 = tpu.memref_squeeze %dma_start3A_470 : memref<1x128xi32, #tpu.memory_space<vmem>> -> memref<128xi32, #tpu.memory_space<vmem>>
                %dma_start3A_472 = arith.constant 0 : i32
                %dma_start3A_473 = arith.constant 0 : i32
                %dma_start3A_474 = tpu.memref_slice %arg2[%dma_start3A_472, %dma_start3A_473] : memref<10000x128xf32, #tpu.memory_space<hbm>> -> memref<10000x128xf32, #tpu.memory_space<hbm>>
                tpu.enqueue_indirect_dma source(%dma_start3A_474 : memref<10000x128xf32, #tpu.memory_space<hbm>>) target(%arg14 : memref<128x128xf32, #tpu.memory_space<vmem>>) offsets(%dma_start3A_471 : memref<128xi32, #tpu.memory_space<vmem>>) semaphore(%arg16 : memref<!tpu.dma_semaphore, #tpu.memory_space<semaphore_mem>>)
              } else {
              }
            } else {
            }
            %and3A_419 = arith.constant 1 : i32
            %and3A_420 = arith.andi %while3A_412, %and3A_419 : i32
            %eq3A_421 = arith.constant 0 : i32
            %eq3A_422 = arith.cmpi eq, %and3A_420, %eq3A_421 : i32
            %convert_element_type3A_423 = arith.extui %eq3A_422 : i1 to i32
            %cond3A_424 = arith.constant 0 : i32
            %cond3A_425 = arith.cmpi ne, %convert_element_type3A_423, %cond3A_424 : i32
            scf.if %cond3A_425 {
              %and3A_447 = arith.constant 15 : i32
              %and3A_448 = arith.andi %while3A_412, %and3A_447 : i32
              %dma_wait3A = arith.constant 0 : i32
              %dma_wait3A_449 = tpu.memref_slice %arg11[%and3A_448, %dma_wait3A] : memref<16x128xi32, #tpu.memory_space<vmem>> -> memref<1x128xi32, #tpu.memory_space<vmem>>
              %dma_wait3A_450 = tpu.memref_squeeze %dma_wait3A_449 : memref<1x128xi32, #tpu.memory_space<vmem>> -> memref<128xi32, #tpu.memory_space<vmem>>
              %dma_wait3A_451 = arith.constant 0 : i32
              %dma_wait3A_452 = arith.constant 0 : i32
              %dma_wait3A_453 = tpu.memref_slice %arg2[%dma_wait3A_451, %dma_wait3A_452] : memref<10000x128xf32, #tpu.memory_space<hbm>> -> memref<10000x128xf32, #tpu.memory_space<hbm>>
              tpu.wait_indirect_dma semaphore(%arg15 : memref<!tpu.dma_semaphore, #tpu.memory_space<semaphore_mem>>) src(%dma_wait3A_453 : memref<10000x128xf32, #tpu.memory_space<hbm>>) dst(%arg13 : memref<128x128xf32, #tpu.memory_space<vmem>>)
            } else {
            }
            %and3A_426 = arith.constant 1 : i32
            %and3A_427 = arith.andi %while3A_412, %and3A_426 : i32
            %eq3A_428 = arith.constant 1 : i32
            %eq3A_429 = arith.cmpi eq, %and3A_427, %eq3A_428 : i32
            %convert_element_type3A_430 = arith.extui %eq3A_429 : i1 to i32
            %cond3A_431 = arith.constant 0 : i32
            %cond3A_432 = arith.cmpi ne, %convert_element_type3A_430, %cond3A_431 : i32
            scf.if %cond3A_432 {
              %and3A_447 = arith.constant 15 : i32
              %and3A_448 = arith.andi %while3A_412, %and3A_447 : i32
              %dma_wait3A = arith.constant 0 : i32
              %dma_wait3A_449 = tpu.memref_slice %arg11[%and3A_448, %dma_wait3A] : memref<16x128xi32, #tpu.memory_space<vmem>> -> memref<1x128xi32, #tpu.memory_space<vmem>>
              %dma_wait3A_450 = tpu.memref_squeeze %dma_wait3A_449 : memref<1x128xi32, #tpu.memory_space<vmem>> -> memref<128xi32, #tpu.memory_space<vmem>>
              %dma_wait3A_451 = arith.constant 0 : i32
              %dma_wait3A_452 = arith.constant 0 : i32
              %dma_wait3A_453 = tpu.memref_slice %arg2[%dma_wait3A_451, %dma_wait3A_452] : memref<10000x128xf32, #tpu.memory_space<hbm>> -> memref<10000x128xf32, #tpu.memory_space<hbm>>
              tpu.wait_indirect_dma semaphore(%arg16 : memref<!tpu.dma_semaphore, #tpu.memory_space<semaphore_mem>>) src(%dma_wait3A_453 : memref<10000x128xf32, #tpu.memory_space<hbm>>) dst(%arg14 : memref<128x128xf32, #tpu.memory_space<vmem>>)
            } else {
            }
            %and3A_433 = arith.constant 1 : i32
            %and3A_434 = arith.andi %while3A_412, %and3A_433 : i32
            %eq3A_435 = arith.constant 0 : i32
            %eq3A_436 = arith.cmpi eq, %and3A_434, %eq3A_435 : i32
            %convert_element_type3A_437 = arith.extui %eq3A_436 : i1 to i32
            %cond3A_438 = arith.constant 0 : i32
            %cond3A_439 = arith.cmpi ne, %convert_element_type3A_437, %cond3A_438 : i32
            scf.if %cond3A_439 {
              %and3A_447 = arith.constant 15 : i32
              %and3A_448 = arith.andi %while3A_412, %and3A_447 : i32
              %dma_start3A_449 = arith.constant 0 : i32
              %dma_start3A_450 = tpu.memref_slice %arg12[%and3A_448, %dma_start3A_449] : memref<16x128xi32, #tpu.memory_space<vmem>> -> memref<1x128xi32, #tpu.memory_space<vmem>>
              %dma_start3A_451 = tpu.memref_squeeze %dma_start3A_450 : memref<1x128xi32, #tpu.memory_space<vmem>> -> memref<128xi32, #tpu.memory_space<vmem>>
              %dma_start3A_452 = arith.constant 0 : i32
              %dma_start3A_453 = arith.constant 0 : i32
              %dma_start3A_454 = tpu.memref_slice %arg6[%dma_start3A_452, %dma_start3A_453] : memref<8208x128xf32, #tpu.memory_space<vmem_shared>> -> memref<8208x128xf32, #tpu.memory_space<vmem_shared>>
              tpu.enqueue_indirect_dma source(%arg13 : memref<128x128xf32, #tpu.memory_space<vmem>>) target(%dma_start3A_454 : memref<8208x128xf32, #tpu.memory_space<vmem_shared>>) offsets(%dma_start3A_451 : memref<128xi32, #tpu.memory_space<vmem>>) semaphore(%arg19 : memref<!tpu.dma_semaphore, #tpu.memory_space<semaphore_mem>>) {add = true}
            } else {
            }
            %and3A_440 = arith.constant 1 : i32
            %and3A_441 = arith.andi %while3A_412, %and3A_440 : i32
            %eq3A_442 = arith.constant 1 : i32
            %eq3A_443 = arith.cmpi eq, %and3A_441, %eq3A_442 : i32
            %convert_element_type3A_444 = arith.extui %eq3A_443 : i1 to i32
            %cond3A_445 = arith.constant 0 : i32
            %cond3A_446 = arith.cmpi ne, %convert_element_type3A_444, %cond3A_445 : i32
            scf.if %cond3A_446 {
              %and3A_447 = arith.constant 15 : i32
              %and3A_448 = arith.andi %while3A_412, %and3A_447 : i32
              %dma_start3A_449 = arith.constant 0 : i32
              %dma_start3A_450 = tpu.memref_slice %arg12[%and3A_448, %dma_start3A_449] : memref<16x128xi32, #tpu.memory_space<vmem>> -> memref<1x128xi32, #tpu.memory_space<vmem>>
              %dma_start3A_451 = tpu.memref_squeeze %dma_start3A_450 : memref<1x128xi32, #tpu.memory_space<vmem>> -> memref<128xi32, #tpu.memory_space<vmem>>
              %dma_start3A_452 = arith.constant 0 : i32
              %dma_start3A_453 = arith.constant 0 : i32
              %dma_start3A_454 = tpu.memref_slice %arg6[%dma_start3A_452, %dma_start3A_453] : memref<8208x128xf32, #tpu.memory_space<vmem_shared>> -> memref<8208x128xf32, #tpu.memory_space<vmem_shared>>
              tpu.enqueue_indirect_dma source(%arg14 : memref<128x128xf32, #tpu.memory_space<vmem>>) target(%dma_start3A_454 : memref<8208x128xf32, #tpu.memory_space<vmem_shared>>) offsets(%dma_start3A_451 : memref<128xi32, #tpu.memory_space<vmem>>) semaphore(%arg20 : memref<!tpu.dma_semaphore, #tpu.memory_space<semaphore_mem>>) {add = true}
            } else {
            }
          }
          %sub3A_390 = arith.constant 1 : i32
          %sub3A_391 = arith.subi %select_n3A_363, %sub3A_390 : i32
          %and3A_392 = arith.constant 1 : i32
          %and3A_393 = arith.andi %sub3A_391, %and3A_392 : i32
          %eq3A_394 = arith.constant 0 : i32
          %eq3A_395 = arith.cmpi eq, %and3A_393, %eq3A_394 : i32
          %convert_element_type3A_396 = arith.extui %eq3A_395 : i1 to i32
          %cond3A_397 = arith.constant 0 : i32
          %cond3A_398 = arith.cmpi ne, %convert_element_type3A_396, %cond3A_397 : i32
          scf.if %cond3A_398 {
            %and3A_412 = arith.constant 15 : i32
            %and3A_413 = arith.andi %sub3A_391, %and3A_412 : i32
            %dma_wait3A = arith.constant 0 : i32
            %dma_wait3A_414 = tpu.memref_slice %arg12[%and3A_413, %dma_wait3A] : memref<16x128xi32, #tpu.memory_space<vmem>> -> memref<1x128xi32, #tpu.memory_space<vmem>>
            %dma_wait3A_415 = tpu.memref_squeeze %dma_wait3A_414 : memref<1x128xi32, #tpu.memory_space<vmem>> -> memref<128xi32, #tpu.memory_space<vmem>>
            %dma_wait3A_416 = arith.constant 0 : i32
            %dma_wait3A_417 = arith.constant 0 : i32
            %dma_wait3A_418 = tpu.memref_slice %arg6[%dma_wait3A_416, %dma_wait3A_417] : memref<8208x128xf32, #tpu.memory_space<vmem_shared>> -> memref<8208x128xf32, #tpu.memory_space<vmem_shared>>
            tpu.wait_indirect_dma semaphore(%arg19 : memref<!tpu.dma_semaphore, #tpu.memory_space<semaphore_mem>>) src(%arg13 : memref<128x128xf32, #tpu.memory_space<vmem>>) dst(%dma_wait3A_418 : memref<8208x128xf32, #tpu.memory_space<vmem_shared>>)
          } else {
          }
          %and3A_399 = arith.constant 1 : i32
          %and3A_400 = arith.andi %sub3A_391, %and3A_399 : i32
          %eq3A_401 = arith.constant 1 : i32
          %eq3A_402 = arith.cmpi eq, %and3A_400, %eq3A_401 : i32
          %convert_element_type3A_403 = arith.extui %eq3A_402 : i1 to i32
          %cond3A_404 = arith.constant 0 : i32
          %cond3A_405 = arith.cmpi ne, %convert_element_type3A_403, %cond3A_404 : i32
          scf.if %cond3A_405 {
            %and3A_412 = arith.constant 15 : i32
            %and3A_413 = arith.andi %sub3A_391, %and3A_412 : i32
            %dma_wait3A = arith.constant 0 : i32
            %dma_wait3A_414 = tpu.memref_slice %arg12[%and3A_413, %dma_wait3A] : memref<16x128xi32, #tpu.memory_space<vmem>> -> memref<1x128xi32, #tpu.memory_space<vmem>>
            %dma_wait3A_415 = tpu.memref_squeeze %dma_wait3A_414 : memref<1x128xi32, #tpu.memory_space<vmem>> -> memref<128xi32, #tpu.memory_space<vmem>>
            %dma_wait3A_416 = arith.constant 0 : i32
            %dma_wait3A_417 = arith.constant 0 : i32
            %dma_wait3A_418 = tpu.memref_slice %arg6[%dma_wait3A_416, %dma_wait3A_417] : memref<8208x128xf32, #tpu.memory_space<vmem_shared>> -> memref<8208x128xf32, #tpu.memory_space<vmem_shared>>
            tpu.wait_indirect_dma semaphore(%arg20 : memref<!tpu.dma_semaphore, #tpu.memory_space<semaphore_mem>>) src(%arg14 : memref<128x128xf32, #tpu.memory_space<vmem>>) dst(%dma_wait3A_418 : memref<8208x128xf32, #tpu.memory_space<vmem_shared>>)
          } else {
          }
          %sub3A_406 = arith.constant 1 : i32
          %sub3A_407 = arith.subi %select_n3A_363, %sub3A_406 : i32
          %gt3A_408 = arith.cmpi sgt, %sub3A_407, %scan3A_327 : i32
          %convert_element_type3A_409 = arith.extui %gt3A_408 : i1 to i32
          %cond3A_410 = arith.constant 0 : i32
          %cond3A_411 = arith.cmpi ne, %convert_element_type3A_409, %cond3A_410 : i32
          scf.if %cond3A_411 {
            %sub3A_412 = arith.constant 2 : i32
            %sub3A_413 = arith.subi %select_n3A_363, %sub3A_412 : i32
            %and3A_414 = arith.constant 1 : i32
            %and3A_415 = arith.andi %sub3A_413, %and3A_414 : i32
            %eq3A_416 = arith.constant 0 : i32
            %eq3A_417 = arith.cmpi eq, %and3A_415, %eq3A_416 : i32
            %convert_element_type3A_418 = arith.extui %eq3A_417 : i1 to i32
            %cond3A_419 = arith.constant 0 : i32
            %cond3A_420 = arith.cmpi ne, %convert_element_type3A_418, %cond3A_419 : i32
            scf.if %cond3A_420 {
              %and3A_428 = arith.constant 15 : i32
              %and3A_429 = arith.andi %sub3A_413, %and3A_428 : i32
              %dma_wait3A = arith.constant 0 : i32
              %dma_wait3A_430 = tpu.memref_slice %arg12[%and3A_429, %dma_wait3A] : memref<16x128xi32, #tpu.memory_space<vmem>> -> memref<1x128xi32, #tpu.memory_space<vmem>>
              %dma_wait3A_431 = tpu.memref_squeeze %dma_wait3A_430 : memref<1x128xi32, #tpu.memory_space<vmem>> -> memref<128xi32, #tpu.memory_space<vmem>>
              %dma_wait3A_432 = arith.constant 0 : i32
              %dma_wait3A_433 = arith.constant 0 : i32
              %dma_wait3A_434 = tpu.memref_slice %arg6[%dma_wait3A_432, %dma_wait3A_433] : memref<8208x128xf32, #tpu.memory_space<vmem_shared>> -> memref<8208x128xf32, #tpu.memory_space<vmem_shared>>
              tpu.wait_indirect_dma semaphore(%arg19 : memref<!tpu.dma_semaphore, #tpu.memory_space<semaphore_mem>>) src(%arg13 : memref<128x128xf32, #tpu.memory_space<vmem>>) dst(%dma_wait3A_434 : memref<8208x128xf32, #tpu.memory_space<vmem_shared>>)
            } else {
            }
            %and3A_421 = arith.constant 1 : i32
            %and3A_422 = arith.andi %sub3A_413, %and3A_421 : i32
            %eq3A_423 = arith.constant 1 : i32
            %eq3A_424 = arith.cmpi eq, %and3A_422, %eq3A_423 : i32
            %convert_element_type3A_425 = arith.extui %eq3A_424 : i1 to i32
            %cond3A_426 = arith.constant 0 : i32
            %cond3A_427 = arith.cmpi ne, %convert_element_type3A_425, %cond3A_426 : i32
            scf.if %cond3A_427 {
              %and3A_428 = arith.constant 15 : i32
              %and3A_429 = arith.andi %sub3A_413, %and3A_428 : i32
              %dma_wait3A = arith.constant 0 : i32
              %dma_wait3A_430 = tpu.memref_slice %arg12[%and3A_429, %dma_wait3A] : memref<16x128xi32, #tpu.memory_space<vmem>> -> memref<1x128xi32, #tpu.memory_space<vmem>>
              %dma_wait3A_431 = tpu.memref_squeeze %dma_wait3A_430 : memref<1x128xi32, #tpu.memory_space<vmem>> -> memref<128xi32, #tpu.memory_space<vmem>>
              %dma_wait3A_432 = arith.constant 0 : i32
              %dma_wait3A_433 = arith.constant 0 : i32
              %dma_wait3A_434 = tpu.memref_slice %arg6[%dma_wait3A_432, %dma_wait3A_433] : memref<8208x128xf32, #tpu.memory_space<vmem_shared>> -> memref<8208x128xf32, #tpu.memory_space<vmem_shared>>
              tpu.wait_indirect_dma semaphore(%arg20 : memref<!tpu.dma_semaphore, #tpu.memory_space<semaphore_mem>>) src(%arg14 : memref<128x128xf32, #tpu.memory_space<vmem>>) dst(%dma_wait3A_434 : memref<8208x128xf32, #tpu.memory_space<vmem_shared>>)
            } else {
            }
          } else {
          }
        } else {
        }
        scf.yield %cond3A_358, %select_n3A_363 : i32, i32
      }
      %scan3A_52 = arith.constant 25 : i32
      %add3A_53 = arith.constant 127 : i32
      %add3A_54 = arith.addi %scan3A_51#0, %add3A_53 : i32
      %jit3A = arith.constant 128 : i32
      %div3A = arith.divsi %add3A_54, %jit3A : i32
      %sign3A = arith.constant 0 : i32
      %sign3A_55 = arith.cmpi sgt, %add3A_54, %sign3A : i32
      %sign3A_56 = arith.extui %sign3A_55 : i1 to i32
      %sign3A_57 = arith.constant 0 : i32
      %sign3A_58 = arith.cmpi slt, %add3A_54, %sign3A_57 : i32
      %sign3A_59 = arith.extui %sign3A_58 : i1 to i32
      %sign3A_60 = arith.subi %sign3A_56, %sign3A_59 : i32
      %sign3A_61 = arith.constant 0 : i32
      %sign3A_62 = arith.cmpi sgt, %jit3A, %sign3A_61 : i32
      %sign3A_63 = arith.extui %sign3A_62 : i1 to i32
      %sign3A_64 = arith.constant 0 : i32
      %sign3A_65 = arith.cmpi slt, %jit3A, %sign3A_64 : i32
      %sign3A_66 = arith.extui %sign3A_65 : i1 to i32
      %sign3A_67 = arith.subi %sign3A_63, %sign3A_66 : i32
      %ne3A = arith.cmpi ne, %sign3A_60, %sign3A_67 : i32
      %rem3A = arith.remsi %add3A_54, %jit3A : i32
      %ne3A_68 = arith.constant 0 : i32
      %ne3A_69 = arith.cmpi ne, %rem3A, %ne3A_68 : i32
      %and3A = arith.andi %ne3A, %ne3A_69 : i1
      %sub3A = arith.constant 1 : i32
      %sub3A_70 = arith.subi %div3A, %sub3A : i32
      %select_n3A = arith.select %and3A, %sub3A_70, %div3A : i32
      %mul3A_71 = arith.constant 128 : i32
      %mul3A_72 = arith.muli %select_n3A, %mul3A_71 : i32
      %sub3A_73 = arith.subi %mul3A_72, %scan3A_51#0 : i32
      %add3A_74 = arith.constant 0 : i32
      %add3A_75 = arith.addi %scan3A_51#0, %add3A_74 : i32
      %add3A_76 = vector.broadcast %add3A_75 : i32 to vector<16xi32>
      %add3A_77 = arith.addi %add3A_76, %iota3A : vector<16xi32>
      %and3A_78 = arith.constant 2047 : i32
      %and3A_79 = vector.broadcast %and3A_78 : i32 to vector<16xi32>
      %and3A_80 = arith.andi %add3A_77, %and3A_79 : vector<16xi32>
      %add3A_81 = arith.constant 0 : i32
      %add3A_82 = vector.broadcast %add3A_81 : i32 to vector<16xi32>
      %add3A_83 = arith.addi %add3A_82, %iota3A : vector<16xi32>
      %lt3A = vector.broadcast %sub3A_73 : i32 to vector<16xi32>
      %lt3A_84 = arith.cmpi slt, %add3A_83, %lt3A : vector<16xi32>
      %shift_right_arithmetic3A = arith.constant 7 : i32
      %shift_right_arithmetic3A_85 = vector.broadcast %shift_right_arithmetic3A : i32 to vector<16xi32>
      %shift_right_arithmetic3A_86 = arith.shrsi %and3A_80, %shift_right_arithmetic3A_85 : vector<16xi32>
      %and3A_87 = arith.constant 127 : i32
      %and3A_88 = vector.broadcast %and3A_87 : i32 to vector<16xi32>
      %and3A_89 = arith.andi %and3A_80, %and3A_88 : vector<16xi32>
      %mul3A_90 = arith.constant 16 : i32
      %mul3A_91 = arith.muli %arg1, %mul3A_90 : i32
      %add3A_92 = vector.broadcast %mul3A_91 : i32 to vector<16xi32>
      %add3A_93 = arith.addi %add3A_92, %iota3A : vector<16xi32>
      tpu.vector_store_idx %arg11[%shift_right_arithmetic3A_86, %and3A_89], %add3A_93 masked %lt3A_84 : memref<16x128xi32, #tpu.memory_space<vmem>>[vector<16xi32>, vector<16xi32>], vector<16xi32>, vector<16xi1>
      %shift_right_arithmetic3A_94 = arith.constant 7 : i32
      %shift_right_arithmetic3A_95 = vector.broadcast %shift_right_arithmetic3A_94 : i32 to vector<16xi32>
      %shift_right_arithmetic3A_96 = arith.shrsi %and3A_80, %shift_right_arithmetic3A_95 : vector<16xi32>
      %and3A_97 = arith.constant 127 : i32
      %and3A_98 = vector.broadcast %and3A_97 : i32 to vector<16xi32>
      %and3A_99 = arith.andi %and3A_80, %and3A_98 : vector<16xi32>
      %add3A_100 = arith.constant 8192 : i32
      %add3A_101 = vector.broadcast %add3A_100 : i32 to vector<16xi32>
      %add3A_102 = arith.addi %add3A_101, %iota3A : vector<16xi32>
      tpu.vector_store_idx %arg12[%shift_right_arithmetic3A_96, %and3A_99], %add3A_102 masked %lt3A_84 : memref<16x128xi32, #tpu.memory_space<vmem>>[vector<16xi32>, vector<16xi32>], vector<16xi32>, vector<16xi1>
      %add3A_103 = arith.constant 16 : i32
      %add3A_104 = arith.addi %scan3A_51#0, %add3A_103 : i32
      %add3A_105 = vector.broadcast %add3A_104 : i32 to vector<16xi32>
      %add3A_106 = arith.addi %add3A_105, %iota3A : vector<16xi32>
      %and3A_107 = arith.constant 2047 : i32
      %and3A_108 = vector.broadcast %and3A_107 : i32 to vector<16xi32>
      %and3A_109 = arith.andi %add3A_106, %and3A_108 : vector<16xi32>
      %add3A_110 = arith.constant 16 : i32
      %add3A_111 = vector.broadcast %add3A_110 : i32 to vector<16xi32>
      %add3A_112 = arith.addi %add3A_111, %iota3A : vector<16xi32>
      %lt3A_113 = vector.broadcast %sub3A_73 : i32 to vector<16xi32>
      %lt3A_114 = arith.cmpi slt, %add3A_112, %lt3A_113 : vector<16xi32>
      %shift_right_arithmetic3A_115 = arith.constant 7 : i32
      %shift_right_arithmetic3A_116 = vector.broadcast %shift_right_arithmetic3A_115 : i32 to vector<16xi32>
      %shift_right_arithmetic3A_117 = arith.shrsi %and3A_109, %shift_right_arithmetic3A_116 : vector<16xi32>
      %and3A_118 = arith.constant 127 : i32
      %and3A_119 = vector.broadcast %and3A_118 : i32 to vector<16xi32>
      %and3A_120 = arith.andi %and3A_109, %and3A_119 : vector<16xi32>
      %mul3A_121 = arith.constant 16 : i32
      %mul3A_122 = arith.muli %arg1, %mul3A_121 : i32
      %add3A_123 = vector.broadcast %mul3A_122 : i32 to vector<16xi32>
      %add3A_124 = arith.addi %add3A_123, %iota3A : vector<16xi32>
      tpu.vector_store_idx %arg11[%shift_right_arithmetic3A_117, %and3A_120], %add3A_124 masked %lt3A_114 : memref<16x128xi32, #tpu.memory_space<vmem>>[vector<16xi32>, vector<16xi32>], vector<16xi32>, vector<16xi1>
      %shift_right_arithmetic3A_125 = arith.constant 7 : i32
      %shift_right_arithmetic3A_126 = vector.broadcast %shift_right_arithmetic3A_125 : i32 to vector<16xi32>
      %shift_right_arithmetic3A_127 = arith.shrsi %and3A_109, %shift_right_arithmetic3A_126 : vector<16xi32>
      %and3A_128 = arith.constant 127 : i32
      %and3A_129 = vector.broadcast %and3A_128 : i32 to vector<16xi32>
      %and3A_130 = arith.andi %and3A_109, %and3A_129 : vector<16xi32>
      %add3A_131 = arith.constant 8192 : i32
      %add3A_132 = vector.broadcast %add3A_131 : i32 to vector<16xi32>
      %add3A_133 = arith.addi %add3A_132, %iota3A : vector<16xi32>
      tpu.vector_store_idx %arg12[%shift_right_arithmetic3A_127, %and3A_130], %add3A_133 masked %lt3A_114 : memref<16x128xi32, #tpu.memory_space<vmem>>[vector<16xi32>, vector<16xi32>], vector<16xi32>, vector<16xi1>
      %add3A_134 = arith.constant 32 : i32
      %add3A_135 = arith.addi %scan3A_51#0, %add3A_134 : i32
      %add3A_136 = vector.broadcast %add3A_135 : i32 to vector<16xi32>
      %add3A_137 = arith.addi %add3A_136, %iota3A : vector<16xi32>
      %and3A_138 = arith.constant 2047 : i32
      %and3A_139 = vector.broadcast %and3A_138 : i32 to vector<16xi32>
      %and3A_140 = arith.andi %add3A_137, %and3A_139 : vector<16xi32>
      %add3A_141 = arith.constant 32 : i32
      %add3A_142 = vector.broadcast %add3A_141 : i32 to vector<16xi32>
      %add3A_143 = arith.addi %add3A_142, %iota3A : vector<16xi32>
      %lt3A_144 = vector.broadcast %sub3A_73 : i32 to vector<16xi32>
      %lt3A_145 = arith.cmpi slt, %add3A_143, %lt3A_144 : vector<16xi32>
      %shift_right_arithmetic3A_146 = arith.constant 7 : i32
      %shift_right_arithmetic3A_147 = vector.broadcast %shift_right_arithmetic3A_146 : i32 to vector<16xi32>
      %shift_right_arithmetic3A_148 = arith.shrsi %and3A_140, %shift_right_arithmetic3A_147 : vector<16xi32>
      %and3A_149 = arith.constant 127 : i32
      %and3A_150 = vector.broadcast %and3A_149 : i32 to vector<16xi32>
      %and3A_151 = arith.andi %and3A_140, %and3A_150 : vector<16xi32>
      %mul3A_152 = arith.constant 16 : i32
      %mul3A_153 = arith.muli %arg1, %mul3A_152 : i32
      %add3A_154 = vector.broadcast %mul3A_153 : i32 to vector<16xi32>
      %add3A_155 = arith.addi %add3A_154, %iota3A : vector<16xi32>
      tpu.vector_store_idx %arg11[%shift_right_arithmetic3A_148, %and3A_151], %add3A_155 masked %lt3A_145 : memref<16x128xi32, #tpu.memory_space<vmem>>[vector<16xi32>, vector<16xi32>], vector<16xi32>, vector<16xi1>
      %shift_right_arithmetic3A_156 = arith.constant 7 : i32
      %shift_right_arithmetic3A_157 = vector.broadcast %shift_right_arithmetic3A_156 : i32 to vector<16xi32>
      %shift_right_arithmetic3A_158 = arith.shrsi %and3A_140, %shift_right_arithmetic3A_157 : vector<16xi32>
      %and3A_159 = arith.constant 127 : i32
      %and3A_160 = vector.broadcast %and3A_159 : i32 to vector<16xi32>
      %and3A_161 = arith.andi %and3A_140, %and3A_160 : vector<16xi32>
      %add3A_162 = arith.constant 8192 : i32
      %add3A_163 = vector.broadcast %add3A_162 : i32 to vector<16xi32>
      %add3A_164 = arith.addi %add3A_163, %iota3A : vector<16xi32>
      tpu.vector_store_idx %arg12[%shift_right_arithmetic3A_158, %and3A_161], %add3A_164 masked %lt3A_145 : memref<16x128xi32, #tpu.memory_space<vmem>>[vector<16xi32>, vector<16xi32>], vector<16xi32>, vector<16xi1>
      %add3A_165 = arith.constant 48 : i32
      %add3A_166 = arith.addi %scan3A_51#0, %add3A_165 : i32
      %add3A_167 = vector.broadcast %add3A_166 : i32 to vector<16xi32>
      %add3A_168 = arith.addi %add3A_167, %iota3A : vector<16xi32>
      %and3A_169 = arith.constant 2047 : i32
      %and3A_170 = vector.broadcast %and3A_169 : i32 to vector<16xi32>
      %and3A_171 = arith.andi %add3A_168, %and3A_170 : vector<16xi32>
      %add3A_172 = arith.constant 48 : i32
      %add3A_173 = vector.broadcast %add3A_172 : i32 to vector<16xi32>
      %add3A_174 = arith.addi %add3A_173, %iota3A : vector<16xi32>
      %lt3A_175 = vector.broadcast %sub3A_73 : i32 to vector<16xi32>
      %lt3A_176 = arith.cmpi slt, %add3A_174, %lt3A_175 : vector<16xi32>
      %shift_right_arithmetic3A_177 = arith.constant 7 : i32
      %shift_right_arithmetic3A_178 = vector.broadcast %shift_right_arithmetic3A_177 : i32 to vector<16xi32>
      %shift_right_arithmetic3A_179 = arith.shrsi %and3A_171, %shift_right_arithmetic3A_178 : vector<16xi32>
      %and3A_180 = arith.constant 127 : i32
      %and3A_181 = vector.broadcast %and3A_180 : i32 to vector<16xi32>
      %and3A_182 = arith.andi %and3A_171, %and3A_181 : vector<16xi32>
      %mul3A_183 = arith.constant 16 : i32
      %mul3A_184 = arith.muli %arg1, %mul3A_183 : i32
      %add3A_185 = vector.broadcast %mul3A_184 : i32 to vector<16xi32>
      %add3A_186 = arith.addi %add3A_185, %iota3A : vector<16xi32>
      tpu.vector_store_idx %arg11[%shift_right_arithmetic3A_179, %and3A_182], %add3A_186 masked %lt3A_176 : memref<16x128xi32, #tpu.memory_space<vmem>>[vector<16xi32>, vector<16xi32>], vector<16xi32>, vector<16xi1>
      %shift_right_arithmetic3A_187 = arith.constant 7 : i32
      %shift_right_arithmetic3A_188 = vector.broadcast %shift_right_arithmetic3A_187 : i32 to vector<16xi32>
      %shift_right_arithmetic3A_189 = arith.shrsi %and3A_171, %shift_right_arithmetic3A_188 : vector<16xi32>
      %and3A_190 = arith.constant 127 : i32
      %and3A_191 = vector.broadcast %and3A_190 : i32 to vector<16xi32>
      %and3A_192 = arith.andi %and3A_171, %and3A_191 : vector<16xi32>
      %add3A_193 = arith.constant 8192 : i32
      %add3A_194 = vector.broadcast %add3A_193 : i32 to vector<16xi32>
      %add3A_195 = arith.addi %add3A_194, %iota3A : vector<16xi32>
      tpu.vector_store_idx %arg12[%shift_right_arithmetic3A_189, %and3A_192], %add3A_195 masked %lt3A_176 : memref<16x128xi32, #tpu.memory_space<vmem>>[vector<16xi32>, vector<16xi32>], vector<16xi32>, vector<16xi1>
      %add3A_196 = arith.constant 64 : i32
      %add3A_197 = arith.addi %scan3A_51#0, %add3A_196 : i32
      %add3A_198 = vector.broadcast %add3A_197 : i32 to vector<16xi32>
      %add3A_199 = arith.addi %add3A_198, %iota3A : vector<16xi32>
      %and3A_200 = arith.constant 2047 : i32
      %and3A_201 = vector.broadcast %and3A_200 : i32 to vector<16xi32>
      %and3A_202 = arith.andi %add3A_199, %and3A_201 : vector<16xi32>
      %add3A_203 = arith.constant 64 : i32
      %add3A_204 = vector.broadcast %add3A_203 : i32 to vector<16xi32>
      %add3A_205 = arith.addi %add3A_204, %iota3A : vector<16xi32>
      %lt3A_206 = vector.broadcast %sub3A_73 : i32 to vector<16xi32>
      %lt3A_207 = arith.cmpi slt, %add3A_205, %lt3A_206 : vector<16xi32>
      %shift_right_arithmetic3A_208 = arith.constant 7 : i32
      %shift_right_arithmetic3A_209 = vector.broadcast %shift_right_arithmetic3A_208 : i32 to vector<16xi32>
      %shift_right_arithmetic3A_210 = arith.shrsi %and3A_202, %shift_right_arithmetic3A_209 : vector<16xi32>
      %and3A_211 = arith.constant 127 : i32
      %and3A_212 = vector.broadcast %and3A_211 : i32 to vector<16xi32>
      %and3A_213 = arith.andi %and3A_202, %and3A_212 : vector<16xi32>
      %mul3A_214 = arith.constant 16 : i32
      %mul3A_215 = arith.muli %arg1, %mul3A_214 : i32
      %add3A_216 = vector.broadcast %mul3A_215 : i32 to vector<16xi32>
      %add3A_217 = arith.addi %add3A_216, %iota3A : vector<16xi32>
      tpu.vector_store_idx %arg11[%shift_right_arithmetic3A_210, %and3A_213], %add3A_217 masked %lt3A_207 : memref<16x128xi32, #tpu.memory_space<vmem>>[vector<16xi32>, vector<16xi32>], vector<16xi32>, vector<16xi1>
      %shift_right_arithmetic3A_218 = arith.constant 7 : i32
      %shift_right_arithmetic3A_219 = vector.broadcast %shift_right_arithmetic3A_218 : i32 to vector<16xi32>
      %shift_right_arithmetic3A_220 = arith.shrsi %and3A_202, %shift_right_arithmetic3A_219 : vector<16xi32>
      %and3A_221 = arith.constant 127 : i32
      %and3A_222 = vector.broadcast %and3A_221 : i32 to vector<16xi32>
      %and3A_223 = arith.andi %and3A_202, %and3A_222 : vector<16xi32>
      %add3A_224 = arith.constant 8192 : i32
      %add3A_225 = vector.broadcast %add3A_224 : i32 to vector<16xi32>
      %add3A_226 = arith.addi %add3A_225, %iota3A : vector<16xi32>
      tpu.vector_store_idx %arg12[%shift_right_arithmetic3A_220, %and3A_223], %add3A_226 masked %lt3A_207 : memref<16x128xi32, #tpu.memory_space<vmem>>[vector<16xi32>, vector<16xi32>], vector<16xi32>, vector<16xi1>
      %add3A_227 = arith.constant 80 : i32
      %add3A_228 = arith.addi %scan3A_51#0, %add3A_227 : i32
      %add3A_229 = vector.broadcast %add3A_228 : i32 to vector<16xi32>
      %add3A_230 = arith.addi %add3A_229, %iota3A : vector<16xi32>
      %and3A_231 = arith.constant 2047 : i32
      %and3A_232 = vector.broadcast %and3A_231 : i32 to vector<16xi32>
      %and3A_233 = arith.andi %add3A_230, %and3A_232 : vector<16xi32>
      %add3A_234 = arith.constant 80 : i32
      %add3A_235 = vector.broadcast %add3A_234 : i32 to vector<16xi32>
      %add3A_236 = arith.addi %add3A_235, %iota3A : vector<16xi32>
      %lt3A_237 = vector.broadcast %sub3A_73 : i32 to vector<16xi32>
      %lt3A_238 = arith.cmpi slt, %add3A_236, %lt3A_237 : vector<16xi32>
      %shift_right_arithmetic3A_239 = arith.constant 7 : i32
      %shift_right_arithmetic3A_240 = vector.broadcast %shift_right_arithmetic3A_239 : i32 to vector<16xi32>
      %shift_right_arithmetic3A_241 = arith.shrsi %and3A_233, %shift_right_arithmetic3A_240 : vector<16xi32>
      %and3A_242 = arith.constant 127 : i32
      %and3A_243 = vector.broadcast %and3A_242 : i32 to vector<16xi32>
      %and3A_244 = arith.andi %and3A_233, %and3A_243 : vector<16xi32>
      %mul3A_245 = arith.constant 16 : i32
      %mul3A_246 = arith.muli %arg1, %mul3A_245 : i32
      %add3A_247 = vector.broadcast %mul3A_246 : i32 to vector<16xi32>
      %add3A_248 = arith.addi %add3A_247, %iota3A : vector<16xi32>
      tpu.vector_store_idx %arg11[%shift_right_arithmetic3A_241, %and3A_244], %add3A_248 masked %lt3A_238 : memref<16x128xi32, #tpu.memory_space<vmem>>[vector<16xi32>, vector<16xi32>], vector<16xi32>, vector<16xi1>
      %shift_right_arithmetic3A_249 = arith.constant 7 : i32
      %shift_right_arithmetic3A_250 = vector.broadcast %shift_right_arithmetic3A_249 : i32 to vector<16xi32>
      %shift_right_arithmetic3A_251 = arith.shrsi %and3A_233, %shift_right_arithmetic3A_250 : vector<16xi32>
      %and3A_252 = arith.constant 127 : i32
      %and3A_253 = vector.broadcast %and3A_252 : i32 to vector<16xi32>
      %and3A_254 = arith.andi %and3A_233, %and3A_253 : vector<16xi32>
      %add3A_255 = arith.constant 8192 : i32
      %add3A_256 = vector.broadcast %add3A_255 : i32 to vector<16xi32>
      %add3A_257 = arith.addi %add3A_256, %iota3A : vector<16xi32>
      tpu.vector_store_idx %arg12[%shift_right_arithmetic3A_251, %and3A_254], %add3A_257 masked %lt3A_238 : memref<16x128xi32, #tpu.memory_space<vmem>>[vector<16xi32>, vector<16xi32>], vector<16xi32>, vector<16xi1>
      %add3A_258 = arith.constant 96 : i32
      %add3A_259 = arith.addi %scan3A_51#0, %add3A_258 : i32
      %add3A_260 = vector.broadcast %add3A_259 : i32 to vector<16xi32>
      %add3A_261 = arith.addi %add3A_260, %iota3A : vector<16xi32>
      %and3A_262 = arith.constant 2047 : i32
      %and3A_263 = vector.broadcast %and3A_262 : i32 to vector<16xi32>
      %and3A_264 = arith.andi %add3A_261, %and3A_263 : vector<16xi32>
      %add3A_265 = arith.constant 96 : i32
      %add3A_266 = vector.broadcast %add3A_265 : i32 to vector<16xi32>
      %add3A_267 = arith.addi %add3A_266, %iota3A : vector<16xi32>
      %lt3A_268 = vector.broadcast %sub3A_73 : i32 to vector<16xi32>
      %lt3A_269 = arith.cmpi slt, %add3A_267, %lt3A_268 : vector<16xi32>
      %shift_right_arithmetic3A_270 = arith.constant 7 : i32
      %shift_right_arithmetic3A_271 = vector.broadcast %shift_right_arithmetic3A_270 : i32 to vector<16xi32>
      %shift_right_arithmetic3A_272 = arith.shrsi %and3A_264, %shift_right_arithmetic3A_271 : vector<16xi32>
      %and3A_273 = arith.constant 127 : i32
      %and3A_274 = vector.broadcast %and3A_273 : i32 to vector<16xi32>
      %and3A_275 = arith.andi %and3A_264, %and3A_274 : vector<16xi32>
      %mul3A_276 = arith.constant 16 : i32
      %mul3A_277 = arith.muli %arg1, %mul3A_276 : i32
      %add3A_278 = vector.broadcast %mul3A_277 : i32 to vector<16xi32>
      %add3A_279 = arith.addi %add3A_278, %iota3A : vector<16xi32>
      tpu.vector_store_idx %arg11[%shift_right_arithmetic3A_272, %and3A_275], %add3A_279 masked %lt3A_269 : memref<16x128xi32, #tpu.memory_space<vmem>>[vector<16xi32>, vector<16xi32>], vector<16xi32>, vector<16xi1>
      %shift_right_arithmetic3A_280 = arith.constant 7 : i32
      %shift_right_arithmetic3A_281 = vector.broadcast %shift_right_arithmetic3A_280 : i32 to vector<16xi32>
      %shift_right_arithmetic3A_282 = arith.shrsi %and3A_264, %shift_right_arithmetic3A_281 : vector<16xi32>
      %and3A_283 = arith.constant 127 : i32
      %and3A_284 = vector.broadcast %and3A_283 : i32 to vector<16xi32>
      %and3A_285 = arith.andi %and3A_264, %and3A_284 : vector<16xi32>
      %add3A_286 = arith.constant 8192 : i32
      %add3A_287 = vector.broadcast %add3A_286 : i32 to vector<16xi32>
      %add3A_288 = arith.addi %add3A_287, %iota3A : vector<16xi32>
      tpu.vector_store_idx %arg12[%shift_right_arithmetic3A_282, %and3A_285], %add3A_288 masked %lt3A_269 : memref<16x128xi32, #tpu.memory_space<vmem>>[vector<16xi32>, vector<16xi32>], vector<16xi32>, vector<16xi1>
      %add3A_289 = arith.constant 112 : i32
      %add3A_290 = arith.addi %scan3A_51#0, %add3A_289 : i32
      %add3A_291 = vector.broadcast %add3A_290 : i32 to vector<16xi32>
      %add3A_292 = arith.addi %add3A_291, %iota3A : vector<16xi32>
      %and3A_293 = arith.constant 2047 : i32
      %and3A_294 = vector.broadcast %and3A_293 : i32 to vector<16xi32>
      %and3A_295 = arith.andi %add3A_292, %and3A_294 : vector<16xi32>
      %add3A_296 = arith.constant 112 : i32
      %add3A_297 = vector.broadcast %add3A_296 : i32 to vector<16xi32>
      %add3A_298 = arith.addi %add3A_297, %iota3A : vector<16xi32>
      %lt3A_299 = vector.broadcast %sub3A_73 : i32 to vector<16xi32>
      %lt3A_300 = arith.cmpi slt, %add3A_298, %lt3A_299 : vector<16xi32>
      %shift_right_arithmetic3A_301 = arith.constant 7 : i32
      %shift_right_arithmetic3A_302 = vector.broadcast %shift_right_arithmetic3A_301 : i32 to vector<16xi32>
      %shift_right_arithmetic3A_303 = arith.shrsi %and3A_295, %shift_right_arithmetic3A_302 : vector<16xi32>
      %and3A_304 = arith.constant 127 : i32
      %and3A_305 = vector.broadcast %and3A_304 : i32 to vector<16xi32>
      %and3A_306 = arith.andi %and3A_295, %and3A_305 : vector<16xi32>
      %mul3A_307 = arith.constant 16 : i32
      %mul3A_308 = arith.muli %arg1, %mul3A_307 : i32
      %add3A_309 = vector.broadcast %mul3A_308 : i32 to vector<16xi32>
      %add3A_310 = arith.addi %add3A_309, %iota3A : vector<16xi32>
      tpu.vector_store_idx %arg11[%shift_right_arithmetic3A_303, %and3A_306], %add3A_310 masked %lt3A_300 : memref<16x128xi32, #tpu.memory_space<vmem>>[vector<16xi32>, vector<16xi32>], vector<16xi32>, vector<16xi1>
      %shift_right_arithmetic3A_311 = arith.constant 7 : i32
      %shift_right_arithmetic3A_312 = vector.broadcast %shift_right_arithmetic3A_311 : i32 to vector<16xi32>
      %shift_right_arithmetic3A_313 = arith.shrsi %and3A_295, %shift_right_arithmetic3A_312 : vector<16xi32>
      %and3A_314 = arith.constant 127 : i32
      %and3A_315 = vector.broadcast %and3A_314 : i32 to vector<16xi32>
      %and3A_316 = arith.andi %and3A_295, %and3A_315 : vector<16xi32>
      %add3A_317 = arith.constant 8192 : i32
      %add3A_318 = vector.broadcast %add3A_317 : i32 to vector<16xi32>
      %add3A_319 = arith.addi %add3A_318, %iota3A : vector<16xi32>
      tpu.vector_store_idx %arg12[%shift_right_arithmetic3A_313, %and3A_316], %add3A_319 masked %lt3A_300 : memref<16x128xi32, #tpu.memory_space<vmem>>[vector<16xi32>, vector<16xi32>], vector<16xi32>, vector<16xi1>
      %gt3A = arith.cmpi sgt, %select_n3A, %scan3A_51#1 : i32
      %convert_element_type3A = arith.extui %gt3A : i1 to i32
      %cond3A = arith.constant 0 : i32
      %cond3A_320 = arith.cmpi ne, %convert_element_type3A, %cond3A : i32
      scf.if %cond3A_320 {
        %and3A_325 = arith.constant 1 : i32
        %and3A_326 = arith.andi %scan3A_51#1, %and3A_325 : i32
        %eq3A = arith.constant 0 : i32
        %eq3A_327 = arith.cmpi eq, %and3A_326, %eq3A : i32
        %convert_element_type3A_328 = arith.extui %eq3A_327 : i1 to i32
        %cond3A_329 = arith.constant 0 : i32
        %cond3A_330 = arith.cmpi ne, %convert_element_type3A_328, %cond3A_329 : i32
        scf.if %cond3A_330 {
          %and3A_368 = arith.constant 15 : i32
          %and3A_369 = arith.andi %scan3A_51#1, %and3A_368 : i32
          %dma_start3A_370 = arith.constant 0 : i32
          %dma_start3A_371 = tpu.memref_slice %arg11[%and3A_369, %dma_start3A_370] : memref<16x128xi32, #tpu.memory_space<vmem>> -> memref<1x128xi32, #tpu.memory_space<vmem>>
          %dma_start3A_372 = tpu.memref_squeeze %dma_start3A_371 : memref<1x128xi32, #tpu.memory_space<vmem>> -> memref<128xi32, #tpu.memory_space<vmem>>
          %dma_start3A_373 = arith.constant 0 : i32
          %dma_start3A_374 = arith.constant 0 : i32
          %dma_start3A_375 = tpu.memref_slice %arg2[%dma_start3A_373, %dma_start3A_374] : memref<10000x128xf32, #tpu.memory_space<hbm>> -> memref<10000x128xf32, #tpu.memory_space<hbm>>
          tpu.enqueue_indirect_dma source(%dma_start3A_375 : memref<10000x128xf32, #tpu.memory_space<hbm>>) target(%arg13 : memref<128x128xf32, #tpu.memory_space<vmem>>) offsets(%dma_start3A_372 : memref<128xi32, #tpu.memory_space<vmem>>) semaphore(%arg15 : memref<!tpu.dma_semaphore, #tpu.memory_space<semaphore_mem>>)
        } else {
        }
        %and3A_331 = arith.constant 1 : i32
        %and3A_332 = arith.andi %scan3A_51#1, %and3A_331 : i32
        %eq3A_333 = arith.constant 1 : i32
        %eq3A_334 = arith.cmpi eq, %and3A_332, %eq3A_333 : i32
        %convert_element_type3A_335 = arith.extui %eq3A_334 : i1 to i32
        %cond3A_336 = arith.constant 0 : i32
        %cond3A_337 = arith.cmpi ne, %convert_element_type3A_335, %cond3A_336 : i32
        scf.if %cond3A_337 {
          %and3A_368 = arith.constant 15 : i32
          %and3A_369 = arith.andi %scan3A_51#1, %and3A_368 : i32
          %dma_start3A_370 = arith.constant 0 : i32
          %dma_start3A_371 = tpu.memref_slice %arg11[%and3A_369, %dma_start3A_370] : memref<16x128xi32, #tpu.memory_space<vmem>> -> memref<1x128xi32, #tpu.memory_space<vmem>>
          %dma_start3A_372 = tpu.memref_squeeze %dma_start3A_371 : memref<1x128xi32, #tpu.memory_space<vmem>> -> memref<128xi32, #tpu.memory_space<vmem>>
          %dma_start3A_373 = arith.constant 0 : i32
          %dma_start3A_374 = arith.constant 0 : i32
          %dma_start3A_375 = tpu.memref_slice %arg2[%dma_start3A_373, %dma_start3A_374] : memref<10000x128xf32, #tpu.memory_space<hbm>> -> memref<10000x128xf32, #tpu.memory_space<hbm>>
          tpu.enqueue_indirect_dma source(%dma_start3A_375 : memref<10000x128xf32, #tpu.memory_space<hbm>>) target(%arg14 : memref<128x128xf32, #tpu.memory_space<vmem>>) offsets(%dma_start3A_372 : memref<128xi32, #tpu.memory_space<vmem>>) semaphore(%arg16 : memref<!tpu.dma_semaphore, #tpu.memory_space<semaphore_mem>>)
        } else {
        }
        %while3A = arith.constant 0 : i32
        %while3A_338 = arith.subi %select_n3A, %scan3A_51#1 : i32
        %while3A_339 = arith.addi %scan3A_51#1, %while3A_338 : i32
        %while3A_340 = arith.constant 1 : i32
        %while3A_341 = arith.divsi %while3A_338, %while3A_340 : i32
        %while3A_342 = arith.muli %while3A_341, %while3A_340 : i32
        %while3A_343 = arith.addi %scan3A_51#1, %while3A_342 : i32
        %while3A_344 = arith.constant 1 : i32
        scf.for %while3A_368 = %scan3A_51#1 to %while3A_343 step %while3A_344  : i32 {
          %add3A_369 = arith.constant 1 : i32
          %add3A_370 = arith.addi %while3A_368, %add3A_369 : i32
          %lt3A_371 = arith.cmpi slt, %add3A_370, %select_n3A : i32
          %convert_element_type3A_372 = arith.extui %lt3A_371 : i1 to i32
          %cond3A_373 = arith.constant 0 : i32
          %cond3A_374 = arith.cmpi ne, %convert_element_type3A_372, %cond3A_373 : i32
          scf.if %cond3A_374 {
            %gt3A_403 = arith.cmpi sgt, %while3A_368, %scan3A_51#1 : i32
            %convert_element_type3A_404 = arith.extui %gt3A_403 : i1 to i32
            %cond3A_405 = arith.constant 0 : i32
            %cond3A_406 = arith.cmpi ne, %convert_element_type3A_404, %cond3A_405 : i32
            scf.if %cond3A_406 {
              %sub3A_423 = arith.constant 1 : i32
              %sub3A_424 = arith.subi %while3A_368, %sub3A_423 : i32
              %and3A_425 = arith.constant 1 : i32
              %and3A_426 = arith.andi %sub3A_424, %and3A_425 : i32
              %eq3A_427 = arith.constant 0 : i32
              %eq3A_428 = arith.cmpi eq, %and3A_426, %eq3A_427 : i32
              %convert_element_type3A_429 = arith.extui %eq3A_428 : i1 to i32
              %cond3A_430 = arith.constant 0 : i32
              %cond3A_431 = arith.cmpi ne, %convert_element_type3A_429, %cond3A_430 : i32
              scf.if %cond3A_431 {
                %and3A_439 = arith.constant 15 : i32
                %and3A_440 = arith.andi %sub3A_424, %and3A_439 : i32
                %dma_wait3A = arith.constant 0 : i32
                %dma_wait3A_441 = tpu.memref_slice %arg12[%and3A_440, %dma_wait3A] : memref<16x128xi32, #tpu.memory_space<vmem>> -> memref<1x128xi32, #tpu.memory_space<vmem>>
                %dma_wait3A_442 = tpu.memref_squeeze %dma_wait3A_441 : memref<1x128xi32, #tpu.memory_space<vmem>> -> memref<128xi32, #tpu.memory_space<vmem>>
                %dma_wait3A_443 = arith.constant 0 : i32
                %dma_wait3A_444 = arith.constant 0 : i32
                %dma_wait3A_445 = tpu.memref_slice %arg6[%dma_wait3A_443, %dma_wait3A_444] : memref<8208x128xf32, #tpu.memory_space<vmem_shared>> -> memref<8208x128xf32, #tpu.memory_space<vmem_shared>>
                tpu.wait_indirect_dma semaphore(%arg19 : memref<!tpu.dma_semaphore, #tpu.memory_space<semaphore_mem>>) src(%arg13 : memref<128x128xf32, #tpu.memory_space<vmem>>) dst(%dma_wait3A_445 : memref<8208x128xf32, #tpu.memory_space<vmem_shared>>)
              } else {
              }
              %and3A_432 = arith.constant 1 : i32
              %and3A_433 = arith.andi %sub3A_424, %and3A_432 : i32
              %eq3A_434 = arith.constant 1 : i32
              %eq3A_435 = arith.cmpi eq, %and3A_433, %eq3A_434 : i32
              %convert_element_type3A_436 = arith.extui %eq3A_435 : i1 to i32
              %cond3A_437 = arith.constant 0 : i32
              %cond3A_438 = arith.cmpi ne, %convert_element_type3A_436, %cond3A_437 : i32
              scf.if %cond3A_438 {
                %and3A_439 = arith.constant 15 : i32
                %and3A_440 = arith.andi %sub3A_424, %and3A_439 : i32
                %dma_wait3A = arith.constant 0 : i32
                %dma_wait3A_441 = tpu.memref_slice %arg12[%and3A_440, %dma_wait3A] : memref<16x128xi32, #tpu.memory_space<vmem>> -> memref<1x128xi32, #tpu.memory_space<vmem>>
                %dma_wait3A_442 = tpu.memref_squeeze %dma_wait3A_441 : memref<1x128xi32, #tpu.memory_space<vmem>> -> memref<128xi32, #tpu.memory_space<vmem>>
                %dma_wait3A_443 = arith.constant 0 : i32
                %dma_wait3A_444 = arith.constant 0 : i32
                %dma_wait3A_445 = tpu.memref_slice %arg6[%dma_wait3A_443, %dma_wait3A_444] : memref<8208x128xf32, #tpu.memory_space<vmem_shared>> -> memref<8208x128xf32, #tpu.memory_space<vmem_shared>>
                tpu.wait_indirect_dma semaphore(%arg20 : memref<!tpu.dma_semaphore, #tpu.memory_space<semaphore_mem>>) src(%arg14 : memref<128x128xf32, #tpu.memory_space<vmem>>) dst(%dma_wait3A_445 : memref<8208x128xf32, #tpu.memory_space<vmem_shared>>)
              } else {
              }
            } else {
            }
            %add3A_407 = arith.constant 1 : i32
            %add3A_408 = arith.addi %while3A_368, %add3A_407 : i32
            %and3A_409 = arith.constant 1 : i32
            %and3A_410 = arith.andi %add3A_408, %and3A_409 : i32
            %eq3A_411 = arith.constant 0 : i32
            %eq3A_412 = arith.cmpi eq, %and3A_410, %eq3A_411 : i32
            %convert_element_type3A_413 = arith.extui %eq3A_412 : i1 to i32
            %cond3A_414 = arith.constant 0 : i32
            %cond3A_415 = arith.cmpi ne, %convert_element_type3A_413, %cond3A_414 : i32
            scf.if %cond3A_415 {
              %and3A_423 = arith.constant 15 : i32
              %and3A_424 = arith.andi %add3A_408, %and3A_423 : i32
              %dma_start3A_425 = arith.constant 0 : i32
              %dma_start3A_426 = tpu.memref_slice %arg11[%and3A_424, %dma_start3A_425] : memref<16x128xi32, #tpu.memory_space<vmem>> -> memref<1x128xi32, #tpu.memory_space<vmem>>
              %dma_start3A_427 = tpu.memref_squeeze %dma_start3A_426 : memref<1x128xi32, #tpu.memory_space<vmem>> -> memref<128xi32, #tpu.memory_space<vmem>>
              %dma_start3A_428 = arith.constant 0 : i32
              %dma_start3A_429 = arith.constant 0 : i32
              %dma_start3A_430 = tpu.memref_slice %arg2[%dma_start3A_428, %dma_start3A_429] : memref<10000x128xf32, #tpu.memory_space<hbm>> -> memref<10000x128xf32, #tpu.memory_space<hbm>>
              tpu.enqueue_indirect_dma source(%dma_start3A_430 : memref<10000x128xf32, #tpu.memory_space<hbm>>) target(%arg13 : memref<128x128xf32, #tpu.memory_space<vmem>>) offsets(%dma_start3A_427 : memref<128xi32, #tpu.memory_space<vmem>>) semaphore(%arg15 : memref<!tpu.dma_semaphore, #tpu.memory_space<semaphore_mem>>)
            } else {
            }
            %and3A_416 = arith.constant 1 : i32
            %and3A_417 = arith.andi %add3A_408, %and3A_416 : i32
            %eq3A_418 = arith.constant 1 : i32
            %eq3A_419 = arith.cmpi eq, %and3A_417, %eq3A_418 : i32
            %convert_element_type3A_420 = arith.extui %eq3A_419 : i1 to i32
            %cond3A_421 = arith.constant 0 : i32
            %cond3A_422 = arith.cmpi ne, %convert_element_type3A_420, %cond3A_421 : i32
            scf.if %cond3A_422 {
              %and3A_423 = arith.constant 15 : i32
              %and3A_424 = arith.andi %add3A_408, %and3A_423 : i32
              %dma_start3A_425 = arith.constant 0 : i32
              %dma_start3A_426 = tpu.memref_slice %arg11[%and3A_424, %dma_start3A_425] : memref<16x128xi32, #tpu.memory_space<vmem>> -> memref<1x128xi32, #tpu.memory_space<vmem>>
              %dma_start3A_427 = tpu.memref_squeeze %dma_start3A_426 : memref<1x128xi32, #tpu.memory_space<vmem>> -> memref<128xi32, #tpu.memory_space<vmem>>
              %dma_start3A_428 = arith.constant 0 : i32
              %dma_start3A_429 = arith.constant 0 : i32
              %dma_start3A_430 = tpu.memref_slice %arg2[%dma_start3A_428, %dma_start3A_429] : memref<10000x128xf32, #tpu.memory_space<hbm>> -> memref<10000x128xf32, #tpu.memory_space<hbm>>
              tpu.enqueue_indirect_dma source(%dma_start3A_430 : memref<10000x128xf32, #tpu.memory_space<hbm>>) target(%arg14 : memref<128x128xf32, #tpu.memory_space<vmem>>) offsets(%dma_start3A_427 : memref<128xi32, #tpu.memory_space<vmem>>) semaphore(%arg16 : memref<!tpu.dma_semaphore, #tpu.memory_space<semaphore_mem>>)
            } else {
            }
          } else {
          }
          %and3A_375 = arith.constant 1 : i32
          %and3A_376 = arith.andi %while3A_368, %and3A_375 : i32
          %eq3A_377 = arith.constant 0 : i32
          %eq3A_378 = arith.cmpi eq, %and3A_376, %eq3A_377 : i32
          %convert_element_type3A_379 = arith.extui %eq3A_378 : i1 to i32
          %cond3A_380 = arith.constant 0 : i32
          %cond3A_381 = arith.cmpi ne, %convert_element_type3A_379, %cond3A_380 : i32
          scf.if %cond3A_381 {
            %and3A_403 = arith.constant 15 : i32
            %and3A_404 = arith.andi %while3A_368, %and3A_403 : i32
            %dma_wait3A = arith.constant 0 : i32
            %dma_wait3A_405 = tpu.memref_slice %arg11[%and3A_404, %dma_wait3A] : memref<16x128xi32, #tpu.memory_space<vmem>> -> memref<1x128xi32, #tpu.memory_space<vmem>>
            %dma_wait3A_406 = tpu.memref_squeeze %dma_wait3A_405 : memref<1x128xi32, #tpu.memory_space<vmem>> -> memref<128xi32, #tpu.memory_space<vmem>>
            %dma_wait3A_407 = arith.constant 0 : i32
            %dma_wait3A_408 = arith.constant 0 : i32
            %dma_wait3A_409 = tpu.memref_slice %arg2[%dma_wait3A_407, %dma_wait3A_408] : memref<10000x128xf32, #tpu.memory_space<hbm>> -> memref<10000x128xf32, #tpu.memory_space<hbm>>
            tpu.wait_indirect_dma semaphore(%arg15 : memref<!tpu.dma_semaphore, #tpu.memory_space<semaphore_mem>>) src(%dma_wait3A_409 : memref<10000x128xf32, #tpu.memory_space<hbm>>) dst(%arg13 : memref<128x128xf32, #tpu.memory_space<vmem>>)
          } else {
          }
          %and3A_382 = arith.constant 1 : i32
          %and3A_383 = arith.andi %while3A_368, %and3A_382 : i32
          %eq3A_384 = arith.constant 1 : i32
          %eq3A_385 = arith.cmpi eq, %and3A_383, %eq3A_384 : i32
          %convert_element_type3A_386 = arith.extui %eq3A_385 : i1 to i32
          %cond3A_387 = arith.constant 0 : i32
          %cond3A_388 = arith.cmpi ne, %convert_element_type3A_386, %cond3A_387 : i32
          scf.if %cond3A_388 {
            %and3A_403 = arith.constant 15 : i32
            %and3A_404 = arith.andi %while3A_368, %and3A_403 : i32
            %dma_wait3A = arith.constant 0 : i32
            %dma_wait3A_405 = tpu.memref_slice %arg11[%and3A_404, %dma_wait3A] : memref<16x128xi32, #tpu.memory_space<vmem>> -> memref<1x128xi32, #tpu.memory_space<vmem>>
            %dma_wait3A_406 = tpu.memref_squeeze %dma_wait3A_405 : memref<1x128xi32, #tpu.memory_space<vmem>> -> memref<128xi32, #tpu.memory_space<vmem>>
            %dma_wait3A_407 = arith.constant 0 : i32
            %dma_wait3A_408 = arith.constant 0 : i32
            %dma_wait3A_409 = tpu.memref_slice %arg2[%dma_wait3A_407, %dma_wait3A_408] : memref<10000x128xf32, #tpu.memory_space<hbm>> -> memref<10000x128xf32, #tpu.memory_space<hbm>>
            tpu.wait_indirect_dma semaphore(%arg16 : memref<!tpu.dma_semaphore, #tpu.memory_space<semaphore_mem>>) src(%dma_wait3A_409 : memref<10000x128xf32, #tpu.memory_space<hbm>>) dst(%arg14 : memref<128x128xf32, #tpu.memory_space<vmem>>)
          } else {
          }
          %and3A_389 = arith.constant 1 : i32
          %and3A_390 = arith.andi %while3A_368, %and3A_389 : i32
          %eq3A_391 = arith.constant 0 : i32
          %eq3A_392 = arith.cmpi eq, %and3A_390, %eq3A_391 : i32
          %convert_element_type3A_393 = arith.extui %eq3A_392 : i1 to i32
          %cond3A_394 = arith.constant 0 : i32
          %cond3A_395 = arith.cmpi ne, %convert_element_type3A_393, %cond3A_394 : i32
          scf.if %cond3A_395 {
            %and3A_403 = arith.constant 15 : i32
            %and3A_404 = arith.andi %while3A_368, %and3A_403 : i32
            %dma_start3A_405 = arith.constant 0 : i32
            %dma_start3A_406 = tpu.memref_slice %arg12[%and3A_404, %dma_start3A_405] : memref<16x128xi32, #tpu.memory_space<vmem>> -> memref<1x128xi32, #tpu.memory_space<vmem>>
            %dma_start3A_407 = tpu.memref_squeeze %dma_start3A_406 : memref<1x128xi32, #tpu.memory_space<vmem>> -> memref<128xi32, #tpu.memory_space<vmem>>
            %dma_start3A_408 = arith.constant 0 : i32
            %dma_start3A_409 = arith.constant 0 : i32
            %dma_start3A_410 = tpu.memref_slice %arg6[%dma_start3A_408, %dma_start3A_409] : memref<8208x128xf32, #tpu.memory_space<vmem_shared>> -> memref<8208x128xf32, #tpu.memory_space<vmem_shared>>
            tpu.enqueue_indirect_dma source(%arg13 : memref<128x128xf32, #tpu.memory_space<vmem>>) target(%dma_start3A_410 : memref<8208x128xf32, #tpu.memory_space<vmem_shared>>) offsets(%dma_start3A_407 : memref<128xi32, #tpu.memory_space<vmem>>) semaphore(%arg19 : memref<!tpu.dma_semaphore, #tpu.memory_space<semaphore_mem>>) {add = true}
          } else {
          }
          %and3A_396 = arith.constant 1 : i32
          %and3A_397 = arith.andi %while3A_368, %and3A_396 : i32
          %eq3A_398 = arith.constant 1 : i32
          %eq3A_399 = arith.cmpi eq, %and3A_397, %eq3A_398 : i32
          %convert_element_type3A_400 = arith.extui %eq3A_399 : i1 to i32
          %cond3A_401 = arith.constant 0 : i32
          %cond3A_402 = arith.cmpi ne, %convert_element_type3A_400, %cond3A_401 : i32
          scf.if %cond3A_402 {
            %and3A_403 = arith.constant 15 : i32
            %and3A_404 = arith.andi %while3A_368, %and3A_403 : i32
            %dma_start3A_405 = arith.constant 0 : i32
            %dma_start3A_406 = tpu.memref_slice %arg12[%and3A_404, %dma_start3A_405] : memref<16x128xi32, #tpu.memory_space<vmem>> -> memref<1x128xi32, #tpu.memory_space<vmem>>
            %dma_start3A_407 = tpu.memref_squeeze %dma_start3A_406 : memref<1x128xi32, #tpu.memory_space<vmem>> -> memref<128xi32, #tpu.memory_space<vmem>>
            %dma_start3A_408 = arith.constant 0 : i32
            %dma_start3A_409 = arith.constant 0 : i32
            %dma_start3A_410 = tpu.memref_slice %arg6[%dma_start3A_408, %dma_start3A_409] : memref<8208x128xf32, #tpu.memory_space<vmem_shared>> -> memref<8208x128xf32, #tpu.memory_space<vmem_shared>>
            tpu.enqueue_indirect_dma source(%arg14 : memref<128x128xf32, #tpu.memory_space<vmem>>) target(%dma_start3A_410 : memref<8208x128xf32, #tpu.memory_space<vmem_shared>>) offsets(%dma_start3A_407 : memref<128xi32, #tpu.memory_space<vmem>>) semaphore(%arg20 : memref<!tpu.dma_semaphore, #tpu.memory_space<semaphore_mem>>) {add = true}
          } else {
          }
        }
        %while3A_345 = arith.constant 1 : i32
        scf.for %while3A_368 = %while3A_343 to %while3A_339 step %while3A_345  : i32 {
          %add3A_369 = arith.constant 1 : i32
          %add3A_370 = arith.addi %while3A_368, %add3A_369 : i32
          %lt3A_371 = arith.cmpi slt, %add3A_370, %select_n3A : i32
          %convert_element_type3A_372 = arith.extui %lt3A_371 : i1 to i32
          %cond3A_373 = arith.constant 0 : i32
          %cond3A_374 = arith.cmpi ne, %convert_element_type3A_372, %cond3A_373 : i32
          scf.if %cond3A_374 {
            %gt3A_403 = arith.cmpi sgt, %while3A_368, %scan3A_51#1 : i32
            %convert_element_type3A_404 = arith.extui %gt3A_403 : i1 to i32
            %cond3A_405 = arith.constant 0 : i32
            %cond3A_406 = arith.cmpi ne, %convert_element_type3A_404, %cond3A_405 : i32
            scf.if %cond3A_406 {
              %sub3A_423 = arith.constant 1 : i32
              %sub3A_424 = arith.subi %while3A_368, %sub3A_423 : i32
              %and3A_425 = arith.constant 1 : i32
              %and3A_426 = arith.andi %sub3A_424, %and3A_425 : i32
              %eq3A_427 = arith.constant 0 : i32
              %eq3A_428 = arith.cmpi eq, %and3A_426, %eq3A_427 : i32
              %convert_element_type3A_429 = arith.extui %eq3A_428 : i1 to i32
              %cond3A_430 = arith.constant 0 : i32
              %cond3A_431 = arith.cmpi ne, %convert_element_type3A_429, %cond3A_430 : i32
              scf.if %cond3A_431 {
                %and3A_439 = arith.constant 15 : i32
                %and3A_440 = arith.andi %sub3A_424, %and3A_439 : i32
                %dma_wait3A = arith.constant 0 : i32
                %dma_wait3A_441 = tpu.memref_slice %arg12[%and3A_440, %dma_wait3A] : memref<16x128xi32, #tpu.memory_space<vmem>> -> memref<1x128xi32, #tpu.memory_space<vmem>>
                %dma_wait3A_442 = tpu.memref_squeeze %dma_wait3A_441 : memref<1x128xi32, #tpu.memory_space<vmem>> -> memref<128xi32, #tpu.memory_space<vmem>>
                %dma_wait3A_443 = arith.constant 0 : i32
                %dma_wait3A_444 = arith.constant 0 : i32
                %dma_wait3A_445 = tpu.memref_slice %arg6[%dma_wait3A_443, %dma_wait3A_444] : memref<8208x128xf32, #tpu.memory_space<vmem_shared>> -> memref<8208x128xf32, #tpu.memory_space<vmem_shared>>
                tpu.wait_indirect_dma semaphore(%arg19 : memref<!tpu.dma_semaphore, #tpu.memory_space<semaphore_mem>>) src(%arg13 : memref<128x128xf32, #tpu.memory_space<vmem>>) dst(%dma_wait3A_445 : memref<8208x128xf32, #tpu.memory_space<vmem_shared>>)
              } else {
              }
              %and3A_432 = arith.constant 1 : i32
              %and3A_433 = arith.andi %sub3A_424, %and3A_432 : i32
              %eq3A_434 = arith.constant 1 : i32
              %eq3A_435 = arith.cmpi eq, %and3A_433, %eq3A_434 : i32
              %convert_element_type3A_436 = arith.extui %eq3A_435 : i1 to i32
              %cond3A_437 = arith.constant 0 : i32
              %cond3A_438 = arith.cmpi ne, %convert_element_type3A_436, %cond3A_437 : i32
              scf.if %cond3A_438 {
                %and3A_439 = arith.constant 15 : i32
                %and3A_440 = arith.andi %sub3A_424, %and3A_439 : i32
                %dma_wait3A = arith.constant 0 : i32
                %dma_wait3A_441 = tpu.memref_slice %arg12[%and3A_440, %dma_wait3A] : memref<16x128xi32, #tpu.memory_space<vmem>> -> memref<1x128xi32, #tpu.memory_space<vmem>>
                %dma_wait3A_442 = tpu.memref_squeeze %dma_wait3A_441 : memref<1x128xi32, #tpu.memory_space<vmem>> -> memref<128xi32, #tpu.memory_space<vmem>>
                %dma_wait3A_443 = arith.constant 0 : i32
                %dma_wait3A_444 = arith.constant 0 : i32
                %dma_wait3A_445 = tpu.memref_slice %arg6[%dma_wait3A_443, %dma_wait3A_444] : memref<8208x128xf32, #tpu.memory_space<vmem_shared>> -> memref<8208x128xf32, #tpu.memory_space<vmem_shared>>
                tpu.wait_indirect_dma semaphore(%arg20 : memref<!tpu.dma_semaphore, #tpu.memory_space<semaphore_mem>>) src(%arg14 : memref<128x128xf32, #tpu.memory_space<vmem>>) dst(%dma_wait3A_445 : memref<8208x128xf32, #tpu.memory_space<vmem_shared>>)
              } else {
              }
            } else {
            }
            %add3A_407 = arith.constant 1 : i32
            %add3A_408 = arith.addi %while3A_368, %add3A_407 : i32
            %and3A_409 = arith.constant 1 : i32
            %and3A_410 = arith.andi %add3A_408, %and3A_409 : i32
            %eq3A_411 = arith.constant 0 : i32
            %eq3A_412 = arith.cmpi eq, %and3A_410, %eq3A_411 : i32
            %convert_element_type3A_413 = arith.extui %eq3A_412 : i1 to i32
            %cond3A_414 = arith.constant 0 : i32
            %cond3A_415 = arith.cmpi ne, %convert_element_type3A_413, %cond3A_414 : i32
            scf.if %cond3A_415 {
              %and3A_423 = arith.constant 15 : i32
              %and3A_424 = arith.andi %add3A_408, %and3A_423 : i32
              %dma_start3A_425 = arith.constant 0 : i32
              %dma_start3A_426 = tpu.memref_slice %arg11[%and3A_424, %dma_start3A_425] : memref<16x128xi32, #tpu.memory_space<vmem>> -> memref<1x128xi32, #tpu.memory_space<vmem>>
              %dma_start3A_427 = tpu.memref_squeeze %dma_start3A_426 : memref<1x128xi32, #tpu.memory_space<vmem>> -> memref<128xi32, #tpu.memory_space<vmem>>
              %dma_start3A_428 = arith.constant 0 : i32
              %dma_start3A_429 = arith.constant 0 : i32
              %dma_start3A_430 = tpu.memref_slice %arg2[%dma_start3A_428, %dma_start3A_429] : memref<10000x128xf32, #tpu.memory_space<hbm>> -> memref<10000x128xf32, #tpu.memory_space<hbm>>
              tpu.enqueue_indirect_dma source(%dma_start3A_430 : memref<10000x128xf32, #tpu.memory_space<hbm>>) target(%arg13 : memref<128x128xf32, #tpu.memory_space<vmem>>) offsets(%dma_start3A_427 : memref<128xi32, #tpu.memory_space<vmem>>) semaphore(%arg15 : memref<!tpu.dma_semaphore, #tpu.memory_space<semaphore_mem>>)
            } else {
            }
            %and3A_416 = arith.constant 1 : i32
            %and3A_417 = arith.andi %add3A_408, %and3A_416 : i32
            %eq3A_418 = arith.constant 1 : i32
            %eq3A_419 = arith.cmpi eq, %and3A_417, %eq3A_418 : i32
            %convert_element_type3A_420 = arith.extui %eq3A_419 : i1 to i32
            %cond3A_421 = arith.constant 0 : i32
            %cond3A_422 = arith.cmpi ne, %convert_element_type3A_420, %cond3A_421 : i32
            scf.if %cond3A_422 {
              %and3A_423 = arith.constant 15 : i32
              %and3A_424 = arith.andi %add3A_408, %and3A_423 : i32
              %dma_start3A_425 = arith.constant 0 : i32
              %dma_start3A_426 = tpu.memref_slice %arg11[%and3A_424, %dma_start3A_425] : memref<16x128xi32, #tpu.memory_space<vmem>> -> memref<1x128xi32, #tpu.memory_space<vmem>>
              %dma_start3A_427 = tpu.memref_squeeze %dma_start3A_426 : memref<1x128xi32, #tpu.memory_space<vmem>> -> memref<128xi32, #tpu.memory_space<vmem>>
              %dma_start3A_428 = arith.constant 0 : i32
              %dma_start3A_429 = arith.constant 0 : i32
              %dma_start3A_430 = tpu.memref_slice %arg2[%dma_start3A_428, %dma_start3A_429] : memref<10000x128xf32, #tpu.memory_space<hbm>> -> memref<10000x128xf32, #tpu.memory_space<hbm>>
              tpu.enqueue_indirect_dma source(%dma_start3A_430 : memref<10000x128xf32, #tpu.memory_space<hbm>>) target(%arg14 : memref<128x128xf32, #tpu.memory_space<vmem>>) offsets(%dma_start3A_427 : memref<128xi32, #tpu.memory_space<vmem>>) semaphore(%arg16 : memref<!tpu.dma_semaphore, #tpu.memory_space<semaphore_mem>>)
            } else {
            }
          } else {
          }
          %and3A_375 = arith.constant 1 : i32
          %and3A_376 = arith.andi %while3A_368, %and3A_375 : i32
          %eq3A_377 = arith.constant 0 : i32
          %eq3A_378 = arith.cmpi eq, %and3A_376, %eq3A_377 : i32
          %convert_element_type3A_379 = arith.extui %eq3A_378 : i1 to i32
          %cond3A_380 = arith.constant 0 : i32
          %cond3A_381 = arith.cmpi ne, %convert_element_type3A_379, %cond3A_380 : i32
          scf.if %cond3A_381 {
            %and3A_403 = arith.constant 15 : i32
            %and3A_404 = arith.andi %while3A_368, %and3A_403 : i32
            %dma_wait3A = arith.constant 0 : i32
            %dma_wait3A_405 = tpu.memref_slice %arg11[%and3A_404, %dma_wait3A] : memref<16x128xi32, #tpu.memory_space<vmem>> -> memref<1x128xi32, #tpu.memory_space<vmem>>
            %dma_wait3A_406 = tpu.memref_squeeze %dma_wait3A_405 : memref<1x128xi32, #tpu.memory_space<vmem>> -> memref<128xi32, #tpu.memory_space<vmem>>
            %dma_wait3A_407 = arith.constant 0 : i32
            %dma_wait3A_408 = arith.constant 0 : i32
            %dma_wait3A_409 = tpu.memref_slice %arg2[%dma_wait3A_407, %dma_wait3A_408] : memref<10000x128xf32, #tpu.memory_space<hbm>> -> memref<10000x128xf32, #tpu.memory_space<hbm>>
            tpu.wait_indirect_dma semaphore(%arg15 : memref<!tpu.dma_semaphore, #tpu.memory_space<semaphore_mem>>) src(%dma_wait3A_409 : memref<10000x128xf32, #tpu.memory_space<hbm>>) dst(%arg13 : memref<128x128xf32, #tpu.memory_space<vmem>>)
          } else {
          }
          %and3A_382 = arith.constant 1 : i32
          %and3A_383 = arith.andi %while3A_368, %and3A_382 : i32
          %eq3A_384 = arith.constant 1 : i32
          %eq3A_385 = arith.cmpi eq, %and3A_383, %eq3A_384 : i32
          %convert_element_type3A_386 = arith.extui %eq3A_385 : i1 to i32
          %cond3A_387 = arith.constant 0 : i32
          %cond3A_388 = arith.cmpi ne, %convert_element_type3A_386, %cond3A_387 : i32
          scf.if %cond3A_388 {
            %and3A_403 = arith.constant 15 : i32
            %and3A_404 = arith.andi %while3A_368, %and3A_403 : i32
            %dma_wait3A = arith.constant 0 : i32
            %dma_wait3A_405 = tpu.memref_slice %arg11[%and3A_404, %dma_wait3A] : memref<16x128xi32, #tpu.memory_space<vmem>> -> memref<1x128xi32, #tpu.memory_space<vmem>>
            %dma_wait3A_406 = tpu.memref_squeeze %dma_wait3A_405 : memref<1x128xi32, #tpu.memory_space<vmem>> -> memref<128xi32, #tpu.memory_space<vmem>>
            %dma_wait3A_407 = arith.constant 0 : i32
            %dma_wait3A_408 = arith.constant 0 : i32
            %dma_wait3A_409 = tpu.memref_slice %arg2[%dma_wait3A_407, %dma_wait3A_408] : memref<10000x128xf32, #tpu.memory_space<hbm>> -> memref<10000x128xf32, #tpu.memory_space<hbm>>
            tpu.wait_indirect_dma semaphore(%arg16 : memref<!tpu.dma_semaphore, #tpu.memory_space<semaphore_mem>>) src(%dma_wait3A_409 : memref<10000x128xf32, #tpu.memory_space<hbm>>) dst(%arg14 : memref<128x128xf32, #tpu.memory_space<vmem>>)
          } else {
          }
          %and3A_389 = arith.constant 1 : i32
          %and3A_390 = arith.andi %while3A_368, %and3A_389 : i32
          %eq3A_391 = arith.constant 0 : i32
          %eq3A_392 = arith.cmpi eq, %and3A_390, %eq3A_391 : i32
          %convert_element_type3A_393 = arith.extui %eq3A_392 : i1 to i32
          %cond3A_394 = arith.constant 0 : i32
          %cond3A_395 = arith.cmpi ne, %convert_element_type3A_393, %cond3A_394 : i32
          scf.if %cond3A_395 {
            %and3A_403 = arith.constant 15 : i32
            %and3A_404 = arith.andi %while3A_368, %and3A_403 : i32
            %dma_start3A_405 = arith.constant 0 : i32
            %dma_start3A_406 = tpu.memref_slice %arg12[%and3A_404, %dma_start3A_405] : memref<16x128xi32, #tpu.memory_space<vmem>> -> memref<1x128xi32, #tpu.memory_space<vmem>>
            %dma_start3A_407 = tpu.memref_squeeze %dma_start3A_406 : memref<1x128xi32, #tpu.memory_space<vmem>> -> memref<128xi32, #tpu.memory_space<vmem>>
            %dma_start3A_408 = arith.constant 0 : i32
            %dma_start3A_409 = arith.constant 0 : i32
            %dma_start3A_410 = tpu.memref_slice %arg6[%dma_start3A_408, %dma_start3A_409] : memref<8208x128xf32, #tpu.memory_space<vmem_shared>> -> memref<8208x128xf32, #tpu.memory_space<vmem_shared>>
            tpu.enqueue_indirect_dma source(%arg13 : memref<128x128xf32, #tpu.memory_space<vmem>>) target(%dma_start3A_410 : memref<8208x128xf32, #tpu.memory_space<vmem_shared>>) offsets(%dma_start3A_407 : memref<128xi32, #tpu.memory_space<vmem>>) semaphore(%arg19 : memref<!tpu.dma_semaphore, #tpu.memory_space<semaphore_mem>>) {add = true}
          } else {
          }
          %and3A_396 = arith.constant 1 : i32
          %and3A_397 = arith.andi %while3A_368, %and3A_396 : i32
          %eq3A_398 = arith.constant 1 : i32
          %eq3A_399 = arith.cmpi eq, %and3A_397, %eq3A_398 : i32
          %convert_element_type3A_400 = arith.extui %eq3A_399 : i1 to i32
          %cond3A_401 = arith.constant 0 : i32
          %cond3A_402 = arith.cmpi ne, %convert_element_type3A_400, %cond3A_401 : i32
          scf.if %cond3A_402 {
            %and3A_403 = arith.constant 15 : i32
            %and3A_404 = arith.andi %while3A_368, %and3A_403 : i32
            %dma_start3A_405 = arith.constant 0 : i32
            %dma_start3A_406 = tpu.memref_slice %arg12[%and3A_404, %dma_start3A_405] : memref<16x128xi32, #tpu.memory_space<vmem>> -> memref<1x128xi32, #tpu.memory_space<vmem>>
            %dma_start3A_407 = tpu.memref_squeeze %dma_start3A_406 : memref<1x128xi32, #tpu.memory_space<vmem>> -> memref<128xi32, #tpu.memory_space<vmem>>
            %dma_start3A_408 = arith.constant 0 : i32
            %dma_start3A_409 = arith.constant 0 : i32
            %dma_start3A_410 = tpu.memref_slice %arg6[%dma_start3A_408, %dma_start3A_409] : memref<8208x128xf32, #tpu.memory_space<vmem_shared>> -> memref<8208x128xf32, #tpu.memory_space<vmem_shared>>
            tpu.enqueue_indirect_dma source(%arg14 : memref<128x128xf32, #tpu.memory_space<vmem>>) target(%dma_start3A_410 : memref<8208x128xf32, #tpu.memory_space<vmem_shared>>) offsets(%dma_start3A_407 : memref<128xi32, #tpu.memory_space<vmem>>) semaphore(%arg20 : memref<!tpu.dma_semaphore, #tpu.memory_space<semaphore_mem>>) {add = true}
          } else {
          }
        }
        %sub3A_346 = arith.constant 1 : i32
        %sub3A_347 = arith.subi %select_n3A, %sub3A_346 : i32
        %and3A_348 = arith.constant 1 : i32
        %and3A_349 = arith.andi %sub3A_347, %and3A_348 : i32
        %eq3A_350 = arith.constant 0 : i32
        %eq3A_351 = arith.cmpi eq, %and3A_349, %eq3A_350 : i32
        %convert_element_type3A_352 = arith.extui %eq3A_351 : i1 to i32
        %cond3A_353 = arith.constant 0 : i32
        %cond3A_354 = arith.cmpi ne, %convert_element_type3A_352, %cond3A_353 : i32
        scf.if %cond3A_354 {
          %and3A_368 = arith.constant 15 : i32
          %and3A_369 = arith.andi %sub3A_347, %and3A_368 : i32
          %dma_wait3A = arith.constant 0 : i32
          %dma_wait3A_370 = tpu.memref_slice %arg12[%and3A_369, %dma_wait3A] : memref<16x128xi32, #tpu.memory_space<vmem>> -> memref<1x128xi32, #tpu.memory_space<vmem>>
          %dma_wait3A_371 = tpu.memref_squeeze %dma_wait3A_370 : memref<1x128xi32, #tpu.memory_space<vmem>> -> memref<128xi32, #tpu.memory_space<vmem>>
          %dma_wait3A_372 = arith.constant 0 : i32
          %dma_wait3A_373 = arith.constant 0 : i32
          %dma_wait3A_374 = tpu.memref_slice %arg6[%dma_wait3A_372, %dma_wait3A_373] : memref<8208x128xf32, #tpu.memory_space<vmem_shared>> -> memref<8208x128xf32, #tpu.memory_space<vmem_shared>>
          tpu.wait_indirect_dma semaphore(%arg19 : memref<!tpu.dma_semaphore, #tpu.memory_space<semaphore_mem>>) src(%arg13 : memref<128x128xf32, #tpu.memory_space<vmem>>) dst(%dma_wait3A_374 : memref<8208x128xf32, #tpu.memory_space<vmem_shared>>)
        } else {
        }
        %and3A_355 = arith.constant 1 : i32
        %and3A_356 = arith.andi %sub3A_347, %and3A_355 : i32
        %eq3A_357 = arith.constant 1 : i32
        %eq3A_358 = arith.cmpi eq, %and3A_356, %eq3A_357 : i32
        %convert_element_type3A_359 = arith.extui %eq3A_358 : i1 to i32
        %cond3A_360 = arith.constant 0 : i32
        %cond3A_361 = arith.cmpi ne, %convert_element_type3A_359, %cond3A_360 : i32
        scf.if %cond3A_361 {
          %and3A_368 = arith.constant 15 : i32
          %and3A_369 = arith.andi %sub3A_347, %and3A_368 : i32
          %dma_wait3A = arith.constant 0 : i32
          %dma_wait3A_370 = tpu.memref_slice %arg12[%and3A_369, %dma_wait3A] : memref<16x128xi32, #tpu.memory_space<vmem>> -> memref<1x128xi32, #tpu.memory_space<vmem>>
          %dma_wait3A_371 = tpu.memref_squeeze %dma_wait3A_370 : memref<1x128xi32, #tpu.memory_space<vmem>> -> memref<128xi32, #tpu.memory_space<vmem>>
          %dma_wait3A_372 = arith.constant 0 : i32
          %dma_wait3A_373 = arith.constant 0 : i32
          %dma_wait3A_374 = tpu.memref_slice %arg6[%dma_wait3A_372, %dma_wait3A_373] : memref<8208x128xf32, #tpu.memory_space<vmem_shared>> -> memref<8208x128xf32, #tpu.memory_space<vmem_shared>>
          tpu.wait_indirect_dma semaphore(%arg20 : memref<!tpu.dma_semaphore, #tpu.memory_space<semaphore_mem>>) src(%arg14 : memref<128x128xf32, #tpu.memory_space<vmem>>) dst(%dma_wait3A_374 : memref<8208x128xf32, #tpu.memory_space<vmem_shared>>)
        } else {
        }
        %sub3A_362 = arith.constant 1 : i32
        %sub3A_363 = arith.subi %select_n3A, %sub3A_362 : i32
        %gt3A_364 = arith.cmpi sgt, %sub3A_363, %scan3A_51#1 : i32
        %convert_element_type3A_365 = arith.extui %gt3A_364 : i1 to i32
        %cond3A_366 = arith.constant 0 : i32
        %cond3A_367 = arith.cmpi ne, %convert_element_type3A_365, %cond3A_366 : i32
        scf.if %cond3A_367 {
          %sub3A_368 = arith.constant 2 : i32
          %sub3A_369 = arith.subi %select_n3A, %sub3A_368 : i32
          %and3A_370 = arith.constant 1 : i32
          %and3A_371 = arith.andi %sub3A_369, %and3A_370 : i32
          %eq3A_372 = arith.constant 0 : i32
          %eq3A_373 = arith.cmpi eq, %and3A_371, %eq3A_372 : i32
          %convert_element_type3A_374 = arith.extui %eq3A_373 : i1 to i32
          %cond3A_375 = arith.constant 0 : i32
          %cond3A_376 = arith.cmpi ne, %convert_element_type3A_374, %cond3A_375 : i32
          scf.if %cond3A_376 {
            %and3A_384 = arith.constant 15 : i32
            %and3A_385 = arith.andi %sub3A_369, %and3A_384 : i32
            %dma_wait3A = arith.constant 0 : i32
            %dma_wait3A_386 = tpu.memref_slice %arg12[%and3A_385, %dma_wait3A] : memref<16x128xi32, #tpu.memory_space<vmem>> -> memref<1x128xi32, #tpu.memory_space<vmem>>
            %dma_wait3A_387 = tpu.memref_squeeze %dma_wait3A_386 : memref<1x128xi32, #tpu.memory_space<vmem>> -> memref<128xi32, #tpu.memory_space<vmem>>
            %dma_wait3A_388 = arith.constant 0 : i32
            %dma_wait3A_389 = arith.constant 0 : i32
            %dma_wait3A_390 = tpu.memref_slice %arg6[%dma_wait3A_388, %dma_wait3A_389] : memref<8208x128xf32, #tpu.memory_space<vmem_shared>> -> memref<8208x128xf32, #tpu.memory_space<vmem_shared>>
            tpu.wait_indirect_dma semaphore(%arg19 : memref<!tpu.dma_semaphore, #tpu.memory_space<semaphore_mem>>) src(%arg13 : memref<128x128xf32, #tpu.memory_space<vmem>>) dst(%dma_wait3A_390 : memref<8208x128xf32, #tpu.memory_space<vmem_shared>>)
          } else {
          }
          %and3A_377 = arith.constant 1 : i32
          %and3A_378 = arith.andi %sub3A_369, %and3A_377 : i32
          %eq3A_379 = arith.constant 1 : i32
          %eq3A_380 = arith.cmpi eq, %and3A_378, %eq3A_379 : i32
          %convert_element_type3A_381 = arith.extui %eq3A_380 : i1 to i32
          %cond3A_382 = arith.constant 0 : i32
          %cond3A_383 = arith.cmpi ne, %convert_element_type3A_381, %cond3A_382 : i32
          scf.if %cond3A_383 {
            %and3A_384 = arith.constant 15 : i32
            %and3A_385 = arith.andi %sub3A_369, %and3A_384 : i32
            %dma_wait3A = arith.constant 0 : i32
            %dma_wait3A_386 = tpu.memref_slice %arg12[%and3A_385, %dma_wait3A] : memref<16x128xi32, #tpu.memory_space<vmem>> -> memref<1x128xi32, #tpu.memory_space<vmem>>
            %dma_wait3A_387 = tpu.memref_squeeze %dma_wait3A_386 : memref<1x128xi32, #tpu.memory_space<vmem>> -> memref<128xi32, #tpu.memory_space<vmem>>
            %dma_wait3A_388 = arith.constant 0 : i32
            %dma_wait3A_389 = arith.constant 0 : i32
            %dma_wait3A_390 = tpu.memref_slice %arg6[%dma_wait3A_388, %dma_wait3A_389] : memref<8208x128xf32, #tpu.memory_space<vmem_shared>> -> memref<8208x128xf32, #tpu.memory_space<vmem_shared>>
            tpu.wait_indirect_dma semaphore(%arg20 : memref<!tpu.dma_semaphore, #tpu.memory_space<semaphore_mem>>) src(%arg14 : memref<128x128xf32, #tpu.memory_space<vmem>>) dst(%dma_wait3A_390 : memref<8208x128xf32, #tpu.memory_space<vmem_shared>>)
          } else {
          }
        } else {
        }
      } else {
      }
      %barrier3A_321 = arith.constant 0 : index
      tpu.barrier barrier_id(%barrier3A_321)
      %mul3A_322 = arith.constant 8192 : i32
      %mul3A_323 = arith.muli %add3A, %mul3A_322 : i32
      %add3A_324 = arith.addi %mul3A_323, %mul3A_5 : i32
      "tpu.region"() ({
        %run_scoped3A = tpu.sem_alloc : memref<!tpu.dma_semaphore, #tpu.memory_space<semaphore_mem>>
        %dma_start3A_325 = arith.constant 0 : i32
        %dma_start3A_326 = tpu.memref_slice %arg5[%add3A_324, %dma_start3A_325] : memref<81920x128xf32, #tpu.memory_space<hbm>> -> memref<512x128xf32, #tpu.memory_space<hbm>>
        %dma_start3A_327 = arith.constant 0 : i32
        %dma_start3A_328 = tpu.memref_slice %arg6[%mul3A_5, %dma_start3A_327] : memref<8208x128xf32, #tpu.memory_space<vmem_shared>> -> memref<512x128xf32, #tpu.memory_space<vmem_shared>>
        tpu.enqueue_dma source(%dma_start3A_328 : memref<512x128xf32, #tpu.memory_space<vmem_shared>>) target(%dma_start3A_326 : memref<512x128xf32, #tpu.memory_space<hbm>>) target_semaphore(%run_scoped3A : memref<!tpu.dma_semaphore, #tpu.memory_space<semaphore_mem>>)
        %dma_wait3A = arith.constant 0 : i32
        %dma_wait3A_329 = tpu.memref_slice %arg5[%add3A_324, %dma_wait3A] : memref<81920x128xf32, #tpu.memory_space<hbm>> -> memref<512x128xf32, #tpu.memory_space<hbm>>
        %dma_wait3A_330 = arith.constant 0 : i32
        %dma_wait3A_331 = tpu.memref_slice %arg6[%mul3A_5, %dma_wait3A_330] : memref<8208x128xf32, #tpu.memory_space<vmem_shared>> -> memref<512x128xf32, #tpu.memory_space<vmem_shared>>
        tpu.wait_dma2 semaphore(%run_scoped3A : memref<!tpu.dma_semaphore, #tpu.memory_space<semaphore_mem>>) src(%dma_wait3A_331 : memref<512x128xf32, #tpu.memory_space<vmem_shared>>) dst(%dma_wait3A_329 : memref<512x128xf32, #tpu.memory_space<hbm>>)
        tpu.yield
      }) : () -> ()
    }
    %scan3A_10 = arith.constant 5 : i32
    return
  }
}

module attributes {stable_mosaic.version = 14 : i64} {
  func.func @_tc_body(%arg0: i32, %arg1: memref<1000x128xf32, #tpu.memory_space<vmem>>, %arg2: memref<1000x1024xf32, #tpu.memory_space<vmem>>, %arg3: memref<1000x1024xf32, #tpu.memory_space<vmem>>, %arg4: memref<128x128xf32, #tpu.memory_space<vmem>>, %arg5: memref<1024x128xf32, #tpu.memory_space<vmem>>, %arg6: memref<1x128xf32, #tpu.memory_space<vmem>>, %arg7: memref<1x128xf32, #tpu.memory_space<vmem>>, %arg8: memref<1x128xf32, #tpu.memory_space<vmem>>, %arg9: memref<1000x128xf32, #tpu.memory_space<vmem>>) attributes {dimension_semantics = [#tpu.dimension_semantics<arbitrary>], iteration_bounds = array<i64: 10>, scalar_prefetch = 0 : i64, scratch_operands = 0 : i64, tpu.core_type = #tpu.core_type<tc>, window_params = [{transform_indices = @transform_0, window_bounds = array<i64: 1000, 128>}, {transform_indices = @transform_1, window_bounds = array<i64: 1000, 1024>}, {transform_indices = @transform_2, window_bounds = array<i64: 1000, 1024>}, {pipeline_mode = #tpu.pipeline_mode<synchronous>, transform_indices = @transform_3, window_bounds = array<i64: 128, 128>}, {pipeline_mode = #tpu.pipeline_mode<synchronous>, transform_indices = @transform_4, window_bounds = array<i64: 1024, 128>}, {pipeline_mode = #tpu.pipeline_mode<synchronous>, transform_indices = @transform_5, window_bounds = array<i64: 1, 128>}, {pipeline_mode = #tpu.pipeline_mode<synchronous>, transform_indices = @transform_6, window_bounds = array<i64: 1, 128>}, {pipeline_mode = #tpu.pipeline_mode<synchronous>, transform_indices = @transform_7, window_bounds = array<i64: 1, 128>}, {transform_indices = @transform_8, window_bounds = array<i64: 1000, 128>}]} {
    %get3A = arith.constant 0 : index
    %get3A_0 = arith.constant 0 : index
    %get3A_1 = vector.load %arg1[%get3A, %get3A_0] : memref<1000x128xf32, #tpu.memory_space<vmem>>, vector<1000x128xf32>
    %get3A_2 = arith.constant 0 : index
    %get3A_3 = arith.constant 0 : index
    %get3A_4 = vector.load %arg4[%get3A_2, %get3A_3] : memref<128x128xf32, #tpu.memory_space<vmem>>, vector<128x128xf32>
    %dot_general3A = arith.constant dense<0.000000e+00> : vector<1000x128xf32>
    %dot_general3A_5 = tpu.matmul %get3A_1, %get3A_4, %dot_general3A {dimension_numbers = #tpu.dot_dimension_numbers<[1], [0], [0], [1], [0, 0, 1, 1], [], []>, transpose_lhs_hint = false} : vector<1000x128xf32>, vector<128x128xf32>, vector<1000x128xf32> -> vector<1000x128xf32>
    %get3A_6 = arith.constant 0 : index
    %get3A_7 = arith.constant 0 : index
    %get3A_8 = vector.load %arg6[%get3A_6, %get3A_7] : memref<1x128xf32, #tpu.memory_space<vmem>>, vector<1x128xf32>
    %add3A = vector.broadcast %get3A_8 : vector<1x128xf32> to vector<1000x128xf32>
    %add3A_9 = arith.addf %dot_general3A_5, %add3A : vector<1000x128xf32>
    %get3A_10 = arith.constant 0 : index
    %get3A_11 = arith.constant 0 : index
    %get3A_12 = vector.load %arg3[%get3A_10, %get3A_11] : memref<1000x1024xf32, #tpu.memory_space<vmem>>, vector<1000x1xf32>
    %max3A = arith.constant 1.000000e+00 : f32
    %max3A_13 = vector.broadcast %max3A : f32 to vector<1000x1xf32>
    %max3A_14 = arith.maximumf %get3A_12, %max3A_13 : vector<1000x1xf32>
    %broadcast_in_dim3A = vector.shape_cast %max3A_14 : vector<1000x1xf32> to vector<1000x1xf32>
    %broadcast_in_dim3A_15 = vector.broadcast %broadcast_in_dim3A : vector<1000x1xf32> to vector<1000x128xf32>
    %get3A_16 = arith.constant 0 : index
    %get3A_17 = arith.constant 128 : index
    %get3A_18 = vector.load %arg3[%get3A_16, %get3A_17] : memref<1000x1024xf32, #tpu.memory_space<vmem>>, vector<1000x1xf32>
    %max3A_19 = arith.constant 1.000000e+00 : f32
    %max3A_20 = vector.broadcast %max3A_19 : f32 to vector<1000x1xf32>
    %max3A_21 = arith.maximumf %get3A_18, %max3A_20 : vector<1000x1xf32>
    %broadcast_in_dim3A_22 = vector.shape_cast %max3A_21 : vector<1000x1xf32> to vector<1000x1xf32>
    %broadcast_in_dim3A_23 = vector.broadcast %broadcast_in_dim3A_22 : vector<1000x1xf32> to vector<1000x128xf32>
    %get3A_24 = arith.constant 0 : index
    %get3A_25 = arith.constant 256 : index
    %get3A_26 = vector.load %arg3[%get3A_24, %get3A_25] : memref<1000x1024xf32, #tpu.memory_space<vmem>>, vector<1000x1xf32>
    %max3A_27 = arith.constant 1.000000e+00 : f32
    %max3A_28 = vector.broadcast %max3A_27 : f32 to vector<1000x1xf32>
    %max3A_29 = arith.maximumf %get3A_26, %max3A_28 : vector<1000x1xf32>
    %broadcast_in_dim3A_30 = vector.shape_cast %max3A_29 : vector<1000x1xf32> to vector<1000x1xf32>
    %broadcast_in_dim3A_31 = vector.broadcast %broadcast_in_dim3A_30 : vector<1000x1xf32> to vector<1000x128xf32>
    %get3A_32 = arith.constant 0 : index
    %get3A_33 = arith.constant 384 : index
    %get3A_34 = vector.load %arg3[%get3A_32, %get3A_33] : memref<1000x1024xf32, #tpu.memory_space<vmem>>, vector<1000x1xf32>
    %max3A_35 = arith.constant 1.000000e+00 : f32
    %max3A_36 = vector.broadcast %max3A_35 : f32 to vector<1000x1xf32>
    %max3A_37 = arith.maximumf %get3A_34, %max3A_36 : vector<1000x1xf32>
    %broadcast_in_dim3A_38 = vector.shape_cast %max3A_37 : vector<1000x1xf32> to vector<1000x1xf32>
    %broadcast_in_dim3A_39 = vector.broadcast %broadcast_in_dim3A_38 : vector<1000x1xf32> to vector<1000x128xf32>
    %get3A_40 = arith.constant 0 : index
    %get3A_41 = arith.constant 512 : index
    %get3A_42 = vector.load %arg3[%get3A_40, %get3A_41] : memref<1000x1024xf32, #tpu.memory_space<vmem>>, vector<1000x1xf32>
    %max3A_43 = arith.constant 1.000000e+00 : f32
    %max3A_44 = vector.broadcast %max3A_43 : f32 to vector<1000x1xf32>
    %max3A_45 = arith.maximumf %get3A_42, %max3A_44 : vector<1000x1xf32>
    %broadcast_in_dim3A_46 = vector.shape_cast %max3A_45 : vector<1000x1xf32> to vector<1000x1xf32>
    %broadcast_in_dim3A_47 = vector.broadcast %broadcast_in_dim3A_46 : vector<1000x1xf32> to vector<1000x128xf32>
    %get3A_48 = arith.constant 0 : index
    %get3A_49 = arith.constant 640 : index
    %get3A_50 = vector.load %arg3[%get3A_48, %get3A_49] : memref<1000x1024xf32, #tpu.memory_space<vmem>>, vector<1000x1xf32>
    %max3A_51 = arith.constant 1.000000e+00 : f32
    %max3A_52 = vector.broadcast %max3A_51 : f32 to vector<1000x1xf32>
    %max3A_53 = arith.maximumf %get3A_50, %max3A_52 : vector<1000x1xf32>
    %broadcast_in_dim3A_54 = vector.shape_cast %max3A_53 : vector<1000x1xf32> to vector<1000x1xf32>
    %broadcast_in_dim3A_55 = vector.broadcast %broadcast_in_dim3A_54 : vector<1000x1xf32> to vector<1000x128xf32>
    %get3A_56 = arith.constant 0 : index
    %get3A_57 = arith.constant 768 : index
    %get3A_58 = vector.load %arg3[%get3A_56, %get3A_57] : memref<1000x1024xf32, #tpu.memory_space<vmem>>, vector<1000x1xf32>
    %max3A_59 = arith.constant 1.000000e+00 : f32
    %max3A_60 = vector.broadcast %max3A_59 : f32 to vector<1000x1xf32>
    %max3A_61 = arith.maximumf %get3A_58, %max3A_60 : vector<1000x1xf32>
    %broadcast_in_dim3A_62 = vector.shape_cast %max3A_61 : vector<1000x1xf32> to vector<1000x1xf32>
    %broadcast_in_dim3A_63 = vector.broadcast %broadcast_in_dim3A_62 : vector<1000x1xf32> to vector<1000x128xf32>
    %get3A_64 = arith.constant 0 : index
    %get3A_65 = arith.constant 896 : index
    %get3A_66 = vector.load %arg3[%get3A_64, %get3A_65] : memref<1000x1024xf32, #tpu.memory_space<vmem>>, vector<1000x1xf32>
    %max3A_67 = arith.constant 1.000000e+00 : f32
    %max3A_68 = vector.broadcast %max3A_67 : f32 to vector<1000x1xf32>
    %max3A_69 = arith.maximumf %get3A_66, %max3A_68 : vector<1000x1xf32>
    %broadcast_in_dim3A_70 = vector.shape_cast %max3A_69 : vector<1000x1xf32> to vector<1000x1xf32>
    %broadcast_in_dim3A_71 = vector.broadcast %broadcast_in_dim3A_70 : vector<1000x1xf32> to vector<1000x128xf32>
    %concatenate3A = tpu.concatenate %broadcast_in_dim3A_15, %broadcast_in_dim3A_23, %broadcast_in_dim3A_31, %broadcast_in_dim3A_39, %broadcast_in_dim3A_47, %broadcast_in_dim3A_55, %broadcast_in_dim3A_63, %broadcast_in_dim3A_71 in 1 : vector<1000x128xf32>, vector<1000x128xf32>, vector<1000x128xf32>, vector<1000x128xf32>, vector<1000x128xf32>, vector<1000x128xf32>, vector<1000x128xf32>, vector<1000x128xf32> -> vector<1000x1024xf32>
    %get3A_72 = arith.constant 0 : index
    %get3A_73 = arith.constant 0 : index
    %get3A_74 = vector.load %arg2[%get3A_72, %get3A_73] : memref<1000x1024xf32, #tpu.memory_space<vmem>>, vector<1000x1024xf32>
    %div3A = arith.divf %get3A_74, %concatenate3A : vector<1000x1024xf32>
    %get3A_75 = arith.constant 0 : index
    %get3A_76 = arith.constant 0 : index
    %get3A_77 = vector.load %arg5[%get3A_75, %get3A_76] : memref<1024x128xf32, #tpu.memory_space<vmem>>, vector<1024x128xf32>
    %dot_general3A_78 = arith.constant dense<0.000000e+00> : vector<1000x128xf32>
    %dot_general3A_79 = tpu.matmul %div3A, %get3A_77, %dot_general3A_78 {dimension_numbers = #tpu.dot_dimension_numbers<[1], [0], [0], [1], [0, 0, 1, 1], [], []>, transpose_lhs_hint = false} : vector<1000x1024xf32>, vector<1024x128xf32>, vector<1000x128xf32> -> vector<1000x128xf32>
    %add3A_80 = arith.addf %add3A_9, %dot_general3A_79 : vector<1000x128xf32>
    %gt3A = arith.constant 0.000000e+00 : f32
    %gt3A_81 = vector.broadcast %gt3A : f32 to vector<1000x128xf32>
    %gt3A_82 = arith.cmpf ogt, %add3A_80, %gt3A_81 : vector<1000x128xf32>
    %mul3A = arith.constant 2.000000e-01 : f32
    %mul3A_83 = vector.broadcast %mul3A : f32 to vector<1000x128xf32>
    %mul3A_84 = arith.mulf %mul3A_83, %add3A_80 : vector<1000x128xf32>
    %select_n3A = arith.select %gt3A_82, %add3A_80, %mul3A_84 : vector<1000x128xi1>, vector<1000x128xf32>
    %reduce_sum3A = arith.constant dense<0.000000e+00> : vector<1000xf32>
    %reduce_sum3A_85 = vector.multi_reduction <add>, %select_n3A, %reduce_sum3A [1] : vector<1000x128xf32> to vector<1000xf32>
    %broadcast_in_dim3A_86 = vector.shape_cast %reduce_sum3A_85 : vector<1000xf32> to vector<1000x1xf32>
    %div3A_87 = arith.constant 1.280000e+02 : f32
    %div3A_88 = vector.broadcast %div3A_87 : f32 to vector<1000x1xf32>
    %div3A_89 = arith.divf %broadcast_in_dim3A_86, %div3A_88 : vector<1000x1xf32>
    %sub3A = vector.broadcast %div3A_89 : vector<1000x1xf32> to vector<1000x128xf32>
    %sub3A_90 = arith.subf %select_n3A, %sub3A : vector<1000x128xf32>
    %integer_pow3A = arith.mulf %sub3A_90, %sub3A_90 : vector<1000x128xf32>
    %reduce_sum3A_91 = arith.constant dense<0.000000e+00> : vector<1000xf32>
    %reduce_sum3A_92 = vector.multi_reduction <add>, %integer_pow3A, %reduce_sum3A_91 [1] : vector<1000x128xf32> to vector<1000xf32>
    %broadcast_in_dim3A_93 = vector.shape_cast %reduce_sum3A_92 : vector<1000xf32> to vector<1000x1xf32>
    %div3A_94 = arith.constant 1.280000e+02 : f32
    %div3A_95 = vector.broadcast %div3A_94 : f32 to vector<1000x1xf32>
    %div3A_96 = arith.divf %broadcast_in_dim3A_93, %div3A_95 : vector<1000x1xf32>
    %sub3A_97 = vector.broadcast %div3A_89 : vector<1000x1xf32> to vector<1000x128xf32>
    %sub3A_98 = arith.subf %select_n3A, %sub3A_97 : vector<1000x128xf32>
    %add3A_99 = arith.constant 9.99999974E-6 : f32
    %add3A_100 = vector.broadcast %add3A_99 : f32 to vector<1000x1xf32>
    %add3A_101 = arith.addf %div3A_96, %add3A_100 : vector<1000x1xf32>
    %sqrt3A = math.sqrt %add3A_101 : vector<1000x1xf32>
    %div3A_102 = vector.broadcast %sqrt3A : vector<1000x1xf32> to vector<1000x128xf32>
    %div3A_103 = arith.divf %sub3A_98, %div3A_102 : vector<1000x128xf32>
    %get3A_104 = arith.constant 0 : index
    %get3A_105 = arith.constant 0 : index
    %get3A_106 = vector.load %arg7[%get3A_104, %get3A_105] : memref<1x128xf32, #tpu.memory_space<vmem>>, vector<1x128xf32>
    %mul3A_107 = vector.broadcast %get3A_106 : vector<1x128xf32> to vector<1000x128xf32>
    %mul3A_108 = arith.mulf %div3A_103, %mul3A_107 : vector<1000x128xf32>
    %get3A_109 = arith.constant 0 : index
    %get3A_110 = arith.constant 0 : index
    %get3A_111 = vector.load %arg8[%get3A_109, %get3A_110] : memref<1x128xf32, #tpu.memory_space<vmem>>, vector<1x128xf32>
    %add3A_112 = vector.broadcast %get3A_111 : vector<1x128xf32> to vector<1000x128xf32>
    %add3A_113 = arith.addf %mul3A_108, %add3A_112 : vector<1000x128xf32>
    %swap3A = arith.constant 0 : index
    %swap3A_114 = arith.constant 0 : index
    %swap3A_115 = vector.load %arg9[%swap3A, %swap3A_114] : memref<1000x128xf32, #tpu.memory_space<vmem>>, vector<1000x128xf32>
    tpu.vector_store %arg9[%swap3A, %swap3A_114], %add3A_113 {strides = array<i32>} : memref<1000x128xf32, #tpu.memory_space<vmem>>, vector<1000x128xf32>,
    return
  }
  func.func @transform_0(%arg0: i32) -> (i32, i32) {
    %c0_i32 = arith.constant 0 : i32
    %c0_i32_0 = arith.constant 0 : i32
    return %arg0, %c0_i32 : i32, i32
  }
  func.func @transform_1(%arg0: i32) -> (i32, i32) {
    %c0_i32 = arith.constant 0 : i32
    %c0_i32_0 = arith.constant 0 : i32
    return %arg0, %c0_i32 : i32, i32
  }
  func.func @transform_2(%arg0: i32) -> (i32, i32) {
    %c0_i32 = arith.constant 0 : i32
    %c0_i32_0 = arith.constant 0 : i32
    return %arg0, %c0_i32 : i32, i32
  }
  func.func @transform_3(%arg0: i32) -> (i32, i32) {
    %c0_i32 = arith.constant 0 : i32
    %c0_i32_0 = arith.constant 0 : i32
    %c0_i32_1 = arith.constant 0 : i32
    return %c0_i32, %c0_i32_0 : i32, i32
  }
  func.func @transform_4(%arg0: i32) -> (i32, i32) {
    %c0_i32 = arith.constant 0 : i32
    %c0_i32_0 = arith.constant 0 : i32
    %c0_i32_1 = arith.constant 0 : i32
    return %c0_i32, %c0_i32_0 : i32, i32
  }
  func.func @transform_5(%arg0: i32) -> (i32, i32) {
    %c0_i32 = arith.constant 0 : i32
    %c0_i32_0 = arith.constant 0 : i32
    %c0_i32_1 = arith.constant 0 : i32
    return %c0_i32, %c0_i32_0 : i32, i32
  }
  func.func @transform_6(%arg0: i32) -> (i32, i32) {
    %c0_i32 = arith.constant 0 : i32
    %c0_i32_0 = arith.constant 0 : i32
    %c0_i32_1 = arith.constant 0 : i32
    return %c0_i32, %c0_i32_0 : i32, i32
  }
  func.func @transform_7(%arg0: i32) -> (i32, i32) {
    %c0_i32 = arith.constant 0 : i32
    %c0_i32_0 = arith.constant 0 : i32
    %c0_i32_1 = arith.constant 0 : i32
    return %c0_i32, %c0_i32_0 : i32, i32
  }
  func.func @transform_8(%arg0: i32) -> (i32, i32) {
    %c0_i32 = arith.constant 0 : i32
    %c0_i32_0 = arith.constant 0 : i32
    return %arg0, %c0_i32 : i32, i32
  }
}

module attributes {stable_mosaic.version = 14 : i64} {
  func.func @_tc_body(%arg0: i32, %arg1: memref<1000x128xf32, #tpu.memory_space<vmem>>, %arg2: memref<1000x1024xf32, #tpu.memory_space<vmem>>, %arg3: memref<1000x1024xf32, #tpu.memory_space<vmem>>, %arg4: memref<128x128xf32, #tpu.memory_space<vmem>>, %arg5: memref<1024x128xf32, #tpu.memory_space<vmem>>, %arg6: memref<1x128xf32, #tpu.memory_space<vmem>>, %arg7: memref<1x128xf32, #tpu.memory_space<vmem>>, %arg8: memref<1x128xf32, #tpu.memory_space<vmem>>, %arg9: memref<1000x128xf32, #tpu.memory_space<vmem>>) attributes {dimension_semantics = [#tpu.dimension_semantics<arbitrary>], iteration_bounds = array<i64: 10>, scalar_prefetch = 0 : i64, scratch_operands = 0 : i64, tpu.core_type = #tpu.core_type<tc>, window_params = [{transform_indices = @transform_0, window_bounds = array<i64: 1000, 128>}, {transform_indices = @transform_1, window_bounds = array<i64: 1000, 1024>}, {transform_indices = @transform_2, window_bounds = array<i64: 1000, 1024>}, {pipeline_mode = #tpu.pipeline_mode<synchronous>, transform_indices = @transform_3, window_bounds = array<i64: 128, 128>}, {pipeline_mode = #tpu.pipeline_mode<synchronous>, transform_indices = @transform_4, window_bounds = array<i64: 1024, 128>}, {pipeline_mode = #tpu.pipeline_mode<synchronous>, transform_indices = @transform_5, window_bounds = array<i64: 1, 128>}, {pipeline_mode = #tpu.pipeline_mode<synchronous>, transform_indices = @transform_6, window_bounds = array<i64: 1, 128>}, {pipeline_mode = #tpu.pipeline_mode<synchronous>, transform_indices = @transform_7, window_bounds = array<i64: 1, 128>}, {transform_indices = @transform_8, window_bounds = array<i64: 1000, 128>}]} {
    %get3A = arith.constant 0 : index
    %get3A_0 = arith.constant 0 : index
    %get3A_1 = vector.load %arg1[%get3A, %get3A_0] : memref<1000x128xf32, #tpu.memory_space<vmem>>, vector<1000x128xf32>
    %get3A_2 = arith.constant 0 : index
    %get3A_3 = arith.constant 0 : index
    %get3A_4 = vector.load %arg4[%get3A_2, %get3A_3] : memref<128x128xf32, #tpu.memory_space<vmem>>, vector<128x128xf32>
    %dot_general3A = arith.constant dense<0.000000e+00> : vector<1000x128xf32>
    %dot_general3A_5 = tpu.matmul %get3A_1, %get3A_4, %dot_general3A {dimension_numbers = #tpu.dot_dimension_numbers<[1], [0], [0], [1], [0, 0, 1, 1], [], []>, transpose_lhs_hint = false} : vector<1000x128xf32>, vector<128x128xf32>, vector<1000x128xf32> -> vector<1000x128xf32>
    %get3A_6 = arith.constant 0 : index
    %get3A_7 = arith.constant 0 : index
    %get3A_8 = vector.load %arg6[%get3A_6, %get3A_7] : memref<1x128xf32, #tpu.memory_space<vmem>>, vector<1x128xf32>
    %add3A = vector.broadcast %get3A_8 : vector<1x128xf32> to vector<1000x128xf32>
    %add3A_9 = arith.addf %dot_general3A_5, %add3A : vector<1000x128xf32>
    %get3A_10 = arith.constant 0 : index
    %get3A_11 = arith.constant 0 : index
    %get3A_12 = vector.load %arg3[%get3A_10, %get3A_11] : memref<1000x1024xf32, #tpu.memory_space<vmem>>, vector<1000x1xf32>
    %max3A = arith.constant 1.000000e+00 : f32
    %max3A_13 = vector.broadcast %max3A : f32 to vector<1000x1xf32>
    %max3A_14 = arith.maximumf %get3A_12, %max3A_13 : vector<1000x1xf32>
    %broadcast_in_dim3A = vector.shape_cast %max3A_14 : vector<1000x1xf32> to vector<1000x1xf32>
    %broadcast_in_dim3A_15 = vector.broadcast %broadcast_in_dim3A : vector<1000x1xf32> to vector<1000x128xf32>
    %get3A_16 = arith.constant 0 : index
    %get3A_17 = arith.constant 128 : index
    %get3A_18 = vector.load %arg3[%get3A_16, %get3A_17] : memref<1000x1024xf32, #tpu.memory_space<vmem>>, vector<1000x1xf32>
    %max3A_19 = arith.constant 1.000000e+00 : f32
    %max3A_20 = vector.broadcast %max3A_19 : f32 to vector<1000x1xf32>
    %max3A_21 = arith.maximumf %get3A_18, %max3A_20 : vector<1000x1xf32>
    %broadcast_in_dim3A_22 = vector.shape_cast %max3A_21 : vector<1000x1xf32> to vector<1000x1xf32>
    %broadcast_in_dim3A_23 = vector.broadcast %broadcast_in_dim3A_22 : vector<1000x1xf32> to vector<1000x128xf32>
    %get3A_24 = arith.constant 0 : index
    %get3A_25 = arith.constant 256 : index
    %get3A_26 = vector.load %arg3[%get3A_24, %get3A_25] : memref<1000x1024xf32, #tpu.memory_space<vmem>>, vector<1000x1xf32>
    %max3A_27 = arith.constant 1.000000e+00 : f32
    %max3A_28 = vector.broadcast %max3A_27 : f32 to vector<1000x1xf32>
    %max3A_29 = arith.maximumf %get3A_26, %max3A_28 : vector<1000x1xf32>
    %broadcast_in_dim3A_30 = vector.shape_cast %max3A_29 : vector<1000x1xf32> to vector<1000x1xf32>
    %broadcast_in_dim3A_31 = vector.broadcast %broadcast_in_dim3A_30 : vector<1000x1xf32> to vector<1000x128xf32>
    %get3A_32 = arith.constant 0 : index
    %get3A_33 = arith.constant 384 : index
    %get3A_34 = vector.load %arg3[%get3A_32, %get3A_33] : memref<1000x1024xf32, #tpu.memory_space<vmem>>, vector<1000x1xf32>
    %max3A_35 = arith.constant 1.000000e+00 : f32
    %max3A_36 = vector.broadcast %max3A_35 : f32 to vector<1000x1xf32>
    %max3A_37 = arith.maximumf %get3A_34, %max3A_36 : vector<1000x1xf32>
    %broadcast_in_dim3A_38 = vector.shape_cast %max3A_37 : vector<1000x1xf32> to vector<1000x1xf32>
    %broadcast_in_dim3A_39 = vector.broadcast %broadcast_in_dim3A_38 : vector<1000x1xf32> to vector<1000x128xf32>
    %get3A_40 = arith.constant 0 : index
    %get3A_41 = arith.constant 512 : index
    %get3A_42 = vector.load %arg3[%get3A_40, %get3A_41] : memref<1000x1024xf32, #tpu.memory_space<vmem>>, vector<1000x1xf32>
    %max3A_43 = arith.constant 1.000000e+00 : f32
    %max3A_44 = vector.broadcast %max3A_43 : f32 to vector<1000x1xf32>
    %max3A_45 = arith.maximumf %get3A_42, %max3A_44 : vector<1000x1xf32>
    %broadcast_in_dim3A_46 = vector.shape_cast %max3A_45 : vector<1000x1xf32> to vector<1000x1xf32>
    %broadcast_in_dim3A_47 = vector.broadcast %broadcast_in_dim3A_46 : vector<1000x1xf32> to vector<1000x128xf32>
    %get3A_48 = arith.constant 0 : index
    %get3A_49 = arith.constant 640 : index
    %get3A_50 = vector.load %arg3[%get3A_48, %get3A_49] : memref<1000x1024xf32, #tpu.memory_space<vmem>>, vector<1000x1xf32>
    %max3A_51 = arith.constant 1.000000e+00 : f32
    %max3A_52 = vector.broadcast %max3A_51 : f32 to vector<1000x1xf32>
    %max3A_53 = arith.maximumf %get3A_50, %max3A_52 : vector<1000x1xf32>
    %broadcast_in_dim3A_54 = vector.shape_cast %max3A_53 : vector<1000x1xf32> to vector<1000x1xf32>
    %broadcast_in_dim3A_55 = vector.broadcast %broadcast_in_dim3A_54 : vector<1000x1xf32> to vector<1000x128xf32>
    %get3A_56 = arith.constant 0 : index
    %get3A_57 = arith.constant 768 : index
    %get3A_58 = vector.load %arg3[%get3A_56, %get3A_57] : memref<1000x1024xf32, #tpu.memory_space<vmem>>, vector<1000x1xf32>
    %max3A_59 = arith.constant 1.000000e+00 : f32
    %max3A_60 = vector.broadcast %max3A_59 : f32 to vector<1000x1xf32>
    %max3A_61 = arith.maximumf %get3A_58, %max3A_60 : vector<1000x1xf32>
    %broadcast_in_dim3A_62 = vector.shape_cast %max3A_61 : vector<1000x1xf32> to vector<1000x1xf32>
    %broadcast_in_dim3A_63 = vector.broadcast %broadcast_in_dim3A_62 : vector<1000x1xf32> to vector<1000x128xf32>
    %get3A_64 = arith.constant 0 : index
    %get3A_65 = arith.constant 896 : index
    %get3A_66 = vector.load %arg3[%get3A_64, %get3A_65] : memref<1000x1024xf32, #tpu.memory_space<vmem>>, vector<1000x1xf32>
    %max3A_67 = arith.constant 1.000000e+00 : f32
    %max3A_68 = vector.broadcast %max3A_67 : f32 to vector<1000x1xf32>
    %max3A_69 = arith.maximumf %get3A_66, %max3A_68 : vector<1000x1xf32>
    %broadcast_in_dim3A_70 = vector.shape_cast %max3A_69 : vector<1000x1xf32> to vector<1000x1xf32>
    %broadcast_in_dim3A_71 = vector.broadcast %broadcast_in_dim3A_70 : vector<1000x1xf32> to vector<1000x128xf32>
    %concatenate3A = tpu.concatenate %broadcast_in_dim3A_15, %broadcast_in_dim3A_23, %broadcast_in_dim3A_31, %broadcast_in_dim3A_39, %broadcast_in_dim3A_47, %broadcast_in_dim3A_55, %broadcast_in_dim3A_63, %broadcast_in_dim3A_71 in 1 : vector<1000x128xf32>, vector<1000x128xf32>, vector<1000x128xf32>, vector<1000x128xf32>, vector<1000x128xf32>, vector<1000x128xf32>, vector<1000x128xf32>, vector<1000x128xf32> -> vector<1000x1024xf32>
    %get3A_72 = arith.constant 0 : index
    %get3A_73 = arith.constant 0 : index
    %get3A_74 = vector.load %arg2[%get3A_72, %get3A_73] : memref<1000x1024xf32, #tpu.memory_space<vmem>>, vector<1000x1024xf32>
    %div3A = arith.divf %get3A_74, %concatenate3A : vector<1000x1024xf32>
    %get3A_75 = arith.constant 0 : index
    %get3A_76 = arith.constant 0 : index
    %get3A_77 = vector.load %arg5[%get3A_75, %get3A_76] : memref<1024x128xf32, #tpu.memory_space<vmem>>, vector<1024x128xf32>
    %dot_general3A_78 = arith.constant dense<0.000000e+00> : vector<1000x128xf32>
    %dot_general3A_79 = tpu.matmul %div3A, %get3A_77, %dot_general3A_78 {dimension_numbers = #tpu.dot_dimension_numbers<[1], [0], [0], [1], [0, 0, 1, 1], [], []>, transpose_lhs_hint = false} : vector<1000x1024xf32>, vector<1024x128xf32>, vector<1000x128xf32> -> vector<1000x128xf32>
    %add3A_80 = arith.addf %add3A_9, %dot_general3A_79 : vector<1000x128xf32>
    %reduce_sum3A = arith.constant dense<0.000000e+00> : vector<1000xf32>
    %reduce_sum3A_81 = vector.multi_reduction <add>, %add3A_80, %reduce_sum3A [1] : vector<1000x128xf32> to vector<1000xf32>
    %broadcast_in_dim3A_82 = vector.shape_cast %reduce_sum3A_81 : vector<1000xf32> to vector<1000x1xf32>
    %div3A_83 = arith.constant 1.280000e+02 : f32
    %div3A_84 = vector.broadcast %div3A_83 : f32 to vector<1000x1xf32>
    %div3A_85 = arith.divf %broadcast_in_dim3A_82, %div3A_84 : vector<1000x1xf32>
    %sub3A = vector.broadcast %div3A_85 : vector<1000x1xf32> to vector<1000x128xf32>
    %sub3A_86 = arith.subf %add3A_80, %sub3A : vector<1000x128xf32>
    %integer_pow3A = arith.mulf %sub3A_86, %sub3A_86 : vector<1000x128xf32>
    %reduce_sum3A_87 = arith.constant dense<0.000000e+00> : vector<1000xf32>
    %reduce_sum3A_88 = vector.multi_reduction <add>, %integer_pow3A, %reduce_sum3A_87 [1] : vector<1000x128xf32> to vector<1000xf32>
    %broadcast_in_dim3A_89 = vector.shape_cast %reduce_sum3A_88 : vector<1000xf32> to vector<1000x1xf32>
    %div3A_90 = arith.constant 1.280000e+02 : f32
    %div3A_91 = vector.broadcast %div3A_90 : f32 to vector<1000x1xf32>
    %div3A_92 = arith.divf %broadcast_in_dim3A_89, %div3A_91 : vector<1000x1xf32>
    %sub3A_93 = vector.broadcast %div3A_85 : vector<1000x1xf32> to vector<1000x128xf32>
    %sub3A_94 = arith.subf %add3A_80, %sub3A_93 : vector<1000x128xf32>
    %add3A_95 = arith.constant 9.99999974E-6 : f32
    %add3A_96 = vector.broadcast %add3A_95 : f32 to vector<1000x1xf32>
    %add3A_97 = arith.addf %div3A_92, %add3A_96 : vector<1000x1xf32>
    %sqrt3A = math.sqrt %add3A_97 : vector<1000x1xf32>
    %div3A_98 = vector.broadcast %sqrt3A : vector<1000x1xf32> to vector<1000x128xf32>
    %div3A_99 = arith.divf %sub3A_94, %div3A_98 : vector<1000x128xf32>
    %get3A_100 = arith.constant 0 : index
    %get3A_101 = arith.constant 0 : index
    %get3A_102 = vector.load %arg7[%get3A_100, %get3A_101] : memref<1x128xf32, #tpu.memory_space<vmem>>, vector<1x128xf32>
    %mul3A = vector.broadcast %get3A_102 : vector<1x128xf32> to vector<1000x128xf32>
    %mul3A_103 = arith.mulf %div3A_99, %mul3A : vector<1000x128xf32>
    %get3A_104 = arith.constant 0 : index
    %get3A_105 = arith.constant 0 : index
    %get3A_106 = vector.load %arg8[%get3A_104, %get3A_105] : memref<1x128xf32, #tpu.memory_space<vmem>>, vector<1x128xf32>
    %add3A_107 = vector.broadcast %get3A_106 : vector<1x128xf32> to vector<1000x128xf32>
    %add3A_108 = arith.addf %mul3A_103, %add3A_107 : vector<1000x128xf32>
    %swap3A = arith.constant 0 : index
    %swap3A_109 = arith.constant 0 : index
    %swap3A_110 = vector.load %arg9[%swap3A, %swap3A_109] : memref<1000x128xf32, #tpu.memory_space<vmem>>, vector<1000x128xf32>
    tpu.vector_store %arg9[%swap3A, %swap3A_109], %add3A_108 {strides = array<i32>} : memref<1000x128xf32, #tpu.memory_space<vmem>>, vector<1000x128xf32>,
    return
  }
  func.func @transform_0(%arg0: i32) -> (i32, i32) {
    %c0_i32 = arith.constant 0 : i32
    %c0_i32_0 = arith.constant 0 : i32
    return %arg0, %c0_i32 : i32, i32
  }
  func.func @transform_1(%arg0: i32) -> (i32, i32) {
    %c0_i32 = arith.constant 0 : i32
    %c0_i32_0 = arith.constant 0 : i32
    return %arg0, %c0_i32 : i32, i32
  }
  func.func @transform_2(%arg0: i32) -> (i32, i32) {
    %c0_i32 = arith.constant 0 : i32
    %c0_i32_0 = arith.constant 0 : i32
    return %arg0, %c0_i32 : i32, i32
  }
  func.func @transform_3(%arg0: i32) -> (i32, i32) {
    %c0_i32 = arith.constant 0 : i32
    %c0_i32_0 = arith.constant 0 : i32
    %c0_i32_1 = arith.constant 0 : i32
    return %c0_i32, %c0_i32_0 : i32, i32
  }
  func.func @transform_4(%arg0: i32) -> (i32, i32) {
    %c0_i32 = arith.constant 0 : i32
    %c0_i32_0 = arith.constant 0 : i32
    %c0_i32_1 = arith.constant 0 : i32
    return %c0_i32, %c0_i32_0 : i32, i32
  }
  func.func @transform_5(%arg0: i32) -> (i32, i32) {
    %c0_i32 = arith.constant 0 : i32
    %c0_i32_0 = arith.constant 0 : i32
    %c0_i32_1 = arith.constant 0 : i32
    return %c0_i32, %c0_i32_0 : i32, i32
  }
  func.func @transform_6(%arg0: i32) -> (i32, i32) {
    %c0_i32 = arith.constant 0 : i32
    %c0_i32_0 = arith.constant 0 : i32
    %c0_i32_1 = arith.constant 0 : i32
    return %c0_i32, %c0_i32_0 : i32, i32
  }
  func.func @transform_7(%arg0: i32) -> (i32, i32) {
    %c0_i32 = arith.constant 0 : i32
    %c0_i32_0 = arith.constant 0 : i32
    %c0_i32_1 = arith.constant 0 : i32
    return %c0_i32, %c0_i32_0 : i32, i32
  }
  func.func @transform_8(%arg0: i32) -> (i32, i32) {
    %c0_i32 = arith.constant 0 : i32
    %c0_i32_0 = arith.constant 0 : i32
    return %arg0, %c0_i32 : i32, i32
  }
}

</mosaic_0001>

<sc_bundles>
// kernel: kernel.10.cloned.1.call-start
scs
__scs_entry_jumppad:
0x0: {  	(pc) =	sbr.rel $0x88, $3  }
0x1: {  	(tag) =	ssettag $0x0;
	lr =	simm.s32 $0x1  }
0x2: {  	[smem:$0x3F94] =	sst lr;
	_ =	strace $0xD0000000  }
0x3: {  	_ = 	snop  }
0x4: {  	_ = 	snop  }
0x5: {  	_ = 	snop  }
0x6: {  	_ = 	snop  }
0x7: {  	_ = 	snop  }
__scs_overlays_trampoline_lowered:
0x8: {  	[smem:$0x3FA3] =	sst s0  }
0x9: {  	[smem:$0x3FA4] =	sst s1  }
0xa: {  	[smem:$0x3FA5] =	sst s2  }
0xb: {  	[smem:$0x3FA6] =	sst s3  }
0xc: {  	[smem:$0x3FA7] =	sst s4  }
0xd: {  	[smem:$0x3FA8] =	sst s5  }
0xe: {  	[smem:$0x3FA9] =	sst s6  }
0xf: {  	[smem:$0x3FAA] =	sst s7  }
0x10: {  	[smem:$0x3FAB] =	sst s8  }
0x11: {  	[smem:$0x3FAC] =	sst s9;
	s0 =	simm.s32 @!p0 $0x0  }
0x12: {  	s1 =	sld [smem:$0x3F92];
	s0 =	simm.s32 @p0 $0x1  }
0x13: {  	[smem:$0x3FAD] =	sst s0;
	s0 =	simm.s32 @!p1 $0x0  }
0x14: {  	s2 =	sld [smem:$0x3F91];
	s0 =	simm.s32 @p1 $0x1  }
0x15: {  	[smem:$0x3FAE] =	sst s0;
	s0 =	simm.s32 @!p2 $0x0  }
0x16: {  	s3 =	sld [smem:$0x3FDB];
	s0 =	simm.s32 @p2 $0x1  }
0x17: {  	s4 =	simm.s32 $0x1BF5;
	[smem:$0x3FB0] =	sst s0  }
0x18: {  	s0 =	sld [smem:$0x3F93];
	_ =	swait.ge [sflag:s4], $0x0  }
0x19: {  	s7 =	sld [smem:$0x3F94]  }
0x1a: {  	s8 =	sadd.s32 $0xFFFFE003, lr  }
0x1b: {  	s9 =	sadd.s32 $0xFFFFFEF7, lr;
	s5 =	simm.s32 $0xFFFFFFFF;
	p2 =	slt.u32 s8, $0xFFFFF086  }
0x1c: {  	p1 =	slt.u32 s9, $0xF7A;
	s5 =	simm.s32 @!p2 $0x0  }
0x1d: {  	s5 =	simm.s32 @p1 $0x1;
	p0 =	seq.s32 s7, s2  }
0x1e: {  	s7 =	smul.u32 @!p0 $0xF7A, s2;
	p2 =	seq.s32 @!p0 s5, $0x0  }
0x1f: {  	s9 =	smul.u32 $0xF7A, s1;
	s8 =	simm.s32 @!p0 $0x1BF5;
	p2 =	por !p2, p0  }
0x20: {  	[sflag:s8] =	ssyncset.s32 @!p0 $0xFFFFF086;
	s6 =	sadd.s32 @!p0 s3, s7;
	s7 =	simm.s32 @!p0 $0x108  }
0x21: {  	s3 =	sadd.s32 s3, s9;
	s6 =	sadd.s32 @!p0 $0x88, s6;
	s7 =	simm.s32 @p2 $0x1082  }
0x22: {  	[simem:s7], [sflag:s8] =	dma.local @!p0 [hbm:s6], $0xF7A  }
0x23: {  	s9 =	sor.u32 $0xD0000000, s2;
	s6 =	simm.s32 $0x108;
	_ =	swait.ge @!p0 [sflag:s8], $0x0  }
0x24: {  	s3 =	sadd.s32 $0x88, s3;
	s6 =	simm.s32 @!p1 $0x1082;
	[sflag:s4] =	ssyncset.s32 $0xFFFFF086  }
0x25: {  	[simem:s6], [sflag:s4] =	dma.local [hbm:s3], $0xF7A  }
0x26: {  	[smem:$0x3F94] =	sst s1;
	(tag) =	ssettag s2;
	_ =	strace s9  }
0x27: {  	s1 =	sld [smem:$0x3FA4]  }
0x28: {  	s2 =	sld [smem:$0x3FA5]  }
0x29: {  	s4 =	sld [smem:$0x3FA7]  }
0x2a: {  	p0 =	seq.s32 s5, $0x0;
	s5 =	sld [smem:$0x3FA8]  }
0x2b: {  	s6 =	sld [smem:$0x3FA9]  }
0x2c: {  	s7 =	sld [smem:$0x3FAA]  }
0x2d: {  	s3 =	simm.s32 $0x108;
	s8 =	sld [smem:$0x3FAB]  }
0x2e: {  	s3 =	simm.s32 @!p0 $0x1082;
	s9 =	sld [smem:$0x3FAC]  }
0x2f: {  	lr =	sadd.s32 s0, s3;
	s0 =	sld [smem:$0x3FA3]  }
0x30: {  	s3 =	sld [smem:$0x3FA6]  }
0x31: {  	[smem:$0x3FAF] =	sst s10  }
0x32: {  	s10 =	sld [smem:$0x3FAD];
	_ =	sdelay $0x3  }
0x33: {  	p0 =	seq.s32 s10, $0x1;
	s10 =	sld [smem:$0x3FAF];
	_ =	sdelay $0x3  }
0x34: {  	[smem:$0x3FAF] =	sst s10  }
0x35: {  	s10 =	sld [smem:$0x3FAE];
	_ =	sdelay $0x3  }
0x36: {  	p1 =	seq.s32 s10, $0x1;
	s10 =	sld [smem:$0x3FAF];
	_ =	sdelay $0x3  }
0x37: {  	[smem:$0x3FAF] =	sst s10  }
0x38: {  	s10 =	sld [smem:$0x3FB0]  }
0x39: {  	_ = 	snop;
	(pc) =	sbr.ind lr, $3  }
0x3a: {  	_ = 	snop  }
0x3b: {  	_ = 	snop  }
0x3c: {  	p2 =	seq.s32 s10, $0x1;
	s10 =	sld [smem:$0x3FAF]  }
0x3d: {  	_ =	shalt  }
0x3e: {  	_ =	shalt  }
0x3f: {  	_ =	shalt  }
0x40: {  	_ =	shalt  }
0x41: {  	_ =	shalt  }
0x42: {  	_ =	shalt  }
0x43: {  	_ =	shalt  }
0x44: {  	_ =	shalt  }
0x45: {  	_ =	shalt  }
0x46: {  	_ =	shalt  }
0x47: {  	_ =	shalt  }
0x48: {  	_ =	shalt  }
0x49: {  	_ =	shalt  }
0x4a: {  	_ =	shalt  }
0x4b: {  	_ =	shalt  }
0x4c: {  	_ =	shalt  }
0x4d: {  	_ =	shalt  }
0x4e: {  	_ =	shalt  }
0x4f: {  	_ =	shalt  }
0x50: {  	_ =	shalt  }
0x51: {  	_ =	shalt  }
0x52: {  	_ =	shalt  }
0x53: {  	_ =	shalt  }
0x54: {  	_ =	shalt  }
0x55: {  	_ =	shalt  }
0x56: {  	_ =	shalt  }
0x57: {  	_ =	shalt  }
0x58: {  	_ =	shalt  }
0x59: {  	_ =	shalt  }
0x5a: {  	_ =	shalt  }
0x5b: {  	_ =	shalt  }
0x5c: {  	_ =	shalt  }
0x5d: {  	_ =	shalt  }
0x5e: {  	_ =	shalt  }
0x5f: {  	_ =	shalt  }
0x60: {  	_ =	shalt  }
0x61: {  	_ =	shalt  }
0x62: {  	_ =	shalt  }
0x63: {  	_ =	shalt  }
0x64: {  	_ =	shalt  }
0x65: {  	_ =	shalt  }
0x66: {  	_ =	shalt  }
0x67: {  	_ =	shalt  }
0x68: {  	_ =	shalt  }
0x69: {  	_ =	shalt  }
0x6a: {  	_ =	shalt  }
0x6b: {  	_ =	shalt  }
0x6c: {  	_ =	shalt  }
0x6d: {  	_ =	shalt  }
0x6e: {  	_ =	shalt  }
0x6f: {  	_ =	shalt  }
0x70: {  	_ =	shalt  }
0x71: {  	_ =	shalt  }
0x72: {  	_ =	shalt  }
0x73: {  	_ =	shalt  }
0x74: {  	_ =	shalt  }
0x75: {  	_ =	shalt  }
0x76: {  	_ =	shalt  }
0x77: {  	_ =	shalt  }
0x78: {  	_ =	shalt  }
0x79: {  	_ =	shalt  }
0x7a: {  	_ =	shalt  }
0x7b: {  	_ =	shalt  }
0x7c: {  	_ =	shalt  }
0x7d: {  	_ =	shalt  }
0x7e: {  	_ =	shalt  }
0x7f: {  	_ =	shalt  }
0x80: {  	_ =	shalt  }
0x81: {  	_ =	shalt  }
0x82: {  	_ =	shalt  }
0x83: {  	_ =	shalt  }
0x84: {  	_ =	shalt  }
0x85: {  	_ =	shalt  }
0x86: {  	_ =	shalt  }
0x87: {  	_ =	shalt  }
.Lfunc_end0:
.L_simem_size_0:
called_computation.1_lowered:
.L_overlay_start_0:
0x88: {  	s2 =	sld [smem:$0x3FD9]  }
0x89: {  	s3 =	sld [smem:$0x3FFE];
	_ =	sdelay $0x1  }
0x8a: {  	s1 =	srdreg.scid  }
0x8b: {  	s0 =	sand.u32 $0x1, s1  }
0x8c: {  	s17 =	sshll.u32 s0, $0xA;
	s2 =	sadd.s32 s3, s2  }
0x8d: {  	s2 =	sadd.s32 s2, s17  }
0x8e: {  	[smem:$0x3FBB] =	sst s2  }
0x8f: {  	_ = 	snop  }
0x90: {  	s18 =	sld [smem:$0x3FC9];
	(tm) =	ssettm $0x1  }
0x91: {  	s19 =	sld [smem:$0x3FFB];
	_ =	sdelay $0x3  }
0x92: {  	_ =	strace s19  }
0x93: {  	s2 =	sld [smem:$0x3FFC];
	_ =	sdelay $0x3  }
0x94: {  	_ =	strace s2  }
0x95: {  	s2 =	sld [smem:$0x3FFD];
	_ =	sdelay $0x3  }
0x96: {  	_ =	strace s2  }
0x97: {  	_ =	strace $0x8FFFFFFF  }
0x98: {  	s20 =	sld [smem:$0x3FDB];
	_ =	sdelay $0x1  }
0x99: {  	s4 =	simm.s32 $_scs_section_size  }
0x9a: {  	s5 =	simm.s32 $_size__tile_overlayer_lowered;
	s6 =	simm.s32 $_tile_overlayer_lowered  }
0x9b: {  	s7 =	simm.s32 $0x1BFF;
	s21 =	sshll.u32 s6, $0x1;
	s4 =	sadd.s32 s4, s20  }
0x9c: {  	s22 =	simm.s32 $0x0;
	s5 =	sshll.u32 s5, $0x1;
	s6 =	sadd.s32 s21, s4  }
0x9d: {  	[timem:s22], [sflag:s7] =	dma.local [hbm:s6], s5  }
0x9e: {  	_ =	swait.ge [sflag:s7], s5  }
0x9f: {  	s5 =	ssub.s32 $0x0, s5;
	[sflag:s7] =	ssyncset.done $0x0  }
0xa0: {  	[sflag:s7] =	ssyncadd.s32 s5;
	_ =	sdelay $0x1  }
0xa1: {  	s23 =	simm.s32 $0x1B8B  }
0xa2: {  	_ =	swait.ge [sflag:s23], $0x1  }
0xa3: {  	[sflag:s23] =	ssyncset.done $0x0  }
0xa4: {  	[sflag:s23] =	ssyncadd.s32 $0xFFFFFFFF  }
0xa5: {  	s5 =	sld [smem:$0x0]  }
0xa6: {  	s6 =	sand.u32 $0xFFFFFFFE, s1  }
0xa7: {  	p0 =	sne.s32 s1, s6  }
0xa8: {  	s6 =	sshll.u32 @p0 s6, $0xE  }
0xa9: {  	s6 =	sadd.s32 @p0 $0x11B8D, s6;
	s7 =	sshll.u32 @p0 s5, $0x11  }
0xaa: {  	s6 =	sor.u32 @p0 s7, s6  }
0xab: {  	[sflag:s6] =	ssyncadd.remote.s32 @p0 $0x1;
	_ =	sdelay $0x1  }
0xac: {  	s6 =	simm.s32 @p0 $0x1B8D  }
0xad: {  	_ =	swait.eq @p0 [sflag:s6], $0x1  }
0xae: {  	[sflag:s6] =	ssyncadd.s32 @p0 $0xFFFFFFFF  }
0xaf: {  	s7 =	sshll.u32 @!p0 s1, $0xE  }
0xb0: {  	s7 =	sor.u32 @!p0 $0x4000, s7;
	s6 =	simm.s32 @!p0 $0x1B8D  }
0xb1: {  	s5 =	sshll.u32 @!p0 s5, $0x11;
	s7 =	sadd.s32 @!p0 $0x11B8D, s7;
	_ =	swait.eq @!p0 [sflag:s6], $0x1  }
0xb2: {  	s5 =	sor.u32 @!p0 s5, s7;
	[sflag:s6] =	ssyncadd.s32 @!p0 $0xFFFFFFFF  }
0xb3: {  	s25 =	simm.s32 $0x1B8E;
	s24 =	sld [smem:$0x3FFE];
	[sflag:s5] =	ssyncadd.remote.s32 @!p0 $0x1  }
0xb4: {  	s26 =	simm.s32 $execute0_lowered;
	[smem:$0x3FD2] =	sst s25  }
0xb5: {  	s6 =	sshll.u32 s26, $0x1;
	_ =	strace $0x80000049;
	[dreg:$0x1] =	wrdreg $0xFFFFFFFF  }
0xb6: {  	s28 =	simm.s32 $_size_execute0_lowered;
	s4 =	sadd.s32 s4, s6;
	[dreg:$0x0] =	wrdreg $0x0  }
0xb7: {  	s6 =	sshll.u32 s28, $0x1;
	[dreg:$0x2] =	wrdreg s4  }
0xb8: {  	[dreg:$0x3] =	wrdreg s6  }
0xb9: {  	[dreg:$0x4] =	wrdreg $0xC0  }
0xba: {  	_ =	task [dreg:s22], $0x5FFFF  }
0xbb: {  	[dreg:$0x1] =	wrdreg $0xFFFFFFFF  }
0xbc: {  	[dreg:$0x0] =	wrdreg $0x60  }
0xbd: {  	[dreg:$0x2] =	wrdreg s18  }
0xbe: {  	[dreg:$0x3] =	wrdreg s24  }
0xbf: {  	[dreg:$0x4] =	wrdreg $0x0  }
0xc0: {  	[dreg:$0x5] =	wrdreg $0xA  }
0xc1: {  	_ =	task.clear_ibuf [dreg:s22], $0x6FFFF;
	_ =	strace $0x90000049  }
0xc2: {  	s29 =	simm.s32 $0xA;
	_ =	strace $0x8000004B  }
0xc3: {  	_ =	swait.ge [sflag:s29], $0x1  }
0xc4: {  	[sflag:s29] =	ssyncadd.s32 $0xFFFFFFFF  }
0xc5: {  	_ =	strace $0x9000004B  }
0xc6: {  	_ =	sfence  }
0xc7: {  	s30 =	sld [smem:$0x0];
	_ =	sdelay $0x2  }
0xc8: {  	s31 =	sshll.u32 s1, $0xD;
	s1 =	sshrl.u32 s1, $0x2  }
0xc9: {  	s4 =	sand.u32 $0x4000, s31;
	s1 =	sadd.s32 s1, s30  }
0xca: {  	s0 =	sor.u32 s4, s0;
	s1 =	sshll.u32 s1, $0x11  }
0xcb: {  	s0 =	sor.u32 s1, s0  }
0xcc: {  	s0 =	sadd.s32 $0x8F2B, s0  }
0xcd: {  	[sflag:s0] =	ssyncadd.remote.s32 $0x1  }
0xce: {  	_ =	sfence.sel $0xFFFF  }
0xcf: {  	[dreg:$0x0] =	wrdreg $0xFFFFFFFF;
	(pc) =	sbr.abs _section_cstart, $3  }
0xd0: {  	[dreg:$0x1] =	wrdreg $0xFFFFFFFF  }
0xd1: {  	_ =	task.clear_ibuf [dreg:s22], $0x2FFFF;
	_ =	strace $0x9FFFFFFF  }
0xd2: {  	(tm) =	ssettm $0x7FFFFFFF  }
0xd3: {  	_ =	shalt  }
tec
execute0_lowered:
.L_overlay_start_1:
0x0: {  	(tag) =	ssettag $0x1  }
0x1: {  	s1 =	rddreg [dreg:$0x0]  }
0x2: {  	s0 =	rddreg [dreg:$0x1]  }
0x3: {  	s2 =	rddreg [dreg:$0x2];
	s4 =	simm.s32 $0x0  }
0x4: {  	s11 =	stileid.u32;
	s3 =	srdreg.scid;
	s28 =	simm.s32 $0x10400  }
0x5: {  	s29 =	simm.s32 $0x10B00;
	[smem:$0x7FF] =	sst s4;
	s3 =	sand.u32 $0x1, s3  }
0x6: {  	s8 =	sshll.u32 s11, $0x10;
	s9 =	ssub.s32 $0x2, s3;
	s3 =	smul.u32 $0x5, s3  }
0x7: {  	s5 =	sadd.s32 $0xC400, s0;
	s6 =	sadd.s32 $0x2600, s0;
	s8 =	sadd.s32 s8, s2  }
0x8: {  	_ =	strace $0x8000004A;
	s18 =	sadd.s32 $0x2000, s8;
	[dreg:$0x4] =	wrdreg s3  }
0x9: {  	s7 =	sshll.u32 s11, $0xD;
	s19 =	sadd.s32 $0x4000, s8;
	[dreg:$0x5] =	wrdreg s18  }
0xa: {  	s30 =	sshll.u32 s11, $0x4;
	s20 =	sadd.s32 $0x6000, s8;
	[dreg:$0x6] =	wrdreg s19  }
0xb: {  	s0 =	sadd.s32 s7, s0;
	s21 =	sadd.s32 $0x8000, s8;
	[dreg:$0x7] =	wrdreg s20  }
0xc: {  	s7 =	smul.u32 $0x4E20, s11;
	s22 =	sadd.s32 $0xA000, s8;
	[dreg:$0x8] =	wrdreg s21  }
0xd: {  	s10 =	sshrl.u32 s9, $0x1;
	s23 =	sadd.s32 $0xC000, s8;
	[dreg:$0x9] =	wrdreg s22  }
0xe: {  	s25 =	sadd.s32 $0xE000, s8;
	s0 =	sadd.s32 $0x156200, s0;
	[dreg:$0xa] =	wrdreg s23  }
0xf: {  	s9 =	ssub.s32 s9, s10;
	s24 =	sshrl.u32 s7, $0x3;
	[dreg:$0xb] =	wrdreg s25  }
.Ltmp0:
0x10: {  	[dreg:$0xe] =	wrdreg s0;
	s21 =	simm.s32 $0x11E80;
	(pc) =	sbr.rel .LBB2_1-.Ltmp0, $4  }
0x11: {  	v0 =	vlaneseq.u32;
	v2 =	vimm.f32 $0.0e+00;
	v3 =	vimm.s32 $0x0;
	s22 =	simm.s32 $0x7;
	s23 =	simm.s32 $0x10080;
	s26 =	sadd.s32 s5, s24  }
0x12: {  	v4 =	vor.u32 $0x2000, v0;
	v5 =	vor.u32 $0x10, v0;
	v6 =	vor.u32 $0x20, v0;
	s25 =	simm.s32 $0x10E80;
	s3 =	sadd.s32 s6, s24;
	[dreg:$0xc] =	wrdreg s26  }
0x13: {  	v7 =	vor.u32 $0x30, v0;
	v8 =	vor.u32 $0x40, v0;
	v9 =	vor.u32 $0x50, v0;
	s31 =	smax.u32 s9, $0x1;
	s24 =	simm.s32 $0x10780;
	[dreg:$0xd] =	wrdreg s3  }
0x14: {  	v10 =	vor.u32 $0x60, v0;
	v11 =	vor.u32 $0x70, v0;
	v1 =	vor.u32 s30, v0;
	[dreg:$0xf] =	wrdreg s31;
	s26 =	simm.s32 $0x11680;
	s3 =	simm.s32 $0x0  }
.LBB2_26:
0x15: {  	s3 =	rddreg [dreg:$0x10]  }
0x16: {  	s0 =	rddreg [dreg:$0xf];
	s3 =	sadd.s32 $0x1, s3  }
0x17: {  	p0 =	sne.s32 s3, s0  }
.Ltmp1:
0x18: {  	_ = 	snop;
	(pc) =	sbr.rel @!p0 .LBB2_27-.Ltmp1, $1  }
0x19: {  	_ =	sdelay $0x3  }
.LBB2_1:
.Ltmp2:
0x1a: {  	(pc) =	sbr.rel .LBB2_2-.Ltmp2, $2  }
0x1b: {  	_ =	sdelay $0x2  }
0x1c: {  	[dreg:$0x10] =	wrdreg s3;
	s31 =	simm.s32 $0x0  }
.LBB2_24:
0x1d: {  	s9 =	simm.s32 @!p0 $0x1  }
0x1e: {  	_ =	swait.ge @!p0 [sflag:s9], $0x4000  }
0x1f: {  	s10 =	simm.s32 @!p0 $0x11E80;
	s19 =	sadd.s32 $0xFFFFFFFF, s3;
	[sflag:s9] =	ssyncset.done @!p0 $0x0  }
0x20: {  	s12 =	simm.s32 @!p0 $0x80;
	s20 =	sand.u32 $0x1, s19;
	[sflag:s9] =	ssyncadd.s32 @!p0 $0xFFFFC000  }
0x21: {  	[spmem:s2] =	stream.indirect.scatter.add.f32 @!p0 [tilespmem:s10], [sflag:$0x5], $0x80, s11, s12, $0xb8;
	[tilespmem:$0x19E80] =	vst v63  }
0x22: {  	p1 =	sle.s32 s19, s30;
	p0 =	seq.s32 s20, $0x1;
	s10 =	simm.s32 $0x6  }
0x23: {  	s3 =	sand.u32 @!p1 $0x1, s3;
	s10 =	simm.s32 @!p0 $0x5  }
0x24: {  	p0 =	seq.s32 @!p1 s3, $0x1;
	_ =	swait.ge [sflag:s10], $0x4000  }
0x25: {  	s3 =	simm.s32 @!p1 $0x6;
	p0 =	por !p0, p1;
	[sflag:s10] =	ssyncset.done $0x0  }
0x26: {  	s3 =	simm.s32 @p0 $0x5;
	[sflag:s10] =	ssyncadd.s32 $0xFFFFC000  }
0x27: {  	_ =	swait.ge @!p1 [sflag:s3], $0x4000  }
0x28: {  	[sflag:s3] =	ssyncset.done @!p1 $0x0  }
0x29: {  	[sflag:s3] =	ssyncadd.s32 @!p1 $0xFFFFC000  }
.LBB2_25:
0x2a: {  	[bflag:$0x0] =	sbarrier.arrive $0xFFFF;
	s0 =	sshll.u32 s0, $0x11  }
0x2b: {  	s3 =	stileid.u32;
	s30 =	sshrl.u32 s8, $0x3;
	s31 =	sadd.s32 $0x1, s31  }
0x2c: {  	s3 =	sshll.u32 s3, $0x6;
	s9 =	rddreg [dreg:$0xe];
	p0 =	sne.s32 s31, $0x5  }
.Ltmp3:
0x2d: {  	s0 =	sadd.s32 s0, s9;
	s3 =	sor.u32 $0x1C07, s3;
	(pc) =	sbr.rel @!p0 .LBB2_26-.Ltmp3, $4  }
0x2e: {  	[hbm:s0], [sflag:s3] =	dma.local [spmem:s30], $0x2000  }
0x2f: {  	_ =	swait.ge [sflag:s22], $0x2000  }
0x30: {  	[sflag:s22] =	ssyncset.done $0x0  }
0x31: {  	[sflag:s22] =	ssyncadd.s32 $0xFFFFE000  }
.LBB2_2:
0x32: {  	s0 =	simm.s32 $0x0;
	s3 =	simm.s32 $0x200  }
.LBB2_3:
0x33: {  	p0 =	sne.s32 s3, $0x7E00;
	[tilespmem:s0+$0x11EF0] =	vst v2  }
0x34: {  	[tilespmem:s0+$0x11E80] =	vst v2  }
0x35: {  	[tilespmem:s0+$0x11E90] =	vst v2  }
.Ltmp4:
0x36: {  	[tilespmem:s0+$0x11EA0] =	vst v2;
	(pc) =	sbr.rel @p0 .LBB2_3-.Ltmp4, $4  }
0x37: {  	[tilespmem:s0+$0x11EB0] =	vst v2  }
0x38: {  	[tilespmem:s0+$0x11EC0] =	vst v2  }
0x39: {  	[tilespmem:s0+$0x11ED0] =	vst v2  }
0x3a: {  	[tilespmem:s0+$0x11EE0] =	vst v2;
	s0 =	sshra.s32 s3, $0x2;
	s3 =	sadd.s32 $0x200, s3  }
0x3b: {  	[tilespmem:s0+$0x11EF0] =	vst v2  }
0x3c: {  	[tilespmem:s0+$0x11E80] =	vst v2  }
0x3d: {  	[tilespmem:s0+$0x11E90] =	vst v2  }
0x3e: {  	[tilespmem:s0+$0x11EA0] =	vst v2  }
0x3f: {  	[tilespmem:s0+$0x11EB0] =	vst v2  }
0x40: {  	[tilespmem:s0+$0x11EC0] =	vst v2  }
0x41: {  	[tilespmem:s0+$0x11ED0] =	vst v2  }
0x42: {  	[tilespmem:s0+$0x11EE0] =	vst v2  }
0x43: {  	[spmem:s8] =	stream.linear.scatter [tilespmem:s21], [sflag:$0x7], $0x2000, $0x38;
	[tilespmem:$0x19E80] =	vst v63  }
0x44: {  	_ =	swait.ge [sflag:s22], $0x2000  }
0x45: {  	[sflag:s22] =	ssyncset.done $0x0  }
0x46: {  	s12 =	rddreg [dreg:$0x5];
	[sflag:s22] =	ssyncadd.s32 $0xFFFFE000  }
0x47: {  	[spmem:s12] =	stream.linear.scatter [tilespmem:s21], [sflag:$0x7], $0x2000, $0x38;
	[tilespmem:$0x19E80] =	vst v63  }
0x48: {  	_ =	swait.ge [sflag:s22], $0x2000  }
0x49: {  	[sflag:s22] =	ssyncset.done $0x0  }
0x4a: {  	s13 =	rddreg [dreg:$0x6];
	[sflag:s22] =	ssyncadd.s32 $0xFFFFE000  }
0x4b: {  	[spmem:s13] =	stream.linear.scatter [tilespmem:s21], [sflag:$0x7], $0x2000, $0x38;
	[tilespmem:$0x19E80] =	vst v63  }
0x4c: {  	_ =	swait.ge [sflag:s22], $0x2000  }
0x4d: {  	[sflag:s22] =	ssyncset.done $0x0  }
0x4e: {  	s14 =	rddreg [dreg:$0x7];
	[sflag:s22] =	ssyncadd.s32 $0xFFFFE000  }
0x4f: {  	[spmem:s14] =	stream.linear.scatter [tilespmem:s21], [sflag:$0x7], $0x2000, $0x38;
	[tilespmem:$0x19E80] =	vst v63  }
0x50: {  	_ =	swait.ge [sflag:s22], $0x2000  }
0x51: {  	[sflag:s22] =	ssyncset.done $0x0  }
0x52: {  	s15 =	rddreg [dreg:$0x8];
	[sflag:s22] =	ssyncadd.s32 $0xFFFFE000  }
0x53: {  	[spmem:s15] =	stream.linear.scatter [tilespmem:s21], [sflag:$0x7], $0x2000, $0x38;
	[tilespmem:$0x19E80] =	vst v63  }
0x54: {  	_ =	swait.ge [sflag:s22], $0x2000  }
0x55: {  	[sflag:s22] =	ssyncset.done $0x0  }
0x56: {  	s16 =	rddreg [dreg:$0x9];
	[sflag:s22] =	ssyncadd.s32 $0xFFFFE000  }
0x57: {  	[spmem:s16] =	stream.linear.scatter [tilespmem:s21], [sflag:$0x7], $0x2000, $0x38;
	[tilespmem:$0x19E80] =	vst v63  }
0x58: {  	_ =	swait.ge [sflag:s22], $0x2000  }
0x59: {  	[sflag:s22] =	ssyncset.done $0x0  }
0x5a: {  	s17 =	rddreg [dreg:$0xa];
	[sflag:s22] =	ssyncadd.s32 $0xFFFFE000  }
0x5b: {  	[spmem:s17] =	stream.linear.scatter [tilespmem:s21], [sflag:$0x7], $0x2000, $0x38;
	[tilespmem:$0x19E80] =	vst v63  }
0x5c: {  	_ =	swait.ge [sflag:s22], $0x2000  }
0x5d: {  	[sflag:s22] =	ssyncset.done $0x0  }
0x5e: {  	s18 =	rddreg [dreg:$0xb];
	[sflag:s22] =	ssyncadd.s32 $0xFFFFE000  }
0x5f: {  	[spmem:s18] =	stream.linear.scatter [tilespmem:s21], [sflag:$0x7], $0x2000, $0x38;
	[tilespmem:$0x19E80] =	vst v63  }
0x60: {  	_ =	swait.ge [sflag:s22], $0x2000  }
0x61: {  	[sflag:s22] =	ssyncset.done $0x0  }
0x62: {  	[sflag:s22] =	ssyncadd.s32 $0xFFFFE000  }
0x63: {  	[bflag:$0x0] =	sbarrier.arrive $0xFFFF  }
0x64: {  	s3 =	simm.s32 $0x0;
	s19 =	rddreg [dreg:$0xc]  }
0x65: {  	[tilespmem:s23], [sflag:$0x3] =	stream.linear.gather [hbm4b:s19+s3], $0x320, $0x38;
	[tilespmem:$0x19E80] =	vst v63  }
.Ltmp5:
0x66: {  	s20 =	rddreg [dreg:$0x4];
	(pc) =	sbr.rel .LBB2_5-.Ltmp5, $4  }
0x67: {  	s0 =	sadd.s32 s20, s31  }
0x68: {  	s9 =	rddreg [dreg:$0xd];
	s30 =	sshll.u32 s0, $0xD  }
0x69: {  	[tilespmem:s24], [sflag:$0x3] =	stream.linear.gather [hbm4b:s9+s3], $0x320, $0x38;
	[tilespmem:$0x19E80] =	vst v63  }
0x6a: {  	s20 =	simm.s32 $0x0;
	v12 =	vmov s30;
	s9 =	simm.s32 $0x0  }
.LBB2_19:
0x6b: {  	s10 =	simm.s32 @!p0 $0x1  }
0x6c: {  	_ =	swait.ge @!p0 [sflag:s10], $0x4000  }
0x6d: {  	s11 =	simm.s32 @!p0 $0x11E80;
	s18 =	sadd.s32 $0xFFFFFFFF, s30;
	[sflag:s10] =	ssyncset.done @!p0 $0x0  }
0x6e: {  	s13 =	simm.s32 @!p0 $0x80;
	s19 =	sand.u32 $0x1, s18;
	[sflag:s10] =	ssyncadd.s32 @!p0 $0xFFFFC000  }
0x6f: {  	[spmem:s2] =	stream.indirect.scatter.add.f32 @!p0 [tilespmem:s11], [sflag:$0x5], $0x80, s12, s13, $0xb8;
	[tilespmem:$0x19E80] =	vst v63  }
0x70: {  	p1 =	sle.s32 s18, s3;
	p0 =	seq.s32 s19, $0x1;
	s11 =	simm.s32 $0x6  }
0x71: {  	s3 =	sand.u32 @!p1 $0x1, s30;
	s11 =	simm.s32 @!p0 $0x5  }
0x72: {  	p0 =	seq.s32 @!p1 s3, $0x1;
	_ =	swait.ge [sflag:s11], $0x4000  }
0x73: {  	s3 =	simm.s32 @!p1 $0x6;
	p0 =	por !p0, p1;
	[sflag:s11] =	ssyncset.done $0x0  }
0x74: {  	s3 =	simm.s32 @p0 $0x5;
	[sflag:s11] =	ssyncadd.s32 $0xFFFFC000  }
0x75: {  	_ =	swait.ge @!p1 [sflag:s3], $0x4000  }
0x76: {  	[sflag:s3] =	ssyncset.done @!p1 $0x0  }
0x77: {  	[sflag:s3] =	ssyncadd.s32 @!p1 $0xFFFFC000  }
.LBB2_20:
0x78: {  	p0 =	sne.s32 s9, $0x19  }
.Ltmp6:
0x79: {  	_ = 	snop;
	(pc) =	sbr.rel @!p0 .LBB2_21-.Ltmp6, $2  }
0x7a: {  	_ =	sdelay $0x2  }
0x7b: {  	s3 =	smov.u32 s30  }
.LBB2_5:
0x7c: {  	s10 =	sand.u32 $0x1, s9  }
0x7d: {  	p0 =	seq.s32 s10, $0x0;
	s10 =	simm.s32 $0x3  }
0x7e: {  	s10 =	simm.s32 @!p0 $0x4  }
0x7f: {  	p1 =	seq.s32 s9, $0x18;
	_ =	swait.ge [sflag:s10], $0x320  }
.Ltmp7:
0x80: {  	[sflag:s10] =	ssyncset.done $0x0;
	(pc) =	sbr.rel @!p1 .LBB2_6-.Ltmp7, $4  }
0x81: {  	[sflag:s10] =	ssyncadd.s32 $0xFFFFFCE0  }
0x82: {  	_ =	swait.ge [sflag:s10], $0x320  }
0x83: {  	[sflag:s10] =	ssyncset.done $0x0  }
0x84: {  	s9 =	sadd.s32 $0x1, s9;
	[sflag:s10] =	ssyncadd.s32 $0xFFFFFCE0  }
.LBB2_13:
0x85: {  	s10 =	simm.s32 $0x0  }
0x86: {  	v13 =	vld [tilespmem:s10+$0x10080];
	_ =	sdelay $0x4  }
0x87: {  	v13 =	vsub.s32 v13, v12  }
0x88: {  	vm0 =	vlt.u32 v13, $0x2000  }
0x89: {  	v14 =	vsel vm0, $0x1, v3  }
0x8a: {  	(xrf0) =	vadd.scan.msk.s32 $0xffff, v14;
	_ =	sdelay $0x4  }
0x8b: {  	v14 =	vsel vm0, $0xFFFFFFFF, v3  }
0x8c: {  	v14 =	vadd.s32 s20, v14;
	v15, _, _ =	vpop (xrf0)  }
0x8d: {  	v14 =	vadd.s32 v15, v14;
	(v2sf) =	vpush v15, $0xF  }
0x8e: {  	v16 =	vld [tilespmem:s10+$0x10780];
	v14 =	vand.u32 $0x7FF, v14;
	_ =	sdelay $0x4  }
0x8f: {  	[tilespmem:v14+s25+$0x0] =	vst.idx.msk vm0, v16  }
0x90: {  	s11 =	simm.s32 $0x80;
	s10 =	simm.s32 $0x10;
	[tilespmem:v14+s26+$0x0] =	vst.idx.msk vm0, v13  }
.LBB2_14:
0x91: {  	p0 =	seq.s32 s11, $0xC40;
	v13 =	vld [tilespmem:s10+$0x10080];
	_ =	sdelay $0x4  }
0x92: {  	v13 =	vsub.s32 v13, v12  }
0x93: {  	vm0 =	vlt.u32 v13, $0x2000  }
0x94: {  	v14 =	vsel vm0, $0xFFFFFFFF, v3;
	v15 =	vsel vm0, $0x1, v3;
	s12 =	spop (v2sf)  }
0x95: {  	(xrf0) =	vadd.scan.msk.s32 $0xffff, v15;
	s20 =	sadd.s32 s20, s12  }
0x96: {  	v14 =	vadd.s32 s20, v14;
	_ =	sdelay $0x4  }
0x97: {  	v15, _, _ =	vpop (xrf0)  }
0x98: {  	v14 =	vadd.s32 v15, v14;
	(v2sf) =	vpush v15, $0xF  }
0x99: {  	v15 =	vld [tilespmem:s10+$0x10780];
	v14 =	vand.u32 $0x7FF, v14;
	_ =	sdelay $0x1  }
.Ltmp8:
0x9a: {  	(pc) =	sbr.rel @!p0 .LBB2_14-.Ltmp8, $3  }
0x9b: {  	_ =	sdelay $0x1  }
0x9c: {  	[tilespmem:v14+s25+$0x0] =	vst.idx.msk vm0, v15  }
0x9d: {  	s10 =	sshra.s32 s11, $0x2;
	s11 =	sadd.s32 $0x40, s11;
	[tilespmem:v14+s26+$0x0] =	vst.idx.msk vm0, v13  }
0x9e: {  	v13 =	vld [tilespmem:s10+$0x10080];
	_ =	sdelay $0x4  }
0x9f: {  	v13 =	vsub.s32 v13, v12  }
0xa0: {  	vm0 =	vlt.u32 v13, $0x2000  }
0xa1: {  	v14 =	vsel vm0, $0x1, v3  }
0xa2: {  	(xrf0) =	vadd.scan.msk.s32 $0xffff, v14;
	_ =	sdelay $0x5  }
0xa3: {  	v14, _, _ =	vpop (xrf0)  }
0xa4: {  	(v2sf) =	vpush v14, $0xF;
	_ =	sdelay $0x5  }
0xa5: {  	s11 =	spop (v2sf)  }
0xa6: {  	v15 =	vsel vm0, $0xFFFFFFFF, v3;
	s11 =	sadd.s32 s20, s11  }
0xa7: {  	v15 =	vadd.s32 s11, v15  }
0xa8: {  	v14 =	vadd.s32 v14, v15  }
0xa9: {  	v15 =	vld [tilespmem:s10+$0x10780];
	v14 =	vand.u32 $0x7FF, v14;
	_ =	sdelay $0x1  }
.Ltmp9:
0xaa: {  	_ = 	snop;
	(pc) =	sbr.rel .LBB2_16-.Ltmp9, $3  }
0xab: {  	_ =	sdelay $0x1  }
0xac: {  	[tilespmem:v14+s25+$0x0] =	vst.idx.msk vm0, v15;
	s30 =	spop (v2sf)  }
0xad: {  	[tilespmem:v14+s26+$0x0] =	vst.idx.msk vm0, v13;
	s20 =	sadd.s32 s11, s30  }
.LBB2_6:
0xae: {  	s11 =	sand.u32 $0x1, s9  }
0xaf: {  	s10 =	smul.u32 $0x320, s9;
	p1 =	seq.s32 s11, $0x0  }
.Ltmp10:
0xb0: {  	_ = 	snop;
	(pc) =	sbr.rel @p1 .LBB2_11-.Ltmp10, $4  }
0xb1: {  	_ = 	snop  }
0xb2: {  	s10 =	sadd.s32 s7, s10  }
0xb3: {  	s10 =	sshrl.u32 s10, $0x3  }
0xb4: {  	s11 =	sadd.s32 s5, s10;
	s10 =	sadd.s32 s6, s10  }
.Ltmp11:
0xb5: {  	(pc) =	sbr.rel @p0 .LBB2_13-.Ltmp11, $4  }
.Ltmp12:
0xb6: {  	(pc) =	sbr.rel @!p0 .LBB2_8-.Ltmp12, $4  }
0xb7: {  	[tilespmem:s28], [sflag:$0x4] =	stream.linear.gather [hbm4b:s11+s4], $0x320, $0x38;
	[tilespmem:$0x19E80] =	vst v63  }
0xb8: {  	_ = 	snop  }
0xb9: {  	[tilespmem:s29], [sflag:$0x4] =	stream.linear.gather [hbm4b:s10+s4], $0x320, $0x38;
	[tilespmem:$0x19E80] =	vst v63  }
0xba: {  	_ = 	snop  }
.LBB2_11:
.Ltmp13:
0xbb: {  	(pc) =	sbr.rel @!p0 .LBB2_8-.Ltmp13, $4  }
0xbc: {  	_ = 	snop  }
0xbd: {  	[tilespmem:s23], [sflag:$0x3] =	stream.linear.gather [hbm4b:s11+s4], $0x320, $0x38;
	[tilespmem:$0x19E80] =	vst v63  }
0xbe: {  	_ = 	snop  }
0xbf: {  	[tilespmem:s24], [sflag:$0x3] =	stream.linear.gather [hbm4b:s10+s4], $0x320, $0x38;
	[tilespmem:$0x19E80] =	vst v63  }
.Ltmp14:
0xc0: {  	(pc) =	sbr.rel .LBB2_13-.Ltmp14, $4  }
0xc1: {  	_ = 	snop  }
0xc2: {  	[tilespmem:s28], [sflag:$0x4] =	stream.linear.gather [hbm4b:s11+s4], $0x320, $0x38;
	[tilespmem:$0x19E80] =	vst v63  }
0xc3: {  	_ = 	snop  }
0xc4: {  	[tilespmem:s29], [sflag:$0x4] =	stream.linear.gather [hbm4b:s10+s4], $0x320, $0x38;
	[tilespmem:$0x19E80] =	vst v63  }
.LBB2_8:
0xc5: {  	s10 =	simm.s32 $0x0  }
0xc6: {  	v13 =	vld [tilespmem:s10+$0x10400];
	_ =	sdelay $0x4  }
0xc7: {  	v13 =	vsub.s32 v13, v12  }
0xc8: {  	vm0 =	vlt.u32 v13, $0x2000  }
0xc9: {  	v14 =	vsel vm0, $0x1, v3  }
0xca: {  	(xrf0) =	vadd.scan.msk.s32 $0xffff, v14;
	_ =	sdelay $0x4  }
0xcb: {  	v14 =	vsel vm0, $0xFFFFFFFF, v3  }
0xcc: {  	v14 =	vadd.s32 s20, v14;
	v15, _, _ =	vpop (xrf0)  }
0xcd: {  	v14 =	vadd.s32 v15, v14;
	(v2sf) =	vpush v15, $0xF  }
0xce: {  	v16 =	vld [tilespmem:s10+$0x10B00];
	v14 =	vand.u32 $0x7FF, v14;
	_ =	sdelay $0x4  }
0xcf: {  	[tilespmem:v14+s25+$0x0] =	vst.idx.msk vm0, v16  }
0xd0: {  	s11 =	simm.s32 $0x80;
	s10 =	simm.s32 $0x10;
	[tilespmem:v14+s26+$0x0] =	vst.idx.msk vm0, v13  }
.LBB2_9:
0xd1: {  	p0 =	sne.s32 s11, $0xC40;
	v13 =	vld [tilespmem:s10+$0x10400];
	_ =	sdelay $0x4  }
0xd2: {  	v13 =	vsub.s32 v13, v12  }
0xd3: {  	vm0 =	vlt.u32 v13, $0x2000  }
0xd4: {  	v14 =	vsel vm0, $0xFFFFFFFF, v3;
	v15 =	vsel vm0, $0x1, v3;
	s12 =	spop (v2sf)  }
0xd5: {  	(xrf0) =	vadd.scan.msk.s32 $0xffff, v15;
	s20 =	sadd.s32 s20, s12  }
0xd6: {  	v14 =	vadd.s32 s20, v14;
	_ =	sdelay $0x4  }
0xd7: {  	v15, _, _ =	vpop (xrf0)  }
0xd8: {  	v14 =	vadd.s32 v15, v14;
	(v2sf) =	vpush v15, $0xF  }
0xd9: {  	v15 =	vld [tilespmem:s10+$0x10B00];
	v14 =	vand.u32 $0x7FF, v14;
	_ =	sdelay $0x1  }
.Ltmp15:
0xda: {  	(pc) =	sbr.rel @p0 .LBB2_9-.Ltmp15, $3  }
0xdb: {  	_ =	sdelay $0x1  }
0xdc: {  	[tilespmem:v14+s25+$0x0] =	vst.idx.msk vm0, v15  }
0xdd: {  	s10 =	sshra.s32 s11, $0x2;
	s11 =	sadd.s32 $0x40, s11;
	[tilespmem:v14+s26+$0x0] =	vst.idx.msk vm0, v13  }
0xde: {  	v13 =	vld [tilespmem:s10+$0x10400];
	_ =	sdelay $0x4  }
0xdf: {  	v13 =	vsub.s32 v13, v12  }
0xe0: {  	vm0 =	vlt.u32 v13, $0x2000  }
0xe1: {  	v14 =	vsel vm0, $0x1, v3  }
0xe2: {  	(xrf0) =	vadd.scan.msk.s32 $0xffff, v14;
	_ =	sdelay $0x5  }
0xe3: {  	v14, _, _ =	vpop (xrf0)  }
0xe4: {  	(v2sf) =	vpush v14, $0xF;
	_ =	sdelay $0x5  }
0xe5: {  	s11 =	spop (v2sf)  }
0xe6: {  	v15 =	vsel vm0, $0xFFFFFFFF, v3;
	s11 =	sadd.s32 s20, s11  }
0xe7: {  	v15 =	vadd.s32 s11, v15  }
0xe8: {  	v14 =	vadd.s32 v14, v15  }
0xe9: {  	v15 =	vld [tilespmem:s10+$0x10B00];
	v14 =	vand.u32 $0x7FF, v14;
	_ =	sdelay $0x4  }
0xea: {  	[tilespmem:v14+s25+$0x0] =	vst.idx.msk vm0, v15;
	s30 =	spop (v2sf)  }
0xeb: {  	[tilespmem:v14+s26+$0x0] =	vst.idx.msk vm0, v13;
	s20 =	sadd.s32 s11, s30  }
.LBB2_16:
0xec: {  	s10 =	sshra.s32 s20, $0x7  }
0xed: {  	s11 =	ssub.s32 s10, s3  }
0xee: {  	s30 =	smov.u32 s3;
	p0 =	sgt.s32 s11, $0x7  }
0xef: {  	s30 =	smov.u32 @p0 s10  }
0xf0: {  	p0 =	sle.s32 s30, s3  }
.Ltmp16:
0xf1: {  	_ = 	snop;
	(pc) =	sbr.rel @p0 .LBB2_20-.Ltmp16, $1  }
0xf2: {  	_ =	sdelay $0x3  }
0xf3: {  	s10 =	sand.u32 $0x1, s3  }
0xf4: {  	p0 =	seq.s32 s10, $0x1;
	s10 =	sshll.u32 s3, $0x7  }
0xf5: {  	s11 =	sand.u32 @p0 $0x780, s10  }
0xf6: {  	s12 =	simm.s32 @p0 $0x80;
	s13 =	simm.s32 @p0 $0x15E80;
	s11 =	sadd.s32 @p0 $0x10E80, s11  }
0xf7: {  	[tilespmem:s13], [sflag:$0x2] =	stream.indirect.gather @p0 [hbm4b:s1+s12], $0x80, s11, s12, $0xb8;
	[tilespmem:$0x19E80] =	vst v63  }
0xf8: {  	s11 =	sand.u32 @!p0 $0x700, s10  }
0xf9: {  	s12 =	simm.s32 @!p0 $0x80;
	s13 =	simm.s32 @!p0 $0x11E80;
	s11 =	sadd.s32 @!p0 $0x10E80, s11  }
0xfa: {  	[tilespmem:s13], [sflag:$0x1] =	stream.indirect.gather @!p0 [hbm4b:s1+s12], $0x80, s11, s12, $0xb8;
	[tilespmem:$0x19E80] =	vst v63  }
0xfb: {  	s11 =	sadd.s32 $0x1, s3  }
0xfc: {  	p1 =	sge.s32 s11, s30  }
0xfd: {  	p2 =	sle.s32 @!p1 s3, s3  }
0xfe: {  	p0 =	por p2, p1  }
0xff: {  	s12 =	sand.u32 @!p0 $0x1, s3  }
0x100: {  	s13 =	sand.u32 @!p1 $0x1, s11;
	p3 =	seq.s32 @!p0 s12, $0x1  }
0x101: {  	s19 =	sand.u32 $0x1, s3;
	p4 =	seq.s32 @!p1 s13, $0x1;
	p3 =	por @!p1 !p3, p2  }
0x102: {  	s13 =	simm.s32 @!p0 $0x5;
	s12 =	sadd.s32 @!p1 $0x80, s10;
	p3 =	por !p3, p1  }
0x103: {  	p2 =	por !p4, p1;
	p1 =	por p4, p1;
	s13 =	simm.s32 @!p3 $0x6  }
0x104: {  	s14 =	sand.u32 @!p2 $0x780, s12;
	s15 =	simm.s32 @!p2 $0x80;
	_ =	swait.ge @!p0 [sflag:s13], $0x4000  }
0x105: {  	s16 =	simm.s32 @!p2 $0x15E80;
	s12 =	sand.u32 @!p1 $0x700, s12;
	[sflag:s13] =	ssyncset.done @!p0 $0x0  }
0x106: {  	s14 =	sadd.s32 @!p2 $0x10E80, s14;
	s12 =	sadd.s32 @!p1 $0x10E80, s12;
	[sflag:s13] =	ssyncadd.s32 @!p0 $0xFFFFC000  }
0x107: {  	[tilespmem:s16], [sflag:$0x2] =	stream.indirect.gather @!p2 [hbm4b:s1+s15], $0x80, s14, s15, $0xb8;
	[tilespmem:$0x19E80] =	vst v63  }
0x108: {  	p0 =	seq.s32 s19, $0x1;
	s14 =	simm.s32 @!p1 $0x80;
	s15 =	simm.s32 @!p1 $0x11E80  }
0x109: {  	[tilespmem:s15], [sflag:$0x1] =	stream.indirect.gather @!p1 [hbm4b:s1+s14], $0x80, s12, s14, $0xb8;
	[tilespmem:$0x19E80] =	vst v63  }
0x10a: {  	s12 =	simm.s32 @p0 $0x2  }
0x10b: {  	s13 =	sand.u32 @p0 $0x780, s10;
	p1 =	sne.s32 s30, s11;
	_ =	swait.ge @p0 [sflag:s12], $0x4000  }
.Ltmp17:
0x10c: {  	s13 =	sadd.s32 @p0 $0x11680, s13;
	[sflag:s12] =	ssyncset.done @p0 $0x0;
	(pc) =	sbr.rel @!p1 .LBB2_19-.Ltmp17, $4  }
0x10d: {  	s14 =	simm.s32 @p0 $0x15E80;
	[sflag:s12] =	ssyncadd.s32 @p0 $0xFFFFC000;
	s12 =	simm.s32 @p0 $0x80  }
0x10e: {  	[spmem:s2] =	stream.indirect.scatter.add.f32 @p0 [tilespmem:s14], [sflag:$0x6], $0x80, s13, s12, $0xb8;
	[tilespmem:$0x19E80] =	vst v63  }
0x10f: {  	s12 =	sand.u32 @!p0 $0x700, s10  }
0x110: {  	s12 =	sadd.s32 @!p0 $0x11680, s12  }
.LBB2_18:
0x111: {  	s13 =	smov.u32 s11;
	s11 =	sadd.s32 $0x1, s11;
	s14 =	simm.s32 @!p0 $0x11E80  }
0x112: {  	s10 =	sadd.s32 $0x80, s10;
	s18 =	simm.s32 @!p0 $0x1;
	p3 =	sge.s32 s11, s30  }
0x113: {  	p5 =	sle.s32 @!p3 s13, s3;
	s15 =	sand.u32 @!p3 $0x1, s11;
	s16 =	sadd.s32 @!p3 $0x80, s10  }
0x114: {  	p2 =	por p5, p3;
	p1 =	seq.s32 @!p3 s15, $0x1;
	s15 =	simm.s32 @!p0 $0x80  }
0x115: {  	s17 =	sand.u32 @!p2 $0x1, s13;
	p4 =	por !p1, p3;
	p1 =	por p1, p3  }
0x116: {  	s19 =	simm.s32 @!p2 $0x5;
	p6 =	seq.s32 @!p2 s17, $0x1;
	s17 =	sand.u32 @!p4 $0x780, s16  }
0x117: {  	p5 =	por @!p3 !p6, p5;
	s17 =	sadd.s32 @!p4 $0x10E80, s17;
	_ =	swait.ge @!p0 [sflag:s18], $0x4000  }
0x118: {  	s13 =	sand.u32 $0x1, s13;
	p3 =	por !p5, p3;
	[sflag:s18] =	ssyncset.done @!p0 $0x0  }
0x119: {  	s16 =	sand.u32 @!p1 $0x700, s16;
	s19 =	simm.s32 @!p3 $0x6;
	[sflag:s18] =	ssyncadd.s32 @!p0 $0xFFFFC000  }
0x11a: {  	[spmem:s2] =	stream.indirect.scatter.add.f32 @!p0 [tilespmem:s14], [sflag:$0x5], $0x80, s12, s15, $0xb8;
	[tilespmem:$0x19E80] =	vst v63  }
0x11b: {  	p3 =	sne.s32 s30, s11;
	s12 =	sadd.s32 @!p1 $0x10E80, s16;
	_ =	swait.ge @!p2 [sflag:s19], $0x4000  }
0x11c: {  	s14 =	simm.s32 @!p4 $0x80;
	s15 =	simm.s32 @!p4 $0x15E80;
	[sflag:s19] =	ssyncset.done @!p2 $0x0  }
0x11d: {  	p0 =	seq.s32 s13, $0x1;
	[sflag:s19] =	ssyncadd.s32 @!p2 $0xFFFFC000  }
0x11e: {  	[tilespmem:s15], [sflag:$0x2] =	stream.indirect.gather @!p4 [hbm4b:s1+s14], $0x80, s17, s14, $0xb8;
	[tilespmem:$0x19E80] =	vst v63  }
0x11f: {  	s13 =	simm.s32 @p0 $0x2;
	s14 =	simm.s32 @!p1 $0x80;
	s15 =	simm.s32 @!p1 $0x11E80  }
0x120: {  	[tilespmem:s15], [sflag:$0x1] =	stream.indirect.gather @!p1 [hbm4b:s1+s14], $0x80, s12, s14, $0xb8;
	[tilespmem:$0x19E80] =	vst v63  }
.Ltmp18:
0x121: {  	s12 =	sand.u32 @p0 $0x780, s10;
	s14 =	sand.u32 @!p0 $0x700, s10;
	(pc) =	sbr.rel @p3 .LBB2_18-.Ltmp18, $4  }
0x122: {  	s15 =	sadd.s32 @p0 $0x11680, s12;
	s12 =	sadd.s32 @!p0 $0x11680, s14;
	_ =	swait.ge @p0 [sflag:s13], $0x4000  }
0x123: {  	[sflag:s13] =	ssyncset.done @p0 $0x0  }
0x124: {  	s14 =	simm.s32 @p0 $0x15E80;
	[sflag:s13] =	ssyncadd.s32 @p0 $0xFFFFC000;
	s13 =	simm.s32 @p0 $0x80  }
0x125: {  	[spmem:s2] =	stream.indirect.scatter.add.f32 @p0 [tilespmem:s14], [sflag:$0x6], $0x80, s15, s13, $0xb8;
	[tilespmem:$0x19E80] =	vst v63  }
.Ltmp19:
0x126: {  	_ = 	snop;
	(pc) =	sbr.rel .LBB2_19-.Ltmp19, $1  }
0x127: {  	_ =	sdelay $0x3  }
.LBB2_21:
0x128: {  	s3 =	sadd.s32 $0x7F, s20  }
0x129: {  	s9 =	sand.u32 $0x7F, s3  }
0x12a: {  	s13 =	sshra.s32 s3, $0x1F;
	p1 =	slt.s32 s3, $0x1;
	p0 =	sne.s32 s9, $0x0  }
0x12b: {  	s9 =	sshrl.u32 s13, $0x19;
	p0 =	por !p1, !p0  }
0x12c: {  	s3 =	sadd.s32 s9, s3;
	s9 =	simm.s32 $0x1;
	p0 =	por !p0, !p0  }
0x12d: {  	s3 =	sshra.s32 s3, $0x7;
	s9 =	simm.s32 @!p0 $0x0  }
0x12e: {  	s3 =	ssub.s32 s3, s9  }
0x12f: {  	s9 =	sshll.u32 s3, $0x7  }
0x130: {  	s9 =	ssub.s32 s9, s20  }
0x131: {  	v12 =	vmov s9  }
0x132: {  	v13 =	vadd.s32 s20, v0;
	vm0 =	vgt.s32 v12, v0  }
0x133: {  	s14 =	sadd.s32 $0x10, s20;
	v13 =	vand.u32 $0x7FF, v13  }
0x134: {  	v14 =	vadd.s32 s14, v0;
	vm1 =	vgt.s32 v12, v5  }
0x135: {  	s15 =	sadd.s32 $0x20, s20;
	v14 =	vand.u32 $0x7FF, v14  }
0x136: {  	v15 =	vadd.s32 s15, v0;
	vm2 =	vgt.s32 v12, v6  }
0x137: {  	s16 =	sadd.s32 $0x30, s20;
	v15 =	vand.u32 $0x7FF, v15  }
0x138: {  	v16 =	vadd.s32 s16, v0;
	vm3 =	vgt.s32 v12, v7;
	[tilespmem:v13+s25+$0x0] =	vst.idx.msk vm0, v1  }
0x139: {  	s17 =	sadd.s32 $0x40, s20;
	v56 =	vand.u32 $0x7FF, v16;
	[tilespmem:v13+s26+$0x0] =	vst.idx.msk vm0, v4  }
0x13a: {  	v57 =	vadd.s32 s17, v0;
	vm12 =	vgt.s32 v12, v8;
	[tilespmem:v14+s25+$0x0] =	vst.idx.msk vm1, v1  }
0x13b: {  	s18 =	sadd.s32 $0x50, s20;
	v58 =	vand.u32 $0x7FF, v57;
	[tilespmem:v14+s26+$0x0] =	vst.idx.msk vm1, v4  }
0x13c: {  	v59 =	vadd.s32 s18, v0;
	vm13 =	vgt.s32 v12, v9;
	[tilespmem:v15+s25+$0x0] =	vst.idx.msk vm2, v1  }
0x13d: {  	s19 =	sadd.s32 $0x60, s20;
	v60 =	vand.u32 $0x7FF, v59;
	[tilespmem:v15+s26+$0x0] =	vst.idx.msk vm2, v4  }
0x13e: {  	v61 =	vadd.s32 s19, v0;
	vm14 =	vgt.s32 v12, v10;
	[tilespmem:v56+s25+$0x0] =	vst.idx.msk vm3, v1  }
0x13f: {  	v62 =	vand.u32 $0x7FF, v61;
	s20 =	sadd.s32 $0x70, s20;
	[tilespmem:v56+s26+$0x0] =	vst.idx.msk vm3, v4  }
0x140: {  	v63 =	vadd.s32 s20, v0;
	vm15 =	vgt.s32 v12, v11;
	[tilespmem:v58+s25+$0x0] =	vst.idx.msk vm12, v1  }
0x141: {  	v12 =	vand.u32 $0x7FF, v63;
	[tilespmem:v58+s26+$0x0] =	vst.idx.msk vm12, v4  }
0x142: {  	p0 =	sle.s32 s3, s30;
	[tilespmem:v60+s25+$0x0] =	vst.idx.msk vm13, v1  }
.Ltmp20:
0x143: {  	[tilespmem:v60+s26+$0x0] =	vst.idx.msk vm13, v4;
	(pc) =	sbr.rel @p0 .LBB2_25-.Ltmp20, $4  }
0x144: {  	[tilespmem:v62+s25+$0x0] =	vst.idx.msk vm14, v1  }
0x145: {  	[tilespmem:v62+s26+$0x0] =	vst.idx.msk vm14, v4  }
0x146: {  	[tilespmem:v12+s25+$0x0] =	vst.idx.msk vm15, v1  }
0x147: {  	[tilespmem:v12+s26+$0x0] =	vst.idx.msk vm15, v4  }
0x148: {  	s9 =	sand.u32 $0x1, s30  }
0x149: {  	p0 =	seq.s32 s9, $0x1;
	s9 =	sshll.u32 s30, $0x7  }
0x14a: {  	s10 =	sand.u32 @p0 $0x780, s9  }
0x14b: {  	s11 =	simm.s32 @p0 $0x80;
	s12 =	simm.s32 @p0 $0x15E80;
	s10 =	sadd.s32 @p0 $0x10E80, s10  }
0x14c: {  	[tilespmem:s12], [sflag:$0x2] =	stream.indirect.gather @p0 [hbm4b:s1+s11], $0x80, s10, s11, $0xb8;
	[tilespmem:$0x19E80] =	vst v63  }
0x14d: {  	s10 =	sand.u32 @!p0 $0x700, s9  }
0x14e: {  	s11 =	simm.s32 @!p0 $0x80;
	s12 =	simm.s32 @!p0 $0x11E80;
	s10 =	sadd.s32 @!p0 $0x10E80, s10  }
0x14f: {  	[tilespmem:s12], [sflag:$0x1] =	stream.indirect.gather @!p0 [hbm4b:s1+s11], $0x80, s10, s11, $0xb8;
	[tilespmem:$0x19E80] =	vst v63  }
0x150: {  	s10 =	sadd.s32 $0x1, s30  }
0x151: {  	p1 =	sge.s32 s10, s3  }
0x152: {  	p2 =	sle.s32 @!p1 s30, s30  }
0x153: {  	p0 =	por p2, p1  }
0x154: {  	s11 =	sand.u32 @!p0 $0x1, s30  }
0x155: {  	s12 =	sand.u32 @!p1 $0x1, s10;
	p3 =	seq.s32 @!p0 s11, $0x1  }
0x156: {  	s20 =	sand.u32 $0x1, s30;
	p4 =	seq.s32 @!p1 s12, $0x1;
	p3 =	por @!p1 !p3, p2  }
0x157: {  	s12 =	simm.s32 @!p0 $0x5;
	s11 =	sadd.s32 @!p1 $0x80, s9;
	p3 =	por !p3, p1  }
0x158: {  	p2 =	por !p4, p1;
	p1 =	por p4, p1;
	s12 =	simm.s32 @!p3 $0x6  }
0x159: {  	s13 =	sand.u32 @!p2 $0x780, s11;
	s14 =	simm.s32 @!p2 $0x80;
	_ =	swait.ge @!p0 [sflag:s12], $0x4000  }
0x15a: {  	s15 =	simm.s32 @!p2 $0x15E80;
	s11 =	sand.u32 @!p1 $0x700, s11;
	[sflag:s12] =	ssyncset.done @!p0 $0x0  }
0x15b: {  	s13 =	sadd.s32 @!p2 $0x10E80, s13;
	s11 =	sadd.s32 @!p1 $0x10E80, s11;
	[sflag:s12] =	ssyncadd.s32 @!p0 $0xFFFFC000  }
0x15c: {  	[tilespmem:s15], [sflag:$0x2] =	stream.indirect.gather @!p2 [hbm4b:s1+s14], $0x80, s13, s14, $0xb8;
	[tilespmem:$0x19E80] =	vst v63  }
0x15d: {  	p0 =	seq.s32 s20, $0x1;
	s13 =	simm.s32 @!p1 $0x80;
	s14 =	simm.s32 @!p1 $0x11E80  }
0x15e: {  	[tilespmem:s14], [sflag:$0x1] =	stream.indirect.gather @!p1 [hbm4b:s1+s13], $0x80, s11, s13, $0xb8;
	[tilespmem:$0x19E80] =	vst v63  }
0x15f: {  	s11 =	simm.s32 @p0 $0x2  }
0x160: {  	s12 =	sand.u32 @p0 $0x780, s9;
	p1 =	sne.s32 s3, s10;
	_ =	swait.ge @p0 [sflag:s11], $0x4000  }
.Ltmp21:
0x161: {  	s12 =	sadd.s32 @p0 $0x11680, s12;
	[sflag:s11] =	ssyncset.done @p0 $0x0;
	(pc) =	sbr.rel @!p1 .LBB2_24-.Ltmp21, $4  }
0x162: {  	s13 =	simm.s32 @p0 $0x15E80;
	[sflag:s11] =	ssyncadd.s32 @p0 $0xFFFFC000;
	s11 =	simm.s32 @p0 $0x80  }
0x163: {  	[spmem:s2] =	stream.indirect.scatter.add.f32 @p0 [tilespmem:s13], [sflag:$0x6], $0x80, s12, s11, $0xb8;
	[tilespmem:$0x19E80] =	vst v63  }
0x164: {  	s11 =	sand.u32 @!p0 $0x700, s9  }
0x165: {  	s11 =	sadd.s32 @!p0 $0x11680, s11  }
.LBB2_23:
0x166: {  	s12 =	smov.u32 s10;
	s10 =	sadd.s32 $0x1, s10;
	s13 =	simm.s32 @!p0 $0x11E80  }
0x167: {  	s9 =	sadd.s32 $0x80, s9;
	s17 =	simm.s32 @!p0 $0x1;
	p3 =	sge.s32 s10, s3  }
0x168: {  	p5 =	sle.s32 @!p3 s12, s30;
	s14 =	sand.u32 @!p3 $0x1, s10;
	s15 =	sadd.s32 @!p3 $0x80, s9  }
0x169: {  	p2 =	por p5, p3;
	p1 =	seq.s32 @!p3 s14, $0x1;
	s14 =	simm.s32 @!p0 $0x80  }
0x16a: {  	s16 =	sand.u32 @!p2 $0x1, s12;
	p4 =	por !p1, p3;
	p1 =	por p1, p3  }
0x16b: {  	s18 =	simm.s32 @!p2 $0x5;
	p6 =	seq.s32 @!p2 s16, $0x1;
	s16 =	sand.u32 @!p4 $0x780, s15  }
0x16c: {  	p5 =	por @!p3 !p6, p5;
	s16 =	sadd.s32 @!p4 $0x10E80, s16;
	_ =	swait.ge @!p0 [sflag:s17], $0x4000  }
0x16d: {  	s12 =	sand.u32 $0x1, s12;
	p3 =	por !p5, p3;
	[sflag:s17] =	ssyncset.done @!p0 $0x0  }
0x16e: {  	s15 =	sand.u32 @!p1 $0x700, s15;
	s18 =	simm.s32 @!p3 $0x6;
	[sflag:s17] =	ssyncadd.s32 @!p0 $0xFFFFC000  }
0x16f: {  	[spmem:s2] =	stream.indirect.scatter.add.f32 @!p0 [tilespmem:s13], [sflag:$0x5], $0x80, s11, s14, $0xb8;
	[tilespmem:$0x19E80] =	vst v63  }
0x170: {  	p3 =	sne.s32 s3, s10;
	s11 =	sadd.s32 @!p1 $0x10E80, s15;
	_ =	swait.ge @!p2 [sflag:s18], $0x4000  }
0x171: {  	s13 =	simm.s32 @!p4 $0x80;
	s14 =	simm.s32 @!p4 $0x15E80;
	[sflag:s18] =	ssyncset.done @!p2 $0x0  }
0x172: {  	p0 =	seq.s32 s12, $0x1;
	[sflag:s18] =	ssyncadd.s32 @!p2 $0xFFFFC000  }
0x173: {  	[tilespmem:s14], [sflag:$0x2] =	stream.indirect.gather @!p4 [hbm4b:s1+s13], $0x80, s16, s13, $0xb8;
	[tilespmem:$0x19E80] =	vst v63  }
0x174: {  	s12 =	simm.s32 @p0 $0x2;
	s13 =	simm.s32 @!p1 $0x80;
	s14 =	simm.s32 @!p1 $0x11E80  }
0x175: {  	[tilespmem:s14], [sflag:$0x1] =	stream.indirect.gather @!p1 [hbm4b:s1+s13], $0x80, s11, s13, $0xb8;
	[tilespmem:$0x19E80] =	vst v63  }
.Ltmp22:
0x176: {  	s11 =	sand.u32 @p0 $0x780, s9;
	s13 =	sand.u32 @!p0 $0x700, s9;
	(pc) =	sbr.rel @p3 .LBB2_23-.Ltmp22, $4  }
0x177: {  	s14 =	sadd.s32 @p0 $0x11680, s11;
	s11 =	sadd.s32 @!p0 $0x11680, s13;
	_ =	swait.ge @p0 [sflag:s12], $0x4000  }
0x178: {  	[sflag:s12] =	ssyncset.done @p0 $0x0  }
0x179: {  	s13 =	simm.s32 @p0 $0x15E80;
	[sflag:s12] =	ssyncadd.s32 @p0 $0xFFFFC000;
	s12 =	simm.s32 @p0 $0x80  }
0x17a: {  	[spmem:s2] =	stream.indirect.scatter.add.f32 @p0 [tilespmem:s13], [sflag:$0x6], $0x80, s14, s12, $0xb8;
	[tilespmem:$0x19E80] =	vst v63  }
.Ltmp23:
0x17b: {  	_ = 	snop;
	(pc) =	sbr.rel .LBB2_24-.Ltmp23, $1  }
0x17c: {  	_ =	sdelay $0x3  }
.LBB2_27:
0x17d: {  	_ =	sfence.sel $0x180000  }
0x17e: {  	[bflag:$0x0] =	sbarrier.arrive $0xFFFF  }
0x17f: {  	_ =	strace $0x9000004A  }
0x180: {  	s0 =	stileid.u32;
	[bflag:$0x2] =	sbarrier.arrive $0xFFFF  }
0x181: {  	p0 =	sne.s32 s0, $0x0;
	s0 =	rddreg [dreg:$0x3]  }
0x182: {  	s0 =	sadd.s32 @!p0 $0x100000, s0  }
0x183: {  	[sflag:s0] =	ssyncadd.tile.s32 @!p0 $0x1;
	_ =	shalt  }
.Lfunc_end2:
_tile_overlayer_lowered:
.L_overlay_start_2:
0x184: {  	(tag) =	ssettag $0x2  }
0x185: {  	s0 =	rddreg [dreg:$0x0];
	s2 =	stileid.u32  }
0x186: {  	s1 =	rddreg [dreg:$0x1];
	p0 =	sne.s32 s2, $0x0  }
0x187: {  	s3 =	rddreg [dreg:$0x2];
	[bflag:$0x3] =	sbarrier.arrive $0xFFFF;
	s2 =	simm.s32 @!p0 $0x1C07  }
0x188: {  	[timem:s3], [sflag:s2] =	dma.local @!p0 [hbm:s0], s1  }
0x189: {  	s0 =	simm.s32 @!p0 $0x7  }
0x18a: {  	_ =	swait.ge @!p0 [sflag:s0], s1  }
0x18b: {  	s1 =	ssub.s32 @!p0 $0x0, s1;
	[sflag:s0] =	ssyncset.done @!p0 $0x0  }
0x18c: {  	[sflag:s0] =	ssyncadd.s32 @!p0 s1  }
0x18d: {  	[bflag:$0x3] =	sbarrier.arrive $0xFFFF  }
0x18e: {  	_ =	shalt  }

// kernel: kernel.13.cloned.1.call-start
scs
__scs_entry_jumppad:
0x0: {  	(pc) =	sbr.rel $0x88, $3  }
0x1: {  	(tag) =	ssettag $0x0;
	lr =	simm.s32 $0x1  }
0x2: {  	[smem:$0x3F94] =	sst lr;
	_ =	strace $0xD0000000  }
0x3: {  	_ = 	snop  }
0x4: {  	_ = 	snop  }
0x5: {  	_ = 	snop  }
0x6: {  	_ = 	snop  }
0x7: {  	_ = 	snop  }
__scs_overlays_trampoline_lowered:
0x8: {  	[smem:$0x3FA3] =	sst s0  }
0x9: {  	[smem:$0x3FA4] =	sst s1  }
0xa: {  	[smem:$0x3FA5] =	sst s2  }
0xb: {  	[smem:$0x3FA6] =	sst s3  }
0xc: {  	[smem:$0x3FA7] =	sst s4  }
0xd: {  	[smem:$0x3FA8] =	sst s5  }
0xe: {  	[smem:$0x3FA9] =	sst s6  }
0xf: {  	[smem:$0x3FAA] =	sst s7  }
0x10: {  	[smem:$0x3FAB] =	sst s8  }
0x11: {  	[smem:$0x3FAC] =	sst s9;
	s0 =	simm.s32 @!p0 $0x0  }
0x12: {  	s1 =	sld [smem:$0x3F92];
	s0 =	simm.s32 @p0 $0x1  }
0x13: {  	[smem:$0x3FAD] =	sst s0;
	s0 =	simm.s32 @!p1 $0x0  }
0x14: {  	s2 =	sld [smem:$0x3F91];
	s0 =	simm.s32 @p1 $0x1  }
0x15: {  	[smem:$0x3FAE] =	sst s0;
	s0 =	simm.s32 @!p2 $0x0  }
0x16: {  	s3 =	sld [smem:$0x3FDB];
	s0 =	simm.s32 @p2 $0x1  }
0x17: {  	s4 =	simm.s32 $0x1BF5;
	[smem:$0x3FB0] =	sst s0  }
0x18: {  	s0 =	sld [smem:$0x3F93];
	_ =	swait.ge [sflag:s4], $0x0  }
0x19: {  	s7 =	sld [smem:$0x3F94]  }
0x1a: {  	s8 =	sadd.s32 $0xFFFFE003, lr  }
0x1b: {  	s9 =	sadd.s32 $0xFFFFFEF7, lr;
	s5 =	simm.s32 $0xFFFFFFFF;
	p2 =	slt.u32 s8, $0xFFFFF086  }
0x1c: {  	p1 =	slt.u32 s9, $0xF7A;
	s5 =	simm.s32 @!p2 $0x0  }
0x1d: {  	s5 =	simm.s32 @p1 $0x1;
	p0 =	seq.s32 s7, s2  }
0x1e: {  	s7 =	smul.u32 @!p0 $0xF7A, s2;
	p2 =	seq.s32 @!p0 s5, $0x0  }
0x1f: {  	s9 =	smul.u32 $0xF7A, s1;
	s8 =	simm.s32 @!p0 $0x1BF5;
	p2 =	por !p2, p0  }
0x20: {  	[sflag:s8] =	ssyncset.s32 @!p0 $0xFFFFF086;
	s6 =	sadd.s32 @!p0 s3, s7;
	s7 =	simm.s32 @!p0 $0x108  }
0x21: {  	s3 =	sadd.s32 s3, s9;
	s6 =	sadd.s32 @!p0 $0x88, s6;
	s7 =	simm.s32 @p2 $0x1082  }
0x22: {  	[simem:s7], [sflag:s8] =	dma.local @!p0 [hbm:s6], $0xF7A  }
0x23: {  	s9 =	sor.u32 $0xD0000000, s2;
	s6 =	simm.s32 $0x108;
	_ =	swait.ge @!p0 [sflag:s8], $0x0  }
0x24: {  	s3 =	sadd.s32 $0x88, s3;
	s6 =	simm.s32 @!p1 $0x1082;
	[sflag:s4] =	ssyncset.s32 $0xFFFFF086  }
0x25: {  	[simem:s6], [sflag:s4] =	dma.local [hbm:s3], $0xF7A  }
0x26: {  	[smem:$0x3F94] =	sst s1;
	(tag) =	ssettag s2;
	_ =	strace s9  }
0x27: {  	s1 =	sld [smem:$0x3FA4]  }
0x28: {  	s2 =	sld [smem:$0x3FA5]  }
0x29: {  	s4 =	sld [smem:$0x3FA7]  }
0x2a: {  	p0 =	seq.s32 s5, $0x0;
	s5 =	sld [smem:$0x3FA8]  }
0x2b: {  	s6 =	sld [smem:$0x3FA9]  }
0x2c: {  	s7 =	sld [smem:$0x3FAA]  }
0x2d: {  	s3 =	simm.s32 $0x108;
	s8 =	sld [smem:$0x3FAB]  }
0x2e: {  	s3 =	simm.s32 @!p0 $0x1082;
	s9 =	sld [smem:$0x3FAC]  }
0x2f: {  	lr =	sadd.s32 s0, s3;
	s0 =	sld [smem:$0x3FA3]  }
0x30: {  	s3 =	sld [smem:$0x3FA6]  }
0x31: {  	[smem:$0x3FAF] =	sst s10  }
0x32: {  	s10 =	sld [smem:$0x3FAD];
	_ =	sdelay $0x3  }
0x33: {  	p0 =	seq.s32 s10, $0x1;
	s10 =	sld [smem:$0x3FAF];
	_ =	sdelay $0x3  }
0x34: {  	[smem:$0x3FAF] =	sst s10  }
0x35: {  	s10 =	sld [smem:$0x3FAE];
	_ =	sdelay $0x3  }
0x36: {  	p1 =	seq.s32 s10, $0x1;
	s10 =	sld [smem:$0x3FAF];
	_ =	sdelay $0x3  }
0x37: {  	[smem:$0x3FAF] =	sst s10  }
0x38: {  	s10 =	sld [smem:$0x3FB0]  }
0x39: {  	_ = 	snop;
	(pc) =	sbr.ind lr, $3  }
0x3a: {  	_ = 	snop  }
0x3b: {  	_ = 	snop  }
0x3c: {  	p2 =	seq.s32 s10, $0x1;
	s10 =	sld [smem:$0x3FAF]  }
0x3d: {  	_ =	shalt  }
0x3e: {  	_ =	shalt  }
0x3f: {  	_ =	shalt  }
0x40: {  	_ =	shalt  }
0x41: {  	_ =	shalt  }
0x42: {  	_ =	shalt  }
0x43: {  	_ =	shalt  }
0x44: {  	_ =	shalt  }
0x45: {  	_ =	shalt  }
0x46: {  	_ =	shalt  }
0x47: {  	_ =	shalt  }
0x48: {  	_ =	shalt  }
0x49: {  	_ =	shalt  }
0x4a: {  	_ =	shalt  }
0x4b: {  	_ =	shalt  }
0x4c: {  	_ =	shalt  }
0x4d: {  	_ =	shalt  }
0x4e: {  	_ =	shalt  }
0x4f: {  	_ =	shalt  }
0x50: {  	_ =	shalt  }
0x51: {  	_ =	shalt  }
0x52: {  	_ =	shalt  }
0x53: {  	_ =	shalt  }
0x54: {  	_ =	shalt  }
0x55: {  	_ =	shalt  }
0x56: {  	_ =	shalt  }
0x57: {  	_ =	shalt  }
0x58: {  	_ =	shalt  }
0x59: {  	_ =	shalt  }
0x5a: {  	_ =	shalt  }
0x5b: {  	_ =	shalt  }
0x5c: {  	_ =	shalt  }
0x5d: {  	_ =	shalt  }
0x5e: {  	_ =	shalt  }
0x5f: {  	_ =	shalt  }
0x60: {  	_ =	shalt  }
0x61: {  	_ =	shalt  }
0x62: {  	_ =	shalt  }
0x63: {  	_ =	shalt  }
0x64: {  	_ =	shalt  }
0x65: {  	_ =	shalt  }
0x66: {  	_ =	shalt  }
0x67: {  	_ =	shalt  }
0x68: {  	_ =	shalt  }
0x69: {  	_ =	shalt  }
0x6a: {  	_ =	shalt  }
0x6b: {  	_ =	shalt  }
0x6c: {  	_ =	shalt  }
0x6d: {  	_ =	shalt  }
0x6e: {  	_ =	shalt  }
0x6f: {  	_ =	shalt  }
0x70: {  	_ =	shalt  }
0x71: {  	_ =	shalt  }
0x72: {  	_ =	shalt  }
0x73: {  	_ =	shalt  }
0x74: {  	_ =	shalt  }
0x75: {  	_ =	shalt  }
0x76: {  	_ =	shalt  }
0x77: {  	_ =	shalt  }
0x78: {  	_ =	shalt  }
0x79: {  	_ =	shalt  }
0x7a: {  	_ =	shalt  }
0x7b: {  	_ =	shalt  }
0x7c: {  	_ =	shalt  }
0x7d: {  	_ =	shalt  }
0x7e: {  	_ =	shalt  }
0x7f: {  	_ =	shalt  }
0x80: {  	_ =	shalt  }
0x81: {  	_ =	shalt  }
0x82: {  	_ =	shalt  }
0x83: {  	_ =	shalt  }
0x84: {  	_ =	shalt  }
0x85: {  	_ =	shalt  }
0x86: {  	_ =	shalt  }
0x87: {  	_ =	shalt  }
.Lfunc_end0:
.L_simem_size_0:
called_computation.2_lowered:
.L_overlay_start_0:
0x88: {  	s2 =	sld [smem:$0x3FD9]  }
0x89: {  	s3 =	sld [smem:$0x3FFE];
	_ =	sdelay $0x1  }
0x8a: {  	s1 =	srdreg.scid  }
0x8b: {  	s0 =	sand.u32 $0x1, s1  }
0x8c: {  	s17 =	sshll.u32 s0, $0xA;
	s2 =	sadd.s32 s3, s2  }
0x8d: {  	s2 =	sadd.s32 s2, s17  }
0x8e: {  	[smem:$0x3FBB] =	sst s2  }
0x8f: {  	_ = 	snop  }
0x90: {  	s2 =	sld [smem:$0x3FD0];
	(tm) =	ssettm $0x1  }
0x91: {  	s18 =	sld [smem:$0x3FFB];
	_ =	sdelay $0x3  }
0x92: {  	_ =	strace s18  }
0x93: {  	s3 =	sld [smem:$0x3FFC];
	_ =	sdelay $0x3  }
0x94: {  	_ =	strace s3  }
0x95: {  	s3 =	sld [smem:$0x3FFD];
	_ =	sdelay $0x3  }
0x96: {  	_ =	strace s3  }
0x97: {  	_ =	strace $0x8FFFFFFF  }
0x98: {  	s19 =	sld [smem:$0x3FDB];
	_ =	sdelay $0x1  }
0x99: {  	s4 =	simm.s32 $_scs_section_size  }
0x9a: {  	s5 =	simm.s32 $_size__tile_overlayer_lowered;
	s6 =	simm.s32 $_tile_overlayer_lowered  }
0x9b: {  	s22 =	simm.s32 $0x1BFF;
	s21 =	sshll.u32 s6, $0x1;
	s3 =	sadd.s32 s4, s19  }
0x9c: {  	s7 =	simm.s32 $0x0;
	s20 =	sshll.u32 s5, $0x1;
	s5 =	sadd.s32 s21, s3  }
0x9d: {  	[timem:s7], [sflag:s22] =	dma.local [hbm:s5], s20  }
0x9e: {  	_ =	swait.ge [sflag:s22], s20  }
0x9f: {  	s4 =	ssub.s32 $0x0, s20;
	[sflag:s22] =	ssyncset.done $0x0  }
0xa0: {  	[sflag:s22] =	ssyncadd.s32 s4;
	_ =	sdelay $0x1  }
0xa1: {  	s23 =	simm.s32 $0x1B8B  }
0xa2: {  	_ =	swait.ge [sflag:s23], $0x1  }
0xa3: {  	[sflag:s23] =	ssyncset.done $0x0  }
0xa4: {  	s25 =	simm.s32 $0x1B8E;
	s24 =	sld [smem:$0x3FFE];
	[sflag:s23] =	ssyncadd.s32 $0xFFFFFFFF  }
0xa5: {  	s26 =	simm.s32 $execute0_lowered;
	[smem:$0x3FD2] =	sst s25  }
0xa6: {  	s5 =	sshll.u32 s26, $0x1;
	_ =	strace $0x8000004C;
	[dreg:$0x1] =	wrdreg $0xFFFFFFFF  }
0xa7: {  	s28 =	simm.s32 $_size_execute0_lowered;
	s3 =	sadd.s32 s3, s5;
	[dreg:$0x0] =	wrdreg $0x0  }
0xa8: {  	s5 =	sshll.u32 s28, $0x1;
	[dreg:$0x2] =	wrdreg s3  }
0xa9: {  	[dreg:$0x3] =	wrdreg s5  }
0xaa: {  	[dreg:$0x4] =	wrdreg $0xC0  }
0xab: {  	_ =	task [dreg:s7], $0x5FFFF  }
0xac: {  	[dreg:$0x1] =	wrdreg $0xFFFFFFFF  }
0xad: {  	[dreg:$0x0] =	wrdreg $0x60  }
0xae: {  	[dreg:$0x2] =	wrdreg s2  }
0xaf: {  	[dreg:$0x3] =	wrdreg s24  }
0xb0: {  	[dreg:$0x4] =	wrdreg $0x0  }
0xb1: {  	[dreg:$0x5] =	wrdreg $0x9  }
0xb2: {  	_ =	task.clear_ibuf [dreg:s7], $0x6FFFF;
	_ =	strace $0x9000004C  }
0xb3: {  	s29 =	simm.s32 $0x9;
	_ =	strace $0x8000004E  }
0xb4: {  	_ =	swait.ge [sflag:s29], $0x1  }
0xb5: {  	[sflag:s29] =	ssyncadd.s32 $0xFFFFFFFF  }
0xb6: {  	_ =	strace $0x9000004E  }
0xb7: {  	_ =	sfence  }
0xb8: {  	s30 =	sld [smem:$0x0];
	_ =	sdelay $0x2  }
0xb9: {  	s31 =	sshll.u32 s1, $0xD;
	s1 =	sshrl.u32 s1, $0x2  }
0xba: {  	s3 =	sand.u32 $0x4000, s31;
	s1 =	sadd.s32 s1, s30  }
0xbb: {  	s0 =	sor.u32 s3, s0;
	s1 =	sshll.u32 s1, $0x11  }
0xbc: {  	s0 =	sor.u32 s1, s0  }
0xbd: {  	s0 =	sadd.s32 $0x8F2B, s0  }
0xbe: {  	[sflag:s0] =	ssyncadd.remote.s32 $0x1  }
0xbf: {  	_ =	sfence.sel $0xFFFF  }
0xc0: {  	[dreg:$0x0] =	wrdreg $0xFFFFFFFF;
	(pc) =	sbr.abs _section_cstart, $3  }
0xc1: {  	[dreg:$0x1] =	wrdreg $0xFFFFFFFF  }
0xc2: {  	_ =	task.clear_ibuf [dreg:s7], $0x2FFFF;
	_ =	strace $0x9FFFFFFF  }
0xc3: {  	(tm) =	ssettm $0x7FFFFFFF  }
tec
execute0_lowered:
.L_overlay_start_1:
0x0: {  	(tag) =	ssettag $0x1  }
0x1: {  	s1 =	rddreg [dreg:$0x0]  }
0x2: {  	s0 =	rddreg [dreg:$0x1]  }
0x3: {  	s2 =	rddreg [dreg:$0x2];
	s4 =	simm.s32 $0x0  }
0x4: {  	s11 =	stileid.u32;
	s3 =	srdreg.scid;
	s28 =	simm.s32 $0x10400  }
0x5: {  	s29 =	simm.s32 $0x10B00;
	[smem:$0x7FF] =	sst s4;
	s3 =	sand.u32 $0x1, s3  }
0x6: {  	s8 =	sshll.u32 s11, $0x10;
	s9 =	ssub.s32 $0x2, s3;
	s3 =	smul.u32 $0x5, s3  }
0x7: {  	s5 =	sadd.s32 $0xC400, s0;
	s6 =	sadd.s32 $0x2600, s0;
	s8 =	sadd.s32 s8, s2  }
0x8: {  	_ =	strace $0x8000004D;
	s18 =	sadd.s32 $0x2000, s8;
	[dreg:$0x4] =	wrdreg s3  }
0x9: {  	s7 =	sshll.u32 s11, $0xD;
	s19 =	sadd.s32 $0x4000, s8;
	[dreg:$0x5] =	wrdreg s18  }
0xa: {  	s30 =	sshll.u32 s11, $0x4;
	s20 =	sadd.s32 $0x6000, s8;
	[dreg:$0x6] =	wrdreg s19  }
0xb: {  	s0 =	sadd.s32 s7, s0;
	s21 =	sadd.s32 $0x8000, s8;
	[dreg:$0x7] =	wrdreg s20  }
0xc: {  	s7 =	smul.u32 $0x4E20, s11;
	s22 =	sadd.s32 $0xA000, s8;
	[dreg:$0x8] =	wrdreg s21  }
0xd: {  	s10 =	sshrl.u32 s9, $0x1;
	s23 =	sadd.s32 $0xC000, s8;
	[dreg:$0x9] =	wrdreg s22  }
0xe: {  	s25 =	sadd.s32 $0xE000, s8;
	s0 =	sadd.s32 $0x16200, s0;
	[dreg:$0xa] =	wrdreg s23  }
0xf: {  	s9 =	ssub.s32 s9, s10;
	s24 =	sshrl.u32 s7, $0x3;
	[dreg:$0xb] =	wrdreg s25  }
.Ltmp0:
0x10: {  	[dreg:$0xe] =	wrdreg s0;
	s21 =	simm.s32 $0x11E80;
	(pc) =	sbr.rel .LBB2_1-.Ltmp0, $4  }
0x11: {  	v0 =	vlaneseq.u32;
	v2 =	vimm.f32 $0.0e+00;
	v3 =	vimm.s32 $0x0;
	s22 =	simm.s32 $0x7;
	s23 =	simm.s32 $0x10080;
	s26 =	sadd.s32 s5, s24  }
0x12: {  	v4 =	vor.u32 $0x2000, v0;
	v5 =	vor.u32 $0x10, v0;
	v6 =	vor.u32 $0x20, v0;
	s25 =	simm.s32 $0x10E80;
	s3 =	sadd.s32 s6, s24;
	[dreg:$0xc] =	wrdreg s26  }
0x13: {  	v7 =	vor.u32 $0x30, v0;
	v8 =	vor.u32 $0x40, v0;
	v9 =	vor.u32 $0x50, v0;
	s31 =	smax.u32 s9, $0x1;
	s24 =	simm.s32 $0x10780;
	[dreg:$0xd] =	wrdreg s3  }
0x14: {  	v10 =	vor.u32 $0x60, v0;
	v11 =	vor.u32 $0x70, v0;
	v1 =	vor.u32 s30, v0;
	[dreg:$0xf] =	wrdreg s31;
	s26 =	simm.s32 $0x11680;
	s3 =	simm.s32 $0x0  }
.LBB2_26:
0x15: {  	s3 =	rddreg [dreg:$0x10]  }
0x16: {  	s0 =	rddreg [dreg:$0xf];
	s3 =	sadd.s32 $0x1, s3  }
0x17: {  	p0 =	sne.s32 s3, s0  }
.Ltmp1:
0x18: {  	_ = 	snop;
	(pc) =	sbr.rel @!p0 .LBB2_27-.Ltmp1, $1  }
0x19: {  	_ =	sdelay $0x3  }
.LBB2_1:
.Ltmp2:
0x1a: {  	(pc) =	sbr.rel .LBB2_2-.Ltmp2, $2  }
0x1b: {  	_ =	sdelay $0x2  }
0x1c: {  	[dreg:$0x10] =	wrdreg s3;
	s31 =	simm.s32 $0x0  }
.LBB2_24:
0x1d: {  	s9 =	simm.s32 @!p0 $0x1  }
0x1e: {  	_ =	swait.ge @!p0 [sflag:s9], $0x4000  }
0x1f: {  	s10 =	simm.s32 @!p0 $0x11E80;
	s19 =	sadd.s32 $0xFFFFFFFF, s3;
	[sflag:s9] =	ssyncset.done @!p0 $0x0  }
0x20: {  	s12 =	simm.s32 @!p0 $0x80;
	s20 =	sand.u32 $0x1, s19;
	[sflag:s9] =	ssyncadd.s32 @!p0 $0xFFFFC000  }
0x21: {  	[spmem:s2] =	stream.indirect.scatter.add.f32 @!p0 [tilespmem:s10], [sflag:$0x5], $0x80, s11, s12, $0xb8;
	[tilespmem:$0x19E80] =	vst v63  }
0x22: {  	p1 =	sle.s32 s19, s30;
	p0 =	seq.s32 s20, $0x1;
	s10 =	simm.s32 $0x6  }
0x23: {  	s3 =	sand.u32 @!p1 $0x1, s3;
	s10 =	simm.s32 @!p0 $0x5  }
0x24: {  	p0 =	seq.s32 @!p1 s3, $0x1;
	_ =	swait.ge [sflag:s10], $0x4000  }
0x25: {  	s3 =	simm.s32 @!p1 $0x6;
	p0 =	por !p0, p1;
	[sflag:s10] =	ssyncset.done $0x0  }
0x26: {  	s3 =	simm.s32 @p0 $0x5;
	[sflag:s10] =	ssyncadd.s32 $0xFFFFC000  }
0x27: {  	_ =	swait.ge @!p1 [sflag:s3], $0x4000  }
0x28: {  	[sflag:s3] =	ssyncset.done @!p1 $0x0  }
0x29: {  	[sflag:s3] =	ssyncadd.s32 @!p1 $0xFFFFC000  }
.LBB2_25:
0x2a: {  	[bflag:$0x0] =	sbarrier.arrive $0xFFFF;
	s0 =	sshll.u32 s0, $0x11  }
0x2b: {  	s3 =	stileid.u32;
	s30 =	sshrl.u32 s8, $0x3;
	s31 =	sadd.s32 $0x1, s31  }
0x2c: {  	s3 =	sshll.u32 s3, $0x6;
	s9 =	rddreg [dreg:$0xe];
	p0 =	sne.s32 s31, $0x5  }
.Ltmp3:
0x2d: {  	s0 =	sadd.s32 s0, s9;
	s3 =	sor.u32 $0x1C07, s3;
	(pc) =	sbr.rel @!p0 .LBB2_26-.Ltmp3, $4  }
0x2e: {  	[hbm:s0], [sflag:s3] =	dma.local [spmem:s30], $0x2000  }
0x2f: {  	_ =	swait.ge [sflag:s22], $0x2000  }
0x30: {  	[sflag:s22] =	ssyncset.done $0x0  }
0x31: {  	[sflag:s22] =	ssyncadd.s32 $0xFFFFE000  }
.LBB2_2:
0x32: {  	s0 =	simm.s32 $0x0;
	s3 =	simm.s32 $0x200  }
.LBB2_3:
0x33: {  	p0 =	sne.s32 s3, $0x7E00;
	[tilespmem:s0+$0x11EF0] =	vst v2  }
0x34: {  	[tilespmem:s0+$0x11E80] =	vst v2  }
0x35: {  	[tilespmem:s0+$0x11E90] =	vst v2  }
.Ltmp4:
0x36: {  	[tilespmem:s0+$0x11EA0] =	vst v2;
	(pc) =	sbr.rel @p0 .LBB2_3-.Ltmp4, $4  }
0x37: {  	[tilespmem:s0+$0x11EB0] =	vst v2  }
0x38: {  	[tilespmem:s0+$0x11EC0] =	vst v2  }
0x39: {  	[tilespmem:s0+$0x11ED0] =	vst v2  }
0x3a: {  	[tilespmem:s0+$0x11EE0] =	vst v2;
	s0 =	sshra.s32 s3, $0x2;
	s3 =	sadd.s32 $0x200, s3  }
0x3b: {  	[tilespmem:s0+$0x11EF0] =	vst v2  }
0x3c: {  	[tilespmem:s0+$0x11E80] =	vst v2  }
0x3d: {  	[tilespmem:s0+$0x11E90] =	vst v2  }
0x3e: {  	[tilespmem:s0+$0x11EA0] =	vst v2  }
0x3f: {  	[tilespmem:s0+$0x11EB0] =	vst v2  }
0x40: {  	[tilespmem:s0+$0x11EC0] =	vst v2  }
0x41: {  	[tilespmem:s0+$0x11ED0] =	vst v2  }
0x42: {  	[tilespmem:s0+$0x11EE0] =	vst v2  }
0x43: {  	[spmem:s8] =	stream.linear.scatter [tilespmem:s21], [sflag:$0x7], $0x2000, $0x38;
	[tilespmem:$0x19E80] =	vst v63  }
0x44: {  	_ =	swait.ge [sflag:s22], $0x2000  }
0x45: {  	[sflag:s22] =	ssyncset.done $0x0  }
0x46: {  	s12 =	rddreg [dreg:$0x5];
	[sflag:s22] =	ssyncadd.s32 $0xFFFFE000  }
0x47: {  	[spmem:s12] =	stream.linear.scatter [tilespmem:s21], [sflag:$0x7], $0x2000, $0x38;
	[tilespmem:$0x19E80] =	vst v63  }
0x48: {  	_ =	swait.ge [sflag:s22], $0x2000  }
0x49: {  	[sflag:s22] =	ssyncset.done $0x0  }
0x4a: {  	s13 =	rddreg [dreg:$0x6];
	[sflag:s22] =	ssyncadd.s32 $0xFFFFE000  }
0x4b: {  	[spmem:s13] =	stream.linear.scatter [tilespmem:s21], [sflag:$0x7], $0x2000, $0x38;
	[tilespmem:$0x19E80] =	vst v63  }
0x4c: {  	_ =	swait.ge [sflag:s22], $0x2000  }
0x4d: {  	[sflag:s22] =	ssyncset.done $0x0  }
0x4e: {  	s14 =	rddreg [dreg:$0x7];
	[sflag:s22] =	ssyncadd.s32 $0xFFFFE000  }
0x4f: {  	[spmem:s14] =	stream.linear.scatter [tilespmem:s21], [sflag:$0x7], $0x2000, $0x38;
	[tilespmem:$0x19E80] =	vst v63  }
0x50: {  	_ =	swait.ge [sflag:s22], $0x2000  }
0x51: {  	[sflag:s22] =	ssyncset.done $0x0  }
0x52: {  	s15 =	rddreg [dreg:$0x8];
	[sflag:s22] =	ssyncadd.s32 $0xFFFFE000  }
0x53: {  	[spmem:s15] =	stream.linear.scatter [tilespmem:s21], [sflag:$0x7], $0x2000, $0x38;
	[tilespmem:$0x19E80] =	vst v63  }
0x54: {  	_ =	swait.ge [sflag:s22], $0x2000  }
0x55: {  	[sflag:s22] =	ssyncset.done $0x0  }
0x56: {  	s16 =	rddreg [dreg:$0x9];
	[sflag:s22] =	ssyncadd.s32 $0xFFFFE000  }
0x57: {  	[spmem:s16] =	stream.linear.scatter [tilespmem:s21], [sflag:$0x7], $0x2000, $0x38;
	[tilespmem:$0x19E80] =	vst v63  }
0x58: {  	_ =	swait.ge [sflag:s22], $0x2000  }
0x59: {  	[sflag:s22] =	ssyncset.done $0x0  }
0x5a: {  	s17 =	rddreg [dreg:$0xa];
	[sflag:s22] =	ssyncadd.s32 $0xFFFFE000  }
0x5b: {  	[spmem:s17] =	stream.linear.scatter [tilespmem:s21], [sflag:$0x7], $0x2000, $0x38;
	[tilespmem:$0x19E80] =	vst v63  }
0x5c: {  	_ =	swait.ge [sflag:s22], $0x2000  }
0x5d: {  	[sflag:s22] =	ssyncset.done $0x0  }
0x5e: {  	s18 =	rddreg [dreg:$0xb];
	[sflag:s22] =	ssyncadd.s32 $0xFFFFE000  }
0x5f: {  	[spmem:s18] =	stream.linear.scatter [tilespmem:s21], [sflag:$0x7], $0x2000, $0x38;
	[tilespmem:$0x19E80] =	vst v63  }
0x60: {  	_ =	swait.ge [sflag:s22], $0x2000  }
0x61: {  	[sflag:s22] =	ssyncset.done $0x0  }
0x62: {  	[sflag:s22] =	ssyncadd.s32 $0xFFFFE000  }
0x63: {  	[bflag:$0x0] =	sbarrier.arrive $0xFFFF  }
0x64: {  	s3 =	simm.s32 $0x0;
	s19 =	rddreg [dreg:$0xc]  }
0x65: {  	[tilespmem:s23], [sflag:$0x3] =	stream.linear.gather [hbm4b:s19+s3], $0x320, $0x38;
	[tilespmem:$0x19E80] =	vst v63  }
.Ltmp5:
0x66: {  	s20 =	rddreg [dreg:$0x4];
	(pc) =	sbr.rel .LBB2_5-.Ltmp5, $4  }
0x67: {  	s0 =	sadd.s32 s20, s31  }
0x68: {  	s9 =	rddreg [dreg:$0xd];
	s30 =	sshll.u32 s0, $0xD  }
0x69: {  	[tilespmem:s24], [sflag:$0x3] =	stream.linear.gather [hbm4b:s9+s3], $0x320, $0x38;
	[tilespmem:$0x19E80] =	vst v63  }
0x6a: {  	s20 =	simm.s32 $0x0;
	v12 =	vmov s30;
	s9 =	simm.s32 $0x0  }
.LBB2_19:
0x6b: {  	s10 =	simm.s32 @!p0 $0x1  }
0x6c: {  	_ =	swait.ge @!p0 [sflag:s10], $0x4000  }
0x6d: {  	s11 =	simm.s32 @!p0 $0x11E80;
	s18 =	sadd.s32 $0xFFFFFFFF, s30;
	[sflag:s10] =	ssyncset.done @!p0 $0x0  }
0x6e: {  	s13 =	simm.s32 @!p0 $0x80;
	s19 =	sand.u32 $0x1, s18;
	[sflag:s10] =	ssyncadd.s32 @!p0 $0xFFFFC000  }
0x6f: {  	[spmem:s2] =	stream.indirect.scatter.add.f32 @!p0 [tilespmem:s11], [sflag:$0x5], $0x80, s12, s13, $0xb8;
	[tilespmem:$0x19E80] =	vst v63  }
0x70: {  	p1 =	sle.s32 s18, s3;
	p0 =	seq.s32 s19, $0x1;
	s11 =	simm.s32 $0x6  }
0x71: {  	s3 =	sand.u32 @!p1 $0x1, s30;
	s11 =	simm.s32 @!p0 $0x5  }
0x72: {  	p0 =	seq.s32 @!p1 s3, $0x1;
	_ =	swait.ge [sflag:s11], $0x4000  }
0x73: {  	s3 =	simm.s32 @!p1 $0x6;
	p0 =	por !p0, p1;
	[sflag:s11] =	ssyncset.done $0x0  }
0x74: {  	s3 =	simm.s32 @p0 $0x5;
	[sflag:s11] =	ssyncadd.s32 $0xFFFFC000  }
0x75: {  	_ =	swait.ge @!p1 [sflag:s3], $0x4000  }
0x76: {  	[sflag:s3] =	ssyncset.done @!p1 $0x0  }
0x77: {  	[sflag:s3] =	ssyncadd.s32 @!p1 $0xFFFFC000  }
.LBB2_20:
0x78: {  	p0 =	sne.s32 s9, $0x19  }
.Ltmp6:
0x79: {  	_ = 	snop;
	(pc) =	sbr.rel @!p0 .LBB2_21-.Ltmp6, $2  }
0x7a: {  	_ =	sdelay $0x2  }
0x7b: {  	s3 =	smov.u32 s30  }
.LBB2_5:
0x7c: {  	s10 =	sand.u32 $0x1, s9  }
0x7d: {  	p0 =	seq.s32 s10, $0x0;
	s10 =	simm.s32 $0x3  }
0x7e: {  	s10 =	simm.s32 @!p0 $0x4  }
0x7f: {  	p1 =	seq.s32 s9, $0x18;
	_ =	swait.ge [sflag:s10], $0x320  }
.Ltmp7:
0x80: {  	[sflag:s10] =	ssyncset.done $0x0;
	(pc) =	sbr.rel @!p1 .LBB2_6-.Ltmp7, $4  }
0x81: {  	[sflag:s10] =	ssyncadd.s32 $0xFFFFFCE0  }
0x82: {  	_ =	swait.ge [sflag:s10], $0x320  }
0x83: {  	[sflag:s10] =	ssyncset.done $0x0  }
0x84: {  	s9 =	sadd.s32 $0x1, s9;
	[sflag:s10] =	ssyncadd.s32 $0xFFFFFCE0  }
.LBB2_13:
0x85: {  	s10 =	simm.s32 $0x0  }
0x86: {  	v13 =	vld [tilespmem:s10+$0x10080];
	_ =	sdelay $0x4  }
0x87: {  	v13 =	vsub.s32 v13, v12  }
0x88: {  	vm0 =	vlt.u32 v13, $0x2000  }
0x89: {  	v14 =	vsel vm0, $0x1, v3  }
0x8a: {  	(xrf0) =	vadd.scan.msk.s32 $0xffff, v14;
	_ =	sdelay $0x4  }
0x8b: {  	v14 =	vsel vm0, $0xFFFFFFFF, v3  }
0x8c: {  	v14 =	vadd.s32 s20, v14;
	v15, _, _ =	vpop (xrf0)  }
0x8d: {  	v14 =	vadd.s32 v15, v14;
	(v2sf) =	vpush v15, $0xF  }
0x8e: {  	v16 =	vld [tilespmem:s10+$0x10780];
	v14 =	vand.u32 $0x7FF, v14;
	_ =	sdelay $0x4  }
0x8f: {  	[tilespmem:v14+s25+$0x0] =	vst.idx.msk vm0, v16  }
0x90: {  	s11 =	simm.s32 $0x80;
	s10 =	simm.s32 $0x10;
	[tilespmem:v14+s26+$0x0] =	vst.idx.msk vm0, v13  }
.LBB2_14:
0x91: {  	p0 =	seq.s32 s11, $0xC40;
	v13 =	vld [tilespmem:s10+$0x10080];
	_ =	sdelay $0x4  }
0x92: {  	v13 =	vsub.s32 v13, v12  }
0x93: {  	vm0 =	vlt.u32 v13, $0x2000  }
0x94: {  	v14 =	vsel vm0, $0xFFFFFFFF, v3;
	v15 =	vsel vm0, $0x1, v3;
	s12 =	spop (v2sf)  }
0x95: {  	(xrf0) =	vadd.scan.msk.s32 $0xffff, v15;
	s20 =	sadd.s32 s20, s12  }
0x96: {  	v14 =	vadd.s32 s20, v14;
	_ =	sdelay $0x4  }
0x97: {  	v15, _, _ =	vpop (xrf0)  }
0x98: {  	v14 =	vadd.s32 v15, v14;
	(v2sf) =	vpush v15, $0xF  }
0x99: {  	v15 =	vld [tilespmem:s10+$0x10780];
	v14 =	vand.u32 $0x7FF, v14;
	_ =	sdelay $0x1  }
.Ltmp8:
0x9a: {  	(pc) =	sbr.rel @!p0 .LBB2_14-.Ltmp8, $3  }
0x9b: {  	_ =	sdelay $0x1  }
0x9c: {  	[tilespmem:v14+s25+$0x0] =	vst.idx.msk vm0, v15  }
0x9d: {  	s10 =	sshra.s32 s11, $0x2;
	s11 =	sadd.s32 $0x40, s11;
	[tilespmem:v14+s26+$0x0] =	vst.idx.msk vm0, v13  }
0x9e: {  	v13 =	vld [tilespmem:s10+$0x10080];
	_ =	sdelay $0x4  }
0x9f: {  	v13 =	vsub.s32 v13, v12  }
0xa0: {  	vm0 =	vlt.u32 v13, $0x2000  }
0xa1: {  	v14 =	vsel vm0, $0x1, v3  }
0xa2: {  	(xrf0) =	vadd.scan.msk.s32 $0xffff, v14;
	_ =	sdelay $0x5  }
0xa3: {  	v14, _, _ =	vpop (xrf0)  }
0xa4: {  	(v2sf) =	vpush v14, $0xF;
	_ =	sdelay $0x5  }
0xa5: {  	s11 =	spop (v2sf)  }
0xa6: {  	v15 =	vsel vm0, $0xFFFFFFFF, v3;
	s11 =	sadd.s32 s20, s11  }
0xa7: {  	v15 =	vadd.s32 s11, v15  }
0xa8: {  	v14 =	vadd.s32 v14, v15  }
0xa9: {  	v15 =	vld [tilespmem:s10+$0x10780];
	v14 =	vand.u32 $0x7FF, v14;
	_ =	sdelay $0x1  }
.Ltmp9:
0xaa: {  	_ = 	snop;
	(pc) =	sbr.rel .LBB2_16-.Ltmp9, $3  }
0xab: {  	_ =	sdelay $0x1  }
0xac: {  	[tilespmem:v14+s25+$0x0] =	vst.idx.msk vm0, v15;
	s30 =	spop (v2sf)  }
0xad: {  	[tilespmem:v14+s26+$0x0] =	vst.idx.msk vm0, v13;
	s20 =	sadd.s32 s11, s30  }
.LBB2_6:
0xae: {  	s11 =	sand.u32 $0x1, s9  }
0xaf: {  	s10 =	smul.u32 $0x320, s9;
	p1 =	seq.s32 s11, $0x0  }
.Ltmp10:
0xb0: {  	_ = 	snop;
	(pc) =	sbr.rel @p1 .LBB2_11-.Ltmp10, $4  }
0xb1: {  	_ = 	snop  }
0xb2: {  	s10 =	sadd.s32 s7, s10  }
0xb3: {  	s10 =	sshrl.u32 s10, $0x3  }
0xb4: {  	s11 =	sadd.s32 s5, s10;
	s10 =	sadd.s32 s6, s10  }
.Ltmp11:
0xb5: {  	(pc) =	sbr.rel @p0 .LBB2_13-.Ltmp11, $4  }
.Ltmp12:
0xb6: {  	(pc) =	sbr.rel @!p0 .LBB2_8-.Ltmp12, $4  }
0xb7: {  	[tilespmem:s28], [sflag:$0x4] =	stream.linear.gather [hbm4b:s11+s4], $0x320, $0x38;
	[tilespmem:$0x19E80] =	vst v63  }
0xb8: {  	_ = 	snop  }
0xb9: {  	[tilespmem:s29], [sflag:$0x4] =	stream.linear.gather [hbm4b:s10+s4], $0x320, $0x38;
	[tilespmem:$0x19E80] =	vst v63  }
0xba: {  	_ = 	snop  }
.LBB2_11:
.Ltmp13:
0xbb: {  	(pc) =	sbr.rel @!p0 .LBB2_8-.Ltmp13, $4  }
0xbc: {  	_ = 	snop  }
0xbd: {  	[tilespmem:s23], [sflag:$0x3] =	stream.linear.gather [hbm4b:s11+s4], $0x320, $0x38;
	[tilespmem:$0x19E80] =	vst v63  }
0xbe: {  	_ = 	snop  }
0xbf: {  	[tilespmem:s24], [sflag:$0x3] =	stream.linear.gather [hbm4b:s10+s4], $0x320, $0x38;
	[tilespmem:$0x19E80] =	vst v63  }
.Ltmp14:
0xc0: {  	(pc) =	sbr.rel .LBB2_13-.Ltmp14, $4  }
0xc1: {  	_ = 	snop  }
0xc2: {  	[tilespmem:s28], [sflag:$0x4] =	stream.linear.gather [hbm4b:s11+s4], $0x320, $0x38;
	[tilespmem:$0x19E80] =	vst v63  }
0xc3: {  	_ = 	snop  }
0xc4: {  	[tilespmem:s29], [sflag:$0x4] =	stream.linear.gather [hbm4b:s10+s4], $0x320, $0x38;
	[tilespmem:$0x19E80] =	vst v63  }
.LBB2_8:
0xc5: {  	s10 =	simm.s32 $0x0  }
0xc6: {  	v13 =	vld [tilespmem:s10+$0x10400];
	_ =	sdelay $0x4  }
0xc7: {  	v13 =	vsub.s32 v13, v12  }
0xc8: {  	vm0 =	vlt.u32 v13, $0x2000  }
0xc9: {  	v14 =	vsel vm0, $0x1, v3  }
0xca: {  	(xrf0) =	vadd.scan.msk.s32 $0xffff, v14;
	_ =	sdelay $0x4  }
0xcb: {  	v14 =	vsel vm0, $0xFFFFFFFF, v3  }
0xcc: {  	v14 =	vadd.s32 s20, v14;
	v15, _, _ =	vpop (xrf0)  }
0xcd: {  	v14 =	vadd.s32 v15, v14;
	(v2sf) =	vpush v15, $0xF  }
0xce: {  	v16 =	vld [tilespmem:s10+$0x10B00];
	v14 =	vand.u32 $0x7FF, v14;
	_ =	sdelay $0x4  }
0xcf: {  	[tilespmem:v14+s25+$0x0] =	vst.idx.msk vm0, v16  }
0xd0: {  	s11 =	simm.s32 $0x80;
	s10 =	simm.s32 $0x10;
	[tilespmem:v14+s26+$0x0] =	vst.idx.msk vm0, v13  }
.LBB2_9:
0xd1: {  	p0 =	sne.s32 s11, $0xC40;
	v13 =	vld [tilespmem:s10+$0x10400];
	_ =	sdelay $0x4  }
0xd2: {  	v13 =	vsub.s32 v13, v12  }
0xd3: {  	vm0 =	vlt.u32 v13, $0x2000  }
0xd4: {  	v14 =	vsel vm0, $0xFFFFFFFF, v3;
	v15 =	vsel vm0, $0x1, v3;
	s12 =	spop (v2sf)  }
0xd5: {  	(xrf0) =	vadd.scan.msk.s32 $0xffff, v15;
	s20 =	sadd.s32 s20, s12  }
0xd6: {  	v14 =	vadd.s32 s20, v14;
	_ =	sdelay $0x4  }
0xd7: {  	v15, _, _ =	vpop (xrf0)  }
0xd8: {  	v14 =	vadd.s32 v15, v14;
	(v2sf) =	vpush v15, $0xF  }
0xd9: {  	v15 =	vld [tilespmem:s10+$0x10B00];
	v14 =	vand.u32 $0x7FF, v14;
	_ =	sdelay $0x1  }
.Ltmp15:
0xda: {  	(pc) =	sbr.rel @p0 .LBB2_9-.Ltmp15, $3  }
0xdb: {  	_ =	sdelay $0x1  }
0xdc: {  	[tilespmem:v14+s25+$0x0] =	vst.idx.msk vm0, v15  }
0xdd: {  	s10 =	sshra.s32 s11, $0x2;
	s11 =	sadd.s32 $0x40, s11;
	[tilespmem:v14+s26+$0x0] =	vst.idx.msk vm0, v13  }
0xde: {  	v13 =	vld [tilespmem:s10+$0x10400];
	_ =	sdelay $0x4  }
0xdf: {  	v13 =	vsub.s32 v13, v12  }
0xe0: {  	vm0 =	vlt.u32 v13, $0x2000  }
0xe1: {  	v14 =	vsel vm0, $0x1, v3  }
0xe2: {  	(xrf0) =	vadd.scan.msk.s32 $0xffff, v14;
	_ =	sdelay $0x5  }
0xe3: {  	v14, _, _ =	vpop (xrf0)  }
0xe4: {  	(v2sf) =	vpush v14, $0xF;
	_ =	sdelay $0x5  }
0xe5: {  	s11 =	spop (v2sf)  }
0xe6: {  	v15 =	vsel vm0, $0xFFFFFFFF, v3;
	s11 =	sadd.s32 s20, s11  }
0xe7: {  	v15 =	vadd.s32 s11, v15  }
0xe8: {  	v14 =	vadd.s32 v14, v15  }
0xe9: {  	v15 =	vld [tilespmem:s10+$0x10B00];
	v14 =	vand.u32 $0x7FF, v14;
	_ =	sdelay $0x4  }
0xea: {  	[tilespmem:v14+s25+$0x0] =	vst.idx.msk vm0, v15;
	s30 =	spop (v2sf)  }
0xeb: {  	[tilespmem:v14+s26+$0x0] =	vst.idx.msk vm0, v13;
	s20 =	sadd.s32 s11, s30  }
.LBB2_16:
0xec: {  	s10 =	sshra.s32 s20, $0x7  }
0xed: {  	s11 =	ssub.s32 s10, s3  }
0xee: {  	s30 =	smov.u32 s3;
	p0 =	sgt.s32 s11, $0x7  }
0xef: {  	s30 =	smov.u32 @p0 s10  }
0xf0: {  	p0 =	sle.s32 s30, s3  }
.Ltmp16:
0xf1: {  	_ = 	snop;
	(pc) =	sbr.rel @p0 .LBB2_20-.Ltmp16, $1  }
0xf2: {  	_ =	sdelay $0x3  }
0xf3: {  	s10 =	sand.u32 $0x1, s3  }
0xf4: {  	p0 =	seq.s32 s10, $0x1;
	s10 =	sshll.u32 s3, $0x7  }
0xf5: {  	s11 =	sand.u32 @p0 $0x780, s10  }
0xf6: {  	s12 =	simm.s32 @p0 $0x80;
	s13 =	simm.s32 @p0 $0x15E80;
	s11 =	sadd.s32 @p0 $0x10E80, s11  }
0xf7: {  	[tilespmem:s13], [sflag:$0x2] =	stream.indirect.gather @p0 [hbm4b:s1+s12], $0x80, s11, s12, $0xb8;
	[tilespmem:$0x19E80] =	vst v63  }
0xf8: {  	s11 =	sand.u32 @!p0 $0x700, s10  }
0xf9: {  	s12 =	simm.s32 @!p0 $0x80;
	s13 =	simm.s32 @!p0 $0x11E80;
	s11 =	sadd.s32 @!p0 $0x10E80, s11  }
0xfa: {  	[tilespmem:s13], [sflag:$0x1] =	stream.indirect.gather @!p0 [hbm4b:s1+s12], $0x80, s11, s12, $0xb8;
	[tilespmem:$0x19E80] =	vst v63  }
0xfb: {  	s11 =	sadd.s32 $0x1, s3  }
0xfc: {  	p1 =	sge.s32 s11, s30  }
0xfd: {  	p2 =	sle.s32 @!p1 s3, s3  }
0xfe: {  	p0 =	por p2, p1  }
0xff: {  	s12 =	sand.u32 @!p0 $0x1, s3  }
0x100: {  	s13 =	sand.u32 @!p1 $0x1, s11;
	p3 =	seq.s32 @!p0 s12, $0x1  }
0x101: {  	s19 =	sand.u32 $0x1, s3;
	p4 =	seq.s32 @!p1 s13, $0x1;
	p3 =	por @!p1 !p3, p2  }
0x102: {  	s13 =	simm.s32 @!p0 $0x5;
	s12 =	sadd.s32 @!p1 $0x80, s10;
	p3 =	por !p3, p1  }
0x103: {  	p2 =	por !p4, p1;
	p1 =	por p4, p1;
	s13 =	simm.s32 @!p3 $0x6  }
0x104: {  	s14 =	sand.u32 @!p2 $0x780, s12;
	s15 =	simm.s32 @!p2 $0x80;
	_ =	swait.ge @!p0 [sflag:s13], $0x4000  }
0x105: {  	s16 =	simm.s32 @!p2 $0x15E80;
	s12 =	sand.u32 @!p1 $0x700, s12;
	[sflag:s13] =	ssyncset.done @!p0 $0x0  }
0x106: {  	s14 =	sadd.s32 @!p2 $0x10E80, s14;
	s12 =	sadd.s32 @!p1 $0x10E80, s12;
	[sflag:s13] =	ssyncadd.s32 @!p0 $0xFFFFC000  }
0x107: {  	[tilespmem:s16], [sflag:$0x2] =	stream.indirect.gather @!p2 [hbm4b:s1+s15], $0x80, s14, s15, $0xb8;
	[tilespmem:$0x19E80] =	vst v63  }
0x108: {  	p0 =	seq.s32 s19, $0x1;
	s14 =	simm.s32 @!p1 $0x80;
	s15 =	simm.s32 @!p1 $0x11E80  }
0x109: {  	[tilespmem:s15], [sflag:$0x1] =	stream.indirect.gather @!p1 [hbm4b:s1+s14], $0x80, s12, s14, $0xb8;
	[tilespmem:$0x19E80] =	vst v63  }
0x10a: {  	s12 =	simm.s32 @p0 $0x2  }
0x10b: {  	s13 =	sand.u32 @p0 $0x780, s10;
	p1 =	sne.s32 s30, s11;
	_ =	swait.ge @p0 [sflag:s12], $0x4000  }
.Ltmp17:
0x10c: {  	s13 =	sadd.s32 @p0 $0x11680, s13;
	[sflag:s12] =	ssyncset.done @p0 $0x0;
	(pc) =	sbr.rel @!p1 .LBB2_19-.Ltmp17, $4  }
0x10d: {  	s14 =	simm.s32 @p0 $0x15E80;
	[sflag:s12] =	ssyncadd.s32 @p0 $0xFFFFC000;
	s12 =	simm.s32 @p0 $0x80  }
0x10e: {  	[spmem:s2] =	stream.indirect.scatter.add.f32 @p0 [tilespmem:s14], [sflag:$0x6], $0x80, s13, s12, $0xb8;
	[tilespmem:$0x19E80] =	vst v63  }
0x10f: {  	s12 =	sand.u32 @!p0 $0x700, s10  }
0x110: {  	s12 =	sadd.s32 @!p0 $0x11680, s12  }
.LBB2_18:
0x111: {  	s13 =	smov.u32 s11;
	s11 =	sadd.s32 $0x1, s11;
	s14 =	simm.s32 @!p0 $0x11E80  }
0x112: {  	s10 =	sadd.s32 $0x80, s10;
	s18 =	simm.s32 @!p0 $0x1;
	p3 =	sge.s32 s11, s30  }
0x113: {  	p5 =	sle.s32 @!p3 s13, s3;
	s15 =	sand.u32 @!p3 $0x1, s11;
	s16 =	sadd.s32 @!p3 $0x80, s10  }
0x114: {  	p2 =	por p5, p3;
	p1 =	seq.s32 @!p3 s15, $0x1;
	s15 =	simm.s32 @!p0 $0x80  }
0x115: {  	s17 =	sand.u32 @!p2 $0x1, s13;
	p4 =	por !p1, p3;
	p1 =	por p1, p3  }
0x116: {  	s19 =	simm.s32 @!p2 $0x5;
	p6 =	seq.s32 @!p2 s17, $0x1;
	s17 =	sand.u32 @!p4 $0x780, s16  }
0x117: {  	p5 =	por @!p3 !p6, p5;
	s17 =	sadd.s32 @!p4 $0x10E80, s17;
	_ =	swait.ge @!p0 [sflag:s18], $0x4000  }
0x118: {  	s13 =	sand.u32 $0x1, s13;
	p3 =	por !p5, p3;
	[sflag:s18] =	ssyncset.done @!p0 $0x0  }
0x119: {  	s16 =	sand.u32 @!p1 $0x700, s16;
	s19 =	simm.s32 @!p3 $0x6;
	[sflag:s18] =	ssyncadd.s32 @!p0 $0xFFFFC000  }
0x11a: {  	[spmem:s2] =	stream.indirect.scatter.add.f32 @!p0 [tilespmem:s14], [sflag:$0x5], $0x80, s12, s15, $0xb8;
	[tilespmem:$0x19E80] =	vst v63  }
0x11b: {  	p3 =	sne.s32 s30, s11;
	s12 =	sadd.s32 @!p1 $0x10E80, s16;
	_ =	swait.ge @!p2 [sflag:s19], $0x4000  }
0x11c: {  	s14 =	simm.s32 @!p4 $0x80;
	s15 =	simm.s32 @!p4 $0x15E80;
	[sflag:s19] =	ssyncset.done @!p2 $0x0  }
0x11d: {  	p0 =	seq.s32 s13, $0x1;
	[sflag:s19] =	ssyncadd.s32 @!p2 $0xFFFFC000  }
0x11e: {  	[tilespmem:s15], [sflag:$0x2] =	stream.indirect.gather @!p4 [hbm4b:s1+s14], $0x80, s17, s14, $0xb8;
	[tilespmem:$0x19E80] =	vst v63  }
0x11f: {  	s13 =	simm.s32 @p0 $0x2;
	s14 =	simm.s32 @!p1 $0x80;
	s15 =	simm.s32 @!p1 $0x11E80  }
0x120: {  	[tilespmem:s15], [sflag:$0x1] =	stream.indirect.gather @!p1 [hbm4b:s1+s14], $0x80, s12, s14, $0xb8;
	[tilespmem:$0x19E80] =	vst v63  }
.Ltmp18:
0x121: {  	s12 =	sand.u32 @p0 $0x780, s10;
	s14 =	sand.u32 @!p0 $0x700, s10;
	(pc) =	sbr.rel @p3 .LBB2_18-.Ltmp18, $4  }
0x122: {  	s15 =	sadd.s32 @p0 $0x11680, s12;
	s12 =	sadd.s32 @!p0 $0x11680, s14;
	_ =	swait.ge @p0 [sflag:s13], $0x4000  }
0x123: {  	[sflag:s13] =	ssyncset.done @p0 $0x0  }
0x124: {  	s14 =	simm.s32 @p0 $0x15E80;
	[sflag:s13] =	ssyncadd.s32 @p0 $0xFFFFC000;
	s13 =	simm.s32 @p0 $0x80  }
0x125: {  	[spmem:s2] =	stream.indirect.scatter.add.f32 @p0 [tilespmem:s14], [sflag:$0x6], $0x80, s15, s13, $0xb8;
	[tilespmem:$0x19E80] =	vst v63  }
.Ltmp19:
0x126: {  	_ = 	snop;
	(pc) =	sbr.rel .LBB2_19-.Ltmp19, $1  }
0x127: {  	_ =	sdelay $0x3  }
.LBB2_21:
0x128: {  	s3 =	sadd.s32 $0x7F, s20  }
0x129: {  	s9 =	sand.u32 $0x7F, s3  }
0x12a: {  	s13 =	sshra.s32 s3, $0x1F;
	p1 =	slt.s32 s3, $0x1;
	p0 =	sne.s32 s9, $0x0  }
0x12b: {  	s9 =	sshrl.u32 s13, $0x19;
	p0 =	por !p1, !p0  }
0x12c: {  	s3 =	sadd.s32 s9, s3;
	s9 =	simm.s32 $0x1;
	p0 =	por !p0, !p0  }
0x12d: {  	s3 =	sshra.s32 s3, $0x7;
	s9 =	simm.s32 @!p0 $0x0  }
0x12e: {  	s3 =	ssub.s32 s3, s9  }
0x12f: {  	s9 =	sshll.u32 s3, $0x7  }
0x130: {  	s9 =	ssub.s32 s9, s20  }
0x131: {  	v12 =	vmov s9  }
0x132: {  	v13 =	vadd.s32 s20, v0;
	vm0 =	vgt.s32 v12, v0  }
0x133: {  	s14 =	sadd.s32 $0x10, s20;
	v13 =	vand.u32 $0x7FF, v13  }
0x134: {  	v14 =	vadd.s32 s14, v0;
	vm1 =	vgt.s32 v12, v5  }
0x135: {  	s15 =	sadd.s32 $0x20, s20;
	v14 =	vand.u32 $0x7FF, v14  }
0x136: {  	v15 =	vadd.s32 s15, v0;
	vm2 =	vgt.s32 v12, v6  }
0x137: {  	s16 =	sadd.s32 $0x30, s20;
	v15 =	vand.u32 $0x7FF, v15  }
0x138: {  	v16 =	vadd.s32 s16, v0;
	vm3 =	vgt.s32 v12, v7;
	[tilespmem:v13+s25+$0x0] =	vst.idx.msk vm0, v1  }
0x139: {  	s17 =	sadd.s32 $0x40, s20;
	v56 =	vand.u32 $0x7FF, v16;
	[tilespmem:v13+s26+$0x0] =	vst.idx.msk vm0, v4  }
0x13a: {  	v57 =	vadd.s32 s17, v0;
	vm12 =	vgt.s32 v12, v8;
	[tilespmem:v14+s25+$0x0] =	vst.idx.msk vm1, v1  }
0x13b: {  	s18 =	sadd.s32 $0x50, s20;
	v58 =	vand.u32 $0x7FF, v57;
	[tilespmem:v14+s26+$0x0] =	vst.idx.msk vm1, v4  }
0x13c: {  	v59 =	vadd.s32 s18, v0;
	vm13 =	vgt.s32 v12, v9;
	[tilespmem:v15+s25+$0x0] =	vst.idx.msk vm2, v1  }
0x13d: {  	s19 =	sadd.s32 $0x60, s20;
	v60 =	vand.u32 $0x7FF, v59;
	[tilespmem:v15+s26+$0x0] =	vst.idx.msk vm2, v4  }
0x13e: {  	v61 =	vadd.s32 s19, v0;
	vm14 =	vgt.s32 v12, v10;
	[tilespmem:v56+s25+$0x0] =	vst.idx.msk vm3, v1  }
0x13f: {  	v62 =	vand.u32 $0x7FF, v61;
	s20 =	sadd.s32 $0x70, s20;
	[tilespmem:v56+s26+$0x0] =	vst.idx.msk vm3, v4  }
0x140: {  	v63 =	vadd.s32 s20, v0;
	vm15 =	vgt.s32 v12, v11;
	[tilespmem:v58+s25+$0x0] =	vst.idx.msk vm12, v1  }
0x141: {  	v12 =	vand.u32 $0x7FF, v63;
	[tilespmem:v58+s26+$0x0] =	vst.idx.msk vm12, v4  }
0x142: {  	p0 =	sle.s32 s3, s30;
	[tilespmem:v60+s25+$0x0] =	vst.idx.msk vm13, v1  }
.Ltmp20:
0x143: {  	[tilespmem:v60+s26+$0x0] =	vst.idx.msk vm13, v4;
	(pc) =	sbr.rel @p0 .LBB2_25-.Ltmp20, $4  }
0x144: {  	[tilespmem:v62+s25+$0x0] =	vst.idx.msk vm14, v1  }
0x145: {  	[tilespmem:v62+s26+$0x0] =	vst.idx.msk vm14, v4  }
0x146: {  	[tilespmem:v12+s25+$0x0] =	vst.idx.msk vm15, v1  }
0x147: {  	[tilespmem:v12+s26+$0x0] =	vst.idx.msk vm15, v4  }
0x148: {  	s9 =	sand.u32 $0x1, s30  }
0x149: {  	p0 =	seq.s32 s9, $0x1;
	s9 =	sshll.u32 s30, $0x7  }
0x14a: {  	s10 =	sand.u32 @p0 $0x780, s9  }
0x14b: {  	s11 =	simm.s32 @p0 $0x80;
	s12 =	simm.s32 @p0 $0x15E80;
	s10 =	sadd.s32 @p0 $0x10E80, s10  }
0x14c: {  	[tilespmem:s12], [sflag:$0x2] =	stream.indirect.gather @p0 [hbm4b:s1+s11], $0x80, s10, s11, $0xb8;
	[tilespmem:$0x19E80] =	vst v63  }
0x14d: {  	s10 =	sand.u32 @!p0 $0x700, s9  }
0x14e: {  	s11 =	simm.s32 @!p0 $0x80;
	s12 =	simm.s32 @!p0 $0x11E80;
	s10 =	sadd.s32 @!p0 $0x10E80, s10  }
0x14f: {  	[tilespmem:s12], [sflag:$0x1] =	stream.indirect.gather @!p0 [hbm4b:s1+s11], $0x80, s10, s11, $0xb8;
	[tilespmem:$0x19E80] =	vst v63  }
0x150: {  	s10 =	sadd.s32 $0x1, s30  }
0x151: {  	p1 =	sge.s32 s10, s3  }
0x152: {  	p2 =	sle.s32 @!p1 s30, s30  }
0x153: {  	p0 =	por p2, p1  }
0x154: {  	s11 =	sand.u32 @!p0 $0x1, s30  }
0x155: {  	s12 =	sand.u32 @!p1 $0x1, s10;
	p3 =	seq.s32 @!p0 s11, $0x1  }
0x156: {  	s20 =	sand.u32 $0x1, s30;
	p4 =	seq.s32 @!p1 s12, $0x1;
	p3 =	por @!p1 !p3, p2  }
0x157: {  	s12 =	simm.s32 @!p0 $0x5;
	s11 =	sadd.s32 @!p1 $0x80, s9;
	p3 =	por !p3, p1  }
0x158: {  	p2 =	por !p4, p1;
	p1 =	por p4, p1;
	s12 =	simm.s32 @!p3 $0x6  }
0x159: {  	s13 =	sand.u32 @!p2 $0x780, s11;
	s14 =	simm.s32 @!p2 $0x80;
	_ =	swait.ge @!p0 [sflag:s12], $0x4000  }
0x15a: {  	s15 =	simm.s32 @!p2 $0x15E80;
	s11 =	sand.u32 @!p1 $0x700, s11;
	[sflag:s12] =	ssyncset.done @!p0 $0x0  }
0x15b: {  	s13 =	sadd.s32 @!p2 $0x10E80, s13;
	s11 =	sadd.s32 @!p1 $0x10E80, s11;
	[sflag:s12] =	ssyncadd.s32 @!p0 $0xFFFFC000  }
0x15c: {  	[tilespmem:s15], [sflag:$0x2] =	stream.indirect.gather @!p2 [hbm4b:s1+s14], $0x80, s13, s14, $0xb8;
	[tilespmem:$0x19E80] =	vst v63  }
0x15d: {  	p0 =	seq.s32 s20, $0x1;
	s13 =	simm.s32 @!p1 $0x80;
	s14 =	simm.s32 @!p1 $0x11E80  }
0x15e: {  	[tilespmem:s14], [sflag:$0x1] =	stream.indirect.gather @!p1 [hbm4b:s1+s13], $0x80, s11, s13, $0xb8;
	[tilespmem:$0x19E80] =	vst v63  }
0x15f: {  	s11 =	simm.s32 @p0 $0x2  }
0x160: {  	s12 =	sand.u32 @p0 $0x780, s9;
	p1 =	sne.s32 s3, s10;
	_ =	swait.ge @p0 [sflag:s11], $0x4000  }
.Ltmp21:
0x161: {  	s12 =	sadd.s32 @p0 $0x11680, s12;
	[sflag:s11] =	ssyncset.done @p0 $0x0;
	(pc) =	sbr.rel @!p1 .LBB2_24-.Ltmp21, $4  }
0x162: {  	s13 =	simm.s32 @p0 $0x15E80;
	[sflag:s11] =	ssyncadd.s32 @p0 $0xFFFFC000;
	s11 =	simm.s32 @p0 $0x80  }
0x163: {  	[spmem:s2] =	stream.indirect.scatter.add.f32 @p0 [tilespmem:s13], [sflag:$0x6], $0x80, s12, s11, $0xb8;
	[tilespmem:$0x19E80] =	vst v63  }
0x164: {  	s11 =	sand.u32 @!p0 $0x700, s9  }
0x165: {  	s11 =	sadd.s32 @!p0 $0x11680, s11  }
.LBB2_23:
0x166: {  	s12 =	smov.u32 s10;
	s10 =	sadd.s32 $0x1, s10;
	s13 =	simm.s32 @!p0 $0x11E80  }
0x167: {  	s9 =	sadd.s32 $0x80, s9;
	s17 =	simm.s32 @!p0 $0x1;
	p3 =	sge.s32 s10, s3  }
0x168: {  	p5 =	sle.s32 @!p3 s12, s30;
	s14 =	sand.u32 @!p3 $0x1, s10;
	s15 =	sadd.s32 @!p3 $0x80, s9  }
0x169: {  	p2 =	por p5, p3;
	p1 =	seq.s32 @!p3 s14, $0x1;
	s14 =	simm.s32 @!p0 $0x80  }
0x16a: {  	s16 =	sand.u32 @!p2 $0x1, s12;
	p4 =	por !p1, p3;
	p1 =	por p1, p3  }
0x16b: {  	s18 =	simm.s32 @!p2 $0x5;
	p6 =	seq.s32 @!p2 s16, $0x1;
	s16 =	sand.u32 @!p4 $0x780, s15  }
0x16c: {  	p5 =	por @!p3 !p6, p5;
	s16 =	sadd.s32 @!p4 $0x10E80, s16;
	_ =	swait.ge @!p0 [sflag:s17], $0x4000  }
0x16d: {  	s12 =	sand.u32 $0x1, s12;
	p3 =	por !p5, p3;
	[sflag:s17] =	ssyncset.done @!p0 $0x0  }
0x16e: {  	s15 =	sand.u32 @!p1 $0x700, s15;
	s18 =	simm.s32 @!p3 $0x6;
	[sflag:s17] =	ssyncadd.s32 @!p0 $0xFFFFC000  }
0x16f: {  	[spmem:s2] =	stream.indirect.scatter.add.f32 @!p0 [tilespmem:s13], [sflag:$0x5], $0x80, s11, s14, $0xb8;
	[tilespmem:$0x19E80] =	vst v63  }
0x170: {  	p3 =	sne.s32 s3, s10;
	s11 =	sadd.s32 @!p1 $0x10E80, s15;
	_ =	swait.ge @!p2 [sflag:s18], $0x4000  }
0x171: {  	s13 =	simm.s32 @!p4 $0x80;
	s14 =	simm.s32 @!p4 $0x15E80;
	[sflag:s18] =	ssyncset.done @!p2 $0x0  }
0x172: {  	p0 =	seq.s32 s12, $0x1;
	[sflag:s18] =	ssyncadd.s32 @!p2 $0xFFFFC000  }
0x173: {  	[tilespmem:s14], [sflag:$0x2] =	stream.indirect.gather @!p4 [hbm4b:s1+s13], $0x80, s16, s13, $0xb8;
	[tilespmem:$0x19E80] =	vst v63  }
0x174: {  	s12 =	simm.s32 @p0 $0x2;
	s13 =	simm.s32 @!p1 $0x80;
	s14 =	simm.s32 @!p1 $0x11E80  }
0x175: {  	[tilespmem:s14], [sflag:$0x1] =	stream.indirect.gather @!p1 [hbm4b:s1+s13], $0x80, s11, s13, $0xb8;
	[tilespmem:$0x19E80] =	vst v63  }
.Ltmp22:
0x176: {  	s11 =	sand.u32 @p0 $0x780, s9;
	s13 =	sand.u32 @!p0 $0x700, s9;
	(pc) =	sbr.rel @p3 .LBB2_23-.Ltmp22, $4  }
0x177: {  	s14 =	sadd.s32 @p0 $0x11680, s11;
	s11 =	sadd.s32 @!p0 $0x11680, s13;
	_ =	swait.ge @p0 [sflag:s12], $0x4000  }
0x178: {  	[sflag:s12] =	ssyncset.done @p0 $0x0  }
0x179: {  	s13 =	simm.s32 @p0 $0x15E80;
	[sflag:s12] =	ssyncadd.s32 @p0 $0xFFFFC000;
	s12 =	simm.s32 @p0 $0x80  }
0x17a: {  	[spmem:s2] =	stream.indirect.scatter.add.f32 @p0 [tilespmem:s13], [sflag:$0x6], $0x80, s14, s12, $0xb8;
	[tilespmem:$0x19E80] =	vst v63  }
.Ltmp23:
0x17b: {  	_ = 	snop;
	(pc) =	sbr.rel .LBB2_24-.Ltmp23, $1  }
0x17c: {  	_ =	sdelay $0x3  }
.LBB2_27:
0x17d: {  	_ =	sfence.sel $0x180000  }
0x17e: {  	[bflag:$0x0] =	sbarrier.arrive $0xFFFF  }
0x17f: {  	_ =	strace $0x9000004D  }
0x180: {  	s0 =	stileid.u32;
	[bflag:$0x2] =	sbarrier.arrive $0xFFFF  }
0x181: {  	p0 =	sne.s32 s0, $0x0;
	s0 =	rddreg [dreg:$0x3]  }
0x182: {  	s0 =	sadd.s32 @!p0 $0x100000, s0  }
0x183: {  	[sflag:s0] =	ssyncadd.tile.s32 @!p0 $0x1;
	_ =	shalt  }
.Lfunc_end2:
_tile_overlayer_lowered:
.L_overlay_start_2:
0x184: {  	(tag) =	ssettag $0x2  }
0x185: {  	s0 =	rddreg [dreg:$0x0];
	s2 =	stileid.u32  }
0x186: {  	s1 =	rddreg [dreg:$0x1];
	p0 =	sne.s32 s2, $0x0  }
0x187: {  	s3 =	rddreg [dreg:$0x2];
	[bflag:$0x3] =	sbarrier.arrive $0xFFFF;
	s2 =	simm.s32 @!p0 $0x1C07  }
0x188: {  	[timem:s3], [sflag:s2] =	dma.local @!p0 [hbm:s0], s1  }
0x189: {  	s0 =	simm.s32 @!p0 $0x7  }
0x18a: {  	_ =	swait.ge @!p0 [sflag:s0], s1  }
0x18b: {  	s1 =	ssub.s32 @!p0 $0x0, s1;
	[sflag:s0] =	ssyncset.done @!p0 $0x0  }
0x18c: {  	[sflag:s0] =	ssyncadd.s32 @!p0 s1  }
0x18d: {  	[bflag:$0x3] =	sbarrier.arrive $0xFFFF  }
0x18e: {  	_ =	shalt  }

// kernel: kernel.7.cloned.1.call-start
scs
__scs_entry_jumppad:
0x0: {  	(pc) =	sbr.rel $0x88, $3  }
0x1: {  	(tag) =	ssettag $0x0;
	lr =	simm.s32 $0x1  }
0x2: {  	[smem:$0x3F94] =	sst lr;
	_ =	strace $0xD0000000  }
0x3: {  	_ = 	snop  }
0x4: {  	_ = 	snop  }
0x5: {  	_ = 	snop  }
0x6: {  	_ = 	snop  }
0x7: {  	_ = 	snop  }
__scs_overlays_trampoline_lowered:
0x8: {  	[smem:$0x3FA3] =	sst s0  }
0x9: {  	[smem:$0x3FA4] =	sst s1  }
0xa: {  	[smem:$0x3FA5] =	sst s2  }
0xb: {  	[smem:$0x3FA6] =	sst s3  }
0xc: {  	[smem:$0x3FA7] =	sst s4  }
0xd: {  	[smem:$0x3FA8] =	sst s5  }
0xe: {  	[smem:$0x3FA9] =	sst s6  }
0xf: {  	[smem:$0x3FAA] =	sst s7  }
0x10: {  	[smem:$0x3FAB] =	sst s8  }
0x11: {  	[smem:$0x3FAC] =	sst s9;
	s0 =	simm.s32 @!p0 $0x0  }
0x12: {  	s1 =	sld [smem:$0x3F92];
	s0 =	simm.s32 @p0 $0x1  }
0x13: {  	[smem:$0x3FAD] =	sst s0;
	s0 =	simm.s32 @!p1 $0x0  }
0x14: {  	s2 =	sld [smem:$0x3F91];
	s0 =	simm.s32 @p1 $0x1  }
0x15: {  	[smem:$0x3FAE] =	sst s0;
	s0 =	simm.s32 @!p2 $0x0  }
0x16: {  	s3 =	sld [smem:$0x3FDB];
	s0 =	simm.s32 @p2 $0x1  }
0x17: {  	s4 =	simm.s32 $0x1BF5;
	[smem:$0x3FB0] =	sst s0  }
0x18: {  	s0 =	sld [smem:$0x3F93];
	_ =	swait.ge [sflag:s4], $0x0  }
0x19: {  	s7 =	sld [smem:$0x3F94]  }
0x1a: {  	s8 =	sadd.s32 $0xFFFFE003, lr  }
0x1b: {  	s9 =	sadd.s32 $0xFFFFFEF7, lr;
	s5 =	simm.s32 $0xFFFFFFFF;
	p2 =	slt.u32 s8, $0xFFFFF086  }
0x1c: {  	p1 =	slt.u32 s9, $0xF7A;
	s5 =	simm.s32 @!p2 $0x0  }
0x1d: {  	s5 =	simm.s32 @p1 $0x1;
	p0 =	seq.s32 s7, s2  }
0x1e: {  	s7 =	smul.u32 @!p0 $0xF7A, s2;
	p2 =	seq.s32 @!p0 s5, $0x0  }
0x1f: {  	s9 =	smul.u32 $0xF7A, s1;
	s8 =	simm.s32 @!p0 $0x1BF5;
	p2 =	por !p2, p0  }
0x20: {  	[sflag:s8] =	ssyncset.s32 @!p0 $0xFFFFF086;
	s6 =	sadd.s32 @!p0 s3, s7;
	s7 =	simm.s32 @!p0 $0x108  }
0x21: {  	s3 =	sadd.s32 s3, s9;
	s6 =	sadd.s32 @!p0 $0x88, s6;
	s7 =	simm.s32 @p2 $0x1082  }
0x22: {  	[simem:s7], [sflag:s8] =	dma.local @!p0 [hbm:s6], $0xF7A  }
0x23: {  	s9 =	sor.u32 $0xD0000000, s2;
	s6 =	simm.s32 $0x108;
	_ =	swait.ge @!p0 [sflag:s8], $0x0  }
0x24: {  	s3 =	sadd.s32 $0x88, s3;
	s6 =	simm.s32 @!p1 $0x1082;
	[sflag:s4] =	ssyncset.s32 $0xFFFFF086  }
0x25: {  	[simem:s6], [sflag:s4] =	dma.local [hbm:s3], $0xF7A  }
0x26: {  	[smem:$0x3F94] =	sst s1;
	(tag) =	ssettag s2;
	_ =	strace s9  }
0x27: {  	s1 =	sld [smem:$0x3FA4]  }
0x28: {  	s2 =	sld [smem:$0x3FA5]  }
0x29: {  	s4 =	sld [smem:$0x3FA7]  }
0x2a: {  	p0 =	seq.s32 s5, $0x0;
	s5 =	sld [smem:$0x3FA8]  }
0x2b: {  	s6 =	sld [smem:$0x3FA9]  }
0x2c: {  	s7 =	sld [smem:$0x3FAA]  }
0x2d: {  	s3 =	simm.s32 $0x108;
	s8 =	sld [smem:$0x3FAB]  }
0x2e: {  	s3 =	simm.s32 @!p0 $0x1082;
	s9 =	sld [smem:$0x3FAC]  }
0x2f: {  	lr =	sadd.s32 s0, s3;
	s0 =	sld [smem:$0x3FA3]  }
0x30: {  	s3 =	sld [smem:$0x3FA6]  }
0x31: {  	[smem:$0x3FAF] =	sst s10  }
0x32: {  	s10 =	sld [smem:$0x3FAD];
	_ =	sdelay $0x3  }
0x33: {  	p0 =	seq.s32 s10, $0x1;
	s10 =	sld [smem:$0x3FAF];
	_ =	sdelay $0x3  }
0x34: {  	[smem:$0x3FAF] =	sst s10  }
0x35: {  	s10 =	sld [smem:$0x3FAE];
	_ =	sdelay $0x3  }
0x36: {  	p1 =	seq.s32 s10, $0x1;
	s10 =	sld [smem:$0x3FAF];
	_ =	sdelay $0x3  }
0x37: {  	[smem:$0x3FAF] =	sst s10  }
0x38: {  	s10 =	sld [smem:$0x3FB0]  }
0x39: {  	_ = 	snop;
	(pc) =	sbr.ind lr, $3  }
0x3a: {  	_ = 	snop  }
0x3b: {  	_ = 	snop  }
0x3c: {  	p2 =	seq.s32 s10, $0x1;
	s10 =	sld [smem:$0x3FAF]  }
0x3d: {  	_ =	shalt  }
0x3e: {  	_ =	shalt  }
0x3f: {  	_ =	shalt  }
0x40: {  	_ =	shalt  }
0x41: {  	_ =	shalt  }
0x42: {  	_ =	shalt  }
0x43: {  	_ =	shalt  }
0x44: {  	_ =	shalt  }
0x45: {  	_ =	shalt  }
0x46: {  	_ =	shalt  }
0x47: {  	_ =	shalt  }
0x48: {  	_ =	shalt  }
0x49: {  	_ =	shalt  }
0x4a: {  	_ =	shalt  }
0x4b: {  	_ =	shalt  }
0x4c: {  	_ =	shalt  }
0x4d: {  	_ =	shalt  }
0x4e: {  	_ =	shalt  }
0x4f: {  	_ =	shalt  }
0x50: {  	_ =	shalt  }
0x51: {  	_ =	shalt  }
0x52: {  	_ =	shalt  }
0x53: {  	_ =	shalt  }
0x54: {  	_ =	shalt  }
0x55: {  	_ =	shalt  }
0x56: {  	_ =	shalt  }
0x57: {  	_ =	shalt  }
0x58: {  	_ =	shalt  }
0x59: {  	_ =	shalt  }
0x5a: {  	_ =	shalt  }
0x5b: {  	_ =	shalt  }
0x5c: {  	_ =	shalt  }
0x5d: {  	_ =	shalt  }
0x5e: {  	_ =	shalt  }
0x5f: {  	_ =	shalt  }
0x60: {  	_ =	shalt  }
0x61: {  	_ =	shalt  }
0x62: {  	_ =	shalt  }
0x63: {  	_ =	shalt  }
0x64: {  	_ =	shalt  }
0x65: {  	_ =	shalt  }
0x66: {  	_ =	shalt  }
0x67: {  	_ =	shalt  }
0x68: {  	_ =	shalt  }
0x69: {  	_ =	shalt  }
0x6a: {  	_ =	shalt  }
0x6b: {  	_ =	shalt  }
0x6c: {  	_ =	shalt  }
0x6d: {  	_ =	shalt  }
0x6e: {  	_ =	shalt  }
0x6f: {  	_ =	shalt  }
0x70: {  	_ =	shalt  }
0x71: {  	_ =	shalt  }
0x72: {  	_ =	shalt  }
0x73: {  	_ =	shalt  }
0x74: {  	_ =	shalt  }
0x75: {  	_ =	shalt  }
0x76: {  	_ =	shalt  }
0x77: {  	_ =	shalt  }
0x78: {  	_ =	shalt  }
0x79: {  	_ =	shalt  }
0x7a: {  	_ =	shalt  }
0x7b: {  	_ =	shalt  }
0x7c: {  	_ =	shalt  }
0x7d: {  	_ =	shalt  }
0x7e: {  	_ =	shalt  }
0x7f: {  	_ =	shalt  }
0x80: {  	_ =	shalt  }
0x81: {  	_ =	shalt  }
0x82: {  	_ =	shalt  }
0x83: {  	_ =	shalt  }
0x84: {  	_ =	shalt  }
0x85: {  	_ =	shalt  }
0x86: {  	_ =	shalt  }
0x87: {  	_ =	shalt  }
.Lfunc_end0:
.L_simem_size_0:
called_computation_lowered:
.L_overlay_start_0:
0x88: {  	s2 =	sld [smem:$0x3FD9]  }
0x89: {  	s3 =	sld [smem:$0x3FFE];
	_ =	sdelay $0x1  }
0x8a: {  	s1 =	srdreg.scid  }
0x8b: {  	s0 =	sand.u32 $0x1, s1  }
0x8c: {  	s16 =	sshll.u32 s0, $0xA;
	s2 =	sadd.s32 s3, s2  }
0x8d: {  	s2 =	sadd.s32 s2, s16  }
0x8e: {  	[smem:$0x3FBB] =	sst s2  }
0x8f: {  	_ = 	snop  }
0x90: {  	(tm) =	ssettm $0x1  }
0x91: {  	s17 =	sld [smem:$0x3FFB];
	_ =	sdelay $0x3  }
0x92: {  	_ =	strace s17  }
0x93: {  	s2 =	sld [smem:$0x3FFC];
	_ =	sdelay $0x3  }
0x94: {  	_ =	strace s2  }
0x95: {  	s2 =	sld [smem:$0x3FFD];
	_ =	sdelay $0x3  }
0x96: {  	_ =	strace s2  }
0x97: {  	_ =	strace $0x8FFFFFFF  }
0x98: {  	s18 =	sld [smem:$0x3FDB];
	_ =	sdelay $0x1  }
0x99: {  	s19 =	simm.s32 $_scs_section_size  }
0x9a: {  	s4 =	simm.s32 $_size__tile_overlayer_lowered;
	s5 =	simm.s32 $_tile_overlayer_lowered  }
0x9b: {  	s22 =	simm.s32 $0x1BFF;
	s21 =	sshll.u32 s5, $0x1;
	s2 =	sadd.s32 s19, s18  }
0x9c: {  	s6 =	simm.s32 $0x0;
	s20 =	sshll.u32 s4, $0x1;
	s4 =	sadd.s32 s21, s2  }
0x9d: {  	[timem:s6], [sflag:s22] =	dma.local [hbm:s4], s20  }
0x9e: {  	_ =	swait.ge [sflag:s22], s20  }
0x9f: {  	s3 =	ssub.s32 $0x0, s20;
	[sflag:s22] =	ssyncset.done $0x0  }
0xa0: {  	[sflag:s22] =	ssyncadd.s32 s3;
	_ =	sdelay $0x1  }
0xa1: {  	s23 =	simm.s32 $0x1B8B  }
0xa2: {  	_ =	swait.ge [sflag:s23], $0x1  }
0xa3: {  	[sflag:s23] =	ssyncset.done $0x0  }
0xa4: {  	s25 =	simm.s32 $0x1B8E;
	s24 =	sld [smem:$0x3FFE];
	[sflag:s23] =	ssyncadd.s32 $0xFFFFFFFF  }
0xa5: {  	s26 =	simm.s32 $execute0_lowered;
	[smem:$0x3FD2] =	sst s25  }
0xa6: {  	s4 =	sshll.u32 s26, $0x1;
	_ =	strace $0x80000046;
	[dreg:$0x1] =	wrdreg $0xFFFFFFFF  }
0xa7: {  	s28 =	simm.s32 $_size_execute0_lowered;
	s2 =	sadd.s32 s2, s4;
	[dreg:$0x0] =	wrdreg $0x0  }
0xa8: {  	s4 =	sshll.u32 s28, $0x1;
	[dreg:$0x2] =	wrdreg s2  }
0xa9: {  	[dreg:$0x3] =	wrdreg s4  }
0xaa: {  	[dreg:$0x4] =	wrdreg $0xC0  }
0xab: {  	_ =	task [dreg:s6], $0x5FFFF  }
0xac: {  	[dreg:$0x1] =	wrdreg $0xFFFFFFFF  }
0xad: {  	[dreg:$0x0] =	wrdreg $0x60  }
0xae: {  	[dreg:$0x2] =	wrdreg s24  }
0xaf: {  	[dreg:$0x3] =	wrdreg $0x0  }
0xb0: {  	[dreg:$0x4] =	wrdreg $0x9  }
0xb1: {  	_ =	task.clear_ibuf [dreg:s6], $0x5FFFF;
	_ =	strace $0x90000046  }
0xb2: {  	s29 =	simm.s32 $0x9;
	_ =	strace $0x80000048  }
0xb3: {  	_ =	swait.ge [sflag:s29], $0x1  }
0xb4: {  	[sflag:s29] =	ssyncadd.s32 $0xFFFFFFFF  }
0xb5: {  	_ =	strace $0x90000048  }
0xb6: {  	_ =	sfence  }
0xb7: {  	s30 =	sld [smem:$0x0];
	_ =	sdelay $0x2  }
0xb8: {  	s31 =	sshll.u32 s1, $0xD;
	s1 =	sshrl.u32 s1, $0x2  }
0xb9: {  	s3 =	sand.u32 $0x4000, s31;
	s1 =	sadd.s32 s1, s30  }
0xba: {  	s0 =	sor.u32 s3, s0;
	s1 =	sshll.u32 s1, $0x11  }
0xbb: {  	s0 =	sor.u32 s1, s0  }
0xbc: {  	s0 =	sadd.s32 $0x8F2B, s0  }
0xbd: {  	[sflag:s0] =	ssyncadd.remote.s32 $0x1  }
0xbe: {  	_ =	sfence.sel $0xFFFF  }
0xbf: {  	[dreg:$0x0] =	wrdreg $0xFFFFFFFF;
	(pc) =	sbr.abs _section_cstart, $3  }
0xc0: {  	[dreg:$0x1] =	wrdreg $0xFFFFFFFF  }
0xc1: {  	_ =	task.clear_ibuf [dreg:s6], $0x2FFFF;
	_ =	strace $0x9FFFFFFF  }
0xc2: {  	(tm) =	ssettm $0x7FFFFFFF  }
0xc3: {  	_ =	shalt  }
tec
execute0_lowered:
.L_overlay_start_1:
0x0: {  	(tag) =	ssettag $0x1  }
0x1: {  	s0 =	rddreg [dreg:$0x0]  }
0x2: {  	s2 =	rddreg [dreg:$0x1];
	s3 =	simm.s32 $0x0  }
0x3: {  	s1 =	stileid.u32;
	s4 =	srdreg.scid;
	s18 =	simm.s32 $0x10F80  }
0x4: {  	s19 =	simm.s32 $0x4;
	s20 =	simm.s32 $0x10080;
	s21 =	simm.s32 $0x10780  }
0x5: {  	s22 =	simm.s32 $0x80;
	s23 =	simm.s32 $0x10400;
	[smem:$0x7FF] =	sst s3  }
0x6: {  	s5 =	sshll.u32 s1, $0xD;
	s6 =	sand.u32 $0x1, s4;
	s4 =	sadd.s32 $0xC400, s0  }
0x7: {  	s9 =	sshll.u32 s1, $0x10;
	s0 =	sadd.s32 s5, s0;
	s5 =	smul.u32 $0x4E20, s1  }
0x8: {  	_ =	strace $0x80000047;
	s7 =	ssub.s32 $0x2, s6;
	s30 =	smul.u32 $0x5, s6  }
0x9: {  	s1 =	simm.s32 $0x0;
	s8 =	sshrl.u32 s7, $0x1;
	s16 =	sadd.s32 $0x16200, s0  }
.Ltmp0:
0xa: {  	s17 =	ssub.s32 s7, s8;
	s7 =	sadd.s32 s9, s2;
	(pc) =	sbr.rel .LBB2_1-.Ltmp0, $4  }
0xb: {  	v0 =	vimm.f32 $0.0e+00;
	v1 =	vimm.f32 $1.000000000e+00;
	v2 =	vlaneseq.u32;
	[dreg:$0x3] =	wrdreg s30;
	s15 =	sshrl.u32 s5, $0x3;
	s8 =	sadd.s32 $0x2000, s7  }
0xc: {  	v3 =	vimm.s32 $0x0;
	v4 =	vor.u32 $0x2000, v2;
	v5 =	vor.u32 $0x10, v2;
	s9 =	sadd.s32 $0x4000, s7;
	s10 =	sadd.s32 $0x6000, s7;
	s11 =	sadd.s32 $0x8000, s7  }
0xd: {  	v6 =	vor.u32 $0x20, v2;
	v7 =	vor.u32 $0x30, v2;
	v8 =	vor.u32 $0x40, v2;
	s12 =	sadd.s32 $0xA000, s7;
	s13 =	sadd.s32 $0xC000, s7;
	s31 =	smax.u32 s17, $0x1  }
0xe: {  	v9 =	vor.u32 $0x50, v2;
	v10 =	vor.u32 $0x60, v2;
	v11 =	vor.u32 $0x70, v2;
	s14 =	sadd.s32 $0xE000, s7;
	s15 =	sadd.s32 s4, s15;
	[dreg:$0x4] =	wrdreg s31  }
.LBB2_28:
0xf: {  	s1 =	rddreg [dreg:$0x5]  }
0x10: {  	s0 =	rddreg [dreg:$0x4];
	s1 =	sadd.s32 $0x1, s1  }
0x11: {  	p0 =	sne.s32 s1, s0  }
.Ltmp1:
0x12: {  	_ = 	snop;
	(pc) =	sbr.rel @!p0 .LBB2_29-.Ltmp1, $1  }
0x13: {  	_ =	sdelay $0x3  }
.LBB2_1:
.Ltmp2:
0x14: {  	(pc) =	sbr.rel .LBB2_2-.Ltmp2, $2  }
0x15: {  	_ =	sdelay $0x2  }
0x16: {  	[dreg:$0x5] =	wrdreg s1;
	s25 =	simm.s32 $0x0  }
.LBB2_26:
0x17: {  	[sflag:s24] =	ssyncset.done @!p0 $0x0  }
0x18: {  	[sflag:s24] =	ssyncadd.s32 @!p0 $0xFFFFC000  }
.LBB2_27:
0x19: {  	s0 =	ssub.s32 s29, s31  }
0x1a: {  	p0 =	slt.s32 s0, $0x1  }
0x1b: {  	s1 =	simm.s32 @!p0 $0x3;
	p1 =	seq.s32 @!p0 s0, $0x1  }
0x1c: {  	_ =	swait.ge @!p0 [sflag:s1], $0x4000;
	p2 =	por p1, p0  }
0x1d: {  	[sflag:s1] =	ssyncset.done @!p0 $0x0;
	p3 =	slt.u32 @!p2 s0, $0x3  }
0x1e: {  	[sflag:s1] =	ssyncadd.s32 @!p0 $0xFFFFC000;
	s1 =	simm.s32 @!p2 $0x3;
	p4 =	por @!p0 p3, p1  }
0x1f: {  	_ =	swait.ge @!p2 [sflag:s1], $0x4000;
	p4 =	por p4, p0  }
0x20: {  	[sflag:s1] =	ssyncset.done @!p2 $0x0;
	p5 =	seq.s32 @!p4 s0, $0x3  }
0x21: {  	s0 =	simm.s32 @!p4 $0x3;
	p3 =	por @!p2 p5, p3;
	[sflag:s1] =	ssyncadd.s32 @!p2 $0xFFFFC000  }
0x22: {  	_ =	swait.ge @!p4 [sflag:s0], $0x4000;
	p1 =	por @!p0 p3, p1  }
0x23: {  	[sflag:s0] =	ssyncset.done @!p4 $0x0;
	p0 =	por p1, p0  }
0x24: {  	s30 =	sshll.u32 s26, $0x11;
	[sflag:s0] =	ssyncadd.s32 @!p4 $0xFFFFC000;
	s0 =	simm.s32 @!p0 $0x3  }
0x25: {  	s31 =	stileid.u32;
	s6 =	sshrl.u32 s7, $0x3;
	_ =	swait.ge @!p0 [sflag:s0], $0x4000  }
0x26: {  	s25 =	sadd.s32 $0x1, s25;
	s1 =	sshll.u32 s31, $0x6;
	[sflag:s0] =	ssyncset.done @!p0 $0x0  }
0x27: {  	s1 =	sor.u32 $0x1C04, s1;
	[sflag:s0] =	ssyncadd.s32 @!p0 $0xFFFFC000;
	p0 =	sne.s32 s25, $0x5  }
.Ltmp3:
0x28: {  	s0 =	sadd.s32 s30, s16;
	[bflag:$0x0] =	sbarrier.arrive $0xFFFF;
	(pc) =	sbr.rel @!p0 .LBB2_28-.Ltmp3, $4  }
0x29: {  	[hbm:s0], [sflag:s1] =	dma.local [spmem:s6], $0x2000  }
0x2a: {  	_ =	swait.ge [sflag:s19], $0x2000  }
0x2b: {  	[sflag:s19] =	ssyncset.done $0x0  }
0x2c: {  	[sflag:s19] =	ssyncadd.s32 $0xFFFFE000  }
.LBB2_2:
0x2d: {  	s0 =	simm.s32 $0x0;
	s17 =	simm.s32 $0x200  }
.LBB2_3:
0x2e: {  	p0 =	sne.s32 s17, $0x7E00;
	[tilespmem:s0+$0x10FF0] =	vst v0  }
0x2f: {  	[tilespmem:s0+$0x10F80] =	vst v0  }
0x30: {  	[tilespmem:s0+$0x10F90] =	vst v0  }
.Ltmp4:
0x31: {  	[tilespmem:s0+$0x10FA0] =	vst v0;
	(pc) =	sbr.rel @p0 .LBB2_3-.Ltmp4, $4  }
0x32: {  	[tilespmem:s0+$0x10FB0] =	vst v0  }
0x33: {  	[tilespmem:s0+$0x10FC0] =	vst v0  }
0x34: {  	[tilespmem:s0+$0x10FD0] =	vst v0  }
0x35: {  	[tilespmem:s0+$0x10FE0] =	vst v0;
	s0 =	sshra.s32 s17, $0x2;
	s17 =	sadd.s32 $0x200, s17  }
0x36: {  	[tilespmem:s0+$0x10FF0] =	vst v0  }
0x37: {  	[tilespmem:s0+$0x10F80] =	vst v0  }
0x38: {  	[tilespmem:s0+$0x10F90] =	vst v0  }
0x39: {  	[tilespmem:s0+$0x10FA0] =	vst v0  }
0x3a: {  	[tilespmem:s0+$0x10FB0] =	vst v0  }
0x3b: {  	[tilespmem:s0+$0x10FC0] =	vst v0  }
0x3c: {  	[tilespmem:s0+$0x10FD0] =	vst v0  }
0x3d: {  	[tilespmem:s0+$0x10FE0] =	vst v0  }
0x3e: {  	[spmem:s7] =	stream.linear.scatter [tilespmem:s18], [sflag:$0x4], $0x2000, $0x38;
	[tilespmem:$0x14F80] =	vst v63  }
0x3f: {  	_ =	swait.ge [sflag:s19], $0x2000  }
0x40: {  	[sflag:s19] =	ssyncset.done $0x0  }
0x41: {  	[sflag:s19] =	ssyncadd.s32 $0xFFFFE000  }
0x42: {  	[spmem:s8] =	stream.linear.scatter [tilespmem:s18], [sflag:$0x4], $0x2000, $0x38;
	[tilespmem:$0x14F80] =	vst v63  }
0x43: {  	_ =	swait.ge [sflag:s19], $0x2000  }
0x44: {  	[sflag:s19] =	ssyncset.done $0x0  }
0x45: {  	[sflag:s19] =	ssyncadd.s32 $0xFFFFE000  }
0x46: {  	[spmem:s9] =	stream.linear.scatter [tilespmem:s18], [sflag:$0x4], $0x2000, $0x38;
	[tilespmem:$0x14F80] =	vst v63  }
0x47: {  	_ =	swait.ge [sflag:s19], $0x2000  }
0x48: {  	[sflag:s19] =	ssyncset.done $0x0  }
0x49: {  	[sflag:s19] =	ssyncadd.s32 $0xFFFFE000  }
0x4a: {  	[spmem:s10] =	stream.linear.scatter [tilespmem:s18], [sflag:$0x4], $0x2000, $0x38;
	[tilespmem:$0x14F80] =	vst v63  }
0x4b: {  	_ =	swait.ge [sflag:s19], $0x2000  }
0x4c: {  	[sflag:s19] =	ssyncset.done $0x0  }
0x4d: {  	[sflag:s19] =	ssyncadd.s32 $0xFFFFE000  }
0x4e: {  	[spmem:s11] =	stream.linear.scatter [tilespmem:s18], [sflag:$0x4], $0x2000, $0x38;
	[tilespmem:$0x14F80] =	vst v63  }
0x4f: {  	_ =	swait.ge [sflag:s19], $0x2000  }
0x50: {  	[sflag:s19] =	ssyncset.done $0x0  }
0x51: {  	[sflag:s19] =	ssyncadd.s32 $0xFFFFE000  }
0x52: {  	[spmem:s12] =	stream.linear.scatter [tilespmem:s18], [sflag:$0x4], $0x2000, $0x38;
	[tilespmem:$0x14F80] =	vst v63  }
0x53: {  	_ =	swait.ge [sflag:s19], $0x2000  }
0x54: {  	[sflag:s19] =	ssyncset.done $0x0  }
0x55: {  	[sflag:s19] =	ssyncadd.s32 $0xFFFFE000  }
0x56: {  	[spmem:s13] =	stream.linear.scatter [tilespmem:s18], [sflag:$0x4], $0x2000, $0x38;
	[tilespmem:$0x14F80] =	vst v63  }
0x57: {  	_ =	swait.ge [sflag:s19], $0x2000  }
0x58: {  	[sflag:s19] =	ssyncset.done $0x0  }
0x59: {  	[sflag:s19] =	ssyncadd.s32 $0xFFFFE000  }
0x5a: {  	[spmem:s14] =	stream.linear.scatter [tilespmem:s18], [sflag:$0x4], $0x2000, $0x38;
	[tilespmem:$0x14F80] =	vst v63  }
0x5b: {  	_ =	swait.ge [sflag:s19], $0x2000  }
0x5c: {  	[sflag:s19] =	ssyncset.done $0x0  }
0x5d: {  	s0 =	simm.s32 $0x0;
	s17 =	simm.s32 $0x200;
	[sflag:s19] =	ssyncadd.s32 $0xFFFFE000  }
.LBB2_5:
0x5e: {  	p0 =	sne.s32 s17, $0xFE00;
	[tilespmem:s0+$0x10FF0] =	vst v1  }
0x5f: {  	[tilespmem:s0+$0x10F80] =	vst v1  }
0x60: {  	[tilespmem:s0+$0x10F90] =	vst v1  }
.Ltmp5:
0x61: {  	[tilespmem:s0+$0x10FA0] =	vst v1;
	(pc) =	sbr.rel @p0 .LBB2_5-.Ltmp5, $4  }
0x62: {  	[tilespmem:s0+$0x10FB0] =	vst v1  }
0x63: {  	[tilespmem:s0+$0x10FC0] =	vst v1  }
0x64: {  	[tilespmem:s0+$0x10FD0] =	vst v1  }
0x65: {  	[tilespmem:s0+$0x10FE0] =	vst v1;
	s0 =	sshra.s32 s17, $0x2;
	s17 =	sadd.s32 $0x200, s17  }
0x66: {  	[tilespmem:s0+$0x10FF0] =	vst v1  }
0x67: {  	[tilespmem:s0+$0x10F80] =	vst v1  }
0x68: {  	[tilespmem:s0+$0x10F90] =	vst v1  }
0x69: {  	[tilespmem:s0+$0x10FA0] =	vst v1  }
0x6a: {  	[tilespmem:s0+$0x10FB0] =	vst v1  }
.Ltmp6:
0x6b: {  	[tilespmem:s0+$0x10FC0] =	vst v1;
	(pc) =	sbr.rel .LBB2_7-.Ltmp6, $4  }
0x6c: {  	[tilespmem:s0+$0x10FD0] =	vst v1;
	s31 =	rddreg [dreg:$0x3]  }
0x6d: {  	[tilespmem:s0+$0x10FE0] =	vst v1;
	s30 =	simm.s32 $0x0;
	s28 =	simm.s32 $0x0;
	s26 =	sadd.s32 s31, s25  }
0x6e: {  	s29 =	simm.s32 $0x0;
	[bflag:$0x0] =	sbarrier.arrive $0xFFFF;
	s0 =	sshll.u32 s26, $0xD  }
0x6f: {  	[tilespmem:s20], [sflag:$0x1] =	stream.linear.gather [hbm4b:s15+s30], $0x320, $0x38;
	v12 =	vmov s0;
	[tilespmem:$0x14F80] =	vst v63  }
.LBB2_21:
0x70: {  	[sflag:s24] =	ssyncset.done @!p0 $0x0  }
0x71: {  	[sflag:s24] =	ssyncadd.s32 @!p0 $0xFFFFC000  }
.LBB2_22:
0x72: {  	p0 =	slt.s32 s0, $0x1  }
0x73: {  	p1 =	seq.s32 @!p0 s0, $0x1  }
0x74: {  	s1 =	simm.s32 @!p0 $0x3;
	p2 =	por p1, p0  }
0x75: {  	_ =	swait.ge @!p0 [sflag:s1], $0x4000;
	p3 =	slt.u32 @!p2 s0, $0x3  }
0x76: {  	[sflag:s1] =	ssyncset.done @!p0 $0x0;
	p4 =	por @!p0 p3, p1  }
0x77: {  	[sflag:s1] =	ssyncadd.s32 @!p0 $0xFFFFC000;
	s1 =	simm.s32 @!p2 $0x3;
	p4 =	por p4, p0  }
0x78: {  	_ =	swait.ge @!p2 [sflag:s1], $0x4000;
	p5 =	seq.s32 @!p4 s0, $0x3  }
0x79: {  	[sflag:s1] =	ssyncset.done @!p2 $0x0;
	p3 =	por @!p2 p5, p3  }
0x7a: {  	s0 =	simm.s32 @!p4 $0x3;
	[sflag:s1] =	ssyncadd.s32 @!p2 $0xFFFFC000;
	p1 =	por @!p0 p3, p1  }
0x7b: {  	_ =	swait.ge @!p4 [sflag:s0], $0x4000;
	p0 =	por p1, p0;
	p1 =	sne.s32 s29, $0x19  }
.Ltmp7:
0x7c: {  	[sflag:s0] =	ssyncset.done @!p4 $0x0;
	(pc) =	sbr.rel @!p1 .LBB2_23-.Ltmp7, $4  }
0x7d: {  	[sflag:s0] =	ssyncadd.s32 @!p4 $0xFFFFC000;
	s0 =	simm.s32 @!p0 $0x3  }
0x7e: {  	_ =	swait.ge @!p0 [sflag:s0], $0x4000  }
0x7f: {  	[sflag:s0] =	ssyncset.done @!p0 $0x0  }
0x80: {  	s30 =	smov.u32 s31;
	[sflag:s0] =	ssyncadd.s32 @!p0 $0xFFFFC000  }
.LBB2_7:
0x81: {  	s0 =	sand.u32 $0x1, s29;
	p1 =	seq.s32 s29, $0x18  }
.Ltmp8:
0x82: {  	p0 =	seq.s32 s0, $0x0;
	s0 =	simm.s32 $0x1;
	(pc) =	sbr.rel @!p1 .LBB2_8-.Ltmp8, $4  }
0x83: {  	s0 =	simm.s32 @!p0 $0x2  }
0x84: {  	_ =	swait.ge [sflag:s0], $0x320  }
0x85: {  	[sflag:s0] =	ssyncset.done $0x0  }
0x86: {  	s29 =	sadd.s32 $0x1, s29;
	[sflag:s0] =	ssyncadd.s32 $0xFFFFFCE0  }
.LBB2_11:
0x87: {  	s0 =	simm.s32 $0x0  }
0x88: {  	v13 =	vld [tilespmem:s0+$0x10080];
	_ =	sdelay $0x4  }
0x89: {  	v13 =	vsub.s32 v13, v12  }
0x8a: {  	vm0 =	vlt.u32 v13, $0x2000  }
0x8b: {  	v14 =	vsel vm0, $0x1, v3  }
0x8c: {  	(xrf0) =	vadd.scan.msk.s32 $0xffff, v14;
	_ =	sdelay $0x4  }
0x8d: {  	v14 =	vsel vm0, $0xFFFFFFFF, v3  }
0x8e: {  	v14 =	vadd.s32 s28, v14;
	v15, _, _ =	vpop (xrf0)  }
0x8f: {  	v14 =	vadd.s32 v15, v14;
	(v2sf) =	vpush v15, $0xF  }
0x90: {  	v14 =	vand.u32 $0x7FF, v14;
	_ =	sdelay $0x4  }
0x91: {  	s17 =	simm.s32 $0x10;
	s0 =	simm.s32 $0x80;
	[tilespmem:v14+s21+$0x0] =	vst.idx.msk vm0, v13  }
.LBB2_12:
0x92: {  	p0 =	seq.s32 s0, $0xC40;
	v13 =	vld [tilespmem:s17+$0x10080];
	_ =	sdelay $0x4  }
0x93: {  	v13 =	vsub.s32 v13, v12  }
0x94: {  	vm0 =	vlt.u32 v13, $0x2000  }
0x95: {  	v14 =	vsel vm0, $0xFFFFFFFF, v3;
	v15 =	vsel vm0, $0x1, v3  }
0x96: {  	(xrf0) =	vadd.scan.msk.s32 $0xffff, v15;
	s17 =	spop (v2sf)  }
0x97: {  	s28 =	sadd.s32 s28, s17  }
0x98: {  	v14 =	vadd.s32 s28, v14;
	_ =	sdelay $0x3  }
0x99: {  	v15, _, _ =	vpop (xrf0)  }
0x9a: {  	v14 =	vadd.s32 v15, v14;
	(v2sf) =	vpush v15, $0xF  }
0x9b: {  	v14 =	vand.u32 $0x7FF, v14  }
.Ltmp9:
0x9c: {  	(pc) =	sbr.rel @!p0 .LBB2_12-.Ltmp9, $2  }
0x9d: {  	_ =	sdelay $0x2  }
0x9e: {  	s17 =	sshra.s32 s0, $0x2;
	s0 =	sadd.s32 $0x40, s0;
	[tilespmem:v14+s21+$0x0] =	vst.idx.msk vm0, v13  }
0x9f: {  	v13 =	vld [tilespmem:s17+$0x10080];
	_ =	sdelay $0x4  }
0xa0: {  	v13 =	vsub.s32 v13, v12  }
0xa1: {  	vm0 =	vlt.u32 v13, $0x2000  }
0xa2: {  	v14 =	vsel vm0, $0x1, v3  }
0xa3: {  	(xrf0) =	vadd.scan.msk.s32 $0xffff, v14;
	_ =	sdelay $0x5  }
0xa4: {  	v14, _, _ =	vpop (xrf0)  }
0xa5: {  	(v2sf) =	vpush v14, $0xF;
	_ =	sdelay $0x6  }
0xa6: {  	s0 =	spop (v2sf)  }
0xa7: {  	v15 =	vsel vm0, $0xFFFFFFFF, v3;
	s0 =	sadd.s32 s28, s0  }
0xa8: {  	v15 =	vadd.s32 s0, v15  }
0xa9: {  	v14 =	vadd.s32 v14, v15  }
0xaa: {  	v14 =	vand.u32 $0x7FF, v14  }
.Ltmp10:
0xab: {  	_ = 	snop;
	(pc) =	sbr.rel .LBB2_18-.Ltmp10, $3  }
0xac: {  	_ =	sdelay $0x1  }
0xad: {  	s31 =	spop (v2sf)  }
0xae: {  	[tilespmem:v14+s21+$0x0] =	vst.idx.msk vm0, v13;
	s28 =	sadd.s32 s0, s31  }
.LBB2_8:
0xaf: {  	s17 =	sand.u32 $0x1, s29  }
0xb0: {  	s0 =	smul.u32 $0x320, s29;
	p1 =	seq.s32 s17, $0x1  }
.Ltmp11:
0xb1: {  	_ = 	snop;
	(pc) =	sbr.rel @!p1 .LBB2_9-.Ltmp11, $4  }
0xb2: {  	_ = 	snop  }
0xb3: {  	s0 =	sadd.s32 s5, s0  }
0xb4: {  	s0 =	sshrl.u32 s0, $0x3  }
0xb5: {  	s0 =	sadd.s32 s4, s0  }
.Ltmp12:
0xb6: {  	(pc) =	sbr.rel @p0 .LBB2_11-.Ltmp12, $4  }
.Ltmp13:
0xb7: {  	(pc) =	sbr.rel @!p0 .LBB2_15-.Ltmp13, $4  }
0xb8: {  	_ = 	snop  }
0xb9: {  	_ = 	snop  }
0xba: {  	[tilespmem:s23], [sflag:$0x2] =	stream.linear.gather [hbm4b:s0+s3], $0x320, $0x38;
	[tilespmem:$0x14F80] =	vst v63  }
0xbb: {  	_ = 	snop  }
.LBB2_9:
.Ltmp14:
0xbc: {  	(pc) =	sbr.rel @!p0 .LBB2_15-.Ltmp14, $2  }
0xbd: {  	_ =	sdelay $0x2  }
0xbe: {  	[tilespmem:s20], [sflag:$0x1] =	stream.linear.gather [hbm4b:s0+s3], $0x320, $0x38;
	[tilespmem:$0x14F80] =	vst v63  }
.Ltmp15:
0xbf: {  	(pc) =	sbr.rel .LBB2_11-.Ltmp15, $2  }
0xc0: {  	_ =	sdelay $0x2  }
0xc1: {  	[tilespmem:s23], [sflag:$0x2] =	stream.linear.gather [hbm4b:s0+s3], $0x320, $0x38;
	[tilespmem:$0x14F80] =	vst v63  }
.LBB2_15:
0xc2: {  	s0 =	simm.s32 $0x0  }
0xc3: {  	v13 =	vld [tilespmem:s0+$0x10400];
	_ =	sdelay $0x4  }
0xc4: {  	v13 =	vsub.s32 v13, v12  }
0xc5: {  	vm0 =	vlt.u32 v13, $0x2000  }
0xc6: {  	v14 =	vsel vm0, $0x1, v3  }
0xc7: {  	(xrf0) =	vadd.scan.msk.s32 $0xffff, v14;
	_ =	sdelay $0x4  }
0xc8: {  	v14 =	vsel vm0, $0xFFFFFFFF, v3  }
0xc9: {  	v14 =	vadd.s32 s28, v14;
	v15, _, _ =	vpop (xrf0)  }
0xca: {  	v14 =	vadd.s32 v15, v14;
	(v2sf) =	vpush v15, $0xF  }
0xcb: {  	v14 =	vand.u32 $0x7FF, v14;
	_ =	sdelay $0x4  }
0xcc: {  	s17 =	simm.s32 $0x10;
	s0 =	simm.s32 $0x80;
	[tilespmem:v14+s21+$0x0] =	vst.idx.msk vm0, v13  }
.LBB2_16:
0xcd: {  	p0 =	sne.s32 s0, $0xC40;
	v13 =	vld [tilespmem:s17+$0x10400];
	_ =	sdelay $0x4  }
0xce: {  	v13 =	vsub.s32 v13, v12  }
0xcf: {  	vm0 =	vlt.u32 v13, $0x2000  }
0xd0: {  	v14 =	vsel vm0, $0xFFFFFFFF, v3;
	v15 =	vsel vm0, $0x1, v3  }
0xd1: {  	(xrf0) =	vadd.scan.msk.s32 $0xffff, v15;
	s17 =	spop (v2sf)  }
0xd2: {  	s28 =	sadd.s32 s28, s17  }
0xd3: {  	v14 =	vadd.s32 s28, v14;
	_ =	sdelay $0x3  }
0xd4: {  	v15, _, _ =	vpop (xrf0)  }
0xd5: {  	v14 =	vadd.s32 v15, v14;
	(v2sf) =	vpush v15, $0xF  }
0xd6: {  	v14 =	vand.u32 $0x7FF, v14  }
.Ltmp16:
0xd7: {  	(pc) =	sbr.rel @p0 .LBB2_16-.Ltmp16, $2  }
0xd8: {  	_ =	sdelay $0x2  }
0xd9: {  	s17 =	sshra.s32 s0, $0x2;
	s0 =	sadd.s32 $0x40, s0;
	[tilespmem:v14+s21+$0x0] =	vst.idx.msk vm0, v13  }
0xda: {  	v13 =	vld [tilespmem:s17+$0x10400];
	_ =	sdelay $0x4  }
0xdb: {  	v13 =	vsub.s32 v13, v12  }
0xdc: {  	vm0 =	vlt.u32 v13, $0x2000  }
0xdd: {  	v14 =	vsel vm0, $0x1, v3  }
0xde: {  	(xrf0) =	vadd.scan.msk.s32 $0xffff, v14;
	_ =	sdelay $0x5  }
0xdf: {  	v14, _, _ =	vpop (xrf0)  }
0xe0: {  	(v2sf) =	vpush v14, $0xF;
	_ =	sdelay $0x6  }
0xe1: {  	s0 =	spop (v2sf)  }
0xe2: {  	v15 =	vsel vm0, $0xFFFFFFFF, v3;
	s0 =	sadd.s32 s28, s0  }
0xe3: {  	v15 =	vadd.s32 s0, v15  }
0xe4: {  	v14 =	vadd.s32 v14, v15  }
0xe5: {  	v14 =	vand.u32 $0x7FF, v14;
	_ =	sdelay $0x3  }
0xe6: {  	s31 =	spop (v2sf)  }
0xe7: {  	[tilespmem:v14+s21+$0x0] =	vst.idx.msk vm0, v13;
	s28 =	sadd.s32 s0, s31  }
.LBB2_18:
0xe8: {  	s0 =	sshra.s32 s28, $0x7  }
0xe9: {  	s17 =	ssub.s32 s0, s30  }
0xea: {  	s31 =	smov.u32 s30;
	p0 =	sgt.s32 s17, $0x7  }
0xeb: {  	s31 =	smov.u32 @p0 s0  }
0xec: {  	p0 =	sle.s32 s31, s30  }
.Ltmp17:
0xed: {  	_ = 	snop;
	(pc) =	sbr.rel @p0 .LBB2_22-.Ltmp17, $2  }
0xee: {  	_ =	sdelay $0x2  }
0xef: {  	s0 =	ssub.s32 s31, s30  }
0xf0: {  	p1 =	sne.s32 s0, $0x1  }
.Ltmp18:
0xf1: {  	s30 =	sshll.u32 s30, $0x7;
	(pc) =	sbr.rel @!p1 .LBB2_21-.Ltmp18, $4  }
0xf2: {  	p0 =	por $0x1, $0x1;
	s17 =	sand.u32 $0x780, s30  }
0xf3: {  	s24 =	simm.s32 @!p0 $0x3;
	s17 =	sadd.s32 $0x10780, s17  }
0xf4: {  	[spmem:s2] =	stream.indirect.scatter.add.f32 [tilespmem:s18], [sflag:$0x3], $0x80, s17, s22, $0xb8;
	[tilespmem:$0x14F80] =	vst v63  }
0xf5: {  	s17 =	simm.s32 $0x1;
	_ =	swait.ge @!p0 [sflag:s24], $0x4000  }
.LBB2_20:
0xf6: {  	s1 =	smov.u32 s17;
	s17 =	sadd.s32 $0x1, s17  }
0xf7: {  	[sflag:s24] =	ssyncset.done @!p0 $0x0;
	s30 =	sadd.s32 $0x80, s30;
	p1 =	sne.s32 s0, s17  }
.Ltmp19:
0xf8: {  	s6 =	sand.u32 $0x780, s30;
	[sflag:s24] =	ssyncadd.s32 @!p0 $0xFFFFC000;
	(pc) =	sbr.rel @p1 .LBB2_20-.Ltmp19, $4  }
0xf9: {  	p0 =	slt.s32 s1, $0x4;
	s6 =	sadd.s32 $0x10780, s6  }
0xfa: {  	[spmem:s2] =	stream.indirect.scatter.add.f32 [tilespmem:s18], [sflag:$0x3], $0x80, s6, s22, $0xb8;
	[tilespmem:$0x14F80] =	vst v63  }
0xfb: {  	s24 =	simm.s32 @!p0 $0x3  }
0xfc: {  	_ =	swait.ge @!p0 [sflag:s24], $0x4000  }
.Ltmp20:
0xfd: {  	_ = 	snop;
	(pc) =	sbr.rel .LBB2_21-.Ltmp20, $1  }
0xfe: {  	_ =	sdelay $0x3  }
.LBB2_23:
0xff: {  	s0 =	sadd.s32 $0x7F, s28  }
0x100: {  	s1 =	sand.u32 $0x7F, s0  }
0x101: {  	s6 =	sshra.s32 s0, $0x1F;
	p0 =	slt.s32 s0, $0x1;
	p1 =	sne.s32 s1, $0x0  }
0x102: {  	s6 =	sshrl.u32 s6, $0x19;
	p0 =	por !p0, !p1  }
0x103: {  	s1 =	simm.s32 $0x1;
	s0 =	sadd.s32 s6, s0;
	p0 =	por !p0, !p0  }
0x104: {  	s0 =	sshra.s32 s0, $0x7;
	s1 =	simm.s32 @!p0 $0x0  }
0x105: {  	s29 =	ssub.s32 s0, s1  }
0x106: {  	s1 =	sshll.u32 s29, $0x7  }
0x107: {  	s1 =	ssub.s32 s1, s28  }
0x108: {  	v12 =	vmov s1  }
0x109: {  	v13 =	vadd.s32 s28, v2;
	s17 =	sadd.s32 $0x10, s28;
	vm0 =	vgt.s32 v12, v2  }
0x10a: {  	s24 =	sadd.s32 $0x20, s28;
	v13 =	vand.u32 $0x7FF, v13;
	v14 =	vadd.s32 s17, v2;
	vm1 =	vgt.s32 v12, v5  }
0x10b: {  	s30 =	sadd.s32 $0x30, s28;
	v15 =	vadd.s32 s24, v2;
	v14 =	vand.u32 $0x7FF, v14;
	vm2 =	vgt.s32 v12, v6  }
0x10c: {  	v16 =	vadd.s32 s30, v2;
	v15 =	vand.u32 $0x7FF, v15;
	s6 =	sadd.s32 $0x40, s28;
	vm3 =	vgt.s32 v12, v7  }
0x10d: {  	s17 =	sadd.s32 $0x50, s28;
	v16 =	vand.u32 $0x7FF, v16;
	v17 =	vadd.s32 s6, v2;
	vm4 =	vgt.s32 v12, v8  }
0x10e: {  	s24 =	sadd.s32 $0x60, s28;
	v18 =	vadd.s32 s17, v2;
	v17 =	vand.u32 $0x7FF, v17;
	vm5 =	vgt.s32 v12, v9  }
0x10f: {  	s30 =	sadd.s32 $0x70, s28;
	v61 =	vadd.s32 s24, v2;
	v60 =	vand.u32 $0x7FF, v18;
	vm14 =	vgt.s32 v12, v10;
	[tilespmem:v13+s21+$0x0] =	vst.idx.msk vm0, v4  }
0x110: {  	v63 =	vadd.s32 s30, v2;
	v62 =	vand.u32 $0x7FF, v61;
	vm15 =	vgt.s32 v12, v11;
	[tilespmem:v14+s21+$0x0] =	vst.idx.msk vm1, v4  }
0x111: {  	p1 =	sle.s32 s29, s31;
	v12 =	vand.u32 $0x7FF, v63;
	[tilespmem:v15+s21+$0x0] =	vst.idx.msk vm2, v4  }
.Ltmp21:
0x112: {  	[tilespmem:v16+s21+$0x0] =	vst.idx.msk vm3, v4;
	(pc) =	sbr.rel @p1 .LBB2_27-.Ltmp21, $4  }
0x113: {  	[tilespmem:v17+s21+$0x0] =	vst.idx.msk vm4, v4  }
0x114: {  	[tilespmem:v60+s21+$0x0] =	vst.idx.msk vm5, v4  }
0x115: {  	[tilespmem:v62+s21+$0x0] =	vst.idx.msk vm14, v4  }
0x116: {  	[tilespmem:v12+s21+$0x0] =	vst.idx.msk vm15, v4  }
0x117: {  	s1 =	simm.s32 $0xFFFFFFFF  }
0x118: {  	s1 =	simm.s32 @!p0 $0x0  }
0x119: {  	s0 =	sadd.s32 s1, s0  }
0x11a: {  	s0 =	ssub.s32 s0, s31  }
0x11b: {  	p1 =	sne.s32 s0, $0x1  }
.Ltmp22:
0x11c: {  	s28 =	sshll.u32 s31, $0x7;
	(pc) =	sbr.rel @!p1 .LBB2_26-.Ltmp22, $4  }
0x11d: {  	s30 =	sand.u32 $0x780, s28;
	p0 =	por $0x1, $0x1  }
0x11e: {  	s1 =	sadd.s32 $0x10780, s30;
	s24 =	simm.s32 @!p0 $0x3  }
0x11f: {  	[spmem:s2] =	stream.indirect.scatter.add.f32 [tilespmem:s18], [sflag:$0x3], $0x80, s1, s22, $0xb8;
	[tilespmem:$0x14F80] =	vst v63  }
0x120: {  	s17 =	simm.s32 $0x1;
	_ =	swait.ge @!p0 [sflag:s24], $0x4000  }
.LBB2_25:
0x121: {  	s1 =	smov.u32 s17;
	s17 =	sadd.s32 $0x1, s17  }
0x122: {  	[sflag:s24] =	ssyncset.done @!p0 $0x0;
	s28 =	sadd.s32 $0x80, s28;
	p1 =	sne.s32 s0, s17  }
.Ltmp23:
0x123: {  	s6 =	sand.u32 $0x780, s28;
	[sflag:s24] =	ssyncadd.s32 @!p0 $0xFFFFC000;
	(pc) =	sbr.rel @p1 .LBB2_25-.Ltmp23, $4  }
0x124: {  	p0 =	slt.s32 s1, $0x4;
	s6 =	sadd.s32 $0x10780, s6  }
0x125: {  	[spmem:s2] =	stream.indirect.scatter.add.f32 [tilespmem:s18], [sflag:$0x3], $0x80, s6, s22, $0xb8;
	[tilespmem:$0x14F80] =	vst v63  }
0x126: {  	s24 =	simm.s32 @!p0 $0x3  }
0x127: {  	_ =	swait.ge @!p0 [sflag:s24], $0x4000  }
.Ltmp24:
0x128: {  	_ = 	snop;
	(pc) =	sbr.rel .LBB2_26-.Ltmp24, $1  }
0x129: {  	_ =	sdelay $0x3  }
.LBB2_29:
0x12a: {  	_ =	sfence.sel $0x180000  }
0x12b: {  	[bflag:$0x0] =	sbarrier.arrive $0xFFFF  }
0x12c: {  	_ =	strace $0x90000047  }
0x12d: {  	s0 =	stileid.u32;
	[bflag:$0x2] =	sbarrier.arrive $0xFFFF  }
0x12e: {  	p0 =	sne.s32 s0, $0x0;
	s0 =	rddreg [dreg:$0x2]  }
0x12f: {  	s0 =	sadd.s32 @!p0 $0x100000, s0  }
0x130: {  	[sflag:s0] =	ssyncadd.tile.s32 @!p0 $0x1;
	_ =	shalt  }
.Lfunc_end2:
_tile_overlayer_lowered:
.L_overlay_start_2:
0x131: {  	(tag) =	ssettag $0x2  }
0x132: {  	s0 =	rddreg [dreg:$0x0];
	s2 =	stileid.u32  }
0x133: {  	s1 =	rddreg [dreg:$0x1];
	p0 =	sne.s32 s2, $0x0  }
0x134: {  	s3 =	rddreg [dreg:$0x2];
	[bflag:$0x3] =	sbarrier.arrive $0xFFFF;
	s2 =	simm.s32 @!p0 $0x1C04  }
0x135: {  	[timem:s3], [sflag:s2] =	dma.local @!p0 [hbm:s0], s1  }
0x136: {  	s0 =	simm.s32 @!p0 $0x4  }
0x137: {  	_ =	swait.ge @!p0 [sflag:s0], s1  }
0x138: {  	s1 =	ssub.s32 @!p0 $0x0, s1;
	[sflag:s0] =	ssyncset.done @!p0 $0x0  }
0x139: {  	[sflag:s0] =	ssyncadd.s32 @!p0 s1  }
0x13a: {  	[bflag:$0x3] =	sbarrier.arrive $0xFFFF  }
0x13b: {  	_ =	shalt  }

</sc_bundles>
